<compile_context>
chip_gen: v7x
topology: tpu7x:2x2x1
jax: 0.10.2.dev20260603
libtpu: 0.0.44.dev20260713+nightly
codegen_flags: <defaults>
</compile_context>

<pallas_src>
import functools

import jax
import jax.numpy as jnp
from jax import lax
from jax.experimental import pallas as pl
from jax.experimental.pallas import tpu as pltpu
from jax.experimental.pallas import tpu_sc as plsc

_N = 5000
_B = 256
_NP = 5120
_NB = _NP // _B
_MAX_OUT = 1000
_OUT_PAD = 1024

_SC_CORES = 2
_SC_SUBCORES = 16
_SC_WORKERS = _SC_CORES * _SC_SUBCORES
_SC_SLOTS = _OUT_PAD // _SC_WORKERS


def _iou_tile(x1c, y1c, x2c, y2c, ac, x1r, y1r, x2r, y2r, ar):
    xx1 = jnp.maximum(x1c, x1r)
    yy1 = jnp.maximum(y1c, y1r)
    xx2 = jnp.minimum(x2c, x2r)
    yy2 = jnp.minimum(y2c, y2r)
    inter = jnp.clip(xx2 - xx1, 0.0) * jnp.clip(yy2 - yy1, 0.0)
    return inter / (ac + ar - inter + 1e-9)


def _rank_body(srow_ref, scol_ref, srowb_ref, a1_ref, a2_ref):
    p = pl.program_id(0)

    @pl.when(p == 0)
    def _zero():
        a1_ref[:, :] = jnp.zeros((_NB, _B), jnp.float32)

    sc = scol_ref[:, :]
    srb = srowb_ref[:, :]

    lane = lax.broadcasted_iota(jnp.int32, (_B, _B), 1)
    sub = lax.broadcasted_iota(jnp.int32, (_B, _B), 0)
    cd = jnp.where((srb > sc) | ((srb == sc) & (lane < sub)), 1.0, 0.0)
    a2_ref[pl.ds(p * _B, _B), :] = jnp.sum(cd, axis=1, keepdims=True)

    for q in range(1, _NB):
        @pl.when(q > p)
        def _pair():
            sr = srow_ref[0:1, q * _B:(q + 1) * _B]
            c = jnp.where(sr > sc, 1.0, 0.0)
            a1_ref[pl.ds(q, 1), :] = (a1_ref[pl.ds(q, 1), :] + _B
                                      - jnp.sum(c, axis=0, keepdims=True))
            a2_ref[pl.ds(p * _B, _B), :] = (a2_ref[pl.ds(p * _B, _B), :]
                                            + jnp.sum(c, axis=1, keepdims=True))


def _run_rank(srow, scol):
    return pl.pallas_call(
        _rank_body,
        grid=(_NB,),
        in_specs=[
            pl.BlockSpec((1, _NP), lambda p: (0, 0)),
            pl.BlockSpec((_B, 1), lambda p: (p, 0)),
            pl.BlockSpec((1, _B), lambda p: (0, p)),
        ],
        out_specs=[
            pl.BlockSpec((_NB, _B), lambda p: (0, 0)),
            pl.BlockSpec((_NP, 1), lambda p: (0, 0)),
        ],
        out_shape=[
            jax.ShapeDtypeStruct((_NB, _B), jnp.float32),
            jax.ShapeDtypeStruct((_NP, 1), jnp.float32),
        ],
    )(srow, scol, srow)


def _supp_body(thr_ref, coldf_ref, cold_ref, rowb_ref, c_ref, keep_ref,
               ext_ref, cnt_ref):
    p = pl.program_id(0)
    thr = thr_ref[0]

    @pl.when(p == 0)
    def _init():
        cnt_ref[0] = 0

    cnt0 = cnt_ref[0]

    @pl.when(cnt0 >= _MAX_OUT)
    def _skip():
        c_ref[0, :, :] = jnp.full((1, _B), cnt0, jnp.int32)

    @pl.when(cnt0 < _MAX_OUT)
    def _work():
        x1r = rowb_ref[0:1, :]
        y1r = rowb_ref[1:2, :]
        x2r = rowb_ref[2:3, :]
        y2r = rowb_ref[3:4, :]
        ar = rowb_ref[4:5, :]

        ext_ref[:, :] = jnp.zeros((1, _B), jnp.float32)
        for q in range(_NB - 1):
            @pl.when(q < p)
            def _pull(q=q):
                s = q * _B
                sf = jnp.where(
                    _iou_tile(coldf_ref[pl.ds(s, _B), 0:1],
                              coldf_ref[pl.ds(s, _B), 1:2],
                              coldf_ref[pl.ds(s, _B), 2:3],
                              coldf_ref[pl.ds(s, _B), 3:4],
                              coldf_ref[pl.ds(s, _B), 4:5],
                              x1r, y1r, x2r, y2r, ar) > thr,
                    1.0, 0.0)
                kq = keep_ref[pl.ds(q, 1), :]
                hits = jnp.dot(kq, sf, preferred_element_type=jnp.float32)
                ext_ref[:, :] = jnp.maximum(ext_ref[:, :], hits)

        lane = lax.broadcasted_iota(jnp.int32, (1, _B), 1)
        valid = jnp.where(p * _B + lane < _N, 1.0, 0.0)
        kb0 = jnp.where(ext_ref[:, :] > 0.0, 0.0, valid)

        x1c = cold_ref[:, 0:1]
        y1c = cold_ref[:, 1:2]
        x2c = cold_ref[:, 2:3]
        y2c = cold_ref[:, 3:4]
        ac = cold_ref[:, 4:5]
        iou_bb = _iou_tile(x1c, y1c, x2c, y2c, ac, x1r, y1r, x2r, y2r, ar)
        tri = (lax.broadcasted_iota(jnp.int32, (_B, _B), 0)
               < lax.broadcasted_iota(jnp.int32, (_B, _B), 1))
        supbb = jnp.where((iou_bb > thr) & tri, 1.0, 0.0)

        def _rcond(carry):
            _, changed = carry
            return changed

        def _rbody(carry):
            kb, _ = carry
            hit = jnp.dot(kb, supbb, preferred_element_type=jnp.float32)
            kb_new = jnp.where(hit > 0.0, 0.0, kb0)
            return kb_new, jnp.any(kb_new != kb)

        kb, _ = lax.while_loop(_rcond, _rbody, (kb0, True))
        keep_ref[pl.ds(p, 1), :] = kb

        tri_le = jnp.where(lax.broadcasted_iota(jnp.int32, (_B, _B), 0)
                           <= lax.broadcasted_iota(jnp.int32, (_B, _B), 1),
                           1.0, 0.0)
        csum = jnp.dot(kb, tri_le, preferred_element_type=jnp.float32)
        c_ref[0, :, :] = csum.astype(jnp.int32) + cnt0
        cnt_ref[0] = cnt0 + jnp.sum(kb).astype(jnp.int32)


def _run_suppression(coldata, rowdata, thr):
    return pl.pallas_call(
        _supp_body,
        grid=(_NB,),
        in_specs=[
            pl.BlockSpec(memory_space=pltpu.SMEM),
            pl.BlockSpec((_NP, 5), lambda p: (0, 0)),
            pl.BlockSpec((_B, 5), lambda p: (p, 0)),
            pl.BlockSpec((5, _B), lambda p: (0, p)),
        ],
        out_specs=pl.BlockSpec((1, 1, _B), lambda p: (p, 0, 0)),
        out_shape=jax.ShapeDtypeStruct((_NB, 1, _B), jnp.int32),
        scratch_shapes=[
            pltpu.VMEM((_NB, _B), jnp.float32),
            pltpu.VMEM((1, _B), jnp.float32),
            pltpu.SMEM((1,), jnp.int32),
        ],
    )(thr, coldata, coldata, rowdata)


def _compact_body(c_hbm, orig_hbm, out_hbm, c_v, o_v, res_v):
    wid = lax.axis_index("s") * _SC_CORES + lax.axis_index("c")
    pltpu.sync_copy(c_hbm, c_v)
    pltpu.sync_copy(orig_hbm, o_v)
    last_idx = jnp.full((16,), _NP - 1, jnp.int32)
    c_last = plsc.load_gather(c_v, [last_idx])
    for g in range(_SC_SLOTS // 16):
        tgt = wid * _SC_SLOTS + g * 16 + lax.iota(jnp.int32, 16) + 1

        def _bstep(_, carry):
            lo, hi = carry
            live = lo < hi
            mid = jnp.minimum((lo + hi) // 2, _NP - 1)
            v = plsc.load_gather(c_v, [mid])
            pred = v >= tgt
            lo2 = jnp.where(live & jnp.logical_not(pred), mid + 1, lo)
            hi2 = jnp.where(live & pred, mid, hi)
            return lo2, hi2

        lo0 = jnp.zeros((16,), jnp.int32)
        hi0 = jnp.full((16,), _NP, jnp.int32)
        pos, _ = lax.fori_loop(0, 13, _bstep, (lo0, hi0))
        valid = c_last >= tgt
        safe = jnp.minimum(pos, _NP - 1)
        ov = plsc.load_gather(o_v, [safe])
        res_v[pl.ds(g * 16, 16)] = jnp.where(valid, ov, -1)
    pltpu.sync_copy(res_v, out_hbm.at[pl.ds(wid * _SC_SLOTS, _SC_SLOTS)])


_CH = _NP // _SC_SUBCORES


def _scatter_body(r1_hbm, r2_hbm, x1_hbm, y1_hbm, x2_hbm, y2_hbm,
                  sx1_hbm, sy1_hbm, sx2_hbm, sy2_hbm, sar_hbm, sorig_hbm,
                  x1v, y1v, x2v, y2v, r1v, r2v, av, ov, riv,
                  shf0, shf1, shf2, shi, sem):
    c = lax.axis_index("c")
    base = lax.axis_index("s") * _CH
    src = pl.ds(base, _CH)
    loads = [pltpu.async_copy(r1_hbm.at[src], r1v, sem),
             pltpu.async_copy(r2_hbm.at[src], r2v, sem),
             pltpu.async_copy(x1_hbm.at[src], x1v, sem),
             pltpu.async_copy(y1_hbm.at[src], y1v, sem),
             pltpu.async_copy(x2_hbm.at[src], x2v, sem),
             pltpu.async_copy(y2_hbm.at[src], y2v, sem)]
    for h in loads:
        h.wait()
    for k in range(_CH // 16):
        sl = pl.ds(k * 16, 16)
        riv[sl] = (r1v[sl] + r2v[sl]).astype(jnp.int32)
        av[sl] = (x2v[sl] - x1v[sl]) * (y2v[sl] - y1v[sl])
        ov[sl] = base + k * 16 + lax.iota(jnp.int32, 16)

    @pl.when(c == 0)
    def _scat0():
        pltpu.sync_copy(x1v, shf0.at[riv])
        pltpu.sync_copy(y1v, shf1.at[riv])
        pltpu.sync_copy(x2v, shf2.at[riv])

    @pl.when(c == 1)
    def _scat1():
        pltpu.sync_copy(y2v, shf0.at[riv])
        pltpu.sync_copy(av, shf1.at[riv])
        pltpu.sync_copy(ov, shi.at[riv])

    plsc.subcore_barrier()

    @pl.when(c == 0)
    def _out0():
        pltpu.sync_copy(shf0.at[src], x1v)
        pltpu.sync_copy(shf1.at[src], y1v)
        pltpu.sync_copy(shf2.at[src], x2v)
        for h in [pltpu.async_copy(x1v, sx1_hbm.at[src], sem),
                  pltpu.async_copy(y1v, sy1_hbm.at[src], sem),
                  pltpu.async_copy(x2v, sx2_hbm.at[src], sem)]:
            h.wait()

    @pl.when(c == 1)
    def _out1():
        pltpu.sync_copy(shf0.at[src], y2v)
        pltpu.sync_copy(shf1.at[src], av)
        pltpu.sync_copy(shi.at[src], ov)
        for h in [pltpu.async_copy(y2v, sy2_hbm.at[src], sem),
                  pltpu.async_copy(av, sar_hbm.at[src], sem),
                  pltpu.async_copy(ov, sorig_hbm.at[src], sem)]:
            h.wait()


@functools.cache
def _scatter_call():
    f32 = jnp.float32
    return pl.kernel(
        _scatter_body,
        out_type=[jax.ShapeDtypeStruct((_NP,), f32)] * 5
        + [jax.ShapeDtypeStruct((_NP,), jnp.int32)],
        mesh=plsc.VectorSubcoreMesh(core_axis_name="c", subcore_axis_name="s"),
        compiler_params=pltpu.CompilerParams(needs_layout_passes=False),
        scratch_types=[
            pltpu.VMEM((_CH,), f32),
            pltpu.VMEM((_CH,), f32),
            pltpu.VMEM((_CH,), f32),
            pltpu.VMEM((_CH,), f32),
            pltpu.VMEM((_CH,), f32),
            pltpu.VMEM((_CH,), f32),
            pltpu.VMEM((_CH,), f32),
            pltpu.VMEM((_CH,), jnp.int32),
            pltpu.VMEM((_CH,), jnp.int32),
            pltpu.VMEM_SHARED((_NP,), f32),
            pltpu.VMEM_SHARED((_NP,), f32),
            pltpu.VMEM_SHARED((_NP,), f32),
            pltpu.VMEM_SHARED((_NP,), jnp.int32),
            pltpu.SemaphoreType.DMA,
        ],
    )


@functools.cache
def _compact_call():
    return pl.kernel(
        _compact_body,
        out_type=jax.ShapeDtypeStruct((_OUT_PAD,), jnp.int32),
        mesh=plsc.VectorSubcoreMesh(core_axis_name="c", subcore_axis_name="s"),
        compiler_params=pltpu.CompilerParams(needs_layout_passes=False),
        scratch_types=[
            pltpu.VMEM((_NP,), jnp.int32),
            pltpu.VMEM((_NP,), jnp.int32),
            pltpu.VMEM((_SC_SLOTS,), jnp.int32),
        ],
    )


def kernel(boxes, scores, iou_threshold):
    pad = _NP - _N
    sp = jnp.pad(scores.astype(jnp.float32), (0, pad), constant_values=-1.0)
    a1, a2 = _run_rank(sp.reshape(1, _NP), sp.reshape(_NP, 1))
    x1u = jnp.pad(boxes[:, 0], (0, pad))
    y1u = jnp.pad(boxes[:, 1], (0, pad))
    x2u = jnp.pad(boxes[:, 2], (0, pad))
    y2u = jnp.pad(boxes[:, 3], (0, pad))
    sx1, sy1, sx2, sy2, sar, sorig = _scatter_call()(
        a1.reshape(_NP), a2.reshape(_NP), x1u, y1u, x2u, y2u)
    rowdata = jnp.stack([sx1, sy1, sx2, sy2, sar])
    coldata = rowdata.T
    thr = jnp.reshape(iou_threshold.astype(jnp.float32), (1,))

    c = _run_suppression(coldata, rowdata, thr).reshape(_NP)
    out = _compact_call()(c, sorig)
    return out[:_MAX_OUT]

# --- scband reference (transcript-rebuilt; emitter-appended) ---
"""Pipeline reference for scband-simple-nms-module-86165633892928 (READ-ONLY COPY).

The authoritative reference and input builder live on the scoring server;
editing this copy changes nothing except your own understanding.
"""

import jax, jax.numpy as jnp
import numpy as np

MAX_OUTPUTS = 1000


def setup_inputs(seed: int = 0) -> dict:
    key = jax.random.key(seed)
    k1, k2, k3, k4, k5 = jax.random.split(key, 5)
    N = 5000
    # well-formed boxes: centers in a 1024x1024 image, sizes in [10, 110)
    cx = jax.random.uniform(k1, (N,), dtype=jnp.float32) * 1024.0
    cy = jax.random.uniform(k2, (N,), dtype=jnp.float32) * 1024.0
    w = jax.random.uniform(k3, (N,), dtype=jnp.float32) * 100.0 + 10.0
    h = jax.random.uniform(k4, (N,), dtype=jnp.float32) * 100.0 + 10.0
    boxes = jnp.stack([cx - w / 2.0, cy - h / 2.0, cx + w / 2.0, cy + h / 2.0], axis=1)
    scores = jax.random.uniform(k5, (N,), dtype=jnp.float32)
    iou_threshold = jnp.float32(0.5)
    return {"boxes": boxes, "scores": scores, "iou_threshold": iou_threshold}


def _iou_one_vs_all(box, boxes):
    x1 = jnp.maximum(box[0], boxes[:, 0])
    y1 = jnp.maximum(box[1], boxes[:, 1])
    x2 = jnp.minimum(box[2], boxes[:, 2])
    y2 = jnp.minimum(box[3], boxes[:, 3])
    inter = jnp.clip(x2 - x1, 0.0) * jnp.clip(y2 - y1, 0.0)
    area1 = (box[2] - box[0]) * (box[3] - box[1])
    area2 = (boxes[:, 2] - boxes[:, 0]) * (boxes[:, 3] - boxes[:, 1])
    return inter / (area1 + area2 - inter + 1e-9)


def _nms_keep_indices(boxes, scores, iou_threshold, max_outputs):
    N = boxes.shape[0]
    order = jnp.argsort(-scores)
    bs = boxes[order]
    idxs = jnp.arange(N)

    def body(i, keep):
        iou_i = _iou_one_vs_all(bs[i], bs)
        suppress = (iou_i > iou_threshold) & (idxs > i) & keep[i]
        return keep & jnp.logical_not(suppress)

    keep = jax.lax.fori_loop(0, N, body, jnp.ones((N,), dtype=bool))
    pos = jnp.nonzero(keep, size=max_outputs, fill_value=N)[0]
    valid = pos < N
    safe_pos = jnp.where(valid, pos, 0)
    out_idx = jnp.where(valid, order[safe_pos], -1)
    return out_idx


def reference(boxes, scores, iou_threshold):
    # Faithful translation of torchvision.ops.nms followed by keep[:max_outputs].
    # Returns int32[MAX_OUTPUTS] indices into the original boxes array, in
    # descending-score order, padded with -1 where fewer than MAX_OUTPUTS survive.
    return _nms_keep_indices(boxes, scores, iou_threshold, MAX_OUTPUTS)

if __name__ == "__main__":
    import jax
    _d = setup_inputs()
    print(jax.jit(kernel)(*tuple(_d.values())))

</pallas_src>

<mosaic_0001>
#map = affine_map<(d0, d1) -> (0)>
module attributes {stable_mosaic.version = 14 : i64} {
  func.func @_compact_body(%arg0: i32, %arg1: i32, %arg2: memref<5120xi32, #tpu.memory_space<hbm>>, %arg3: memref<5120xi32, #tpu.memory_space<hbm>>, %arg4: memref<1024xi32, #tpu.memory_space<hbm>>, %arg5: memref<5120xi32, #tpu.memory_space<vmem>>, %arg6: memref<5120xi32, #tpu.memory_space<vmem>>, %arg7: memref<32xi32, #tpu.memory_space<vmem>>) attributes {dimension_semantics = [#tpu.dimension_semantics<core_parallel>, #tpu.dimension_semantics<subcore_parallel>], iteration_bounds = array<i64: 2, 16>, scalar_prefetch = 0 : i64, scratch_operands = 3 : i64, tpu.core_type = #tpu.core_type<sc_vector_subcore>, window_params = [{transform_indices = #map}, {transform_indices = #map}, {transform_indices = #map}]} {
    %mul3A = arith.constant 2 : i32
    %mul3A_0 = arith.muli %arg1, %mul3A : i32
    %add3A = arith.addi %mul3A_0, %arg0 : i32
    "tpu.region"() ({
      %run_scoped3A = tpu.sem_alloc : memref<!tpu.dma_semaphore, #tpu.memory_space<semaphore_mem>>
      tpu.enqueue_dma source(%arg2 : memref<5120xi32, #tpu.memory_space<hbm>>) target(%arg5 : memref<5120xi32, #tpu.memory_space<vmem>>) target_semaphore(%run_scoped3A : memref<!tpu.dma_semaphore, #tpu.memory_space<semaphore_mem>>)
      tpu.wait_dma2 semaphore(%run_scoped3A : memref<!tpu.dma_semaphore, #tpu.memory_space<semaphore_mem>>) src(%arg2 : memref<5120xi32, #tpu.memory_space<hbm>>) dst(%arg5 : memref<5120xi32, #tpu.memory_space<vmem>>)
      tpu.yield
    }) : () -> ()
    "tpu.region"() ({
      %run_scoped3A = tpu.sem_alloc : memref<!tpu.dma_semaphore, #tpu.memory_space<semaphore_mem>>
      tpu.enqueue_dma source(%arg3 : memref<5120xi32, #tpu.memory_space<hbm>>) target(%arg6 : memref<5120xi32, #tpu.memory_space<vmem>>) target_semaphore(%run_scoped3A : memref<!tpu.dma_semaphore, #tpu.memory_space<semaphore_mem>>)
      tpu.wait_dma2 semaphore(%run_scoped3A : memref<!tpu.dma_semaphore, #tpu.memory_space<semaphore_mem>>) src(%arg3 : memref<5120xi32, #tpu.memory_space<hbm>>) dst(%arg6 : memref<5120xi32, #tpu.memory_space<vmem>>)
      tpu.yield
    }) : () -> ()
    %broadcast_in_dim3A = arith.constant 5119 : i32
    %broadcast_in_dim3A_1 = vector.broadcast %broadcast_in_dim3A : i32 to vector<16xi32>
    %gather3A = tpu.vector_load_idx %arg5[%broadcast_in_dim3A_1] : memref<5120xi32, #tpu.memory_space<vmem>>[vector<16xi32>], vector<16xi32>,
    %mul3A_2 = arith.constant 32 : i32
    %mul3A_3 = arith.muli %add3A, %mul3A_2 : i32
    %add3A_4 = arith.constant 0 : i32
    %add3A_5 = arith.addi %mul3A_3, %add3A_4 : i32
    %iota3A = tpu.iota {dimensions = array<i32: 0>} : vector<16xi32>
    %add3A_6 = vector.broadcast %add3A_5 : i32 to vector<16xi32>
    %add3A_7 = arith.addi %add3A_6, %iota3A : vector<16xi32>
    %add3A_8 = arith.constant 1 : i32
    %add3A_9 = vector.broadcast %add3A_8 : i32 to vector<16xi32>
    %add3A_10 = arith.addi %add3A_7, %add3A_9 : vector<16xi32>
    %broadcast_in_dim3A_11 = arith.constant 0 : i32
    %broadcast_in_dim3A_12 = vector.broadcast %broadcast_in_dim3A_11 : i32 to vector<16xi32>
    %broadcast_in_dim3A_13 = arith.constant 5120 : i32
    %broadcast_in_dim3A_14 = vector.broadcast %broadcast_in_dim3A_13 : i32 to vector<16xi32>
    %scan3A = arith.constant 0 : i32
    %scan3A_15 = arith.constant 13 : i32
    %scan3A_16 = arith.addi %scan3A, %scan3A_15 : i32
    %scan3A_17 = arith.constant 1 : i32
    %scan3A_18:2 = scf.for %scan3A_57 = %scan3A to %scan3A_16 step %scan3A_17 iter_args(%scan3A_58 = %broadcast_in_dim3A_12, %scan3A_59 = %broadcast_in_dim3A_14) -> (vector<16xi32>, vector<16xi32>)  : i32 {
      %lt3A = arith.cmpi slt, %scan3A_58, %scan3A_59 : vector<16xi32>
      %add3A_60 = arith.addi %scan3A_58, %scan3A_59 : vector<16xi32>
      %jit3A_61 = arith.constant 2 : i32
      %div3A = vector.broadcast %jit3A_61 : i32 to vector<16xi32>
      %div3A_62 = arith.divsi %add3A_60, %div3A : vector<16xi32>
      %sign3A = arith.constant 0 : i32
      %sign3A_63 = vector.broadcast %sign3A : i32 to vector<16xi32>
      %sign3A_64 = arith.cmpi sgt, %add3A_60, %sign3A_63 : vector<16xi32>
      %sign3A_65 = arith.extui %sign3A_64 : vector<16xi1> to vector<16xi32>
      %sign3A_66 = arith.constant 0 : i32
      %sign3A_67 = vector.broadcast %sign3A_66 : i32 to vector<16xi32>
      %sign3A_68 = arith.cmpi slt, %add3A_60, %sign3A_67 : vector<16xi32>
      %sign3A_69 = arith.extui %sign3A_68 : vector<16xi1> to vector<16xi32>
      %sign3A_70 = arith.subi %sign3A_65, %sign3A_69 : vector<16xi32>
      %sign3A_71 = arith.constant 0 : i32
      %sign3A_72 = arith.cmpi sgt, %jit3A_61, %sign3A_71 : i32
      %sign3A_73 = arith.extui %sign3A_72 : i1 to i32
      %sign3A_74 = arith.constant 0 : i32
      %sign3A_75 = arith.cmpi slt, %jit3A_61, %sign3A_74 : i32
      %sign3A_76 = arith.extui %sign3A_75 : i1 to i32
      %sign3A_77 = arith.subi %sign3A_73, %sign3A_76 : i32
      %ne3A = vector.broadcast %sign3A_77 : i32 to vector<16xi32>
      %ne3A_78 = arith.cmpi ne, %sign3A_70, %ne3A : vector<16xi32>
      %rem3A = vector.broadcast %jit3A_61 : i32 to vector<16xi32>
      %rem3A_79 = arith.remsi %add3A_60, %rem3A : vector<16xi32>
      %ne3A_80 = arith.constant 0 : i32
      %ne3A_81 = vector.broadcast %ne3A_80 : i32 to vector<16xi32>
      %ne3A_82 = arith.cmpi ne, %rem3A_79, %ne3A_81 : vector<16xi32>
      %and3A = arith.andi %ne3A_78, %ne3A_82 : vector<16xi1>
      %sub3A = arith.constant 1 : i32
      %sub3A_83 = vector.broadcast %sub3A : i32 to vector<16xi32>
      %sub3A_84 = arith.subi %div3A_62, %sub3A_83 : vector<16xi32>
      %select_n3A_85 = arith.select %and3A, %sub3A_84, %div3A_62 : vector<16xi1>, vector<16xi32>
      %min3A_86 = arith.constant 5119 : i32
      %min3A_87 = vector.broadcast %min3A_86 : i32 to vector<16xi32>
      %min3A_88 = arith.minsi %select_n3A_85, %min3A_87 : vector<16xi32>
      %gather3A_89 = tpu.vector_load_idx %arg5[%min3A_88] : memref<5120xi32, #tpu.memory_space<vmem>>[vector<16xi32>], vector<16xi32>,
      %ge3A_90 = arith.cmpi sge, %gather3A_89, %add3A_10 : vector<16xi32>
      %not3A = arith.constant dense<true> : vector<16xi1>
      %not3A_91 = arith.xori %ge3A_90, %not3A : vector<16xi1>
      %and3A_92 = arith.andi %lt3A, %not3A_91 : vector<16xi1>
      %add3A_93 = arith.constant 1 : i32
      %add3A_94 = vector.broadcast %add3A_93 : i32 to vector<16xi32>
      %add3A_95 = arith.addi %min3A_88, %add3A_94 : vector<16xi32>
      %select_n3A_96 = arith.select %and3A_92, %add3A_95, %scan3A_58 : vector<16xi1>, vector<16xi32>
      %and3A_97 = arith.andi %lt3A, %ge3A_90 : vector<16xi1>
      %select_n3A_98 = arith.select %and3A_97, %min3A_88, %scan3A_59 : vector<16xi1>, vector<16xi32>
      scf.yield %select_n3A_96, %select_n3A_98 : vector<16xi32>, vector<16xi32>
    }
    %scan3A_19 = arith.constant 13 : i32
    %ge3A = arith.cmpi sge, %gather3A, %add3A_10 : vector<16xi32>
    %min3A = arith.constant 5119 : i32
    %min3A_20 = vector.broadcast %min3A : i32 to vector<16xi32>
    %min3A_21 = arith.minsi %scan3A_18#0, %min3A_20 : vector<16xi32>
    %gather3A_22 = tpu.vector_load_idx %arg6[%min3A_21] : memref<5120xi32, #tpu.memory_space<vmem>>[vector<16xi32>], vector<16xi32>,
    %jit3A = arith.constant -1 : i32
    %broadcast_in_dim3A_23 = vector.broadcast %jit3A : i32 to vector<16xi32>
    %select_n3A = arith.select %ge3A, %gather3A_22, %broadcast_in_dim3A_23 : vector<16xi1>, vector<16xi32>
    %swap3A = arith.constant 0 : index
    %swap3A_24 = tpu.vector_load %arg7[%swap3A] {strides = array<i32>} : memref<32xi32, #tpu.memory_space<vmem>>, vector<16xi32>,
    tpu.vector_store %arg7[%swap3A], %select_n3A {strides = array<i32>} : memref<32xi32, #tpu.memory_space<vmem>>, vector<16xi32>,
    %mul3A_25 = arith.constant 32 : i32
    %mul3A_26 = arith.muli %add3A, %mul3A_25 : i32
    %add3A_27 = arith.constant 16 : i32
    %add3A_28 = arith.addi %mul3A_26, %add3A_27 : i32
    %iota3A_29 = tpu.iota {dimensions = array<i32: 0>} : vector<16xi32>
    %add3A_30 = vector.broadcast %add3A_28 : i32 to vector<16xi32>
    %add3A_31 = arith.addi %add3A_30, %iota3A_29 : vector<16xi32>
    %add3A_32 = arith.constant 1 : i32
    %add3A_33 = vector.broadcast %add3A_32 : i32 to vector<16xi32>
    %add3A_34 = arith.addi %add3A_31, %add3A_33 : vector<16xi32>
    %broadcast_in_dim3A_35 = arith.constant 0 : i32
    %broadcast_in_dim3A_36 = vector.broadcast %broadcast_in_dim3A_35 : i32 to vector<16xi32>
    %broadcast_in_dim3A_37 = arith.constant 5120 : i32
    %broadcast_in_dim3A_38 = vector.broadcast %broadcast_in_dim3A_37 : i32 to vector<16xi32>
    %scan3A_39 = arith.constant 0 : i32
    %scan3A_40 = arith.constant 13 : i32
    %scan3A_41 = arith.addi %scan3A_39, %scan3A_40 : i32
    %scan3A_42 = arith.constant 1 : i32
    %scan3A_43:2 = scf.for %scan3A_57 = %scan3A_39 to %scan3A_41 step %scan3A_42 iter_args(%scan3A_58 = %broadcast_in_dim3A_36, %scan3A_59 = %broadcast_in_dim3A_38) -> (vector<16xi32>, vector<16xi32>)  : i32 {
      %lt3A = arith.cmpi slt, %scan3A_58, %scan3A_59 : vector<16xi32>
      %add3A_60 = arith.addi %scan3A_58, %scan3A_59 : vector<16xi32>
      %jit3A_61 = arith.constant 2 : i32
      %div3A = vector.broadcast %jit3A_61 : i32 to vector<16xi32>
      %div3A_62 = arith.divsi %add3A_60, %div3A : vector<16xi32>
      %sign3A = arith.constant 0 : i32
      %sign3A_63 = vector.broadcast %sign3A : i32 to vector<16xi32>
      %sign3A_64 = arith.cmpi sgt, %add3A_60, %sign3A_63 : vector<16xi32>
      %sign3A_65 = arith.extui %sign3A_64 : vector<16xi1> to vector<16xi32>
      %sign3A_66 = arith.constant 0 : i32
      %sign3A_67 = vector.broadcast %sign3A_66 : i32 to vector<16xi32>
      %sign3A_68 = arith.cmpi slt, %add3A_60, %sign3A_67 : vector<16xi32>
      %sign3A_69 = arith.extui %sign3A_68 : vector<16xi1> to vector<16xi32>
      %sign3A_70 = arith.subi %sign3A_65, %sign3A_69 : vector<16xi32>
      %sign3A_71 = arith.constant 0 : i32
      %sign3A_72 = arith.cmpi sgt, %jit3A_61, %sign3A_71 : i32
      %sign3A_73 = arith.extui %sign3A_72 : i1 to i32
      %sign3A_74 = arith.constant 0 : i32
      %sign3A_75 = arith.cmpi slt, %jit3A_61, %sign3A_74 : i32
      %sign3A_76 = arith.extui %sign3A_75 : i1 to i32
      %sign3A_77 = arith.subi %sign3A_73, %sign3A_76 : i32
      %ne3A = vector.broadcast %sign3A_77 : i32 to vector<16xi32>
      %ne3A_78 = arith.cmpi ne, %sign3A_70, %ne3A : vector<16xi32>
      %rem3A = vector.broadcast %jit3A_61 : i32 to vector<16xi32>
      %rem3A_79 = arith.remsi %add3A_60, %rem3A : vector<16xi32>
      %ne3A_80 = arith.constant 0 : i32
      %ne3A_81 = vector.broadcast %ne3A_80 : i32 to vector<16xi32>
      %ne3A_82 = arith.cmpi ne, %rem3A_79, %ne3A_81 : vector<16xi32>
      %and3A = arith.andi %ne3A_78, %ne3A_82 : vector<16xi1>
      %sub3A = arith.constant 1 : i32
      %sub3A_83 = vector.broadcast %sub3A : i32 to vector<16xi32>
      %sub3A_84 = arith.subi %div3A_62, %sub3A_83 : vector<16xi32>
      %select_n3A_85 = arith.select %and3A, %sub3A_84, %div3A_62 : vector<16xi1>, vector<16xi32>
      %min3A_86 = arith.constant 5119 : i32
      %min3A_87 = vector.broadcast %min3A_86 : i32 to vector<16xi32>
      %min3A_88 = arith.minsi %select_n3A_85, %min3A_87 : vector<16xi32>
      %gather3A_89 = tpu.vector_load_idx %arg5[%min3A_88] : memref<5120xi32, #tpu.memory_space<vmem>>[vector<16xi32>], vector<16xi32>,
      %ge3A_90 = arith.cmpi sge, %gather3A_89, %add3A_34 : vector<16xi32>
      %not3A = arith.constant dense<true> : vector<16xi1>
      %not3A_91 = arith.xori %ge3A_90, %not3A : vector<16xi1>
      %and3A_92 = arith.andi %lt3A, %not3A_91 : vector<16xi1>
      %add3A_93 = arith.constant 1 : i32
      %add3A_94 = vector.broadcast %add3A_93 : i32 to vector<16xi32>
      %add3A_95 = arith.addi %min3A_88, %add3A_94 : vector<16xi32>
      %select_n3A_96 = arith.select %and3A_92, %add3A_95, %scan3A_58 : vector<16xi1>, vector<16xi32>
      %and3A_97 = arith.andi %lt3A, %ge3A_90 : vector<16xi1>
      %select_n3A_98 = arith.select %and3A_97, %min3A_88, %scan3A_59 : vector<16xi1>, vector<16xi32>
      scf.yield %select_n3A_96, %select_n3A_98 : vector<16xi32>, vector<16xi32>
    }
    %scan3A_44 = arith.constant 13 : i32
    %ge3A_45 = arith.cmpi sge, %gather3A, %add3A_34 : vector<16xi32>
    %min3A_46 = arith.constant 5119 : i32
    %min3A_47 = vector.broadcast %min3A_46 : i32 to vector<16xi32>
    %min3A_48 = arith.minsi %scan3A_43#0, %min3A_47 : vector<16xi32>
    %gather3A_49 = tpu.vector_load_idx %arg6[%min3A_48] : memref<5120xi32, #tpu.memory_space<vmem>>[vector<16xi32>], vector<16xi32>,
    %jit3A_50 = arith.constant -1 : i32
    %broadcast_in_dim3A_51 = vector.broadcast %jit3A_50 : i32 to vector<16xi32>
    %select_n3A_52 = arith.select %ge3A_45, %gather3A_49, %broadcast_in_dim3A_51 : vector<16xi1>, vector<16xi32>
    %swap3A_53 = arith.constant 16 : index
    %swap3A_54 = tpu.vector_load %arg7[%swap3A_53] {strides = array<i32>} : memref<32xi32, #tpu.memory_space<vmem>>, vector<16xi32>,
    tpu.vector_store %arg7[%swap3A_53], %select_n3A_52 {strides = array<i32>} : memref<32xi32, #tpu.memory_space<vmem>>, vector<16xi32>,
    %mul3A_55 = arith.constant 32 : i32
    %mul3A_56 = arith.muli %add3A, %mul3A_55 : i32
    "tpu.region"() ({
      %run_scoped3A = tpu.sem_alloc : memref<!tpu.dma_semaphore, #tpu.memory_space<semaphore_mem>>
      %dma_start3A = tpu.memref_slice %arg4[%mul3A_56] : memref<1024xi32, #tpu.memory_space<hbm>> -> memref<32xi32, #tpu.memory_space<hbm>>
      %dma_start3A_57 = tpu.memref_slice %arg4[%mul3A_56] : memref<1024xi32, #tpu.memory_space<hbm>> -> memref<32xi32, #tpu.memory_space<hbm>>
      tpu.enqueue_dma source(%arg7 : memref<32xi32, #tpu.memory_space<vmem>>) target(%dma_start3A_57 : memref<32xi32, #tpu.memory_space<hbm>>) target_semaphore(%run_scoped3A : memref<!tpu.dma_semaphore, #tpu.memory_space<semaphore_mem>>)
      %dma_wait3A = tpu.memref_slice %arg4[%mul3A_56] : memref<1024xi32, #tpu.memory_space<hbm>> -> memref<32xi32, #tpu.memory_space<hbm>>
      %dma_wait3A_58 = tpu.memref_slice %arg4[%mul3A_56] : memref<1024xi32, #tpu.memory_space<hbm>> -> memref<32xi32, #tpu.memory_space<hbm>>
      tpu.wait_dma2 semaphore(%run_scoped3A : memref<!tpu.dma_semaphore, #tpu.memory_space<semaphore_mem>>) src(%arg7 : memref<32xi32, #tpu.memory_space<vmem>>) dst(%dma_wait3A_58 : memref<32xi32, #tpu.memory_space<hbm>>)
      tpu.yield
    }) : () -> ()
    return
  }
}

#map = affine_map<(d0, d1) -> (0)>
module attributes {stable_mosaic.version = 14 : i64} {
  func.func @_scatter_body(%arg0: i32, %arg1: i32, %arg2: memref<5120xf32, #tpu.memory_space<hbm>>, %arg3: memref<5120xf32, #tpu.memory_space<hbm>>, %arg4: memref<5120xf32, #tpu.memory_space<hbm>>, %arg5: memref<5120xf32, #tpu.memory_space<hbm>>, %arg6: memref<5120xf32, #tpu.memory_space<hbm>>, %arg7: memref<5120xf32, #tpu.memory_space<hbm>>, %arg8: memref<5120xf32, #tpu.memory_space<hbm>>, %arg9: memref<5120xf32, #tpu.memory_space<hbm>>, %arg10: memref<5120xf32, #tpu.memory_space<hbm>>, %arg11: memref<5120xf32, #tpu.memory_space<hbm>>, %arg12: memref<5120xf32, #tpu.memory_space<hbm>>, %arg13: memref<5120xi32, #tpu.memory_space<hbm>>, %arg14: memref<320xf32, #tpu.memory_space<vmem>>, %arg15: memref<320xf32, #tpu.memory_space<vmem>>, %arg16: memref<320xf32, #tpu.memory_space<vmem>>, %arg17: memref<320xf32, #tpu.memory_space<vmem>>, %arg18: memref<320xf32, #tpu.memory_space<vmem>>, %arg19: memref<320xf32, #tpu.memory_space<vmem>>, %arg20: memref<320xf32, #tpu.memory_space<vmem>>, %arg21: memref<320xi32, #tpu.memory_space<vmem>>, %arg22: memref<320xi32, #tpu.memory_space<vmem>>, %arg23: memref<5120xf32, #tpu.memory_space<vmem_shared>>, %arg24: memref<5120xf32, #tpu.memory_space<vmem_shared>>, %arg25: memref<5120xf32, #tpu.memory_space<vmem_shared>>, %arg26: memref<5120xi32, #tpu.memory_space<vmem_shared>>, %arg27: memref<!tpu.dma_semaphore, #tpu.memory_space<semaphore_mem>>) attributes {dimension_semantics = [#tpu.dimension_semantics<core_parallel>, #tpu.dimension_semantics<subcore_parallel>], iteration_bounds = array<i64: 2, 16>, scalar_prefetch = 0 : i64, scratch_operands = 14 : i64, tpu.core_type = #tpu.core_type<sc_vector_subcore>, window_params = [{transform_indices = #map}, {transform_indices = #map}, {transform_indices = #map}, {transform_indices = #map}, {transform_indices = #map}, {transform_indices = #map}, {transform_indices = #map}, {transform_indices = #map}, {transform_indices = #map}, {transform_indices = #map}, {transform_indices = #map}, {transform_indices = #map}]} {
    %mul3A = arith.constant 320 : i32
    %mul3A_0 = arith.muli %arg1, %mul3A : i32
    %dma_start3A = tpu.memref_slice %arg2[%mul3A_0] : memref<5120xf32, #tpu.memory_space<hbm>> -> memref<320xf32, #tpu.memory_space<hbm>>
    %dma_start3A_1 = tpu.memref_slice %arg2[%mul3A_0] : memref<5120xf32, #tpu.memory_space<hbm>> -> memref<320xf32, #tpu.memory_space<hbm>>
    tpu.enqueue_dma source(%dma_start3A_1 : memref<320xf32, #tpu.memory_space<hbm>>) target(%arg18 : memref<320xf32, #tpu.memory_space<vmem>>) target_semaphore(%arg27 : memref<!tpu.dma_semaphore, #tpu.memory_space<semaphore_mem>>)
    %dma_start3A_2 = tpu.memref_slice %arg3[%mul3A_0] : memref<5120xf32, #tpu.memory_space<hbm>> -> memref<320xf32, #tpu.memory_space<hbm>>
    %dma_start3A_3 = tpu.memref_slice %arg3[%mul3A_0] : memref<5120xf32, #tpu.memory_space<hbm>> -> memref<320xf32, #tpu.memory_space<hbm>>
    tpu.enqueue_dma source(%dma_start3A_3 : memref<320xf32, #tpu.memory_space<hbm>>) target(%arg19 : memref<320xf32, #tpu.memory_space<vmem>>) target_semaphore(%arg27 : memref<!tpu.dma_semaphore, #tpu.memory_space<semaphore_mem>>)
    %dma_start3A_4 = tpu.memref_slice %arg4[%mul3A_0] : memref<5120xf32, #tpu.memory_space<hbm>> -> memref<320xf32, #tpu.memory_space<hbm>>
    %dma_start3A_5 = tpu.memref_slice %arg4[%mul3A_0] : memref<5120xf32, #tpu.memory_space<hbm>> -> memref<320xf32, #tpu.memory_space<hbm>>
    tpu.enqueue_dma source(%dma_start3A_5 : memref<320xf32, #tpu.memory_space<hbm>>) target(%arg14 : memref<320xf32, #tpu.memory_space<vmem>>) target_semaphore(%arg27 : memref<!tpu.dma_semaphore, #tpu.memory_space<semaphore_mem>>)
    %dma_start3A_6 = tpu.memref_slice %arg5[%mul3A_0] : memref<5120xf32, #tpu.memory_space<hbm>> -> memref<320xf32, #tpu.memory_space<hbm>>
    %dma_start3A_7 = tpu.memref_slice %arg5[%mul3A_0] : memref<5120xf32, #tpu.memory_space<hbm>> -> memref<320xf32, #tpu.memory_space<hbm>>
    tpu.enqueue_dma source(%dma_start3A_7 : memref<320xf32, #tpu.memory_space<hbm>>) target(%arg15 : memref<320xf32, #tpu.memory_space<vmem>>) target_semaphore(%arg27 : memref<!tpu.dma_semaphore, #tpu.memory_space<semaphore_mem>>)
    %dma_start3A_8 = tpu.memref_slice %arg6[%mul3A_0] : memref<5120xf32, #tpu.memory_space<hbm>> -> memref<320xf32, #tpu.memory_space<hbm>>
    %dma_start3A_9 = tpu.memref_slice %arg6[%mul3A_0] : memref<5120xf32, #tpu.memory_space<hbm>> -> memref<320xf32, #tpu.memory_space<hbm>>
    tpu.enqueue_dma source(%dma_start3A_9 : memref<320xf32, #tpu.memory_space<hbm>>) target(%arg16 : memref<320xf32, #tpu.memory_space<vmem>>) target_semaphore(%arg27 : memref<!tpu.dma_semaphore, #tpu.memory_space<semaphore_mem>>)
    %dma_start3A_10 = tpu.memref_slice %arg7[%mul3A_0] : memref<5120xf32, #tpu.memory_space<hbm>> -> memref<320xf32, #tpu.memory_space<hbm>>
    %dma_start3A_11 = tpu.memref_slice %arg7[%mul3A_0] : memref<5120xf32, #tpu.memory_space<hbm>> -> memref<320xf32, #tpu.memory_space<hbm>>
    tpu.enqueue_dma source(%dma_start3A_11 : memref<320xf32, #tpu.memory_space<hbm>>) target(%arg17 : memref<320xf32, #tpu.memory_space<vmem>>) target_semaphore(%arg27 : memref<!tpu.dma_semaphore, #tpu.memory_space<semaphore_mem>>)
    %dma_wait3A = tpu.memref_slice %arg2[%mul3A_0] : memref<5120xf32, #tpu.memory_space<hbm>> -> memref<320xf32, #tpu.memory_space<hbm>>
    %dma_wait3A_12 = tpu.memref_slice %arg2[%mul3A_0] : memref<5120xf32, #tpu.memory_space<hbm>> -> memref<320xf32, #tpu.memory_space<hbm>>
    tpu.wait_dma2 semaphore(%arg27 : memref<!tpu.dma_semaphore, #tpu.memory_space<semaphore_mem>>) src(%dma_wait3A_12 : memref<320xf32, #tpu.memory_space<hbm>>) dst(%arg18 : memref<320xf32, #tpu.memory_space<vmem>>)
    %dma_wait3A_13 = tpu.memref_slice %arg3[%mul3A_0] : memref<5120xf32, #tpu.memory_space<hbm>> -> memref<320xf32, #tpu.memory_space<hbm>>
    %dma_wait3A_14 = tpu.memref_slice %arg3[%mul3A_0] : memref<5120xf32, #tpu.memory_space<hbm>> -> memref<320xf32, #tpu.memory_space<hbm>>
    tpu.wait_dma2 semaphore(%arg27 : memref<!tpu.dma_semaphore, #tpu.memory_space<semaphore_mem>>) src(%dma_wait3A_14 : memref<320xf32, #tpu.memory_space<hbm>>) dst(%arg19 : memref<320xf32, #tpu.memory_space<vmem>>)
    %dma_wait3A_15 = tpu.memref_slice %arg4[%mul3A_0] : memref<5120xf32, #tpu.memory_space<hbm>> -> memref<320xf32, #tpu.memory_space<hbm>>
    %dma_wait3A_16 = tpu.memref_slice %arg4[%mul3A_0] : memref<5120xf32, #tpu.memory_space<hbm>> -> memref<320xf32, #tpu.memory_space<hbm>>
    tpu.wait_dma2 semaphore(%arg27 : memref<!tpu.dma_semaphore, #tpu.memory_space<semaphore_mem>>) src(%dma_wait3A_16 : memref<320xf32, #tpu.memory_space<hbm>>) dst(%arg14 : memref<320xf32, #tpu.memory_space<vmem>>)
    %dma_wait3A_17 = tpu.memref_slice %arg5[%mul3A_0] : memref<5120xf32, #tpu.memory_space<hbm>> -> memref<320xf32, #tpu.memory_space<hbm>>
    %dma_wait3A_18 = tpu.memref_slice %arg5[%mul3A_0] : memref<5120xf32, #tpu.memory_space<hbm>> -> memref<320xf32, #tpu.memory_space<hbm>>
    tpu.wait_dma2 semaphore(%arg27 : memref<!tpu.dma_semaphore, #tpu.memory_space<semaphore_mem>>) src(%dma_wait3A_18 : memref<320xf32, #tpu.memory_space<hbm>>) dst(%arg15 : memref<320xf32, #tpu.memory_space<vmem>>)
    %dma_wait3A_19 = tpu.memref_slice %arg6[%mul3A_0] : memref<5120xf32, #tpu.memory_space<hbm>> -> memref<320xf32, #tpu.memory_space<hbm>>
    %dma_wait3A_20 = tpu.memref_slice %arg6[%mul3A_0] : memref<5120xf32, #tpu.memory_space<hbm>> -> memref<320xf32, #tpu.memory_space<hbm>>
    tpu.wait_dma2 semaphore(%arg27 : memref<!tpu.dma_semaphore, #tpu.memory_space<semaphore_mem>>) src(%dma_wait3A_20 : memref<320xf32, #tpu.memory_space<hbm>>) dst(%arg16 : memref<320xf32, #tpu.memory_space<vmem>>)
    %dma_wait3A_21 = tpu.memref_slice %arg7[%mul3A_0] : memref<5120xf32, #tpu.memory_space<hbm>> -> memref<320xf32, #tpu.memory_space<hbm>>
    %dma_wait3A_22 = tpu.memref_slice %arg7[%mul3A_0] : memref<5120xf32, #tpu.memory_space<hbm>> -> memref<320xf32, #tpu.memory_space<hbm>>
    tpu.wait_dma2 semaphore(%arg27 : memref<!tpu.dma_semaphore, #tpu.memory_space<semaphore_mem>>) src(%dma_wait3A_22 : memref<320xf32, #tpu.memory_space<hbm>>) dst(%arg17 : memref<320xf32, #tpu.memory_space<vmem>>)
    %get3A = arith.constant 0 : index
    %get3A_23 = tpu.vector_load %arg18[%get3A] {strides = array<i32>} : memref<320xf32, #tpu.memory_space<vmem>>, vector<16xf32>,
    %get3A_24 = arith.constant 0 : index
    %get3A_25 = tpu.vector_load %arg19[%get3A_24] {strides = array<i32>} : memref<320xf32, #tpu.memory_space<vmem>>, vector<16xf32>,
    %add3A = arith.addf %get3A_23, %get3A_25 : vector<16xf32>
    %convert_element_type3A = arith.fptosi %add3A : vector<16xf32> to vector<16xi32>
    %swap3A = arith.constant 0 : index
    %swap3A_26 = tpu.vector_load %arg22[%swap3A] {strides = array<i32>} : memref<320xi32, #tpu.memory_space<vmem>>, vector<16xi32>,
    tpu.vector_store %arg22[%swap3A], %convert_element_type3A {strides = array<i32>} : memref<320xi32, #tpu.memory_space<vmem>>, vector<16xi32>,
    %get3A_27 = arith.constant 0 : index
    %get3A_28 = tpu.vector_load %arg16[%get3A_27] {strides = array<i32>} : memref<320xf32, #tpu.memory_space<vmem>>, vector<16xf32>,
    %get3A_29 = arith.constant 0 : index
    %get3A_30 = tpu.vector_load %arg14[%get3A_29] {strides = array<i32>} : memref<320xf32, #tpu.memory_space<vmem>>, vector<16xf32>,
    %sub3A = arith.subf %get3A_28, %get3A_30 : vector<16xf32>
    %get3A_31 = arith.constant 0 : index
    %get3A_32 = tpu.vector_load %arg17[%get3A_31] {strides = array<i32>} : memref<320xf32, #tpu.memory_space<vmem>>, vector<16xf32>,
    %get3A_33 = arith.constant 0 : index
    %get3A_34 = tpu.vector_load %arg15[%get3A_33] {strides = array<i32>} : memref<320xf32, #tpu.memory_space<vmem>>, vector<16xf32>,
    %sub3A_35 = arith.subf %get3A_32, %get3A_34 : vector<16xf32>
    %mul3A_36 = arith.mulf %sub3A, %sub3A_35 : vector<16xf32>
    %swap3A_37 = arith.constant 0 : index
    %swap3A_38 = tpu.vector_load %arg20[%swap3A_37] {strides = array<i32>} : memref<320xf32, #tpu.memory_space<vmem>>, vector<16xf32>,
    tpu.vector_store %arg20[%swap3A_37], %mul3A_36 {strides = array<i32>} : memref<320xf32, #tpu.memory_space<vmem>>, vector<16xf32>,
    %add3A_39 = arith.constant 0 : i32
    %add3A_40 = arith.addi %mul3A_0, %add3A_39 : i32
    %iota3A = tpu.iota {dimensions = array<i32: 0>} : vector<16xi32>
    %add3A_41 = vector.broadcast %add3A_40 : i32 to vector<16xi32>
    %add3A_42 = arith.addi %add3A_41, %iota3A : vector<16xi32>
    %swap3A_43 = arith.constant 0 : index
    %swap3A_44 = tpu.vector_load %arg21[%swap3A_43] {strides = array<i32>} : memref<320xi32, #tpu.memory_space<vmem>>, vector<16xi32>,
    tpu.vector_store %arg21[%swap3A_43], %add3A_42 {strides = array<i32>} : memref<320xi32, #tpu.memory_space<vmem>>, vector<16xi32>,
    %get3A_45 = arith.constant 16 : index
    %get3A_46 = tpu.vector_load %arg18[%get3A_45] {strides = array<i32>} : memref<320xf32, #tpu.memory_space<vmem>>, vector<16xf32>,
    %get3A_47 = arith.constant 16 : index
    %get3A_48 = tpu.vector_load %arg19[%get3A_47] {strides = array<i32>} : memref<320xf32, #tpu.memory_space<vmem>>, vector<16xf32>,
    %add3A_49 = arith.addf %get3A_46, %get3A_48 : vector<16xf32>
    %convert_element_type3A_50 = arith.fptosi %add3A_49 : vector<16xf32> to vector<16xi32>
    %swap3A_51 = arith.constant 16 : index
    %swap3A_52 = tpu.vector_load %arg22[%swap3A_51] {strides = array<i32>} : memref<320xi32, #tpu.memory_space<vmem>>, vector<16xi32>,
    tpu.vector_store %arg22[%swap3A_51], %convert_element_type3A_50 {strides = array<i32>} : memref<320xi32, #tpu.memory_space<vmem>>, vector<16xi32>,
    %get3A_53 = arith.constant 16 : index
    %get3A_54 = tpu.vector_load %arg16[%get3A_53] {strides = array<i32>} : memref<320xf32, #tpu.memory_space<vmem>>, vector<16xf32>,
    %get3A_55 = arith.constant 16 : index
    %get3A_56 = tpu.vector_load %arg14[%get3A_55] {strides = array<i32>} : memref<320xf32, #tpu.memory_space<vmem>>, vector<16xf32>,
    %sub3A_57 = arith.subf %get3A_54, %get3A_56 : vector<16xf32>
    %get3A_58 = arith.constant 16 : index
    %get3A_59 = tpu.vector_load %arg17[%get3A_58] {strides = array<i32>} : memref<320xf32, #tpu.memory_space<vmem>>, vector<16xf32>,
    %get3A_60 = arith.constant 16 : index
    %get3A_61 = tpu.vector_load %arg15[%get3A_60] {strides = array<i32>} : memref<320xf32, #tpu.memory_space<vmem>>, vector<16xf32>,
    %sub3A_62 = arith.subf %get3A_59, %get3A_61 : vector<16xf32>
    %mul3A_63 = arith.mulf %sub3A_57, %sub3A_62 : vector<16xf32>
    %swap3A_64 = arith.constant 16 : index
    %swap3A_65 = tpu.vector_load %arg20[%swap3A_64] {strides = array<i32>} : memref<320xf32, #tpu.memory_space<vmem>>, vector<16xf32>,
    tpu.vector_store %arg20[%swap3A_64], %mul3A_63 {strides = array<i32>} : memref<320xf32, #tpu.memory_space<vmem>>, vector<16xf32>,
    %add3A_66 = arith.constant 16 : i32
    %add3A_67 = arith.addi %mul3A_0, %add3A_66 : i32
    %iota3A_68 = tpu.iota {dimensions = array<i32: 0>} : vector<16xi32>
    %add3A_69 = vector.broadcast %add3A_67 : i32 to vector<16xi32>
    %add3A_70 = arith.addi %add3A_69, %iota3A_68 : vector<16xi32>
    %swap3A_71 = arith.constant 16 : index
    %swap3A_72 = tpu.vector_load %arg21[%swap3A_71] {strides = array<i32>} : memref<320xi32, #tpu.memory_space<vmem>>, vector<16xi32>,
    tpu.vector_store %arg21[%swap3A_71], %add3A_70 {strides = array<i32>} : memref<320xi32, #tpu.memory_space<vmem>>, vector<16xi32>,
    %get3A_73 = arith.constant 32 : index
    %get3A_74 = tpu.vector_load %arg18[%get3A_73] {strides = array<i32>} : memref<320xf32, #tpu.memory_space<vmem>>, vector<16xf32>,
    %get3A_75 = arith.constant 32 : index
    %get3A_76 = tpu.vector_load %arg19[%get3A_75] {strides = array<i32>} : memref<320xf32, #tpu.memory_space<vmem>>, vector<16xf32>,
    %add3A_77 = arith.addf %get3A_74, %get3A_76 : vector<16xf32>
    %convert_element_type3A_78 = arith.fptosi %add3A_77 : vector<16xf32> to vector<16xi32>
    %swap3A_79 = arith.constant 32 : index
    %swap3A_80 = tpu.vector_load %arg22[%swap3A_79] {strides = array<i32>} : memref<320xi32, #tpu.memory_space<vmem>>, vector<16xi32>,
    tpu.vector_store %arg22[%swap3A_79], %convert_element_type3A_78 {strides = array<i32>} : memref<320xi32, #tpu.memory_space<vmem>>, vector<16xi32>,
    %get3A_81 = arith.constant 32 : index
    %get3A_82 = tpu.vector_load %arg16[%get3A_81] {strides = array<i32>} : memref<320xf32, #tpu.memory_space<vmem>>, vector<16xf32>,
    %get3A_83 = arith.constant 32 : index
    %get3A_84 = tpu.vector_load %arg14[%get3A_83] {strides = array<i32>} : memref<320xf32, #tpu.memory_space<vmem>>, vector<16xf32>,
    %sub3A_85 = arith.subf %get3A_82, %get3A_84 : vector<16xf32>
    %get3A_86 = arith.constant 32 : index
    %get3A_87 = tpu.vector_load %arg17[%get3A_86] {strides = array<i32>} : memref<320xf32, #tpu.memory_space<vmem>>, vector<16xf32>,
    %get3A_88 = arith.constant 32 : index
    %get3A_89 = tpu.vector_load %arg15[%get3A_88] {strides = array<i32>} : memref<320xf32, #tpu.memory_space<vmem>>, vector<16xf32>,
    %sub3A_90 = arith.subf %get3A_87, %get3A_89 : vector<16xf32>
    %mul3A_91 = arith.mulf %sub3A_85, %sub3A_90 : vector<16xf32>
    %swap3A_92 = arith.constant 32 : index
    %swap3A_93 = tpu.vector_load %arg20[%swap3A_92] {strides = array<i32>} : memref<320xf32, #tpu.memory_space<vmem>>, vector<16xf32>,
    tpu.vector_store %arg20[%swap3A_92], %mul3A_91 {strides = array<i32>} : memref<320xf32, #tpu.memory_space<vmem>>, vector<16xf32>,
    %add3A_94 = arith.constant 32 : i32
    %add3A_95 = arith.addi %mul3A_0, %add3A_94 : i32
    %iota3A_96 = tpu.iota {dimensions = array<i32: 0>} : vector<16xi32>
    %add3A_97 = vector.broadcast %add3A_95 : i32 to vector<16xi32>
    %add3A_98 = arith.addi %add3A_97, %iota3A_96 : vector<16xi32>
    %swap3A_99 = arith.constant 32 : index
    %swap3A_100 = tpu.vector_load %arg21[%swap3A_99] {strides = array<i32>} : memref<320xi32, #tpu.memory_space<vmem>>, vector<16xi32>,
    tpu.vector_store %arg21[%swap3A_99], %add3A_98 {strides = array<i32>} : memref<320xi32, #tpu.memory_space<vmem>>, vector<16xi32>,
    %get3A_101 = arith.constant 48 : index
    %get3A_102 = tpu.vector_load %arg18[%get3A_101] {strides = array<i32>} : memref<320xf32, #tpu.memory_space<vmem>>, vector<16xf32>,
    %get3A_103 = arith.constant 48 : index
    %get3A_104 = tpu.vector_load %arg19[%get3A_103] {strides = array<i32>} : memref<320xf32, #tpu.memory_space<vmem>>, vector<16xf32>,
    %add3A_105 = arith.addf %get3A_102, %get3A_104 : vector<16xf32>
    %convert_element_type3A_106 = arith.fptosi %add3A_105 : vector<16xf32> to vector<16xi32>
    %swap3A_107 = arith.constant 48 : index
    %swap3A_108 = tpu.vector_load %arg22[%swap3A_107] {strides = array<i32>} : memref<320xi32, #tpu.memory_space<vmem>>, vector<16xi32>,
    tpu.vector_store %arg22[%swap3A_107], %convert_element_type3A_106 {strides = array<i32>} : memref<320xi32, #tpu.memory_space<vmem>>, vector<16xi32>,
    %get3A_109 = arith.constant 48 : index
    %get3A_110 = tpu.vector_load %arg16[%get3A_109] {strides = array<i32>} : memref<320xf32, #tpu.memory_space<vmem>>, vector<16xf32>,
    %get3A_111 = arith.constant 48 : index
    %get3A_112 = tpu.vector_load %arg14[%get3A_111] {strides = array<i32>} : memref<320xf32, #tpu.memory_space<vmem>>, vector<16xf32>,
    %sub3A_113 = arith.subf %get3A_110, %get3A_112 : vector<16xf32>
    %get3A_114 = arith.constant 48 : index
    %get3A_115 = tpu.vector_load %arg17[%get3A_114] {strides = array<i32>} : memref<320xf32, #tpu.memory_space<vmem>>, vector<16xf32>,
    %get3A_116 = arith.constant 48 : index
    %get3A_117 = tpu.vector_load %arg15[%get3A_116] {strides = array<i32>} : memref<320xf32, #tpu.memory_space<vmem>>, vector<16xf32>,
    %sub3A_118 = arith.subf %get3A_115, %get3A_117 : vector<16xf32>
    %mul3A_119 = arith.mulf %sub3A_113, %sub3A_118 : vector<16xf32>
    %swap3A_120 = arith.constant 48 : index
    %swap3A_121 = tpu.vector_load %arg20[%swap3A_120] {strides = array<i32>} : memref<320xf32, #tpu.memory_space<vmem>>, vector<16xf32>,
    tpu.vector_store %arg20[%swap3A_120], %mul3A_119 {strides = array<i32>} : memref<320xf32, #tpu.memory_space<vmem>>, vector<16xf32>,
    %add3A_122 = arith.constant 48 : i32
    %add3A_123 = arith.addi %mul3A_0, %add3A_122 : i32
    %iota3A_124 = tpu.iota {dimensions = array<i32: 0>} : vector<16xi32>
    %add3A_125 = vector.broadcast %add3A_123 : i32 to vector<16xi32>
    %add3A_126 = arith.addi %add3A_125, %iota3A_124 : vector<16xi32>
    %swap3A_127 = arith.constant 48 : index
    %swap3A_128 = tpu.vector_load %arg21[%swap3A_127] {strides = array<i32>} : memref<320xi32, #tpu.memory_space<vmem>>, vector<16xi32>,
    tpu.vector_store %arg21[%swap3A_127], %add3A_126 {strides = array<i32>} : memref<320xi32, #tpu.memory_space<vmem>>, vector<16xi32>,
    %get3A_129 = arith.constant 64 : index
    %get3A_130 = tpu.vector_load %arg18[%get3A_129] {strides = array<i32>} : memref<320xf32, #tpu.memory_space<vmem>>, vector<16xf32>,
    %get3A_131 = arith.constant 64 : index
    %get3A_132 = tpu.vector_load %arg19[%get3A_131] {strides = array<i32>} : memref<320xf32, #tpu.memory_space<vmem>>, vector<16xf32>,
    %add3A_133 = arith.addf %get3A_130, %get3A_132 : vector<16xf32>
    %convert_element_type3A_134 = arith.fptosi %add3A_133 : vector<16xf32> to vector<16xi32>
    %swap3A_135 = arith.constant 64 : index
    %swap3A_136 = tpu.vector_load %arg22[%swap3A_135] {strides = array<i32>} : memref<320xi32, #tpu.memory_space<vmem>>, vector<16xi32>,
    tpu.vector_store %arg22[%swap3A_135], %convert_element_type3A_134 {strides = array<i32>} : memref<320xi32, #tpu.memory_space<vmem>>, vector<16xi32>,
    %get3A_137 = arith.constant 64 : index
    %get3A_138 = tpu.vector_load %arg16[%get3A_137] {strides = array<i32>} : memref<320xf32, #tpu.memory_space<vmem>>, vector<16xf32>,
    %get3A_139 = arith.constant 64 : index
    %get3A_140 = tpu.vector_load %arg14[%get3A_139] {strides = array<i32>} : memref<320xf32, #tpu.memory_space<vmem>>, vector<16xf32>,
    %sub3A_141 = arith.subf %get3A_138, %get3A_140 : vector<16xf32>
    %get3A_142 = arith.constant 64 : index
    %get3A_143 = tpu.vector_load %arg17[%get3A_142] {strides = array<i32>} : memref<320xf32, #tpu.memory_space<vmem>>, vector<16xf32>,
    %get3A_144 = arith.constant 64 : index
    %get3A_145 = tpu.vector_load %arg15[%get3A_144] {strides = array<i32>} : memref<320xf32, #tpu.memory_space<vmem>>, vector<16xf32>,
    %sub3A_146 = arith.subf %get3A_143, %get3A_145 : vector<16xf32>
    %mul3A_147 = arith.mulf %sub3A_141, %sub3A_146 : vector<16xf32>
    %swap3A_148 = arith.constant 64 : index
    %swap3A_149 = tpu.vector_load %arg20[%swap3A_148] {strides = array<i32>} : memref<320xf32, #tpu.memory_space<vmem>>, vector<16xf32>,
    tpu.vector_store %arg20[%swap3A_148], %mul3A_147 {strides = array<i32>} : memref<320xf32, #tpu.memory_space<vmem>>, vector<16xf32>,
    %add3A_150 = arith.constant 64 : i32
    %add3A_151 = arith.addi %mul3A_0, %add3A_150 : i32
    %iota3A_152 = tpu.iota {dimensions = array<i32: 0>} : vector<16xi32>
    %add3A_153 = vector.broadcast %add3A_151 : i32 to vector<16xi32>
    %add3A_154 = arith.addi %add3A_153, %iota3A_152 : vector<16xi32>
    %swap3A_155 = arith.constant 64 : index
    %swap3A_156 = tpu.vector_load %arg21[%swap3A_155] {strides = array<i32>} : memref<320xi32, #tpu.memory_space<vmem>>, vector<16xi32>,
    tpu.vector_store %arg21[%swap3A_155], %add3A_154 {strides = array<i32>} : memref<320xi32, #tpu.memory_space<vmem>>, vector<16xi32>,
    %get3A_157 = arith.constant 80 : index
    %get3A_158 = tpu.vector_load %arg18[%get3A_157] {strides = array<i32>} : memref<320xf32, #tpu.memory_space<vmem>>, vector<16xf32>,
    %get3A_159 = arith.constant 80 : index
    %get3A_160 = tpu.vector_load %arg19[%get3A_159] {strides = array<i32>} : memref<320xf32, #tpu.memory_space<vmem>>, vector<16xf32>,
    %add3A_161 = arith.addf %get3A_158, %get3A_160 : vector<16xf32>
    %convert_element_type3A_162 = arith.fptosi %add3A_161 : vector<16xf32> to vector<16xi32>
    %swap3A_163 = arith.constant 80 : index
    %swap3A_164 = tpu.vector_load %arg22[%swap3A_163] {strides = array<i32>} : memref<320xi32, #tpu.memory_space<vmem>>, vector<16xi32>,
    tpu.vector_store %arg22[%swap3A_163], %convert_element_type3A_162 {strides = array<i32>} : memref<320xi32, #tpu.memory_space<vmem>>, vector<16xi32>,
    %get3A_165 = arith.constant 80 : index
    %get3A_166 = tpu.vector_load %arg16[%get3A_165] {strides = array<i32>} : memref<320xf32, #tpu.memory_space<vmem>>, vector<16xf32>,
    %get3A_167 = arith.constant 80 : index
    %get3A_168 = tpu.vector_load %arg14[%get3A_167] {strides = array<i32>} : memref<320xf32, #tpu.memory_space<vmem>>, vector<16xf32>,
    %sub3A_169 = arith.subf %get3A_166, %get3A_168 : vector<16xf32>
    %get3A_170 = arith.constant 80 : index
    %get3A_171 = tpu.vector_load %arg17[%get3A_170] {strides = array<i32>} : memref<320xf32, #tpu.memory_space<vmem>>, vector<16xf32>,
    %get3A_172 = arith.constant 80 : index
    %get3A_173 = tpu.vector_load %arg15[%get3A_172] {strides = array<i32>} : memref<320xf32, #tpu.memory_space<vmem>>, vector<16xf32>,
    %sub3A_174 = arith.subf %get3A_171, %get3A_173 : vector<16xf32>
    %mul3A_175 = arith.mulf %sub3A_169, %sub3A_174 : vector<16xf32>
    %swap3A_176 = arith.constant 80 : index
    %swap3A_177 = tpu.vector_load %arg20[%swap3A_176] {strides = array<i32>} : memref<320xf32, #tpu.memory_space<vmem>>, vector<16xf32>,
    tpu.vector_store %arg20[%swap3A_176], %mul3A_175 {strides = array<i32>} : memref<320xf32, #tpu.memory_space<vmem>>, vector<16xf32>,
    %add3A_178 = arith.constant 80 : i32
    %add3A_179 = arith.addi %mul3A_0, %add3A_178 : i32
    %iota3A_180 = tpu.iota {dimensions = array<i32: 0>} : vector<16xi32>
    %add3A_181 = vector.broadcast %add3A_179 : i32 to vector<16xi32>
    %add3A_182 = arith.addi %add3A_181, %iota3A_180 : vector<16xi32>
    %swap3A_183 = arith.constant 80 : index
    %swap3A_184 = tpu.vector_load %arg21[%swap3A_183] {strides = array<i32>} : memref<320xi32, #tpu.memory_space<vmem>>, vector<16xi32>,
    tpu.vector_store %arg21[%swap3A_183], %add3A_182 {strides = array<i32>} : memref<320xi32, #tpu.memory_space<vmem>>, vector<16xi32>,
    %get3A_185 = arith.constant 96 : index
    %get3A_186 = tpu.vector_load %arg18[%get3A_185] {strides = array<i32>} : memref<320xf32, #tpu.memory_space<vmem>>, vector<16xf32>,
    %get3A_187 = arith.constant 96 : index
    %get3A_188 = tpu.vector_load %arg19[%get3A_187] {strides = array<i32>} : memref<320xf32, #tpu.memory_space<vmem>>, vector<16xf32>,
    %add3A_189 = arith.addf %get3A_186, %get3A_188 : vector<16xf32>
    %convert_element_type3A_190 = arith.fptosi %add3A_189 : vector<16xf32> to vector<16xi32>
    %swap3A_191 = arith.constant 96 : index
    %swap3A_192 = tpu.vector_load %arg22[%swap3A_191] {strides = array<i32>} : memref<320xi32, #tpu.memory_space<vmem>>, vector<16xi32>,
    tpu.vector_store %arg22[%swap3A_191], %convert_element_type3A_190 {strides = array<i32>} : memref<320xi32, #tpu.memory_space<vmem>>, vector<16xi32>,
    %get3A_193 = arith.constant 96 : index
    %get3A_194 = tpu.vector_load %arg16[%get3A_193] {strides = array<i32>} : memref<320xf32, #tpu.memory_space<vmem>>, vector<16xf32>,
    %get3A_195 = arith.constant 96 : index
    %get3A_196 = tpu.vector_load %arg14[%get3A_195] {strides = array<i32>} : memref<320xf32, #tpu.memory_space<vmem>>, vector<16xf32>,
    %sub3A_197 = arith.subf %get3A_194, %get3A_196 : vector<16xf32>
    %get3A_198 = arith.constant 96 : index
    %get3A_199 = tpu.vector_load %arg17[%get3A_198] {strides = array<i32>} : memref<320xf32, #tpu.memory_space<vmem>>, vector<16xf32>,
    %get3A_200 = arith.constant 96 : index
    %get3A_201 = tpu.vector_load %arg15[%get3A_200] {strides = array<i32>} : memref<320xf32, #tpu.memory_space<vmem>>, vector<16xf32>,
    %sub3A_202 = arith.subf %get3A_199, %get3A_201 : vector<16xf32>
    %mul3A_203 = arith.mulf %sub3A_197, %sub3A_202 : vector<16xf32>
    %swap3A_204 = arith.constant 96 : index
    %swap3A_205 = tpu.vector_load %arg20[%swap3A_204] {strides = array<i32>} : memref<320xf32, #tpu.memory_space<vmem>>, vector<16xf32>,
    tpu.vector_store %arg20[%swap3A_204], %mul3A_203 {strides = array<i32>} : memref<320xf32, #tpu.memory_space<vmem>>, vector<16xf32>,
    %add3A_206 = arith.constant 96 : i32
    %add3A_207 = arith.addi %mul3A_0, %add3A_206 : i32
    %iota3A_208 = tpu.iota {dimensions = array<i32: 0>} : vector<16xi32>
    %add3A_209 = vector.broadcast %add3A_207 : i32 to vector<16xi32>
    %add3A_210 = arith.addi %add3A_209, %iota3A_208 : vector<16xi32>
    %swap3A_211 = arith.constant 96 : index
    %swap3A_212 = tpu.vector_load %arg21[%swap3A_211] {strides = array<i32>} : memref<320xi32, #tpu.memory_space<vmem>>, vector<16xi32>,
    tpu.vector_store %arg21[%swap3A_211], %add3A_210 {strides = array<i32>} : memref<320xi32, #tpu.memory_space<vmem>>, vector<16xi32>,
    %get3A_213 = arith.constant 112 : index
    %get3A_214 = tpu.vector_load %arg18[%get3A_213] {strides = array<i32>} : memref<320xf32, #tpu.memory_space<vmem>>, vector<16xf32>,
    %get3A_215 = arith.constant 112 : index
    %get3A_216 = tpu.vector_load %arg19[%get3A_215] {strides = array<i32>} : memref<320xf32, #tpu.memory_space<vmem>>, vector<16xf32>,
    %add3A_217 = arith.addf %get3A_214, %get3A_216 : vector<16xf32>
    %convert_element_type3A_218 = arith.fptosi %add3A_217 : vector<16xf32> to vector<16xi32>
    %swap3A_219 = arith.constant 112 : index
    %swap3A_220 = tpu.vector_load %arg22[%swap3A_219] {strides = array<i32>} : memref<320xi32, #tpu.memory_space<vmem>>, vector<16xi32>,
    tpu.vector_store %arg22[%swap3A_219], %convert_element_type3A_218 {strides = array<i32>} : memref<320xi32, #tpu.memory_space<vmem>>, vector<16xi32>,
    %get3A_221 = arith.constant 112 : index
    %get3A_222 = tpu.vector_load %arg16[%get3A_221] {strides = array<i32>} : memref<320xf32, #tpu.memory_space<vmem>>, vector<16xf32>,
    %get3A_223 = arith.constant 112 : index
    %get3A_224 = tpu.vector_load %arg14[%get3A_223] {strides = array<i32>} : memref<320xf32, #tpu.memory_space<vmem>>, vector<16xf32>,
    %sub3A_225 = arith.subf %get3A_222, %get3A_224 : vector<16xf32>
    %get3A_226 = arith.constant 112 : index
    %get3A_227 = tpu.vector_load %arg17[%get3A_226] {strides = array<i32>} : memref<320xf32, #tpu.memory_space<vmem>>, vector<16xf32>,
    %get3A_228 = arith.constant 112 : index
    %get3A_229 = tpu.vector_load %arg15[%get3A_228] {strides = array<i32>} : memref<320xf32, #tpu.memory_space<vmem>>, vector<16xf32>,
    %sub3A_230 = arith.subf %get3A_227, %get3A_229 : vector<16xf32>
    %mul3A_231 = arith.mulf %sub3A_225, %sub3A_230 : vector<16xf32>
    %swap3A_232 = arith.constant 112 : index
    %swap3A_233 = tpu.vector_load %arg20[%swap3A_232] {strides = array<i32>} : memref<320xf32, #tpu.memory_space<vmem>>, vector<16xf32>,
    tpu.vector_store %arg20[%swap3A_232], %mul3A_231 {strides = array<i32>} : memref<320xf32, #tpu.memory_space<vmem>>, vector<16xf32>,
    %add3A_234 = arith.constant 112 : i32
    %add3A_235 = arith.addi %mul3A_0, %add3A_234 : i32
    %iota3A_236 = tpu.iota {dimensions = array<i32: 0>} : vector<16xi32>
    %add3A_237 = vector.broadcast %add3A_235 : i32 to vector<16xi32>
    %add3A_238 = arith.addi %add3A_237, %iota3A_236 : vector<16xi32>
    %swap3A_239 = arith.constant 112 : index
    %swap3A_240 = tpu.vector_load %arg21[%swap3A_239] {strides = array<i32>} : memref<320xi32, #tpu.memory_space<vmem>>, vector<16xi32>,
    tpu.vector_store %arg21[%swap3A_239], %add3A_238 {strides = array<i32>} : memref<320xi32, #tpu.memory_space<vmem>>, vector<16xi32>,
    %get3A_241 = arith.constant 128 : index
    %get3A_242 = tpu.vector_load %arg18[%get3A_241] {strides = array<i32>} : memref<320xf32, #tpu.memory_space<vmem>>, vector<16xf32>,
    %get3A_243 = arith.constant 128 : index
    %get3A_244 = tpu.vector_load %arg19[%get3A_243] {strides = array<i32>} : memref<320xf32, #tpu.memory_space<vmem>>, vector<16xf32>,
    %add3A_245 = arith.addf %get3A_242, %get3A_244 : vector<16xf32>
    %convert_element_type3A_246 = arith.fptosi %add3A_245 : vector<16xf32> to vector<16xi32>
    %swap3A_247 = arith.constant 128 : index
    %swap3A_248 = tpu.vector_load %arg22[%swap3A_247] {strides = array<i32>} : memref<320xi32, #tpu.memory_space<vmem>>, vector<16xi32>,
    tpu.vector_store %arg22[%swap3A_247], %convert_element_type3A_246 {strides = array<i32>} : memref<320xi32, #tpu.memory_space<vmem>>, vector<16xi32>,
    %get3A_249 = arith.constant 128 : index
    %get3A_250 = tpu.vector_load %arg16[%get3A_249] {strides = array<i32>} : memref<320xf32, #tpu.memory_space<vmem>>, vector<16xf32>,
    %get3A_251 = arith.constant 128 : index
    %get3A_252 = tpu.vector_load %arg14[%get3A_251] {strides = array<i32>} : memref<320xf32, #tpu.memory_space<vmem>>, vector<16xf32>,
    %sub3A_253 = arith.subf %get3A_250, %get3A_252 : vector<16xf32>
    %get3A_254 = arith.constant 128 : index
    %get3A_255 = tpu.vector_load %arg17[%get3A_254] {strides = array<i32>} : memref<320xf32, #tpu.memory_space<vmem>>, vector<16xf32>,
    %get3A_256 = arith.constant 128 : index
    %get3A_257 = tpu.vector_load %arg15[%get3A_256] {strides = array<i32>} : memref<320xf32, #tpu.memory_space<vmem>>, vector<16xf32>,
    %sub3A_258 = arith.subf %get3A_255, %get3A_257 : vector<16xf32>
    %mul3A_259 = arith.mulf %sub3A_253, %sub3A_258 : vector<16xf32>
    %swap3A_260 = arith.constant 128 : index
    %swap3A_261 = tpu.vector_load %arg20[%swap3A_260] {strides = array<i32>} : memref<320xf32, #tpu.memory_space<vmem>>, vector<16xf32>,
    tpu.vector_store %arg20[%swap3A_260], %mul3A_259 {strides = array<i32>} : memref<320xf32, #tpu.memory_space<vmem>>, vector<16xf32>,
    %add3A_262 = arith.constant 128 : i32
    %add3A_263 = arith.addi %mul3A_0, %add3A_262 : i32
    %iota3A_264 = tpu.iota {dimensions = array<i32: 0>} : vector<16xi32>
    %add3A_265 = vector.broadcast %add3A_263 : i32 to vector<16xi32>
    %add3A_266 = arith.addi %add3A_265, %iota3A_264 : vector<16xi32>
    %swap3A_267 = arith.constant 128 : index
    %swap3A_268 = tpu.vector_load %arg21[%swap3A_267] {strides = array<i32>} : memref<320xi32, #tpu.memory_space<vmem>>, vector<16xi32>,
    tpu.vector_store %arg21[%swap3A_267], %add3A_266 {strides = array<i32>} : memref<320xi32, #tpu.memory_space<vmem>>, vector<16xi32>,
    %get3A_269 = arith.constant 144 : index
    %get3A_270 = tpu.vector_load %arg18[%get3A_269] {strides = array<i32>} : memref<320xf32, #tpu.memory_space<vmem>>, vector<16xf32>,
    %get3A_271 = arith.constant 144 : index
    %get3A_272 = tpu.vector_load %arg19[%get3A_271] {strides = array<i32>} : memref<320xf32, #tpu.memory_space<vmem>>, vector<16xf32>,
    %add3A_273 = arith.addf %get3A_270, %get3A_272 : vector<16xf32>
    %convert_element_type3A_274 = arith.fptosi %add3A_273 : vector<16xf32> to vector<16xi32>
    %swap3A_275 = arith.constant 144 : index
    %swap3A_276 = tpu.vector_load %arg22[%swap3A_275] {strides = array<i32>} : memref<320xi32, #tpu.memory_space<vmem>>, vector<16xi32>,
    tpu.vector_store %arg22[%swap3A_275], %convert_element_type3A_274 {strides = array<i32>} : memref<320xi32, #tpu.memory_space<vmem>>, vector<16xi32>,
    %get3A_277 = arith.constant 144 : index
    %get3A_278 = tpu.vector_load %arg16[%get3A_277] {strides = array<i32>} : memref<320xf32, #tpu.memory_space<vmem>>, vector<16xf32>,
    %get3A_279 = arith.constant 144 : index
    %get3A_280 = tpu.vector_load %arg14[%get3A_279] {strides = array<i32>} : memref<320xf32, #tpu.memory_space<vmem>>, vector<16xf32>,
    %sub3A_281 = arith.subf %get3A_278, %get3A_280 : vector<16xf32>
    %get3A_282 = arith.constant 144 : index
    %get3A_283 = tpu.vector_load %arg17[%get3A_282] {strides = array<i32>} : memref<320xf32, #tpu.memory_space<vmem>>, vector<16xf32>,
    %get3A_284 = arith.constant 144 : index
    %get3A_285 = tpu.vector_load %arg15[%get3A_284] {strides = array<i32>} : memref<320xf32, #tpu.memory_space<vmem>>, vector<16xf32>,
    %sub3A_286 = arith.subf %get3A_283, %get3A_285 : vector<16xf32>
    %mul3A_287 = arith.mulf %sub3A_281, %sub3A_286 : vector<16xf32>
    %swap3A_288 = arith.constant 144 : index
    %swap3A_289 = tpu.vector_load %arg20[%swap3A_288] {strides = array<i32>} : memref<320xf32, #tpu.memory_space<vmem>>, vector<16xf32>,
    tpu.vector_store %arg20[%swap3A_288], %mul3A_287 {strides = array<i32>} : memref<320xf32, #tpu.memory_space<vmem>>, vector<16xf32>,
    %add3A_290 = arith.constant 144 : i32
    %add3A_291 = arith.addi %mul3A_0, %add3A_290 : i32
    %iota3A_292 = tpu.iota {dimensions = array<i32: 0>} : vector<16xi32>
    %add3A_293 = vector.broadcast %add3A_291 : i32 to vector<16xi32>
    %add3A_294 = arith.addi %add3A_293, %iota3A_292 : vector<16xi32>
    %swap3A_295 = arith.constant 144 : index
    %swap3A_296 = tpu.vector_load %arg21[%swap3A_295] {strides = array<i32>} : memref<320xi32, #tpu.memory_space<vmem>>, vector<16xi32>,
    tpu.vector_store %arg21[%swap3A_295], %add3A_294 {strides = array<i32>} : memref<320xi32, #tpu.memory_space<vmem>>, vector<16xi32>,
    %get3A_297 = arith.constant 160 : index
    %get3A_298 = tpu.vector_load %arg18[%get3A_297] {strides = array<i32>} : memref<320xf32, #tpu.memory_space<vmem>>, vector<16xf32>,
    %get3A_299 = arith.constant 160 : index
    %get3A_300 = tpu.vector_load %arg19[%get3A_299] {strides = array<i32>} : memref<320xf32, #tpu.memory_space<vmem>>, vector<16xf32>,
    %add3A_301 = arith.addf %get3A_298, %get3A_300 : vector<16xf32>
    %convert_element_type3A_302 = arith.fptosi %add3A_301 : vector<16xf32> to vector<16xi32>
    %swap3A_303 = arith.constant 160 : index
    %swap3A_304 = tpu.vector_load %arg22[%swap3A_303] {strides = array<i32>} : memref<320xi32, #tpu.memory_space<vmem>>, vector<16xi32>,
    tpu.vector_store %arg22[%swap3A_303], %convert_element_type3A_302 {strides = array<i32>} : memref<320xi32, #tpu.memory_space<vmem>>, vector<16xi32>,
    %get3A_305 = arith.constant 160 : index
    %get3A_306 = tpu.vector_load %arg16[%get3A_305] {strides = array<i32>} : memref<320xf32, #tpu.memory_space<vmem>>, vector<16xf32>,
    %get3A_307 = arith.constant 160 : index
    %get3A_308 = tpu.vector_load %arg14[%get3A_307] {strides = array<i32>} : memref<320xf32, #tpu.memory_space<vmem>>, vector<16xf32>,
    %sub3A_309 = arith.subf %get3A_306, %get3A_308 : vector<16xf32>
    %get3A_310 = arith.constant 160 : index
    %get3A_311 = tpu.vector_load %arg17[%get3A_310] {strides = array<i32>} : memref<320xf32, #tpu.memory_space<vmem>>, vector<16xf32>,
    %get3A_312 = arith.constant 160 : index
    %get3A_313 = tpu.vector_load %arg15[%get3A_312] {strides = array<i32>} : memref<320xf32, #tpu.memory_space<vmem>>, vector<16xf32>,
    %sub3A_314 = arith.subf %get3A_311, %get3A_313 : vector<16xf32>
    %mul3A_315 = arith.mulf %sub3A_309, %sub3A_314 : vector<16xf32>
    %swap3A_316 = arith.constant 160 : index
    %swap3A_317 = tpu.vector_load %arg20[%swap3A_316] {strides = array<i32>} : memref<320xf32, #tpu.memory_space<vmem>>, vector<16xf32>,
    tpu.vector_store %arg20[%swap3A_316], %mul3A_315 {strides = array<i32>} : memref<320xf32, #tpu.memory_space<vmem>>, vector<16xf32>,
    %add3A_318 = arith.constant 160 : i32
    %add3A_319 = arith.addi %mul3A_0, %add3A_318 : i32
    %iota3A_320 = tpu.iota {dimensions = array<i32: 0>} : vector<16xi32>
    %add3A_321 = vector.broadcast %add3A_319 : i32 to vector<16xi32>
    %add3A_322 = arith.addi %add3A_321, %iota3A_320 : vector<16xi32>
    %swap3A_323 = arith.constant 160 : index
    %swap3A_324 = tpu.vector_load %arg21[%swap3A_323] {strides = array<i32>} : memref<320xi32, #tpu.memory_space<vmem>>, vector<16xi32>,
    tpu.vector_store %arg21[%swap3A_323], %add3A_322 {strides = array<i32>} : memref<320xi32, #tpu.memory_space<vmem>>, vector<16xi32>,
    %get3A_325 = arith.constant 176 : index
    %get3A_326 = tpu.vector_load %arg18[%get3A_325] {strides = array<i32>} : memref<320xf32, #tpu.memory_space<vmem>>, vector<16xf32>,
    %get3A_327 = arith.constant 176 : index
    %get3A_328 = tpu.vector_load %arg19[%get3A_327] {strides = array<i32>} : memref<320xf32, #tpu.memory_space<vmem>>, vector<16xf32>,
    %add3A_329 = arith.addf %get3A_326, %get3A_328 : vector<16xf32>
    %convert_element_type3A_330 = arith.fptosi %add3A_329 : vector<16xf32> to vector<16xi32>
    %swap3A_331 = arith.constant 176 : index
    %swap3A_332 = tpu.vector_load %arg22[%swap3A_331] {strides = array<i32>} : memref<320xi32, #tpu.memory_space<vmem>>, vector<16xi32>,
    tpu.vector_store %arg22[%swap3A_331], %convert_element_type3A_330 {strides = array<i32>} : memref<320xi32, #tpu.memory_space<vmem>>, vector<16xi32>,
    %get3A_333 = arith.constant 176 : index
    %get3A_334 = tpu.vector_load %arg16[%get3A_333] {strides = array<i32>} : memref<320xf32, #tpu.memory_space<vmem>>, vector<16xf32>,
    %get3A_335 = arith.constant 176 : index
    %get3A_336 = tpu.vector_load %arg14[%get3A_335] {strides = array<i32>} : memref<320xf32, #tpu.memory_space<vmem>>, vector<16xf32>,
    %sub3A_337 = arith.subf %get3A_334, %get3A_336 : vector<16xf32>
    %get3A_338 = arith.constant 176 : index
    %get3A_339 = tpu.vector_load %arg17[%get3A_338] {strides = array<i32>} : memref<320xf32, #tpu.memory_space<vmem>>, vector<16xf32>,
    %get3A_340 = arith.constant 176 : index
    %get3A_341 = tpu.vector_load %arg15[%get3A_340] {strides = array<i32>} : memref<320xf32, #tpu.memory_space<vmem>>, vector<16xf32>,
    %sub3A_342 = arith.subf %get3A_339, %get3A_341 : vector<16xf32>
    %mul3A_343 = arith.mulf %sub3A_337, %sub3A_342 : vector<16xf32>
    %swap3A_344 = arith.constant 176 : index
    %swap3A_345 = tpu.vector_load %arg20[%swap3A_344] {strides = array<i32>} : memref<320xf32, #tpu.memory_space<vmem>>, vector<16xf32>,
    tpu.vector_store %arg20[%swap3A_344], %mul3A_343 {strides = array<i32>} : memref<320xf32, #tpu.memory_space<vmem>>, vector<16xf32>,
    %add3A_346 = arith.constant 176 : i32
    %add3A_347 = arith.addi %mul3A_0, %add3A_346 : i32
    %iota3A_348 = tpu.iota {dimensions = array<i32: 0>} : vector<16xi32>
    %add3A_349 = vector.broadcast %add3A_347 : i32 to vector<16xi32>
    %add3A_350 = arith.addi %add3A_349, %iota3A_348 : vector<16xi32>
    %swap3A_351 = arith.constant 176 : index
    %swap3A_352 = tpu.vector_load %arg21[%swap3A_351] {strides = array<i32>} : memref<320xi32, #tpu.memory_space<vmem>>, vector<16xi32>,
    tpu.vector_store %arg21[%swap3A_351], %add3A_350 {strides = array<i32>} : memref<320xi32, #tpu.memory_space<vmem>>, vector<16xi32>,
    %get3A_353 = arith.constant 192 : index
    %get3A_354 = tpu.vector_load %arg18[%get3A_353] {strides = array<i32>} : memref<320xf32, #tpu.memory_space<vmem>>, vector<16xf32>,
    %get3A_355 = arith.constant 192 : index
    %get3A_356 = tpu.vector_load %arg19[%get3A_355] {strides = array<i32>} : memref<320xf32, #tpu.memory_space<vmem>>, vector<16xf32>,
    %add3A_357 = arith.addf %get3A_354, %get3A_356 : vector<16xf32>
    %convert_element_type3A_358 = arith.fptosi %add3A_357 : vector<16xf32> to vector<16xi32>
    %swap3A_359 = arith.constant 192 : index
    %swap3A_360 = tpu.vector_load %arg22[%swap3A_359] {strides = array<i32>} : memref<320xi32, #tpu.memory_space<vmem>>, vector<16xi32>,
    tpu.vector_store %arg22[%swap3A_359], %convert_element_type3A_358 {strides = array<i32>} : memref<320xi32, #tpu.memory_space<vmem>>, vector<16xi32>,
    %get3A_361 = arith.constant 192 : index
    %get3A_362 = tpu.vector_load %arg16[%get3A_361] {strides = array<i32>} : memref<320xf32, #tpu.memory_space<vmem>>, vector<16xf32>,
    %get3A_363 = arith.constant 192 : index
    %get3A_364 = tpu.vector_load %arg14[%get3A_363] {strides = array<i32>} : memref<320xf32, #tpu.memory_space<vmem>>, vector<16xf32>,
    %sub3A_365 = arith.subf %get3A_362, %get3A_364 : vector<16xf32>
    %get3A_366 = arith.constant 192 : index
    %get3A_367 = tpu.vector_load %arg17[%get3A_366] {strides = array<i32>} : memref<320xf32, #tpu.memory_space<vmem>>, vector<16xf32>,
    %get3A_368 = arith.constant 192 : index
    %get3A_369 = tpu.vector_load %arg15[%get3A_368] {strides = array<i32>} : memref<320xf32, #tpu.memory_space<vmem>>, vector<16xf32>,
    %sub3A_370 = arith.subf %get3A_367, %get3A_369 : vector<16xf32>
    %mul3A_371 = arith.mulf %sub3A_365, %sub3A_370 : vector<16xf32>
    %swap3A_372 = arith.constant 192 : index
    %swap3A_373 = tpu.vector_load %arg20[%swap3A_372] {strides = array<i32>} : memref<320xf32, #tpu.memory_space<vmem>>, vector<16xf32>,
    tpu.vector_store %arg20[%swap3A_372], %mul3A_371 {strides = array<i32>} : memref<320xf32, #tpu.memory_space<vmem>>, vector<16xf32>,
    %add3A_374 = arith.constant 192 : i32
    %add3A_375 = arith.addi %mul3A_0, %add3A_374 : i32
    %iota3A_376 = tpu.iota {dimensions = array<i32: 0>} : vector<16xi32>
    %add3A_377 = vector.broadcast %add3A_375 : i32 to vector<16xi32>
    %add3A_378 = arith.addi %add3A_377, %iota3A_376 : vector<16xi32>
    %swap3A_379 = arith.constant 192 : index
    %swap3A_380 = tpu.vector_load %arg21[%swap3A_379] {strides = array<i32>} : memref<320xi32, #tpu.memory_space<vmem>>, vector<16xi32>,
    tpu.vector_store %arg21[%swap3A_379], %add3A_378 {strides = array<i32>} : memref<320xi32, #tpu.memory_space<vmem>>, vector<16xi32>,
    %get3A_381 = arith.constant 208 : index
    %get3A_382 = tpu.vector_load %arg18[%get3A_381] {strides = array<i32>} : memref<320xf32, #tpu.memory_space<vmem>>, vector<16xf32>,
    %get3A_383 = arith.constant 208 : index
    %get3A_384 = tpu.vector_load %arg19[%get3A_383] {strides = array<i32>} : memref<320xf32, #tpu.memory_space<vmem>>, vector<16xf32>,
    %add3A_385 = arith.addf %get3A_382, %get3A_384 : vector<16xf32>
    %convert_element_type3A_386 = arith.fptosi %add3A_385 : vector<16xf32> to vector<16xi32>
    %swap3A_387 = arith.constant 208 : index
    %swap3A_388 = tpu.vector_load %arg22[%swap3A_387] {strides = array<i32>} : memref<320xi32, #tpu.memory_space<vmem>>, vector<16xi32>,
    tpu.vector_store %arg22[%swap3A_387], %convert_element_type3A_386 {strides = array<i32>} : memref<320xi32, #tpu.memory_space<vmem>>, vector<16xi32>,
    %get3A_389 = arith.constant 208 : index
    %get3A_390 = tpu.vector_load %arg16[%get3A_389] {strides = array<i32>} : memref<320xf32, #tpu.memory_space<vmem>>, vector<16xf32>,
    %get3A_391 = arith.constant 208 : index
    %get3A_392 = tpu.vector_load %arg14[%get3A_391] {strides = array<i32>} : memref<320xf32, #tpu.memory_space<vmem>>, vector<16xf32>,
    %sub3A_393 = arith.subf %get3A_390, %get3A_392 : vector<16xf32>
    %get3A_394 = arith.constant 208 : index
    %get3A_395 = tpu.vector_load %arg17[%get3A_394] {strides = array<i32>} : memref<320xf32, #tpu.memory_space<vmem>>, vector<16xf32>,
    %get3A_396 = arith.constant 208 : index
    %get3A_397 = tpu.vector_load %arg15[%get3A_396] {strides = array<i32>} : memref<320xf32, #tpu.memory_space<vmem>>, vector<16xf32>,
    %sub3A_398 = arith.subf %get3A_395, %get3A_397 : vector<16xf32>
    %mul3A_399 = arith.mulf %sub3A_393, %sub3A_398 : vector<16xf32>
    %swap3A_400 = arith.constant 208 : index
    %swap3A_401 = tpu.vector_load %arg20[%swap3A_400] {strides = array<i32>} : memref<320xf32, #tpu.memory_space<vmem>>, vector<16xf32>,
    tpu.vector_store %arg20[%swap3A_400], %mul3A_399 {strides = array<i32>} : memref<320xf32, #tpu.memory_space<vmem>>, vector<16xf32>,
    %add3A_402 = arith.constant 208 : i32
    %add3A_403 = arith.addi %mul3A_0, %add3A_402 : i32
    %iota3A_404 = tpu.iota {dimensions = array<i32: 0>} : vector<16xi32>
    %add3A_405 = vector.broadcast %add3A_403 : i32 to vector<16xi32>
    %add3A_406 = arith.addi %add3A_405, %iota3A_404 : vector<16xi32>
    %swap3A_407 = arith.constant 208 : index
    %swap3A_408 = tpu.vector_load %arg21[%swap3A_407] {strides = array<i32>} : memref<320xi32, #tpu.memory_space<vmem>>, vector<16xi32>,
    tpu.vector_store %arg21[%swap3A_407], %add3A_406 {strides = array<i32>} : memref<320xi32, #tpu.memory_space<vmem>>, vector<16xi32>,
    %get3A_409 = arith.constant 224 : index
    %get3A_410 = tpu.vector_load %arg18[%get3A_409] {strides = array<i32>} : memref<320xf32, #tpu.memory_space<vmem>>, vector<16xf32>,
    %get3A_411 = arith.constant 224 : index
    %get3A_412 = tpu.vector_load %arg19[%get3A_411] {strides = array<i32>} : memref<320xf32, #tpu.memory_space<vmem>>, vector<16xf32>,
    %add3A_413 = arith.addf %get3A_410, %get3A_412 : vector<16xf32>
    %convert_element_type3A_414 = arith.fptosi %add3A_413 : vector<16xf32> to vector<16xi32>
    %swap3A_415 = arith.constant 224 : index
    %swap3A_416 = tpu.vector_load %arg22[%swap3A_415] {strides = array<i32>} : memref<320xi32, #tpu.memory_space<vmem>>, vector<16xi32>,
    tpu.vector_store %arg22[%swap3A_415], %convert_element_type3A_414 {strides = array<i32>} : memref<320xi32, #tpu.memory_space<vmem>>, vector<16xi32>,
    %get3A_417 = arith.constant 224 : index
    %get3A_418 = tpu.vector_load %arg16[%get3A_417] {strides = array<i32>} : memref<320xf32, #tpu.memory_space<vmem>>, vector<16xf32>,
    %get3A_419 = arith.constant 224 : index
    %get3A_420 = tpu.vector_load %arg14[%get3A_419] {strides = array<i32>} : memref<320xf32, #tpu.memory_space<vmem>>, vector<16xf32>,
    %sub3A_421 = arith.subf %get3A_418, %get3A_420 : vector<16xf32>
    %get3A_422 = arith.constant 224 : index
    %get3A_423 = tpu.vector_load %arg17[%get3A_422] {strides = array<i32>} : memref<320xf32, #tpu.memory_space<vmem>>, vector<16xf32>,
    %get3A_424 = arith.constant 224 : index
    %get3A_425 = tpu.vector_load %arg15[%get3A_424] {strides = array<i32>} : memref<320xf32, #tpu.memory_space<vmem>>, vector<16xf32>,
    %sub3A_426 = arith.subf %get3A_423, %get3A_425 : vector<16xf32>
    %mul3A_427 = arith.mulf %sub3A_421, %sub3A_426 : vector<16xf32>
    %swap3A_428 = arith.constant 224 : index
    %swap3A_429 = tpu.vector_load %arg20[%swap3A_428] {strides = array<i32>} : memref<320xf32, #tpu.memory_space<vmem>>, vector<16xf32>,
    tpu.vector_store %arg20[%swap3A_428], %mul3A_427 {strides = array<i32>} : memref<320xf32, #tpu.memory_space<vmem>>, vector<16xf32>,
    %add3A_430 = arith.constant 224 : i32
    %add3A_431 = arith.addi %mul3A_0, %add3A_430 : i32
    %iota3A_432 = tpu.iota {dimensions = array<i32: 0>} : vector<16xi32>
    %add3A_433 = vector.broadcast %add3A_431 : i32 to vector<16xi32>
    %add3A_434 = arith.addi %add3A_433, %iota3A_432 : vector<16xi32>
    %swap3A_435 = arith.constant 224 : index
    %swap3A_436 = tpu.vector_load %arg21[%swap3A_435] {strides = array<i32>} : memref<320xi32, #tpu.memory_space<vmem>>, vector<16xi32>,
    tpu.vector_store %arg21[%swap3A_435], %add3A_434 {strides = array<i32>} : memref<320xi32, #tpu.memory_space<vmem>>, vector<16xi32>,
    %get3A_437 = arith.constant 240 : index
    %get3A_438 = tpu.vector_load %arg18[%get3A_437] {strides = array<i32>} : memref<320xf32, #tpu.memory_space<vmem>>, vector<16xf32>,
    %get3A_439 = arith.constant 240 : index
    %get3A_440 = tpu.vector_load %arg19[%get3A_439] {strides = array<i32>} : memref<320xf32, #tpu.memory_space<vmem>>, vector<16xf32>,
    %add3A_441 = arith.addf %get3A_438, %get3A_440 : vector<16xf32>
    %convert_element_type3A_442 = arith.fptosi %add3A_441 : vector<16xf32> to vector<16xi32>
    %swap3A_443 = arith.constant 240 : index
    %swap3A_444 = tpu.vector_load %arg22[%swap3A_443] {strides = array<i32>} : memref<320xi32, #tpu.memory_space<vmem>>, vector<16xi32>,
    tpu.vector_store %arg22[%swap3A_443], %convert_element_type3A_442 {strides = array<i32>} : memref<320xi32, #tpu.memory_space<vmem>>, vector<16xi32>,
    %get3A_445 = arith.constant 240 : index
    %get3A_446 = tpu.vector_load %arg16[%get3A_445] {strides = array<i32>} : memref<320xf32, #tpu.memory_space<vmem>>, vector<16xf32>,
    %get3A_447 = arith.constant 240 : index
    %get3A_448 = tpu.vector_load %arg14[%get3A_447] {strides = array<i32>} : memref<320xf32, #tpu.memory_space<vmem>>, vector<16xf32>,
    %sub3A_449 = arith.subf %get3A_446, %get3A_448 : vector<16xf32>
    %get3A_450 = arith.constant 240 : index
    %get3A_451 = tpu.vector_load %arg17[%get3A_450] {strides = array<i32>} : memref<320xf32, #tpu.memory_space<vmem>>, vector<16xf32>,
    %get3A_452 = arith.constant 240 : index
    %get3A_453 = tpu.vector_load %arg15[%get3A_452] {strides = array<i32>} : memref<320xf32, #tpu.memory_space<vmem>>, vector<16xf32>,
    %sub3A_454 = arith.subf %get3A_451, %get3A_453 : vector<16xf32>
    %mul3A_455 = arith.mulf %sub3A_449, %sub3A_454 : vector<16xf32>
    %swap3A_456 = arith.constant 240 : index
    %swap3A_457 = tpu.vector_load %arg20[%swap3A_456] {strides = array<i32>} : memref<320xf32, #tpu.memory_space<vmem>>, vector<16xf32>,
    tpu.vector_store %arg20[%swap3A_456], %mul3A_455 {strides = array<i32>} : memref<320xf32, #tpu.memory_space<vmem>>, vector<16xf32>,
    %add3A_458 = arith.constant 240 : i32
    %add3A_459 = arith.addi %mul3A_0, %add3A_458 : i32
    %iota3A_460 = tpu.iota {dimensions = array<i32: 0>} : vector<16xi32>
    %add3A_461 = vector.broadcast %add3A_459 : i32 to vector<16xi32>
    %add3A_462 = arith.addi %add3A_461, %iota3A_460 : vector<16xi32>
    %swap3A_463 = arith.constant 240 : index
    %swap3A_464 = tpu.vector_load %arg21[%swap3A_463] {strides = array<i32>} : memref<320xi32, #tpu.memory_space<vmem>>, vector<16xi32>,
    tpu.vector_store %arg21[%swap3A_463], %add3A_462 {strides = array<i32>} : memref<320xi32, #tpu.memory_space<vmem>>, vector<16xi32>,
    %get3A_465 = arith.constant 256 : index
    %get3A_466 = tpu.vector_load %arg18[%get3A_465] {strides = array<i32>} : memref<320xf32, #tpu.memory_space<vmem>>, vector<16xf32>,
    %get3A_467 = arith.constant 256 : index
    %get3A_468 = tpu.vector_load %arg19[%get3A_467] {strides = array<i32>} : memref<320xf32, #tpu.memory_space<vmem>>, vector<16xf32>,
    %add3A_469 = arith.addf %get3A_466, %get3A_468 : vector<16xf32>
    %convert_element_type3A_470 = arith.fptosi %add3A_469 : vector<16xf32> to vector<16xi32>
    %swap3A_471 = arith.constant 256 : index
    %swap3A_472 = tpu.vector_load %arg22[%swap3A_471] {strides = array<i32>} : memref<320xi32, #tpu.memory_space<vmem>>, vector<16xi32>,
    tpu.vector_store %arg22[%swap3A_471], %convert_element_type3A_470 {strides = array<i32>} : memref<320xi32, #tpu.memory_space<vmem>>, vector<16xi32>,
    %get3A_473 = arith.constant 256 : index
    %get3A_474 = tpu.vector_load %arg16[%get3A_473] {strides = array<i32>} : memref<320xf32, #tpu.memory_space<vmem>>, vector<16xf32>,
    %get3A_475 = arith.constant 256 : index
    %get3A_476 = tpu.vector_load %arg14[%get3A_475] {strides = array<i32>} : memref<320xf32, #tpu.memory_space<vmem>>, vector<16xf32>,
    %sub3A_477 = arith.subf %get3A_474, %get3A_476 : vector<16xf32>
    %get3A_478 = arith.constant 256 : index
    %get3A_479 = tpu.vector_load %arg17[%get3A_478] {strides = array<i32>} : memref<320xf32, #tpu.memory_space<vmem>>, vector<16xf32>,
    %get3A_480 = arith.constant 256 : index
    %get3A_481 = tpu.vector_load %arg15[%get3A_480] {strides = array<i32>} : memref<320xf32, #tpu.memory_space<vmem>>, vector<16xf32>,
    %sub3A_482 = arith.subf %get3A_479, %get3A_481 : vector<16xf32>
    %mul3A_483 = arith.mulf %sub3A_477, %sub3A_482 : vector<16xf32>
    %swap3A_484 = arith.constant 256 : index
    %swap3A_485 = tpu.vector_load %arg20[%swap3A_484] {strides = array<i32>} : memref<320xf32, #tpu.memory_space<vmem>>, vector<16xf32>,
    tpu.vector_store %arg20[%swap3A_484], %mul3A_483 {strides = array<i32>} : memref<320xf32, #tpu.memory_space<vmem>>, vector<16xf32>,
    %add3A_486 = arith.constant 256 : i32
    %add3A_487 = arith.addi %mul3A_0, %add3A_486 : i32
    %iota3A_488 = tpu.iota {dimensions = array<i32: 0>} : vector<16xi32>
    %add3A_489 = vector.broadcast %add3A_487 : i32 to vector<16xi32>
    %add3A_490 = arith.addi %add3A_489, %iota3A_488 : vector<16xi32>
    %swap3A_491 = arith.constant 256 : index
    %swap3A_492 = tpu.vector_load %arg21[%swap3A_491] {strides = array<i32>} : memref<320xi32, #tpu.memory_space<vmem>>, vector<16xi32>,
    tpu.vector_store %arg21[%swap3A_491], %add3A_490 {strides = array<i32>} : memref<320xi32, #tpu.memory_space<vmem>>, vector<16xi32>,
    %get3A_493 = arith.constant 272 : index
    %get3A_494 = tpu.vector_load %arg18[%get3A_493] {strides = array<i32>} : memref<320xf32, #tpu.memory_space<vmem>>, vector<16xf32>,
    %get3A_495 = arith.constant 272 : index
    %get3A_496 = tpu.vector_load %arg19[%get3A_495] {strides = array<i32>} : memref<320xf32, #tpu.memory_space<vmem>>, vector<16xf32>,
    %add3A_497 = arith.addf %get3A_494, %get3A_496 : vector<16xf32>
    %convert_element_type3A_498 = arith.fptosi %add3A_497 : vector<16xf32> to vector<16xi32>
    %swap3A_499 = arith.constant 272 : index
    %swap3A_500 = tpu.vector_load %arg22[%swap3A_499] {strides = array<i32>} : memref<320xi32, #tpu.memory_space<vmem>>, vector<16xi32>,
    tpu.vector_store %arg22[%swap3A_499], %convert_element_type3A_498 {strides = array<i32>} : memref<320xi32, #tpu.memory_space<vmem>>, vector<16xi32>,
    %get3A_501 = arith.constant 272 : index
    %get3A_502 = tpu.vector_load %arg16[%get3A_501] {strides = array<i32>} : memref<320xf32, #tpu.memory_space<vmem>>, vector<16xf32>,
    %get3A_503 = arith.constant 272 : index
    %get3A_504 = tpu.vector_load %arg14[%get3A_503] {strides = array<i32>} : memref<320xf32, #tpu.memory_space<vmem>>, vector<16xf32>,
    %sub3A_505 = arith.subf %get3A_502, %get3A_504 : vector<16xf32>
    %get3A_506 = arith.constant 272 : index
    %get3A_507 = tpu.vector_load %arg17[%get3A_506] {strides = array<i32>} : memref<320xf32, #tpu.memory_space<vmem>>, vector<16xf32>,
    %get3A_508 = arith.constant 272 : index
    %get3A_509 = tpu.vector_load %arg15[%get3A_508] {strides = array<i32>} : memref<320xf32, #tpu.memory_space<vmem>>, vector<16xf32>,
    %sub3A_510 = arith.subf %get3A_507, %get3A_509 : vector<16xf32>
    %mul3A_511 = arith.mulf %sub3A_505, %sub3A_510 : vector<16xf32>
    %swap3A_512 = arith.constant 272 : index
    %swap3A_513 = tpu.vector_load %arg20[%swap3A_512] {strides = array<i32>} : memref<320xf32, #tpu.memory_space<vmem>>, vector<16xf32>,
    tpu.vector_store %arg20[%swap3A_512], %mul3A_511 {strides = array<i32>} : memref<320xf32, #tpu.memory_space<vmem>>, vector<16xf32>,
    %add3A_514 = arith.constant 272 : i32
    %add3A_515 = arith.addi %mul3A_0, %add3A_514 : i32
    %iota3A_516 = tpu.iota {dimensions = array<i32: 0>} : vector<16xi32>
    %add3A_517 = vector.broadcast %add3A_515 : i32 to vector<16xi32>
    %add3A_518 = arith.addi %add3A_517, %iota3A_516 : vector<16xi32>
    %swap3A_519 = arith.constant 272 : index
    %swap3A_520 = tpu.vector_load %arg21[%swap3A_519] {strides = array<i32>} : memref<320xi32, #tpu.memory_space<vmem>>, vector<16xi32>,
    tpu.vector_store %arg21[%swap3A_519], %add3A_518 {strides = array<i32>} : memref<320xi32, #tpu.memory_space<vmem>>, vector<16xi32>,
    %get3A_521 = arith.constant 288 : index
    %get3A_522 = tpu.vector_load %arg18[%get3A_521] {strides = array<i32>} : memref<320xf32, #tpu.memory_space<vmem>>, vector<16xf32>,
    %get3A_523 = arith.constant 288 : index
    %get3A_524 = tpu.vector_load %arg19[%get3A_523] {strides = array<i32>} : memref<320xf32, #tpu.memory_space<vmem>>, vector<16xf32>,
    %add3A_525 = arith.addf %get3A_522, %get3A_524 : vector<16xf32>
    %convert_element_type3A_526 = arith.fptosi %add3A_525 : vector<16xf32> to vector<16xi32>
    %swap3A_527 = arith.constant 288 : index
    %swap3A_528 = tpu.vector_load %arg22[%swap3A_527] {strides = array<i32>} : memref<320xi32, #tpu.memory_space<vmem>>, vector<16xi32>,
    tpu.vector_store %arg22[%swap3A_527], %convert_element_type3A_526 {strides = array<i32>} : memref<320xi32, #tpu.memory_space<vmem>>, vector<16xi32>,
    %get3A_529 = arith.constant 288 : index
    %get3A_530 = tpu.vector_load %arg16[%get3A_529] {strides = array<i32>} : memref<320xf32, #tpu.memory_space<vmem>>, vector<16xf32>,
    %get3A_531 = arith.constant 288 : index
    %get3A_532 = tpu.vector_load %arg14[%get3A_531] {strides = array<i32>} : memref<320xf32, #tpu.memory_space<vmem>>, vector<16xf32>,
    %sub3A_533 = arith.subf %get3A_530, %get3A_532 : vector<16xf32>
    %get3A_534 = arith.constant 288 : index
    %get3A_535 = tpu.vector_load %arg17[%get3A_534] {strides = array<i32>} : memref<320xf32, #tpu.memory_space<vmem>>, vector<16xf32>,
    %get3A_536 = arith.constant 288 : index
    %get3A_537 = tpu.vector_load %arg15[%get3A_536] {strides = array<i32>} : memref<320xf32, #tpu.memory_space<vmem>>, vector<16xf32>,
    %sub3A_538 = arith.subf %get3A_535, %get3A_537 : vector<16xf32>
    %mul3A_539 = arith.mulf %sub3A_533, %sub3A_538 : vector<16xf32>
    %swap3A_540 = arith.constant 288 : index
    %swap3A_541 = tpu.vector_load %arg20[%swap3A_540] {strides = array<i32>} : memref<320xf32, #tpu.memory_space<vmem>>, vector<16xf32>,
    tpu.vector_store %arg20[%swap3A_540], %mul3A_539 {strides = array<i32>} : memref<320xf32, #tpu.memory_space<vmem>>, vector<16xf32>,
    %add3A_542 = arith.constant 288 : i32
    %add3A_543 = arith.addi %mul3A_0, %add3A_542 : i32
    %iota3A_544 = tpu.iota {dimensions = array<i32: 0>} : vector<16xi32>
    %add3A_545 = vector.broadcast %add3A_543 : i32 to vector<16xi32>
    %add3A_546 = arith.addi %add3A_545, %iota3A_544 : vector<16xi32>
    %swap3A_547 = arith.constant 288 : index
    %swap3A_548 = tpu.vector_load %arg21[%swap3A_547] {strides = array<i32>} : memref<320xi32, #tpu.memory_space<vmem>>, vector<16xi32>,
    tpu.vector_store %arg21[%swap3A_547], %add3A_546 {strides = array<i32>} : memref<320xi32, #tpu.memory_space<vmem>>, vector<16xi32>,
    %get3A_549 = arith.constant 304 : index
    %get3A_550 = tpu.vector_load %arg18[%get3A_549] {strides = array<i32>} : memref<320xf32, #tpu.memory_space<vmem>>, vector<16xf32>,
    %get3A_551 = arith.constant 304 : index
    %get3A_552 = tpu.vector_load %arg19[%get3A_551] {strides = array<i32>} : memref<320xf32, #tpu.memory_space<vmem>>, vector<16xf32>,
    %add3A_553 = arith.addf %get3A_550, %get3A_552 : vector<16xf32>
    %convert_element_type3A_554 = arith.fptosi %add3A_553 : vector<16xf32> to vector<16xi32>
    %swap3A_555 = arith.constant 304 : index
    %swap3A_556 = tpu.vector_load %arg22[%swap3A_555] {strides = array<i32>} : memref<320xi32, #tpu.memory_space<vmem>>, vector<16xi32>,
    tpu.vector_store %arg22[%swap3A_555], %convert_element_type3A_554 {strides = array<i32>} : memref<320xi32, #tpu.memory_space<vmem>>, vector<16xi32>,
    %get3A_557 = arith.constant 304 : index
    %get3A_558 = tpu.vector_load %arg16[%get3A_557] {strides = array<i32>} : memref<320xf32, #tpu.memory_space<vmem>>, vector<16xf32>,
    %get3A_559 = arith.constant 304 : index
    %get3A_560 = tpu.vector_load %arg14[%get3A_559] {strides = array<i32>} : memref<320xf32, #tpu.memory_space<vmem>>, vector<16xf32>,
    %sub3A_561 = arith.subf %get3A_558, %get3A_560 : vector<16xf32>
    %get3A_562 = arith.constant 304 : index
    %get3A_563 = tpu.vector_load %arg17[%get3A_562] {strides = array<i32>} : memref<320xf32, #tpu.memory_space<vmem>>, vector<16xf32>,
    %get3A_564 = arith.constant 304 : index
    %get3A_565 = tpu.vector_load %arg15[%get3A_564] {strides = array<i32>} : memref<320xf32, #tpu.memory_space<vmem>>, vector<16xf32>,
    %sub3A_566 = arith.subf %get3A_563, %get3A_565 : vector<16xf32>
    %mul3A_567 = arith.mulf %sub3A_561, %sub3A_566 : vector<16xf32>
    %swap3A_568 = arith.constant 304 : index
    %swap3A_569 = tpu.vector_load %arg20[%swap3A_568] {strides = array<i32>} : memref<320xf32, #tpu.memory_space<vmem>>, vector<16xf32>,
    tpu.vector_store %arg20[%swap3A_568], %mul3A_567 {strides = array<i32>} : memref<320xf32, #tpu.memory_space<vmem>>, vector<16xf32>,
    %add3A_570 = arith.constant 304 : i32
    %add3A_571 = arith.addi %mul3A_0, %add3A_570 : i32
    %iota3A_572 = tpu.iota {dimensions = array<i32: 0>} : vector<16xi32>
    %add3A_573 = vector.broadcast %add3A_571 : i32 to vector<16xi32>
    %add3A_574 = arith.addi %add3A_573, %iota3A_572 : vector<16xi32>
    %swap3A_575 = arith.constant 304 : index
    %swap3A_576 = tpu.vector_load %arg21[%swap3A_575] {strides = array<i32>} : memref<320xi32, #tpu.memory_space<vmem>>, vector<16xi32>,
    tpu.vector_store %arg21[%swap3A_575], %add3A_574 {strides = array<i32>} : memref<320xi32, #tpu.memory_space<vmem>>, vector<16xi32>,
    %eq3A = arith.constant 0 : i32
    %eq3A_577 = arith.cmpi eq, %arg0, %eq3A : i32
    %convert_element_type3A_578 = arith.extui %eq3A_577 : i1 to i32
    %cond3A = arith.constant 0 : i32
    %cond3A_579 = arith.cmpi ne, %convert_element_type3A_578, %cond3A : i32
    scf.if %cond3A_579 {
      "tpu.region"() ({
        %run_scoped3A = tpu.sem_alloc : memref<!tpu.dma_semaphore, #tpu.memory_space<semaphore_mem>>
        %dma_start3A_595 = arith.constant 0 : i32
        %dma_start3A_596 = tpu.memref_slice %arg23[%dma_start3A_595] : memref<5120xf32, #tpu.memory_space<vmem_shared>> -> memref<5120xf32, #tpu.memory_space<vmem_shared>>
        tpu.enqueue_indirect_dma source(%arg14 : memref<320xf32, #tpu.memory_space<vmem>>) target(%dma_start3A_596 : memref<5120xf32, #tpu.memory_space<vmem_shared>>) offsets(%arg22 : memref<320xi32, #tpu.memory_space<vmem>>) semaphore(%run_scoped3A : memref<!tpu.dma_semaphore, #tpu.memory_space<semaphore_mem>>)
        %dma_wait3A_597 = arith.constant 0 : i32
        %dma_wait3A_598 = tpu.memref_slice %arg23[%dma_wait3A_597] : memref<5120xf32, #tpu.memory_space<vmem_shared>> -> memref<5120xf32, #tpu.memory_space<vmem_shared>>
        tpu.wait_indirect_dma semaphore(%run_scoped3A : memref<!tpu.dma_semaphore, #tpu.memory_space<semaphore_mem>>) src(%arg14 : memref<320xf32, #tpu.memory_space<vmem>>) dst(%dma_wait3A_598 : memref<5120xf32, #tpu.memory_space<vmem_shared>>)
        tpu.yield
      }) : () -> ()
      "tpu.region"() ({
        %run_scoped3A = tpu.sem_alloc : memref<!tpu.dma_semaphore, #tpu.memory_space<semaphore_mem>>
        %dma_start3A_595 = arith.constant 0 : i32
        %dma_start3A_596 = tpu.memref_slice %arg24[%dma_start3A_595] : memref<5120xf32, #tpu.memory_space<vmem_shared>> -> memref<5120xf32, #tpu.memory_space<vmem_shared>>
        tpu.enqueue_indirect_dma source(%arg15 : memref<320xf32, #tpu.memory_space<vmem>>) target(%dma_start3A_596 : memref<5120xf32, #tpu.memory_space<vmem_shared>>) offsets(%arg22 : memref<320xi32, #tpu.memory_space<vmem>>) semaphore(%run_scoped3A : memref<!tpu.dma_semaphore, #tpu.memory_space<semaphore_mem>>)
        %dma_wait3A_597 = arith.constant 0 : i32
        %dma_wait3A_598 = tpu.memref_slice %arg24[%dma_wait3A_597] : memref<5120xf32, #tpu.memory_space<vmem_shared>> -> memref<5120xf32, #tpu.memory_space<vmem_shared>>
        tpu.wait_indirect_dma semaphore(%run_scoped3A : memref<!tpu.dma_semaphore, #tpu.memory_space<semaphore_mem>>) src(%arg15 : memref<320xf32, #tpu.memory_space<vmem>>) dst(%dma_wait3A_598 : memref<5120xf32, #tpu.memory_space<vmem_shared>>)
        tpu.yield
      }) : () -> ()
      "tpu.region"() ({
        %run_scoped3A = tpu.sem_alloc : memref<!tpu.dma_semaphore, #tpu.memory_space<semaphore_mem>>
        %dma_start3A_595 = arith.constant 0 : i32
        %dma_start3A_596 = tpu.memref_slice %arg25[%dma_start3A_595] : memref<5120xf32, #tpu.memory_space<vmem_shared>> -> memref<5120xf32, #tpu.memory_space<vmem_shared>>
        tpu.enqueue_indirect_dma source(%arg16 : memref<320xf32, #tpu.memory_space<vmem>>) target(%dma_start3A_596 : memref<5120xf32, #tpu.memory_space<vmem_shared>>) offsets(%arg22 : memref<320xi32, #tpu.memory_space<vmem>>) semaphore(%run_scoped3A : memref<!tpu.dma_semaphore, #tpu.memory_space<semaphore_mem>>)
        %dma_wait3A_597 = arith.constant 0 : i32
        %dma_wait3A_598 = tpu.memref_slice %arg25[%dma_wait3A_597] : memref<5120xf32, #tpu.memory_space<vmem_shared>> -> memref<5120xf32, #tpu.memory_space<vmem_shared>>
        tpu.wait_indirect_dma semaphore(%run_scoped3A : memref<!tpu.dma_semaphore, #tpu.memory_space<semaphore_mem>>) src(%arg16 : memref<320xf32, #tpu.memory_space<vmem>>) dst(%dma_wait3A_598 : memref<5120xf32, #tpu.memory_space<vmem_shared>>)
        tpu.yield
      }) : () -> ()
    } else {
    }
    %eq3A_580 = arith.constant 1 : i32
    %eq3A_581 = arith.cmpi eq, %arg0, %eq3A_580 : i32
    %convert_element_type3A_582 = arith.extui %eq3A_581 : i1 to i32
    %cond3A_583 = arith.constant 0 : i32
    %cond3A_584 = arith.cmpi ne, %convert_element_type3A_582, %cond3A_583 : i32
    scf.if %cond3A_584 {
      "tpu.region"() ({
        %run_scoped3A = tpu.sem_alloc : memref<!tpu.dma_semaphore, #tpu.memory_space<semaphore_mem>>
        %dma_start3A_595 = arith.constant 0 : i32
        %dma_start3A_596 = tpu.memref_slice %arg23[%dma_start3A_595] : memref<5120xf32, #tpu.memory_space<vmem_shared>> -> memref<5120xf32, #tpu.memory_space<vmem_shared>>
        tpu.enqueue_indirect_dma source(%arg17 : memref<320xf32, #tpu.memory_space<vmem>>) target(%dma_start3A_596 : memref<5120xf32, #tpu.memory_space<vmem_shared>>) offsets(%arg22 : memref<320xi32, #tpu.memory_space<vmem>>) semaphore(%run_scoped3A : memref<!tpu.dma_semaphore, #tpu.memory_space<semaphore_mem>>)
        %dma_wait3A_597 = arith.constant 0 : i32
        %dma_wait3A_598 = tpu.memref_slice %arg23[%dma_wait3A_597] : memref<5120xf32, #tpu.memory_space<vmem_shared>> -> memref<5120xf32, #tpu.memory_space<vmem_shared>>
        tpu.wait_indirect_dma semaphore(%run_scoped3A : memref<!tpu.dma_semaphore, #tpu.memory_space<semaphore_mem>>) src(%arg17 : memref<320xf32, #tpu.memory_space<vmem>>) dst(%dma_wait3A_598 : memref<5120xf32, #tpu.memory_space<vmem_shared>>)
        tpu.yield
      }) : () -> ()
      "tpu.region"() ({
        %run_scoped3A = tpu.sem_alloc : memref<!tpu.dma_semaphore, #tpu.memory_space<semaphore_mem>>
        %dma_start3A_595 = arith.constant 0 : i32
        %dma_start3A_596 = tpu.memref_slice %arg24[%dma_start3A_595] : memref<5120xf32, #tpu.memory_space<vmem_shared>> -> memref<5120xf32, #tpu.memory_space<vmem_shared>>
        tpu.enqueue_indirect_dma source(%arg20 : memref<320xf32, #tpu.memory_space<vmem>>) target(%dma_start3A_596 : memref<5120xf32, #tpu.memory_space<vmem_shared>>) offsets(%arg22 : memref<320xi32, #tpu.memory_space<vmem>>) semaphore(%run_scoped3A : memref<!tpu.dma_semaphore, #tpu.memory_space<semaphore_mem>>)
        %dma_wait3A_597 = arith.constant 0 : i32
        %dma_wait3A_598 = tpu.memref_slice %arg24[%dma_wait3A_597] : memref<5120xf32, #tpu.memory_space<vmem_shared>> -> memref<5120xf32, #tpu.memory_space<vmem_shared>>
        tpu.wait_indirect_dma semaphore(%run_scoped3A : memref<!tpu.dma_semaphore, #tpu.memory_space<semaphore_mem>>) src(%arg20 : memref<320xf32, #tpu.memory_space<vmem>>) dst(%dma_wait3A_598 : memref<5120xf32, #tpu.memory_space<vmem_shared>>)
        tpu.yield
      }) : () -> ()
      "tpu.region"() ({
        %run_scoped3A = tpu.sem_alloc : memref<!tpu.dma_semaphore, #tpu.memory_space<semaphore_mem>>
        %dma_start3A_595 = arith.constant 0 : i32
        %dma_start3A_596 = tpu.memref_slice %arg26[%dma_start3A_595] : memref<5120xi32, #tpu.memory_space<vmem_shared>> -> memref<5120xi32, #tpu.memory_space<vmem_shared>>
        tpu.enqueue_indirect_dma source(%arg21 : memref<320xi32, #tpu.memory_space<vmem>>) target(%dma_start3A_596 : memref<5120xi32, #tpu.memory_space<vmem_shared>>) offsets(%arg22 : memref<320xi32, #tpu.memory_space<vmem>>) semaphore(%run_scoped3A : memref<!tpu.dma_semaphore, #tpu.memory_space<semaphore_mem>>)
        %dma_wait3A_597 = arith.constant 0 : i32
        %dma_wait3A_598 = tpu.memref_slice %arg26[%dma_wait3A_597] : memref<5120xi32, #tpu.memory_space<vmem_shared>> -> memref<5120xi32, #tpu.memory_space<vmem_shared>>
        tpu.wait_indirect_dma semaphore(%run_scoped3A : memref<!tpu.dma_semaphore, #tpu.memory_space<semaphore_mem>>) src(%arg21 : memref<320xi32, #tpu.memory_space<vmem>>) dst(%dma_wait3A_598 : memref<5120xi32, #tpu.memory_space<vmem_shared>>)
        tpu.yield
      }) : () -> ()
    } else {
    }
    %barrier3A = arith.constant 0 : index
    tpu.barrier barrier_id(%barrier3A)
    %eq3A_585 = arith.constant 0 : i32
    %eq3A_586 = arith.cmpi eq, %arg0, %eq3A_585 : i32
    %convert_element_type3A_587 = arith.extui %eq3A_586 : i1 to i32
    %cond3A_588 = arith.constant 0 : i32
    %cond3A_589 = arith.cmpi ne, %convert_element_type3A_587, %cond3A_588 : i32
    scf.if %cond3A_589 {
      "tpu.region"() ({
        %run_scoped3A = tpu.sem_alloc : memref<!tpu.dma_semaphore, #tpu.memory_space<semaphore_mem>>
        %dma_start3A_607 = tpu.memref_slice %arg23[%mul3A_0] : memref<5120xf32, #tpu.memory_space<vmem_shared>> -> memref<320xf32, #tpu.memory_space<vmem_shared>>
        %dma_start3A_608 = tpu.memref_slice %arg23[%mul3A_0] : memref<5120xf32, #tpu.memory_space<vmem_shared>> -> memref<320xf32, #tpu.memory_space<vmem_shared>>
        tpu.enqueue_dma source(%dma_start3A_608 : memref<320xf32, #tpu.memory_space<vmem_shared>>) target(%arg14 : memref<320xf32, #tpu.memory_space<vmem>>) target_semaphore(%run_scoped3A : memref<!tpu.dma_semaphore, #tpu.memory_space<semaphore_mem>>)
        %dma_wait3A_609 = tpu.memref_slice %arg23[%mul3A_0] : memref<5120xf32, #tpu.memory_space<vmem_shared>> -> memref<320xf32, #tpu.memory_space<vmem_shared>>
        %dma_wait3A_610 = tpu.memref_slice %arg23[%mul3A_0] : memref<5120xf32, #tpu.memory_space<vmem_shared>> -> memref<320xf32, #tpu.memory_space<vmem_shared>>
        tpu.wait_dma2 semaphore(%run_scoped3A : memref<!tpu.dma_semaphore, #tpu.memory_space<semaphore_mem>>) src(%dma_wait3A_610 : memref<320xf32, #tpu.memory_space<vmem_shared>>) dst(%arg14 : memref<320xf32, #tpu.memory_space<vmem>>)
        tpu.yield
      }) : () -> ()
      "tpu.region"() ({
        %run_scoped3A = tpu.sem_alloc : memref<!tpu.dma_semaphore, #tpu.memory_space<semaphore_mem>>
        %dma_start3A_607 = tpu.memref_slice %arg24[%mul3A_0] : memref<5120xf32, #tpu.memory_space<vmem_shared>> -> memref<320xf32, #tpu.memory_space<vmem_shared>>
        %dma_start3A_608 = tpu.memref_slice %arg24[%mul3A_0] : memref<5120xf32, #tpu.memory_space<vmem_shared>> -> memref<320xf32, #tpu.memory_space<vmem_shared>>
        tpu.enqueue_dma source(%dma_start3A_608 : memref<320xf32, #tpu.memory_space<vmem_shared>>) target(%arg15 : memref<320xf32, #tpu.memory_space<vmem>>) target_semaphore(%run_scoped3A : memref<!tpu.dma_semaphore, #tpu.memory_space<semaphore_mem>>)
        %dma_wait3A_609 = tpu.memref_slice %arg24[%mul3A_0] : memref<5120xf32, #tpu.memory_space<vmem_shared>> -> memref<320xf32, #tpu.memory_space<vmem_shared>>
        %dma_wait3A_610 = tpu.memref_slice %arg24[%mul3A_0] : memref<5120xf32, #tpu.memory_space<vmem_shared>> -> memref<320xf32, #tpu.memory_space<vmem_shared>>
        tpu.wait_dma2 semaphore(%run_scoped3A : memref<!tpu.dma_semaphore, #tpu.memory_space<semaphore_mem>>) src(%dma_wait3A_610 : memref<320xf32, #tpu.memory_space<vmem_shared>>) dst(%arg15 : memref<320xf32, #tpu.memory_space<vmem>>)
        tpu.yield
      }) : () -> ()
      "tpu.region"() ({
        %run_scoped3A = tpu.sem_alloc : memref<!tpu.dma_semaphore, #tpu.memory_space<semaphore_mem>>
        %dma_start3A_607 = tpu.memref_slice %arg25[%mul3A_0] : memref<5120xf32, #tpu.memory_space<vmem_shared>> -> memref<320xf32, #tpu.memory_space<vmem_shared>>
        %dma_start3A_608 = tpu.memref_slice %arg25[%mul3A_0] : memref<5120xf32, #tpu.memory_space<vmem_shared>> -> memref<320xf32, #tpu.memory_space<vmem_shared>>
        tpu.enqueue_dma source(%dma_start3A_608 : memref<320xf32, #tpu.memory_space<vmem_shared>>) target(%arg16 : memref<320xf32, #tpu.memory_space<vmem>>) target_semaphore(%run_scoped3A : memref<!tpu.dma_semaphore, #tpu.memory_space<semaphore_mem>>)
        %dma_wait3A_609 = tpu.memref_slice %arg25[%mul3A_0] : memref<5120xf32, #tpu.memory_space<vmem_shared>> -> memref<320xf32, #tpu.memory_space<vmem_shared>>
        %dma_wait3A_610 = tpu.memref_slice %arg25[%mul3A_0] : memref<5120xf32, #tpu.memory_space<vmem_shared>> -> memref<320xf32, #tpu.memory_space<vmem_shared>>
        tpu.wait_dma2 semaphore(%run_scoped3A : memref<!tpu.dma_semaphore, #tpu.memory_space<semaphore_mem>>) src(%dma_wait3A_610 : memref<320xf32, #tpu.memory_space<vmem_shared>>) dst(%arg16 : memref<320xf32, #tpu.memory_space<vmem>>)
        tpu.yield
      }) : () -> ()
      %dma_start3A_595 = tpu.memref_slice %arg8[%mul3A_0] : memref<5120xf32, #tpu.memory_space<hbm>> -> memref<320xf32, #tpu.memory_space<hbm>>
      %dma_start3A_596 = tpu.memref_slice %arg8[%mul3A_0] : memref<5120xf32, #tpu.memory_space<hbm>> -> memref<320xf32, #tpu.memory_space<hbm>>
      tpu.enqueue_dma source(%arg14 : memref<320xf32, #tpu.memory_space<vmem>>) target(%dma_start3A_596 : memref<320xf32, #tpu.memory_space<hbm>>) target_semaphore(%arg27 : memref<!tpu.dma_semaphore, #tpu.memory_space<semaphore_mem>>)
      %dma_start3A_597 = tpu.memref_slice %arg9[%mul3A_0] : memref<5120xf32, #tpu.memory_space<hbm>> -> memref<320xf32, #tpu.memory_space<hbm>>
      %dma_start3A_598 = tpu.memref_slice %arg9[%mul3A_0] : memref<5120xf32, #tpu.memory_space<hbm>> -> memref<320xf32, #tpu.memory_space<hbm>>
      tpu.enqueue_dma source(%arg15 : memref<320xf32, #tpu.memory_space<vmem>>) target(%dma_start3A_598 : memref<320xf32, #tpu.memory_space<hbm>>) target_semaphore(%arg27 : memref<!tpu.dma_semaphore, #tpu.memory_space<semaphore_mem>>)
      %dma_start3A_599 = tpu.memref_slice %arg10[%mul3A_0] : memref<5120xf32, #tpu.memory_space<hbm>> -> memref<320xf32, #tpu.memory_space<hbm>>
      %dma_start3A_600 = tpu.memref_slice %arg10[%mul3A_0] : memref<5120xf32, #tpu.memory_space<hbm>> -> memref<320xf32, #tpu.memory_space<hbm>>
      tpu.enqueue_dma source(%arg16 : memref<320xf32, #tpu.memory_space<vmem>>) target(%dma_start3A_600 : memref<320xf32, #tpu.memory_space<hbm>>) target_semaphore(%arg27 : memref<!tpu.dma_semaphore, #tpu.memory_space<semaphore_mem>>)
      %dma_wait3A_601 = tpu.memref_slice %arg8[%mul3A_0] : memref<5120xf32, #tpu.memory_space<hbm>> -> memref<320xf32, #tpu.memory_space<hbm>>
      %dma_wait3A_602 = tpu.memref_slice %arg8[%mul3A_0] : memref<5120xf32, #tpu.memory_space<hbm>> -> memref<320xf32, #tpu.memory_space<hbm>>
      tpu.wait_dma2 semaphore(%arg27 : memref<!tpu.dma_semaphore, #tpu.memory_space<semaphore_mem>>) src(%arg14 : memref<320xf32, #tpu.memory_space<vmem>>) dst(%dma_wait3A_602 : memref<320xf32, #tpu.memory_space<hbm>>)
      %dma_wait3A_603 = tpu.memref_slice %arg9[%mul3A_0] : memref<5120xf32, #tpu.memory_space<hbm>> -> memref<320xf32, #tpu.memory_space<hbm>>
      %dma_wait3A_604 = tpu.memref_slice %arg9[%mul3A_0] : memref<5120xf32, #tpu.memory_space<hbm>> -> memref<320xf32, #tpu.memory_space<hbm>>
      tpu.wait_dma2 semaphore(%arg27 : memref<!tpu.dma_semaphore, #tpu.memory_space<semaphore_mem>>) src(%arg15 : memref<320xf32, #tpu.memory_space<vmem>>) dst(%dma_wait3A_604 : memref<320xf32, #tpu.memory_space<hbm>>)
      %dma_wait3A_605 = tpu.memref_slice %arg10[%mul3A_0] : memref<5120xf32, #tpu.memory_space<hbm>> -> memref<320xf32, #tpu.memory_space<hbm>>
      %dma_wait3A_606 = tpu.memref_slice %arg10[%mul3A_0] : memref<5120xf32, #tpu.memory_space<hbm>> -> memref<320xf32, #tpu.memory_space<hbm>>
      tpu.wait_dma2 semaphore(%arg27 : memref<!tpu.dma_semaphore, #tpu.memory_space<semaphore_mem>>) src(%arg16 : memref<320xf32, #tpu.memory_space<vmem>>) dst(%dma_wait3A_606 : memref<320xf32, #tpu.memory_space<hbm>>)
    } else {
    }
    %eq3A_590 = arith.constant 1 : i32
    %eq3A_591 = arith.cmpi eq, %arg0, %eq3A_590 : i32
    %convert_element_type3A_592 = arith.extui %eq3A_591 : i1 to i32
    %cond3A_593 = arith.constant 0 : i32
    %cond3A_594 = arith.cmpi ne, %convert_element_type3A_592, %cond3A_593 : i32
    scf.if %cond3A_594 {
      "tpu.region"() ({
        %run_scoped3A = tpu.sem_alloc : memref<!tpu.dma_semaphore, #tpu.memory_space<semaphore_mem>>
        %dma_start3A_607 = tpu.memref_slice %arg23[%mul3A_0] : memref<5120xf32, #tpu.memory_space<vmem_shared>> -> memref<320xf32, #tpu.memory_space<vmem_shared>>
        %dma_start3A_608 = tpu.memref_slice %arg23[%mul3A_0] : memref<5120xf32, #tpu.memory_space<vmem_shared>> -> memref<320xf32, #tpu.memory_space<vmem_shared>>
        tpu.enqueue_dma source(%dma_start3A_608 : memref<320xf32, #tpu.memory_space<vmem_shared>>) target(%arg17 : memref<320xf32, #tpu.memory_space<vmem>>) target_semaphore(%run_scoped3A : memref<!tpu.dma_semaphore, #tpu.memory_space<semaphore_mem>>)
        %dma_wait3A_609 = tpu.memref_slice %arg23[%mul3A_0] : memref<5120xf32, #tpu.memory_space<vmem_shared>> -> memref<320xf32, #tpu.memory_space<vmem_shared>>
        %dma_wait3A_610 = tpu.memref_slice %arg23[%mul3A_0] : memref<5120xf32, #tpu.memory_space<vmem_shared>> -> memref<320xf32, #tpu.memory_space<vmem_shared>>
        tpu.wait_dma2 semaphore(%run_scoped3A : memref<!tpu.dma_semaphore, #tpu.memory_space<semaphore_mem>>) src(%dma_wait3A_610 : memref<320xf32, #tpu.memory_space<vmem_shared>>) dst(%arg17 : memref<320xf32, #tpu.memory_space<vmem>>)
        tpu.yield
      }) : () -> ()
      "tpu.region"() ({
        %run_scoped3A = tpu.sem_alloc : memref<!tpu.dma_semaphore, #tpu.memory_space<semaphore_mem>>
        %dma_start3A_607 = tpu.memref_slice %arg24[%mul3A_0] : memref<5120xf32, #tpu.memory_space<vmem_shared>> -> memref<320xf32, #tpu.memory_space<vmem_shared>>
        %dma_start3A_608 = tpu.memref_slice %arg24[%mul3A_0] : memref<5120xf32, #tpu.memory_space<vmem_shared>> -> memref<320xf32, #tpu.memory_space<vmem_shared>>
        tpu.enqueue_dma source(%dma_start3A_608 : memref<320xf32, #tpu.memory_space<vmem_shared>>) target(%arg20 : memref<320xf32, #tpu.memory_space<vmem>>) target_semaphore(%run_scoped3A : memref<!tpu.dma_semaphore, #tpu.memory_space<semaphore_mem>>)
        %dma_wait3A_609 = tpu.memref_slice %arg24[%mul3A_0] : memref<5120xf32, #tpu.memory_space<vmem_shared>> -> memref<320xf32, #tpu.memory_space<vmem_shared>>
        %dma_wait3A_610 = tpu.memref_slice %arg24[%mul3A_0] : memref<5120xf32, #tpu.memory_space<vmem_shared>> -> memref<320xf32, #tpu.memory_space<vmem_shared>>
        tpu.wait_dma2 semaphore(%run_scoped3A : memref<!tpu.dma_semaphore, #tpu.memory_space<semaphore_mem>>) src(%dma_wait3A_610 : memref<320xf32, #tpu.memory_space<vmem_shared>>) dst(%arg20 : memref<320xf32, #tpu.memory_space<vmem>>)
        tpu.yield
      }) : () -> ()
      "tpu.region"() ({
        %run_scoped3A = tpu.sem_alloc : memref<!tpu.dma_semaphore, #tpu.memory_space<semaphore_mem>>
        %dma_start3A_607 = tpu.memref_slice %arg26[%mul3A_0] : memref<5120xi32, #tpu.memory_space<vmem_shared>> -> memref<320xi32, #tpu.memory_space<vmem_shared>>
        %dma_start3A_608 = tpu.memref_slice %arg26[%mul3A_0] : memref<5120xi32, #tpu.memory_space<vmem_shared>> -> memref<320xi32, #tpu.memory_space<vmem_shared>>
        tpu.enqueue_dma source(%dma_start3A_608 : memref<320xi32, #tpu.memory_space<vmem_shared>>) target(%arg21 : memref<320xi32, #tpu.memory_space<vmem>>) target_semaphore(%run_scoped3A : memref<!tpu.dma_semaphore, #tpu.memory_space<semaphore_mem>>)
        %dma_wait3A_609 = tpu.memref_slice %arg26[%mul3A_0] : memref<5120xi32, #tpu.memory_space<vmem_shared>> -> memref<320xi32, #tpu.memory_space<vmem_shared>>
        %dma_wait3A_610 = tpu.memref_slice %arg26[%mul3A_0] : memref<5120xi32, #tpu.memory_space<vmem_shared>> -> memref<320xi32, #tpu.memory_space<vmem_shared>>
        tpu.wait_dma2 semaphore(%run_scoped3A : memref<!tpu.dma_semaphore, #tpu.memory_space<semaphore_mem>>) src(%dma_wait3A_610 : memref<320xi32, #tpu.memory_space<vmem_shared>>) dst(%arg21 : memref<320xi32, #tpu.memory_space<vmem>>)
        tpu.yield
      }) : () -> ()
      %dma_start3A_595 = tpu.memref_slice %arg11[%mul3A_0] : memref<5120xf32, #tpu.memory_space<hbm>> -> memref<320xf32, #tpu.memory_space<hbm>>
      %dma_start3A_596 = tpu.memref_slice %arg11[%mul3A_0] : memref<5120xf32, #tpu.memory_space<hbm>> -> memref<320xf32, #tpu.memory_space<hbm>>
      tpu.enqueue_dma source(%arg17 : memref<320xf32, #tpu.memory_space<vmem>>) target(%dma_start3A_596 : memref<320xf32, #tpu.memory_space<hbm>>) target_semaphore(%arg27 : memref<!tpu.dma_semaphore, #tpu.memory_space<semaphore_mem>>)
      %dma_start3A_597 = tpu.memref_slice %arg12[%mul3A_0] : memref<5120xf32, #tpu.memory_space<hbm>> -> memref<320xf32, #tpu.memory_space<hbm>>
      %dma_start3A_598 = tpu.memref_slice %arg12[%mul3A_0] : memref<5120xf32, #tpu.memory_space<hbm>> -> memref<320xf32, #tpu.memory_space<hbm>>
      tpu.enqueue_dma source(%arg20 : memref<320xf32, #tpu.memory_space<vmem>>) target(%dma_start3A_598 : memref<320xf32, #tpu.memory_space<hbm>>) target_semaphore(%arg27 : memref<!tpu.dma_semaphore, #tpu.memory_space<semaphore_mem>>)
      %dma_start3A_599 = tpu.memref_slice %arg13[%mul3A_0] : memref<5120xi32, #tpu.memory_space<hbm>> -> memref<320xi32, #tpu.memory_space<hbm>>
      %dma_start3A_600 = tpu.memref_slice %arg13[%mul3A_0] : memref<5120xi32, #tpu.memory_space<hbm>> -> memref<320xi32, #tpu.memory_space<hbm>>
      tpu.enqueue_dma source(%arg21 : memref<320xi32, #tpu.memory_space<vmem>>) target(%dma_start3A_600 : memref<320xi32, #tpu.memory_space<hbm>>) target_semaphore(%arg27 : memref<!tpu.dma_semaphore, #tpu.memory_space<semaphore_mem>>)
      %dma_wait3A_601 = tpu.memref_slice %arg11[%mul3A_0] : memref<5120xf32, #tpu.memory_space<hbm>> -> memref<320xf32, #tpu.memory_space<hbm>>
      %dma_wait3A_602 = tpu.memref_slice %arg11[%mul3A_0] : memref<5120xf32, #tpu.memory_space<hbm>> -> memref<320xf32, #tpu.memory_space<hbm>>
      tpu.wait_dma2 semaphore(%arg27 : memref<!tpu.dma_semaphore, #tpu.memory_space<semaphore_mem>>) src(%arg17 : memref<320xf32, #tpu.memory_space<vmem>>) dst(%dma_wait3A_602 : memref<320xf32, #tpu.memory_space<hbm>>)
      %dma_wait3A_603 = tpu.memref_slice %arg12[%mul3A_0] : memref<5120xf32, #tpu.memory_space<hbm>> -> memref<320xf32, #tpu.memory_space<hbm>>
      %dma_wait3A_604 = tpu.memref_slice %arg12[%mul3A_0] : memref<5120xf32, #tpu.memory_space<hbm>> -> memref<320xf32, #tpu.memory_space<hbm>>
      tpu.wait_dma2 semaphore(%arg27 : memref<!tpu.dma_semaphore, #tpu.memory_space<semaphore_mem>>) src(%arg20 : memref<320xf32, #tpu.memory_space<vmem>>) dst(%dma_wait3A_604 : memref<320xf32, #tpu.memory_space<hbm>>)
      %dma_wait3A_605 = tpu.memref_slice %arg13[%mul3A_0] : memref<5120xi32, #tpu.memory_space<hbm>> -> memref<320xi32, #tpu.memory_space<hbm>>
      %dma_wait3A_606 = tpu.memref_slice %arg13[%mul3A_0] : memref<5120xi32, #tpu.memory_space<hbm>> -> memref<320xi32, #tpu.memory_space<hbm>>
      tpu.wait_dma2 semaphore(%arg27 : memref<!tpu.dma_semaphore, #tpu.memory_space<semaphore_mem>>) src(%arg21 : memref<320xi32, #tpu.memory_space<vmem>>) dst(%dma_wait3A_606 : memref<320xi32, #tpu.memory_space<hbm>>)
    } else {
    }
    return
  }
}

module attributes {stable_mosaic.version = 14 : i64} {
  func.func @_rank_body(%arg0: i32, %arg1: memref<1x5120xf32, #tpu.memory_space<vmem>>, %arg2: memref<256x1xf32, #tpu.memory_space<vmem>>, %arg3: memref<1x256xf32, #tpu.memory_space<vmem>>, %arg4: memref<20x256xf32, #tpu.memory_space<vmem>>, %arg5: memref<5120x1xf32, #tpu.memory_space<vmem>>) attributes {dimension_semantics = [#tpu.dimension_semantics<arbitrary>], iteration_bounds = array<i64: 20>, scalar_prefetch = 0 : i64, scratch_operands = 0 : i64, tpu.core_type = #tpu.core_type<tc>, window_params = [{pipeline_mode = #tpu.pipeline_mode<synchronous>, transform_indices = @transform_0, window_bounds = array<i64: 1, 5120>}, {transform_indices = @transform_1, window_bounds = array<i64: 256, 1>}, {transform_indices = @transform_2, window_bounds = array<i64: 1, 256>}, {pipeline_mode = #tpu.pipeline_mode<synchronous>, transform_indices = @transform_3, window_bounds = array<i64: 20, 256>}, {pipeline_mode = #tpu.pipeline_mode<synchronous>, transform_indices = @transform_4, window_bounds = array<i64: 5120, 1>}]} {
    %eq3A = arith.constant 0 : i32
    %eq3A_0 = arith.cmpi eq, %arg0, %eq3A : i32
    %convert_element_type3A = arith.extui %eq3A_0 : i1 to i32
    %cond3A = arith.constant 0 : i32
    %cond3A_1 = arith.cmpi ne, %convert_element_type3A, %cond3A : i32
    scf.if %cond3A_1 {
      %broadcast_in_dim3A_115 = arith.constant 0.000000e+00 : f32
      %broadcast_in_dim3A_116 = vector.broadcast %broadcast_in_dim3A_115 : f32 to vector<20x256xf32>
      %swap3A_117 = arith.constant 0 : index
      %swap3A_118 = arith.constant 0 : index
      %swap3A_119 = vector.load %arg4[%swap3A_117, %swap3A_118] : memref<20x256xf32, #tpu.memory_space<vmem>>, vector<20x256xf32>
      tpu.vector_store %arg4[%swap3A_117, %swap3A_118], %broadcast_in_dim3A_116 {strides = array<i32>} : memref<20x256xf32, #tpu.memory_space<vmem>>, vector<20x256xf32>,
    } else {
    }
    %get3A = arith.constant 0 : index
    %get3A_2 = arith.constant 0 : index
    %get3A_3 = vector.load %arg2[%get3A, %get3A_2] : memref<256x1xf32, #tpu.memory_space<vmem>>, vector<256x1xf32>
    %get3A_4 = arith.constant 0 : index
    %get3A_5 = arith.constant 0 : index
    %get3A_6 = vector.load %arg3[%get3A_4, %get3A_5] : memref<1x256xf32, #tpu.memory_space<vmem>>, vector<1x256xf32>
    %iota3A = tpu.iota {dimensions = array<i32: 1>} : vector<256x256xi32>
    %iota3A_7 = tpu.iota {dimensions = array<i32: 0>} : vector<256x256xi32>
    %gt3A = vector.broadcast %get3A_6 : vector<1x256xf32> to vector<256x256xf32>
    %gt3A_8 = vector.broadcast %get3A_3 : vector<256x1xf32> to vector<256x256xf32>
    %gt3A_9 = arith.cmpf ogt, %gt3A, %gt3A_8 : vector<256x256xf32>
    %eq3A_10 = vector.broadcast %get3A_6 : vector<1x256xf32> to vector<256x256xf32>
    %eq3A_11 = vector.broadcast %get3A_3 : vector<256x1xf32> to vector<256x256xf32>
    %eq3A_12 = arith.cmpf oeq, %eq3A_10, %eq3A_11 : vector<256x256xf32>
    %lt3A = arith.cmpi slt, %iota3A, %iota3A_7 : vector<256x256xi32>
    %and3A = arith.andi %eq3A_12, %lt3A : vector<256x256xi1>
    %or3A = arith.ori %gt3A_9, %and3A : vector<256x256xi1>
    %jit3A = arith.constant 1.000000e+00 : f32
    %jit3A_13 = arith.constant 0.000000e+00 : f32
    %broadcast_in_dim3A = vector.broadcast %jit3A : f32 to vector<256x256xf32>
    %broadcast_in_dim3A_14 = vector.broadcast %jit3A_13 : f32 to vector<256x256xf32>
    %select_n3A = arith.select %or3A, %broadcast_in_dim3A, %broadcast_in_dim3A_14 : vector<256x256xi1>, vector<256x256xf32>
    %reduce_sum3A = arith.constant dense<0.000000e+00> : vector<256xf32>
    %reduce_sum3A_15 = vector.multi_reduction <add>, %select_n3A, %reduce_sum3A [1] : vector<256x256xf32> to vector<256xf32>
    %broadcast_in_dim3A_16 = vector.shape_cast %reduce_sum3A_15 : vector<256xf32> to vector<256x1xf32>
    %mul3A = arith.constant 256 : i32
    %mul3A_17 = arith.muli %arg0, %mul3A : i32
    %swap3A = arith.index_cast %mul3A_17 : i32 to index
    %swap3A_18 = arith.constant 0 : index
    %swap3A_19 = vector.load %arg5[%swap3A, %swap3A_18] : memref<5120x1xf32, #tpu.memory_space<vmem>>, vector<256x1xf32>
    tpu.vector_store %arg5[%swap3A, %swap3A_18], %broadcast_in_dim3A_16 {strides = array<i32>} : memref<5120x1xf32, #tpu.memory_space<vmem>>, vector<256x1xf32>,
    %lt3A_20 = arith.constant 1 : i32
    %lt3A_21 = arith.cmpi slt, %arg0, %lt3A_20 : i32
    %convert_element_type3A_22 = arith.extui %lt3A_21 : i1 to i32
    %cond3A_23 = arith.constant 0 : i32
    %cond3A_24 = arith.cmpi ne, %convert_element_type3A_22, %cond3A_23 : i32
    scf.if %cond3A_24 {
      %get3A_115 = arith.constant 0 : index
      %get3A_116 = arith.constant 256 : index
      %get3A_117 = vector.load %arg1[%get3A_115, %get3A_116] : memref<1x5120xf32, #tpu.memory_space<vmem>>, vector<1x256xf32>
      %gt3A_118 = vector.broadcast %get3A_117 : vector<1x256xf32> to vector<256x256xf32>
      %gt3A_119 = vector.broadcast %get3A_3 : vector<256x1xf32> to vector<256x256xf32>
      %gt3A_120 = arith.cmpf ogt, %gt3A_118, %gt3A_119 : vector<256x256xf32>
      %jit3A_121 = arith.constant 1.000000e+00 : f32
      %jit3A_122 = arith.constant 0.000000e+00 : f32
      %broadcast_in_dim3A_123 = vector.broadcast %jit3A_121 : f32 to vector<256x256xf32>
      %broadcast_in_dim3A_124 = vector.broadcast %jit3A_122 : f32 to vector<256x256xf32>
      %select_n3A_125 = arith.select %gt3A_120, %broadcast_in_dim3A_123, %broadcast_in_dim3A_124 : vector<256x256xi1>, vector<256x256xf32>
      %get3A_126 = arith.constant 1 : index
      %get3A_127 = arith.constant 0 : index
      %get3A_128 = vector.load %arg4[%get3A_126, %get3A_127] : memref<20x256xf32, #tpu.memory_space<vmem>>, vector<1x256xf32>
      %add3A = arith.constant 2.560000e+02 : f32
      %add3A_129 = vector.broadcast %add3A : f32 to vector<1x256xf32>
      %add3A_130 = arith.addf %get3A_128, %add3A_129 : vector<1x256xf32>
      %reduce_sum3A_131 = arith.constant dense<0.000000e+00> : vector<256xf32>
      %reduce_sum3A_132 = vector.multi_reduction <add>, %select_n3A_125, %reduce_sum3A_131 [0] : vector<256x256xf32> to vector<256xf32>
      %broadcast_in_dim3A_133 = vector.shape_cast %reduce_sum3A_132 : vector<256xf32> to vector<1x256xf32>
      %sub3A = arith.subf %add3A_130, %broadcast_in_dim3A_133 : vector<1x256xf32>
      %swap3A_134 = arith.constant 1 : index
      %swap3A_135 = arith.constant 0 : index
      %swap3A_136 = vector.load %arg4[%swap3A_134, %swap3A_135] : memref<20x256xf32, #tpu.memory_space<vmem>>, vector<1x256xf32>
      tpu.vector_store %arg4[%swap3A_134, %swap3A_135], %sub3A {strides = array<i32>} : memref<20x256xf32, #tpu.memory_space<vmem>>, vector<1x256xf32>,
      %mul3A_137 = arith.constant 256 : i32
      %mul3A_138 = arith.muli %arg0, %mul3A_137 : i32
      %get3A_139 = arith.index_cast %mul3A_138 : i32 to index
      %get3A_140 = arith.constant 0 : index
      %get3A_141 = vector.load %arg5[%get3A_139, %get3A_140] : memref<5120x1xf32, #tpu.memory_space<vmem>>, vector<256x1xf32>
      %reduce_sum3A_142 = arith.constant dense<0.000000e+00> : vector<256xf32>
      %reduce_sum3A_143 = vector.multi_reduction <add>, %select_n3A_125, %reduce_sum3A_142 [1] : vector<256x256xf32> to vector<256xf32>
      %broadcast_in_dim3A_144 = vector.shape_cast %reduce_sum3A_143 : vector<256xf32> to vector<256x1xf32>
      %add3A_145 = arith.addf %get3A_141, %broadcast_in_dim3A_144 : vector<256x1xf32>
      %mul3A_146 = arith.constant 256 : i32
      %mul3A_147 = arith.muli %arg0, %mul3A_146 : i32
      %swap3A_148 = arith.index_cast %mul3A_147 : i32 to index
      %swap3A_149 = arith.constant 0 : index
      %swap3A_150 = vector.load %arg5[%swap3A_148, %swap3A_149] : memref<5120x1xf32, #tpu.memory_space<vmem>>, vector<256x1xf32>
      tpu.vector_store %arg5[%swap3A_148, %swap3A_149], %add3A_145 {strides = array<i32>} : memref<5120x1xf32, #tpu.memory_space<vmem>>, vector<256x1xf32>,
    } else {
    }
    %lt3A_25 = arith.constant 2 : i32
    %lt3A_26 = arith.cmpi slt, %arg0, %lt3A_25 : i32
    %convert_element_type3A_27 = arith.extui %lt3A_26 : i1 to i32
    %cond3A_28 = arith.constant 0 : i32
    %cond3A_29 = arith.cmpi ne, %convert_element_type3A_27, %cond3A_28 : i32
    scf.if %cond3A_29 {
      %get3A_115 = arith.constant 0 : index
      %get3A_116 = arith.constant 512 : index
      %get3A_117 = vector.load %arg1[%get3A_115, %get3A_116] : memref<1x5120xf32, #tpu.memory_space<vmem>>, vector<1x256xf32>
      %gt3A_118 = vector.broadcast %get3A_117 : vector<1x256xf32> to vector<256x256xf32>
      %gt3A_119 = vector.broadcast %get3A_3 : vector<256x1xf32> to vector<256x256xf32>
      %gt3A_120 = arith.cmpf ogt, %gt3A_118, %gt3A_119 : vector<256x256xf32>
      %jit3A_121 = arith.constant 1.000000e+00 : f32
      %jit3A_122 = arith.constant 0.000000e+00 : f32
      %broadcast_in_dim3A_123 = vector.broadcast %jit3A_121 : f32 to vector<256x256xf32>
      %broadcast_in_dim3A_124 = vector.broadcast %jit3A_122 : f32 to vector<256x256xf32>
      %select_n3A_125 = arith.select %gt3A_120, %broadcast_in_dim3A_123, %broadcast_in_dim3A_124 : vector<256x256xi1>, vector<256x256xf32>
      %get3A_126 = arith.constant 2 : index
      %get3A_127 = arith.constant 0 : index
      %get3A_128 = vector.load %arg4[%get3A_126, %get3A_127] : memref<20x256xf32, #tpu.memory_space<vmem>>, vector<1x256xf32>
      %add3A = arith.constant 2.560000e+02 : f32
      %add3A_129 = vector.broadcast %add3A : f32 to vector<1x256xf32>
      %add3A_130 = arith.addf %get3A_128, %add3A_129 : vector<1x256xf32>
      %reduce_sum3A_131 = arith.constant dense<0.000000e+00> : vector<256xf32>
      %reduce_sum3A_132 = vector.multi_reduction <add>, %select_n3A_125, %reduce_sum3A_131 [0] : vector<256x256xf32> to vector<256xf32>
      %broadcast_in_dim3A_133 = vector.shape_cast %reduce_sum3A_132 : vector<256xf32> to vector<1x256xf32>
      %sub3A = arith.subf %add3A_130, %broadcast_in_dim3A_133 : vector<1x256xf32>
      %swap3A_134 = arith.constant 2 : index
      %swap3A_135 = arith.constant 0 : index
      %swap3A_136 = vector.load %arg4[%swap3A_134, %swap3A_135] : memref<20x256xf32, #tpu.memory_space<vmem>>, vector<1x256xf32>
      tpu.vector_store %arg4[%swap3A_134, %swap3A_135], %sub3A {strides = array<i32>} : memref<20x256xf32, #tpu.memory_space<vmem>>, vector<1x256xf32>,
      %mul3A_137 = arith.constant 256 : i32
      %mul3A_138 = arith.muli %arg0, %mul3A_137 : i32
      %get3A_139 = arith.index_cast %mul3A_138 : i32 to index
      %get3A_140 = arith.constant 0 : index
      %get3A_141 = vector.load %arg5[%get3A_139, %get3A_140] : memref<5120x1xf32, #tpu.memory_space<vmem>>, vector<256x1xf32>
      %reduce_sum3A_142 = arith.constant dense<0.000000e+00> : vector<256xf32>
      %reduce_sum3A_143 = vector.multi_reduction <add>, %select_n3A_125, %reduce_sum3A_142 [1] : vector<256x256xf32> to vector<256xf32>
      %broadcast_in_dim3A_144 = vector.shape_cast %reduce_sum3A_143 : vector<256xf32> to vector<256x1xf32>
      %add3A_145 = arith.addf %get3A_141, %broadcast_in_dim3A_144 : vector<256x1xf32>
      %mul3A_146 = arith.constant 256 : i32
      %mul3A_147 = arith.muli %arg0, %mul3A_146 : i32
      %swap3A_148 = arith.index_cast %mul3A_147 : i32 to index
      %swap3A_149 = arith.constant 0 : index
      %swap3A_150 = vector.load %arg5[%swap3A_148, %swap3A_149] : memref<5120x1xf32, #tpu.memory_space<vmem>>, vector<256x1xf32>
      tpu.vector_store %arg5[%swap3A_148, %swap3A_149], %add3A_145 {strides = array<i32>} : memref<5120x1xf32, #tpu.memory_space<vmem>>, vector<256x1xf32>,
    } else {
    }
    %lt3A_30 = arith.constant 3 : i32
    %lt3A_31 = arith.cmpi slt, %arg0, %lt3A_30 : i32
    %convert_element_type3A_32 = arith.extui %lt3A_31 : i1 to i32
    %cond3A_33 = arith.constant 0 : i32
    %cond3A_34 = arith.cmpi ne, %convert_element_type3A_32, %cond3A_33 : i32
    scf.if %cond3A_34 {
      %get3A_115 = arith.constant 0 : index
      %get3A_116 = arith.constant 768 : index
      %get3A_117 = vector.load %arg1[%get3A_115, %get3A_116] : memref<1x5120xf32, #tpu.memory_space<vmem>>, vector<1x256xf32>
      %gt3A_118 = vector.broadcast %get3A_117 : vector<1x256xf32> to vector<256x256xf32>
      %gt3A_119 = vector.broadcast %get3A_3 : vector<256x1xf32> to vector<256x256xf32>
      %gt3A_120 = arith.cmpf ogt, %gt3A_118, %gt3A_119 : vector<256x256xf32>
      %jit3A_121 = arith.constant 1.000000e+00 : f32
      %jit3A_122 = arith.constant 0.000000e+00 : f32
      %broadcast_in_dim3A_123 = vector.broadcast %jit3A_121 : f32 to vector<256x256xf32>
      %broadcast_in_dim3A_124 = vector.broadcast %jit3A_122 : f32 to vector<256x256xf32>
      %select_n3A_125 = arith.select %gt3A_120, %broadcast_in_dim3A_123, %broadcast_in_dim3A_124 : vector<256x256xi1>, vector<256x256xf32>
      %get3A_126 = arith.constant 3 : index
      %get3A_127 = arith.constant 0 : index
      %get3A_128 = vector.load %arg4[%get3A_126, %get3A_127] : memref<20x256xf32, #tpu.memory_space<vmem>>, vector<1x256xf32>
      %add3A = arith.constant 2.560000e+02 : f32
      %add3A_129 = vector.broadcast %add3A : f32 to vector<1x256xf32>
      %add3A_130 = arith.addf %get3A_128, %add3A_129 : vector<1x256xf32>
      %reduce_sum3A_131 = arith.constant dense<0.000000e+00> : vector<256xf32>
      %reduce_sum3A_132 = vector.multi_reduction <add>, %select_n3A_125, %reduce_sum3A_131 [0] : vector<256x256xf32> to vector<256xf32>
      %broadcast_in_dim3A_133 = vector.shape_cast %reduce_sum3A_132 : vector<256xf32> to vector<1x256xf32>
      %sub3A = arith.subf %add3A_130, %broadcast_in_dim3A_133 : vector<1x256xf32>
      %swap3A_134 = arith.constant 3 : index
      %swap3A_135 = arith.constant 0 : index
      %swap3A_136 = vector.load %arg4[%swap3A_134, %swap3A_135] : memref<20x256xf32, #tpu.memory_space<vmem>>, vector<1x256xf32>
      tpu.vector_store %arg4[%swap3A_134, %swap3A_135], %sub3A {strides = array<i32>} : memref<20x256xf32, #tpu.memory_space<vmem>>, vector<1x256xf32>,
      %mul3A_137 = arith.constant 256 : i32
      %mul3A_138 = arith.muli %arg0, %mul3A_137 : i32
      %get3A_139 = arith.index_cast %mul3A_138 : i32 to index
      %get3A_140 = arith.constant 0 : index
      %get3A_141 = vector.load %arg5[%get3A_139, %get3A_140] : memref<5120x1xf32, #tpu.memory_space<vmem>>, vector<256x1xf32>
      %reduce_sum3A_142 = arith.constant dense<0.000000e+00> : vector<256xf32>
      %reduce_sum3A_143 = vector.multi_reduction <add>, %select_n3A_125, %reduce_sum3A_142 [1] : vector<256x256xf32> to vector<256xf32>
      %broadcast_in_dim3A_144 = vector.shape_cast %reduce_sum3A_143 : vector<256xf32> to vector<256x1xf32>
      %add3A_145 = arith.addf %get3A_141, %broadcast_in_dim3A_144 : vector<256x1xf32>
      %mul3A_146 = arith.constant 256 : i32
      %mul3A_147 = arith.muli %arg0, %mul3A_146 : i32
      %swap3A_148 = arith.index_cast %mul3A_147 : i32 to index
      %swap3A_149 = arith.constant 0 : index
      %swap3A_150 = vector.load %arg5[%swap3A_148, %swap3A_149] : memref<5120x1xf32, #tpu.memory_space<vmem>>, vector<256x1xf32>
      tpu.vector_store %arg5[%swap3A_148, %swap3A_149], %add3A_145 {strides = array<i32>} : memref<5120x1xf32, #tpu.memory_space<vmem>>, vector<256x1xf32>,
    } else {
    }
    %lt3A_35 = arith.constant 4 : i32
    %lt3A_36 = arith.cmpi slt, %arg0, %lt3A_35 : i32
    %convert_element_type3A_37 = arith.extui %lt3A_36 : i1 to i32
    %cond3A_38 = arith.constant 0 : i32
    %cond3A_39 = arith.cmpi ne, %convert_element_type3A_37, %cond3A_38 : i32
    scf.if %cond3A_39 {
      %get3A_115 = arith.constant 0 : index
      %get3A_116 = arith.constant 1024 : index
      %get3A_117 = vector.load %arg1[%get3A_115, %get3A_116] : memref<1x5120xf32, #tpu.memory_space<vmem>>, vector<1x256xf32>
      %gt3A_118 = vector.broadcast %get3A_117 : vector<1x256xf32> to vector<256x256xf32>
      %gt3A_119 = vector.broadcast %get3A_3 : vector<256x1xf32> to vector<256x256xf32>
      %gt3A_120 = arith.cmpf ogt, %gt3A_118, %gt3A_119 : vector<256x256xf32>
      %jit3A_121 = arith.constant 1.000000e+00 : f32
      %jit3A_122 = arith.constant 0.000000e+00 : f32
      %broadcast_in_dim3A_123 = vector.broadcast %jit3A_121 : f32 to vector<256x256xf32>
      %broadcast_in_dim3A_124 = vector.broadcast %jit3A_122 : f32 to vector<256x256xf32>
      %select_n3A_125 = arith.select %gt3A_120, %broadcast_in_dim3A_123, %broadcast_in_dim3A_124 : vector<256x256xi1>, vector<256x256xf32>
      %get3A_126 = arith.constant 4 : index
      %get3A_127 = arith.constant 0 : index
      %get3A_128 = vector.load %arg4[%get3A_126, %get3A_127] : memref<20x256xf32, #tpu.memory_space<vmem>>, vector<1x256xf32>
      %add3A = arith.constant 2.560000e+02 : f32
      %add3A_129 = vector.broadcast %add3A : f32 to vector<1x256xf32>
      %add3A_130 = arith.addf %get3A_128, %add3A_129 : vector<1x256xf32>
      %reduce_sum3A_131 = arith.constant dense<0.000000e+00> : vector<256xf32>
      %reduce_sum3A_132 = vector.multi_reduction <add>, %select_n3A_125, %reduce_sum3A_131 [0] : vector<256x256xf32> to vector<256xf32>
      %broadcast_in_dim3A_133 = vector.shape_cast %reduce_sum3A_132 : vector<256xf32> to vector<1x256xf32>
      %sub3A = arith.subf %add3A_130, %broadcast_in_dim3A_133 : vector<1x256xf32>
      %swap3A_134 = arith.constant 4 : index
      %swap3A_135 = arith.constant 0 : index
      %swap3A_136 = vector.load %arg4[%swap3A_134, %swap3A_135] : memref<20x256xf32, #tpu.memory_space<vmem>>, vector<1x256xf32>
      tpu.vector_store %arg4[%swap3A_134, %swap3A_135], %sub3A {strides = array<i32>} : memref<20x256xf32, #tpu.memory_space<vmem>>, vector<1x256xf32>,
      %mul3A_137 = arith.constant 256 : i32
      %mul3A_138 = arith.muli %arg0, %mul3A_137 : i32
      %get3A_139 = arith.index_cast %mul3A_138 : i32 to index
      %get3A_140 = arith.constant 0 : index
      %get3A_141 = vector.load %arg5[%get3A_139, %get3A_140] : memref<5120x1xf32, #tpu.memory_space<vmem>>, vector<256x1xf32>
      %reduce_sum3A_142 = arith.constant dense<0.000000e+00> : vector<256xf32>
      %reduce_sum3A_143 = vector.multi_reduction <add>, %select_n3A_125, %reduce_sum3A_142 [1] : vector<256x256xf32> to vector<256xf32>
      %broadcast_in_dim3A_144 = vector.shape_cast %reduce_sum3A_143 : vector<256xf32> to vector<256x1xf32>
      %add3A_145 = arith.addf %get3A_141, %broadcast_in_dim3A_144 : vector<256x1xf32>
      %mul3A_146 = arith.constant 256 : i32
      %mul3A_147 = arith.muli %arg0, %mul3A_146 : i32
      %swap3A_148 = arith.index_cast %mul3A_147 : i32 to index
      %swap3A_149 = arith.constant 0 : index
      %swap3A_150 = vector.load %arg5[%swap3A_148, %swap3A_149] : memref<5120x1xf32, #tpu.memory_space<vmem>>, vector<256x1xf32>
      tpu.vector_store %arg5[%swap3A_148, %swap3A_149], %add3A_145 {strides = array<i32>} : memref<5120x1xf32, #tpu.memory_space<vmem>>, vector<256x1xf32>,
    } else {
    }
    %lt3A_40 = arith.constant 5 : i32
    %lt3A_41 = arith.cmpi slt, %arg0, %lt3A_40 : i32
    %convert_element_type3A_42 = arith.extui %lt3A_41 : i1 to i32
    %cond3A_43 = arith.constant 0 : i32
    %cond3A_44 = arith.cmpi ne, %convert_element_type3A_42, %cond3A_43 : i32
    scf.if %cond3A_44 {
      %get3A_115 = arith.constant 0 : index
      %get3A_116 = arith.constant 1280 : index
      %get3A_117 = vector.load %arg1[%get3A_115, %get3A_116] : memref<1x5120xf32, #tpu.memory_space<vmem>>, vector<1x256xf32>
      %gt3A_118 = vector.broadcast %get3A_117 : vector<1x256xf32> to vector<256x256xf32>
      %gt3A_119 = vector.broadcast %get3A_3 : vector<256x1xf32> to vector<256x256xf32>
      %gt3A_120 = arith.cmpf ogt, %gt3A_118, %gt3A_119 : vector<256x256xf32>
      %jit3A_121 = arith.constant 1.000000e+00 : f32
      %jit3A_122 = arith.constant 0.000000e+00 : f32
      %broadcast_in_dim3A_123 = vector.broadcast %jit3A_121 : f32 to vector<256x256xf32>
      %broadcast_in_dim3A_124 = vector.broadcast %jit3A_122 : f32 to vector<256x256xf32>
      %select_n3A_125 = arith.select %gt3A_120, %broadcast_in_dim3A_123, %broadcast_in_dim3A_124 : vector<256x256xi1>, vector<256x256xf32>
      %get3A_126 = arith.constant 5 : index
      %get3A_127 = arith.constant 0 : index
      %get3A_128 = vector.load %arg4[%get3A_126, %get3A_127] : memref<20x256xf32, #tpu.memory_space<vmem>>, vector<1x256xf32>
      %add3A = arith.constant 2.560000e+02 : f32
      %add3A_129 = vector.broadcast %add3A : f32 to vector<1x256xf32>
      %add3A_130 = arith.addf %get3A_128, %add3A_129 : vector<1x256xf32>
      %reduce_sum3A_131 = arith.constant dense<0.000000e+00> : vector<256xf32>
      %reduce_sum3A_132 = vector.multi_reduction <add>, %select_n3A_125, %reduce_sum3A_131 [0] : vector<256x256xf32> to vector<256xf32>
      %broadcast_in_dim3A_133 = vector.shape_cast %reduce_sum3A_132 : vector<256xf32> to vector<1x256xf32>
      %sub3A = arith.subf %add3A_130, %broadcast_in_dim3A_133 : vector<1x256xf32>
      %swap3A_134 = arith.constant 5 : index
      %swap3A_135 = arith.constant 0 : index
      %swap3A_136 = vector.load %arg4[%swap3A_134, %swap3A_135] : memref<20x256xf32, #tpu.memory_space<vmem>>, vector<1x256xf32>
      tpu.vector_store %arg4[%swap3A_134, %swap3A_135], %sub3A {strides = array<i32>} : memref<20x256xf32, #tpu.memory_space<vmem>>, vector<1x256xf32>,
      %mul3A_137 = arith.constant 256 : i32
      %mul3A_138 = arith.muli %arg0, %mul3A_137 : i32
      %get3A_139 = arith.index_cast %mul3A_138 : i32 to index
      %get3A_140 = arith.constant 0 : index
      %get3A_141 = vector.load %arg5[%get3A_139, %get3A_140] : memref<5120x1xf32, #tpu.memory_space<vmem>>, vector<256x1xf32>
      %reduce_sum3A_142 = arith.constant dense<0.000000e+00> : vector<256xf32>
      %reduce_sum3A_143 = vector.multi_reduction <add>, %select_n3A_125, %reduce_sum3A_142 [1] : vector<256x256xf32> to vector<256xf32>
      %broadcast_in_dim3A_144 = vector.shape_cast %reduce_sum3A_143 : vector<256xf32> to vector<256x1xf32>
      %add3A_145 = arith.addf %get3A_141, %broadcast_in_dim3A_144 : vector<256x1xf32>
      %mul3A_146 = arith.constant 256 : i32
      %mul3A_147 = arith.muli %arg0, %mul3A_146 : i32
      %swap3A_148 = arith.index_cast %mul3A_147 : i32 to index
      %swap3A_149 = arith.constant 0 : index
      %swap3A_150 = vector.load %arg5[%swap3A_148, %swap3A_149] : memref<5120x1xf32, #tpu.memory_space<vmem>>, vector<256x1xf32>
      tpu.vector_store %arg5[%swap3A_148, %swap3A_149], %add3A_145 {strides = array<i32>} : memref<5120x1xf32, #tpu.memory_space<vmem>>, vector<256x1xf32>,
    } else {
    }
    %lt3A_45 = arith.constant 6 : i32
    %lt3A_46 = arith.cmpi slt, %arg0, %lt3A_45 : i32
    %convert_element_type3A_47 = arith.extui %lt3A_46 : i1 to i32
    %cond3A_48 = arith.constant 0 : i32
    %cond3A_49 = arith.cmpi ne, %convert_element_type3A_47, %cond3A_48 : i32
    scf.if %cond3A_49 {
      %get3A_115 = arith.constant 0 : index
      %get3A_116 = arith.constant 1536 : index
      %get3A_117 = vector.load %arg1[%get3A_115, %get3A_116] : memref<1x5120xf32, #tpu.memory_space<vmem>>, vector<1x256xf32>
      %gt3A_118 = vector.broadcast %get3A_117 : vector<1x256xf32> to vector<256x256xf32>
      %gt3A_119 = vector.broadcast %get3A_3 : vector<256x1xf32> to vector<256x256xf32>
      %gt3A_120 = arith.cmpf ogt, %gt3A_118, %gt3A_119 : vector<256x256xf32>
      %jit3A_121 = arith.constant 1.000000e+00 : f32
      %jit3A_122 = arith.constant 0.000000e+00 : f32
      %broadcast_in_dim3A_123 = vector.broadcast %jit3A_121 : f32 to vector<256x256xf32>
      %broadcast_in_dim3A_124 = vector.broadcast %jit3A_122 : f32 to vector<256x256xf32>
      %select_n3A_125 = arith.select %gt3A_120, %broadcast_in_dim3A_123, %broadcast_in_dim3A_124 : vector<256x256xi1>, vector<256x256xf32>
      %get3A_126 = arith.constant 6 : index
      %get3A_127 = arith.constant 0 : index
      %get3A_128 = vector.load %arg4[%get3A_126, %get3A_127] : memref<20x256xf32, #tpu.memory_space<vmem>>, vector<1x256xf32>
      %add3A = arith.constant 2.560000e+02 : f32
      %add3A_129 = vector.broadcast %add3A : f32 to vector<1x256xf32>
      %add3A_130 = arith.addf %get3A_128, %add3A_129 : vector<1x256xf32>
      %reduce_sum3A_131 = arith.constant dense<0.000000e+00> : vector<256xf32>
      %reduce_sum3A_132 = vector.multi_reduction <add>, %select_n3A_125, %reduce_sum3A_131 [0] : vector<256x256xf32> to vector<256xf32>
      %broadcast_in_dim3A_133 = vector.shape_cast %reduce_sum3A_132 : vector<256xf32> to vector<1x256xf32>
      %sub3A = arith.subf %add3A_130, %broadcast_in_dim3A_133 : vector<1x256xf32>
      %swap3A_134 = arith.constant 6 : index
      %swap3A_135 = arith.constant 0 : index
      %swap3A_136 = vector.load %arg4[%swap3A_134, %swap3A_135] : memref<20x256xf32, #tpu.memory_space<vmem>>, vector<1x256xf32>
      tpu.vector_store %arg4[%swap3A_134, %swap3A_135], %sub3A {strides = array<i32>} : memref<20x256xf32, #tpu.memory_space<vmem>>, vector<1x256xf32>,
      %mul3A_137 = arith.constant 256 : i32
      %mul3A_138 = arith.muli %arg0, %mul3A_137 : i32
      %get3A_139 = arith.index_cast %mul3A_138 : i32 to index
      %get3A_140 = arith.constant 0 : index
      %get3A_141 = vector.load %arg5[%get3A_139, %get3A_140] : memref<5120x1xf32, #tpu.memory_space<vmem>>, vector<256x1xf32>
      %reduce_sum3A_142 = arith.constant dense<0.000000e+00> : vector<256xf32>
      %reduce_sum3A_143 = vector.multi_reduction <add>, %select_n3A_125, %reduce_sum3A_142 [1] : vector<256x256xf32> to vector<256xf32>
      %broadcast_in_dim3A_144 = vector.shape_cast %reduce_sum3A_143 : vector<256xf32> to vector<256x1xf32>
      %add3A_145 = arith.addf %get3A_141, %broadcast_in_dim3A_144 : vector<256x1xf32>
      %mul3A_146 = arith.constant 256 : i32
      %mul3A_147 = arith.muli %arg0, %mul3A_146 : i32
      %swap3A_148 = arith.index_cast %mul3A_147 : i32 to index
      %swap3A_149 = arith.constant 0 : index
      %swap3A_150 = vector.load %arg5[%swap3A_148, %swap3A_149] : memref<5120x1xf32, #tpu.memory_space<vmem>>, vector<256x1xf32>
      tpu.vector_store %arg5[%swap3A_148, %swap3A_149], %add3A_145 {strides = array<i32>} : memref<5120x1xf32, #tpu.memory_space<vmem>>, vector<256x1xf32>,
    } else {
    }
    %lt3A_50 = arith.constant 7 : i32
    %lt3A_51 = arith.cmpi slt, %arg0, %lt3A_50 : i32
    %convert_element_type3A_52 = arith.extui %lt3A_51 : i1 to i32
    %cond3A_53 = arith.constant 0 : i32
    %cond3A_54 = arith.cmpi ne, %convert_element_type3A_52, %cond3A_53 : i32
    scf.if %cond3A_54 {
      %get3A_115 = arith.constant 0 : index
      %get3A_116 = arith.constant 1792 : index
      %get3A_117 = vector.load %arg1[%get3A_115, %get3A_116] : memref<1x5120xf32, #tpu.memory_space<vmem>>, vector<1x256xf32>
      %gt3A_118 = vector.broadcast %get3A_117 : vector<1x256xf32> to vector<256x256xf32>
      %gt3A_119 = vector.broadcast %get3A_3 : vector<256x1xf32> to vector<256x256xf32>
      %gt3A_120 = arith.cmpf ogt, %gt3A_118, %gt3A_119 : vector<256x256xf32>
      %jit3A_121 = arith.constant 1.000000e+00 : f32
      %jit3A_122 = arith.constant 0.000000e+00 : f32
      %broadcast_in_dim3A_123 = vector.broadcast %jit3A_121 : f32 to vector<256x256xf32>
      %broadcast_in_dim3A_124 = vector.broadcast %jit3A_122 : f32 to vector<256x256xf32>
      %select_n3A_125 = arith.select %gt3A_120, %broadcast_in_dim3A_123, %broadcast_in_dim3A_124 : vector<256x256xi1>, vector<256x256xf32>
      %get3A_126 = arith.constant 7 : index
      %get3A_127 = arith.constant 0 : index
      %get3A_128 = vector.load %arg4[%get3A_126, %get3A_127] : memref<20x256xf32, #tpu.memory_space<vmem>>, vector<1x256xf32>
      %add3A = arith.constant 2.560000e+02 : f32
      %add3A_129 = vector.broadcast %add3A : f32 to vector<1x256xf32>
      %add3A_130 = arith.addf %get3A_128, %add3A_129 : vector<1x256xf32>
      %reduce_sum3A_131 = arith.constant dense<0.000000e+00> : vector<256xf32>
      %reduce_sum3A_132 = vector.multi_reduction <add>, %select_n3A_125, %reduce_sum3A_131 [0] : vector<256x256xf32> to vector<256xf32>
      %broadcast_in_dim3A_133 = vector.shape_cast %reduce_sum3A_132 : vector<256xf32> to vector<1x256xf32>
      %sub3A = arith.subf %add3A_130, %broadcast_in_dim3A_133 : vector<1x256xf32>
      %swap3A_134 = arith.constant 7 : index
      %swap3A_135 = arith.constant 0 : index
      %swap3A_136 = vector.load %arg4[%swap3A_134, %swap3A_135] : memref<20x256xf32, #tpu.memory_space<vmem>>, vector<1x256xf32>
      tpu.vector_store %arg4[%swap3A_134, %swap3A_135], %sub3A {strides = array<i32>} : memref<20x256xf32, #tpu.memory_space<vmem>>, vector<1x256xf32>,
      %mul3A_137 = arith.constant 256 : i32
      %mul3A_138 = arith.muli %arg0, %mul3A_137 : i32
      %get3A_139 = arith.index_cast %mul3A_138 : i32 to index
      %get3A_140 = arith.constant 0 : index
      %get3A_141 = vector.load %arg5[%get3A_139, %get3A_140] : memref<5120x1xf32, #tpu.memory_space<vmem>>, vector<256x1xf32>
      %reduce_sum3A_142 = arith.constant dense<0.000000e+00> : vector<256xf32>
      %reduce_sum3A_143 = vector.multi_reduction <add>, %select_n3A_125, %reduce_sum3A_142 [1] : vector<256x256xf32> to vector<256xf32>
      %broadcast_in_dim3A_144 = vector.shape_cast %reduce_sum3A_143 : vector<256xf32> to vector<256x1xf32>
      %add3A_145 = arith.addf %get3A_141, %broadcast_in_dim3A_144 : vector<256x1xf32>
      %mul3A_146 = arith.constant 256 : i32
      %mul3A_147 = arith.muli %arg0, %mul3A_146 : i32
      %swap3A_148 = arith.index_cast %mul3A_147 : i32 to index
      %swap3A_149 = arith.constant 0 : index
      %swap3A_150 = vector.load %arg5[%swap3A_148, %swap3A_149] : memref<5120x1xf32, #tpu.memory_space<vmem>>, vector<256x1xf32>
      tpu.vector_store %arg5[%swap3A_148, %swap3A_149], %add3A_145 {strides = array<i32>} : memref<5120x1xf32, #tpu.memory_space<vmem>>, vector<256x1xf32>,
    } else {
    }
    %lt3A_55 = arith.constant 8 : i32
    %lt3A_56 = arith.cmpi slt, %arg0, %lt3A_55 : i32
    %convert_element_type3A_57 = arith.extui %lt3A_56 : i1 to i32
    %cond3A_58 = arith.constant 0 : i32
    %cond3A_59 = arith.cmpi ne, %convert_element_type3A_57, %cond3A_58 : i32
    scf.if %cond3A_59 {
      %get3A_115 = arith.constant 0 : index
      %get3A_116 = arith.constant 2048 : index
      %get3A_117 = vector.load %arg1[%get3A_115, %get3A_116] : memref<1x5120xf32, #tpu.memory_space<vmem>>, vector<1x256xf32>
      %gt3A_118 = vector.broadcast %get3A_117 : vector<1x256xf32> to vector<256x256xf32>
      %gt3A_119 = vector.broadcast %get3A_3 : vector<256x1xf32> to vector<256x256xf32>
      %gt3A_120 = arith.cmpf ogt, %gt3A_118, %gt3A_119 : vector<256x256xf32>
      %jit3A_121 = arith.constant 1.000000e+00 : f32
      %jit3A_122 = arith.constant 0.000000e+00 : f32
      %broadcast_in_dim3A_123 = vector.broadcast %jit3A_121 : f32 to vector<256x256xf32>
      %broadcast_in_dim3A_124 = vector.broadcast %jit3A_122 : f32 to vector<256x256xf32>
      %select_n3A_125 = arith.select %gt3A_120, %broadcast_in_dim3A_123, %broadcast_in_dim3A_124 : vector<256x256xi1>, vector<256x256xf32>
      %get3A_126 = arith.constant 8 : index
      %get3A_127 = arith.constant 0 : index
      %get3A_128 = vector.load %arg4[%get3A_126, %get3A_127] : memref<20x256xf32, #tpu.memory_space<vmem>>, vector<1x256xf32>
      %add3A = arith.constant 2.560000e+02 : f32
      %add3A_129 = vector.broadcast %add3A : f32 to vector<1x256xf32>
      %add3A_130 = arith.addf %get3A_128, %add3A_129 : vector<1x256xf32>
      %reduce_sum3A_131 = arith.constant dense<0.000000e+00> : vector<256xf32>
      %reduce_sum3A_132 = vector.multi_reduction <add>, %select_n3A_125, %reduce_sum3A_131 [0] : vector<256x256xf32> to vector<256xf32>
      %broadcast_in_dim3A_133 = vector.shape_cast %reduce_sum3A_132 : vector<256xf32> to vector<1x256xf32>
      %sub3A = arith.subf %add3A_130, %broadcast_in_dim3A_133 : vector<1x256xf32>
      %swap3A_134 = arith.constant 8 : index
      %swap3A_135 = arith.constant 0 : index
      %swap3A_136 = vector.load %arg4[%swap3A_134, %swap3A_135] : memref<20x256xf32, #tpu.memory_space<vmem>>, vector<1x256xf32>
      tpu.vector_store %arg4[%swap3A_134, %swap3A_135], %sub3A {strides = array<i32>} : memref<20x256xf32, #tpu.memory_space<vmem>>, vector<1x256xf32>,
      %mul3A_137 = arith.constant 256 : i32
      %mul3A_138 = arith.muli %arg0, %mul3A_137 : i32
      %get3A_139 = arith.index_cast %mul3A_138 : i32 to index
      %get3A_140 = arith.constant 0 : index
      %get3A_141 = vector.load %arg5[%get3A_139, %get3A_140] : memref<5120x1xf32, #tpu.memory_space<vmem>>, vector<256x1xf32>
      %reduce_sum3A_142 = arith.constant dense<0.000000e+00> : vector<256xf32>
      %reduce_sum3A_143 = vector.multi_reduction <add>, %select_n3A_125, %reduce_sum3A_142 [1] : vector<256x256xf32> to vector<256xf32>
      %broadcast_in_dim3A_144 = vector.shape_cast %reduce_sum3A_143 : vector<256xf32> to vector<256x1xf32>
      %add3A_145 = arith.addf %get3A_141, %broadcast_in_dim3A_144 : vector<256x1xf32>
      %mul3A_146 = arith.constant 256 : i32
      %mul3A_147 = arith.muli %arg0, %mul3A_146 : i32
      %swap3A_148 = arith.index_cast %mul3A_147 : i32 to index
      %swap3A_149 = arith.constant 0 : index
      %swap3A_150 = vector.load %arg5[%swap3A_148, %swap3A_149] : memref<5120x1xf32, #tpu.memory_space<vmem>>, vector<256x1xf32>
      tpu.vector_store %arg5[%swap3A_148, %swap3A_149], %add3A_145 {strides = array<i32>} : memref<5120x1xf32, #tpu.memory_space<vmem>>, vector<256x1xf32>,
    } else {
    }
    %lt3A_60 = arith.constant 9 : i32
    %lt3A_61 = arith.cmpi slt, %arg0, %lt3A_60 : i32
    %convert_element_type3A_62 = arith.extui %lt3A_61 : i1 to i32
    %cond3A_63 = arith.constant 0 : i32
    %cond3A_64 = arith.cmpi ne, %convert_element_type3A_62, %cond3A_63 : i32
    scf.if %cond3A_64 {
      %get3A_115 = arith.constant 0 : index
      %get3A_116 = arith.constant 2304 : index
      %get3A_117 = vector.load %arg1[%get3A_115, %get3A_116] : memref<1x5120xf32, #tpu.memory_space<vmem>>, vector<1x256xf32>
      %gt3A_118 = vector.broadcast %get3A_117 : vector<1x256xf32> to vector<256x256xf32>
      %gt3A_119 = vector.broadcast %get3A_3 : vector<256x1xf32> to vector<256x256xf32>
      %gt3A_120 = arith.cmpf ogt, %gt3A_118, %gt3A_119 : vector<256x256xf32>
      %jit3A_121 = arith.constant 1.000000e+00 : f32
      %jit3A_122 = arith.constant 0.000000e+00 : f32
      %broadcast_in_dim3A_123 = vector.broadcast %jit3A_121 : f32 to vector<256x256xf32>
      %broadcast_in_dim3A_124 = vector.broadcast %jit3A_122 : f32 to vector<256x256xf32>
      %select_n3A_125 = arith.select %gt3A_120, %broadcast_in_dim3A_123, %broadcast_in_dim3A_124 : vector<256x256xi1>, vector<256x256xf32>
      %get3A_126 = arith.constant 9 : index
      %get3A_127 = arith.constant 0 : index
      %get3A_128 = vector.load %arg4[%get3A_126, %get3A_127] : memref<20x256xf32, #tpu.memory_space<vmem>>, vector<1x256xf32>
      %add3A = arith.constant 2.560000e+02 : f32
      %add3A_129 = vector.broadcast %add3A : f32 to vector<1x256xf32>
      %add3A_130 = arith.addf %get3A_128, %add3A_129 : vector<1x256xf32>
      %reduce_sum3A_131 = arith.constant dense<0.000000e+00> : vector<256xf32>
      %reduce_sum3A_132 = vector.multi_reduction <add>, %select_n3A_125, %reduce_sum3A_131 [0] : vector<256x256xf32> to vector<256xf32>
      %broadcast_in_dim3A_133 = vector.shape_cast %reduce_sum3A_132 : vector<256xf32> to vector<1x256xf32>
      %sub3A = arith.subf %add3A_130, %broadcast_in_dim3A_133 : vector<1x256xf32>
      %swap3A_134 = arith.constant 9 : index
      %swap3A_135 = arith.constant 0 : index
      %swap3A_136 = vector.load %arg4[%swap3A_134, %swap3A_135] : memref<20x256xf32, #tpu.memory_space<vmem>>, vector<1x256xf32>
      tpu.vector_store %arg4[%swap3A_134, %swap3A_135], %sub3A {strides = array<i32>} : memref<20x256xf32, #tpu.memory_space<vmem>>, vector<1x256xf32>,
      %mul3A_137 = arith.constant 256 : i32
      %mul3A_138 = arith.muli %arg0, %mul3A_137 : i32
      %get3A_139 = arith.index_cast %mul3A_138 : i32 to index
      %get3A_140 = arith.constant 0 : index
      %get3A_141 = vector.load %arg5[%get3A_139, %get3A_140] : memref<5120x1xf32, #tpu.memory_space<vmem>>, vector<256x1xf32>
      %reduce_sum3A_142 = arith.constant dense<0.000000e+00> : vector<256xf32>
      %reduce_sum3A_143 = vector.multi_reduction <add>, %select_n3A_125, %reduce_sum3A_142 [1] : vector<256x256xf32> to vector<256xf32>
      %broadcast_in_dim3A_144 = vector.shape_cast %reduce_sum3A_143 : vector<256xf32> to vector<256x1xf32>
      %add3A_145 = arith.addf %get3A_141, %broadcast_in_dim3A_144 : vector<256x1xf32>
      %mul3A_146 = arith.constant 256 : i32
      %mul3A_147 = arith.muli %arg0, %mul3A_146 : i32
      %swap3A_148 = arith.index_cast %mul3A_147 : i32 to index
      %swap3A_149 = arith.constant 0 : index
      %swap3A_150 = vector.load %arg5[%swap3A_148, %swap3A_149] : memref<5120x1xf32, #tpu.memory_space<vmem>>, vector<256x1xf32>
      tpu.vector_store %arg5[%swap3A_148, %swap3A_149], %add3A_145 {strides = array<i32>} : memref<5120x1xf32, #tpu.memory_space<vmem>>, vector<256x1xf32>,
    } else {
    }
    %lt3A_65 = arith.constant 10 : i32
    %lt3A_66 = arith.cmpi slt, %arg0, %lt3A_65 : i32
    %convert_element_type3A_67 = arith.extui %lt3A_66 : i1 to i32
    %cond3A_68 = arith.constant 0 : i32
    %cond3A_69 = arith.cmpi ne, %convert_element_type3A_67, %cond3A_68 : i32
    scf.if %cond3A_69 {
      %get3A_115 = arith.constant 0 : index
      %get3A_116 = arith.constant 2560 : index
      %get3A_117 = vector.load %arg1[%get3A_115, %get3A_116] : memref<1x5120xf32, #tpu.memory_space<vmem>>, vector<1x256xf32>
      %gt3A_118 = vector.broadcast %get3A_117 : vector<1x256xf32> to vector<256x256xf32>
      %gt3A_119 = vector.broadcast %get3A_3 : vector<256x1xf32> to vector<256x256xf32>
      %gt3A_120 = arith.cmpf ogt, %gt3A_118, %gt3A_119 : vector<256x256xf32>
      %jit3A_121 = arith.constant 1.000000e+00 : f32
      %jit3A_122 = arith.constant 0.000000e+00 : f32
      %broadcast_in_dim3A_123 = vector.broadcast %jit3A_121 : f32 to vector<256x256xf32>
      %broadcast_in_dim3A_124 = vector.broadcast %jit3A_122 : f32 to vector<256x256xf32>
      %select_n3A_125 = arith.select %gt3A_120, %broadcast_in_dim3A_123, %broadcast_in_dim3A_124 : vector<256x256xi1>, vector<256x256xf32>
      %get3A_126 = arith.constant 10 : index
      %get3A_127 = arith.constant 0 : index
      %get3A_128 = vector.load %arg4[%get3A_126, %get3A_127] : memref<20x256xf32, #tpu.memory_space<vmem>>, vector<1x256xf32>
      %add3A = arith.constant 2.560000e+02 : f32
      %add3A_129 = vector.broadcast %add3A : f32 to vector<1x256xf32>
      %add3A_130 = arith.addf %get3A_128, %add3A_129 : vector<1x256xf32>
      %reduce_sum3A_131 = arith.constant dense<0.000000e+00> : vector<256xf32>
      %reduce_sum3A_132 = vector.multi_reduction <add>, %select_n3A_125, %reduce_sum3A_131 [0] : vector<256x256xf32> to vector<256xf32>
      %broadcast_in_dim3A_133 = vector.shape_cast %reduce_sum3A_132 : vector<256xf32> to vector<1x256xf32>
      %sub3A = arith.subf %add3A_130, %broadcast_in_dim3A_133 : vector<1x256xf32>
      %swap3A_134 = arith.constant 10 : index
      %swap3A_135 = arith.constant 0 : index
      %swap3A_136 = vector.load %arg4[%swap3A_134, %swap3A_135] : memref<20x256xf32, #tpu.memory_space<vmem>>, vector<1x256xf32>
      tpu.vector_store %arg4[%swap3A_134, %swap3A_135], %sub3A {strides = array<i32>} : memref<20x256xf32, #tpu.memory_space<vmem>>, vector<1x256xf32>,
      %mul3A_137 = arith.constant 256 : i32
      %mul3A_138 = arith.muli %arg0, %mul3A_137 : i32
      %get3A_139 = arith.index_cast %mul3A_138 : i32 to index
      %get3A_140 = arith.constant 0 : index
      %get3A_141 = vector.load %arg5[%get3A_139, %get3A_140] : memref<5120x1xf32, #tpu.memory_space<vmem>>, vector<256x1xf32>
      %reduce_sum3A_142 = arith.constant dense<0.000000e+00> : vector<256xf32>
      %reduce_sum3A_143 = vector.multi_reduction <add>, %select_n3A_125, %reduce_sum3A_142 [1] : vector<256x256xf32> to vector<256xf32>
      %broadcast_in_dim3A_144 = vector.shape_cast %reduce_sum3A_143 : vector<256xf32> to vector<256x1xf32>
      %add3A_145 = arith.addf %get3A_141, %broadcast_in_dim3A_144 : vector<256x1xf32>
      %mul3A_146 = arith.constant 256 : i32
      %mul3A_147 = arith.muli %arg0, %mul3A_146 : i32
      %swap3A_148 = arith.index_cast %mul3A_147 : i32 to index
      %swap3A_149 = arith.constant 0 : index
      %swap3A_150 = vector.load %arg5[%swap3A_148, %swap3A_149] : memref<5120x1xf32, #tpu.memory_space<vmem>>, vector<256x1xf32>
      tpu.vector_store %arg5[%swap3A_148, %swap3A_149], %add3A_145 {strides = array<i32>} : memref<5120x1xf32, #tpu.memory_space<vmem>>, vector<256x1xf32>,
    } else {
    }
    %lt3A_70 = arith.constant 11 : i32
    %lt3A_71 = arith.cmpi slt, %arg0, %lt3A_70 : i32
    %convert_element_type3A_72 = arith.extui %lt3A_71 : i1 to i32
    %cond3A_73 = arith.constant 0 : i32
    %cond3A_74 = arith.cmpi ne, %convert_element_type3A_72, %cond3A_73 : i32
    scf.if %cond3A_74 {
      %get3A_115 = arith.constant 0 : index
      %get3A_116 = arith.constant 2816 : index
      %get3A_117 = vector.load %arg1[%get3A_115, %get3A_116] : memref<1x5120xf32, #tpu.memory_space<vmem>>, vector<1x256xf32>
      %gt3A_118 = vector.broadcast %get3A_117 : vector<1x256xf32> to vector<256x256xf32>
      %gt3A_119 = vector.broadcast %get3A_3 : vector<256x1xf32> to vector<256x256xf32>
      %gt3A_120 = arith.cmpf ogt, %gt3A_118, %gt3A_119 : vector<256x256xf32>
      %jit3A_121 = arith.constant 1.000000e+00 : f32
      %jit3A_122 = arith.constant 0.000000e+00 : f32
      %broadcast_in_dim3A_123 = vector.broadcast %jit3A_121 : f32 to vector<256x256xf32>
      %broadcast_in_dim3A_124 = vector.broadcast %jit3A_122 : f32 to vector<256x256xf32>
      %select_n3A_125 = arith.select %gt3A_120, %broadcast_in_dim3A_123, %broadcast_in_dim3A_124 : vector<256x256xi1>, vector<256x256xf32>
      %get3A_126 = arith.constant 11 : index
      %get3A_127 = arith.constant 0 : index
      %get3A_128 = vector.load %arg4[%get3A_126, %get3A_127] : memref<20x256xf32, #tpu.memory_space<vmem>>, vector<1x256xf32>
      %add3A = arith.constant 2.560000e+02 : f32
      %add3A_129 = vector.broadcast %add3A : f32 to vector<1x256xf32>
      %add3A_130 = arith.addf %get3A_128, %add3A_129 : vector<1x256xf32>
      %reduce_sum3A_131 = arith.constant dense<0.000000e+00> : vector<256xf32>
      %reduce_sum3A_132 = vector.multi_reduction <add>, %select_n3A_125, %reduce_sum3A_131 [0] : vector<256x256xf32> to vector<256xf32>
      %broadcast_in_dim3A_133 = vector.shape_cast %reduce_sum3A_132 : vector<256xf32> to vector<1x256xf32>
      %sub3A = arith.subf %add3A_130, %broadcast_in_dim3A_133 : vector<1x256xf32>
      %swap3A_134 = arith.constant 11 : index
      %swap3A_135 = arith.constant 0 : index
      %swap3A_136 = vector.load %arg4[%swap3A_134, %swap3A_135] : memref<20x256xf32, #tpu.memory_space<vmem>>, vector<1x256xf32>
      tpu.vector_store %arg4[%swap3A_134, %swap3A_135], %sub3A {strides = array<i32>} : memref<20x256xf32, #tpu.memory_space<vmem>>, vector<1x256xf32>,
      %mul3A_137 = arith.constant 256 : i32
      %mul3A_138 = arith.muli %arg0, %mul3A_137 : i32
      %get3A_139 = arith.index_cast %mul3A_138 : i32 to index
      %get3A_140 = arith.constant 0 : index
      %get3A_141 = vector.load %arg5[%get3A_139, %get3A_140] : memref<5120x1xf32, #tpu.memory_space<vmem>>, vector<256x1xf32>
      %reduce_sum3A_142 = arith.constant dense<0.000000e+00> : vector<256xf32>
      %reduce_sum3A_143 = vector.multi_reduction <add>, %select_n3A_125, %reduce_sum3A_142 [1] : vector<256x256xf32> to vector<256xf32>
      %broadcast_in_dim3A_144 = vector.shape_cast %reduce_sum3A_143 : vector<256xf32> to vector<256x1xf32>
      %add3A_145 = arith.addf %get3A_141, %broadcast_in_dim3A_144 : vector<256x1xf32>
      %mul3A_146 = arith.constant 256 : i32
      %mul3A_147 = arith.muli %arg0, %mul3A_146 : i32
      %swap3A_148 = arith.index_cast %mul3A_147 : i32 to index
      %swap3A_149 = arith.constant 0 : index
      %swap3A_150 = vector.load %arg5[%swap3A_148, %swap3A_149] : memref<5120x1xf32, #tpu.memory_space<vmem>>, vector<256x1xf32>
      tpu.vector_store %arg5[%swap3A_148, %swap3A_149], %add3A_145 {strides = array<i32>} : memref<5120x1xf32, #tpu.memory_space<vmem>>, vector<256x1xf32>,
    } else {
    }
    %lt3A_75 = arith.constant 12 : i32
    %lt3A_76 = arith.cmpi slt, %arg0, %lt3A_75 : i32
    %convert_element_type3A_77 = arith.extui %lt3A_76 : i1 to i32
    %cond3A_78 = arith.constant 0 : i32
    %cond3A_79 = arith.cmpi ne, %convert_element_type3A_77, %cond3A_78 : i32
    scf.if %cond3A_79 {
      %get3A_115 = arith.constant 0 : index
      %get3A_116 = arith.constant 3072 : index
      %get3A_117 = vector.load %arg1[%get3A_115, %get3A_116] : memref<1x5120xf32, #tpu.memory_space<vmem>>, vector<1x256xf32>
      %gt3A_118 = vector.broadcast %get3A_117 : vector<1x256xf32> to vector<256x256xf32>
      %gt3A_119 = vector.broadcast %get3A_3 : vector<256x1xf32> to vector<256x256xf32>
      %gt3A_120 = arith.cmpf ogt, %gt3A_118, %gt3A_119 : vector<256x256xf32>
      %jit3A_121 = arith.constant 1.000000e+00 : f32
      %jit3A_122 = arith.constant 0.000000e+00 : f32
      %broadcast_in_dim3A_123 = vector.broadcast %jit3A_121 : f32 to vector<256x256xf32>
      %broadcast_in_dim3A_124 = vector.broadcast %jit3A_122 : f32 to vector<256x256xf32>
      %select_n3A_125 = arith.select %gt3A_120, %broadcast_in_dim3A_123, %broadcast_in_dim3A_124 : vector<256x256xi1>, vector<256x256xf32>
      %get3A_126 = arith.constant 12 : index
      %get3A_127 = arith.constant 0 : index
      %get3A_128 = vector.load %arg4[%get3A_126, %get3A_127] : memref<20x256xf32, #tpu.memory_space<vmem>>, vector<1x256xf32>
      %add3A = arith.constant 2.560000e+02 : f32
      %add3A_129 = vector.broadcast %add3A : f32 to vector<1x256xf32>
      %add3A_130 = arith.addf %get3A_128, %add3A_129 : vector<1x256xf32>
      %reduce_sum3A_131 = arith.constant dense<0.000000e+00> : vector<256xf32>
      %reduce_sum3A_132 = vector.multi_reduction <add>, %select_n3A_125, %reduce_sum3A_131 [0] : vector<256x256xf32> to vector<256xf32>
      %broadcast_in_dim3A_133 = vector.shape_cast %reduce_sum3A_132 : vector<256xf32> to vector<1x256xf32>
      %sub3A = arith.subf %add3A_130, %broadcast_in_dim3A_133 : vector<1x256xf32>
      %swap3A_134 = arith.constant 12 : index
      %swap3A_135 = arith.constant 0 : index
      %swap3A_136 = vector.load %arg4[%swap3A_134, %swap3A_135] : memref<20x256xf32, #tpu.memory_space<vmem>>, vector<1x256xf32>
      tpu.vector_store %arg4[%swap3A_134, %swap3A_135], %sub3A {strides = array<i32>} : memref<20x256xf32, #tpu.memory_space<vmem>>, vector<1x256xf32>,
      %mul3A_137 = arith.constant 256 : i32
      %mul3A_138 = arith.muli %arg0, %mul3A_137 : i32
      %get3A_139 = arith.index_cast %mul3A_138 : i32 to index
      %get3A_140 = arith.constant 0 : index
      %get3A_141 = vector.load %arg5[%get3A_139, %get3A_140] : memref<5120x1xf32, #tpu.memory_space<vmem>>, vector<256x1xf32>
      %reduce_sum3A_142 = arith.constant dense<0.000000e+00> : vector<256xf32>
      %reduce_sum3A_143 = vector.multi_reduction <add>, %select_n3A_125, %reduce_sum3A_142 [1] : vector<256x256xf32> to vector<256xf32>
      %broadcast_in_dim3A_144 = vector.shape_cast %reduce_sum3A_143 : vector<256xf32> to vector<256x1xf32>
      %add3A_145 = arith.addf %get3A_141, %broadcast_in_dim3A_144 : vector<256x1xf32>
      %mul3A_146 = arith.constant 256 : i32
      %mul3A_147 = arith.muli %arg0, %mul3A_146 : i32
      %swap3A_148 = arith.index_cast %mul3A_147 : i32 to index
      %swap3A_149 = arith.constant 0 : index
      %swap3A_150 = vector.load %arg5[%swap3A_148, %swap3A_149] : memref<5120x1xf32, #tpu.memory_space<vmem>>, vector<256x1xf32>
      tpu.vector_store %arg5[%swap3A_148, %swap3A_149], %add3A_145 {strides = array<i32>} : memref<5120x1xf32, #tpu.memory_space<vmem>>, vector<256x1xf32>,
    } else {
    }
    %lt3A_80 = arith.constant 13 : i32
    %lt3A_81 = arith.cmpi slt, %arg0, %lt3A_80 : i32
    %convert_element_type3A_82 = arith.extui %lt3A_81 : i1 to i32
    %cond3A_83 = arith.constant 0 : i32
    %cond3A_84 = arith.cmpi ne, %convert_element_type3A_82, %cond3A_83 : i32
    scf.if %cond3A_84 {
      %get3A_115 = arith.constant 0 : index
      %get3A_116 = arith.constant 3328 : index
      %get3A_117 = vector.load %arg1[%get3A_115, %get3A_116] : memref<1x5120xf32, #tpu.memory_space<vmem>>, vector<1x256xf32>
      %gt3A_118 = vector.broadcast %get3A_117 : vector<1x256xf32> to vector<256x256xf32>
      %gt3A_119 = vector.broadcast %get3A_3 : vector<256x1xf32> to vector<256x256xf32>
      %gt3A_120 = arith.cmpf ogt, %gt3A_118, %gt3A_119 : vector<256x256xf32>
      %jit3A_121 = arith.constant 1.000000e+00 : f32
      %jit3A_122 = arith.constant 0.000000e+00 : f32
      %broadcast_in_dim3A_123 = vector.broadcast %jit3A_121 : f32 to vector<256x256xf32>
      %broadcast_in_dim3A_124 = vector.broadcast %jit3A_122 : f32 to vector<256x256xf32>
      %select_n3A_125 = arith.select %gt3A_120, %broadcast_in_dim3A_123, %broadcast_in_dim3A_124 : vector<256x256xi1>, vector<256x256xf32>
      %get3A_126 = arith.constant 13 : index
      %get3A_127 = arith.constant 0 : index
      %get3A_128 = vector.load %arg4[%get3A_126, %get3A_127] : memref<20x256xf32, #tpu.memory_space<vmem>>, vector<1x256xf32>
      %add3A = arith.constant 2.560000e+02 : f32
      %add3A_129 = vector.broadcast %add3A : f32 to vector<1x256xf32>
      %add3A_130 = arith.addf %get3A_128, %add3A_129 : vector<1x256xf32>
      %reduce_sum3A_131 = arith.constant dense<0.000000e+00> : vector<256xf32>
      %reduce_sum3A_132 = vector.multi_reduction <add>, %select_n3A_125, %reduce_sum3A_131 [0] : vector<256x256xf32> to vector<256xf32>
      %broadcast_in_dim3A_133 = vector.shape_cast %reduce_sum3A_132 : vector<256xf32> to vector<1x256xf32>
      %sub3A = arith.subf %add3A_130, %broadcast_in_dim3A_133 : vector<1x256xf32>
      %swap3A_134 = arith.constant 13 : index
      %swap3A_135 = arith.constant 0 : index
      %swap3A_136 = vector.load %arg4[%swap3A_134, %swap3A_135] : memref<20x256xf32, #tpu.memory_space<vmem>>, vector<1x256xf32>
      tpu.vector_store %arg4[%swap3A_134, %swap3A_135], %sub3A {strides = array<i32>} : memref<20x256xf32, #tpu.memory_space<vmem>>, vector<1x256xf32>,
      %mul3A_137 = arith.constant 256 : i32
      %mul3A_138 = arith.muli %arg0, %mul3A_137 : i32
      %get3A_139 = arith.index_cast %mul3A_138 : i32 to index
      %get3A_140 = arith.constant 0 : index
      %get3A_141 = vector.load %arg5[%get3A_139, %get3A_140] : memref<5120x1xf32, #tpu.memory_space<vmem>>, vector<256x1xf32>
      %reduce_sum3A_142 = arith.constant dense<0.000000e+00> : vector<256xf32>
      %reduce_sum3A_143 = vector.multi_reduction <add>, %select_n3A_125, %reduce_sum3A_142 [1] : vector<256x256xf32> to vector<256xf32>
      %broadcast_in_dim3A_144 = vector.shape_cast %reduce_sum3A_143 : vector<256xf32> to vector<256x1xf32>
      %add3A_145 = arith.addf %get3A_141, %broadcast_in_dim3A_144 : vector<256x1xf32>
      %mul3A_146 = arith.constant 256 : i32
      %mul3A_147 = arith.muli %arg0, %mul3A_146 : i32
      %swap3A_148 = arith.index_cast %mul3A_147 : i32 to index
      %swap3A_149 = arith.constant 0 : index
      %swap3A_150 = vector.load %arg5[%swap3A_148, %swap3A_149] : memref<5120x1xf32, #tpu.memory_space<vmem>>, vector<256x1xf32>
      tpu.vector_store %arg5[%swap3A_148, %swap3A_149], %add3A_145 {strides = array<i32>} : memref<5120x1xf32, #tpu.memory_space<vmem>>, vector<256x1xf32>,
    } else {
    }
    %lt3A_85 = arith.constant 14 : i32
    %lt3A_86 = arith.cmpi slt, %arg0, %lt3A_85 : i32
    %convert_element_type3A_87 = arith.extui %lt3A_86 : i1 to i32
    %cond3A_88 = arith.constant 0 : i32
    %cond3A_89 = arith.cmpi ne, %convert_element_type3A_87, %cond3A_88 : i32
    scf.if %cond3A_89 {
      %get3A_115 = arith.constant 0 : index
      %get3A_116 = arith.constant 3584 : index
      %get3A_117 = vector.load %arg1[%get3A_115, %get3A_116] : memref<1x5120xf32, #tpu.memory_space<vmem>>, vector<1x256xf32>
      %gt3A_118 = vector.broadcast %get3A_117 : vector<1x256xf32> to vector<256x256xf32>
      %gt3A_119 = vector.broadcast %get3A_3 : vector<256x1xf32> to vector<256x256xf32>
      %gt3A_120 = arith.cmpf ogt, %gt3A_118, %gt3A_119 : vector<256x256xf32>
      %jit3A_121 = arith.constant 1.000000e+00 : f32
      %jit3A_122 = arith.constant 0.000000e+00 : f32
      %broadcast_in_dim3A_123 = vector.broadcast %jit3A_121 : f32 to vector<256x256xf32>
      %broadcast_in_dim3A_124 = vector.broadcast %jit3A_122 : f32 to vector<256x256xf32>
      %select_n3A_125 = arith.select %gt3A_120, %broadcast_in_dim3A_123, %broadcast_in_dim3A_124 : vector<256x256xi1>, vector<256x256xf32>
      %get3A_126 = arith.constant 14 : index
      %get3A_127 = arith.constant 0 : index
      %get3A_128 = vector.load %arg4[%get3A_126, %get3A_127] : memref<20x256xf32, #tpu.memory_space<vmem>>, vector<1x256xf32>
      %add3A = arith.constant 2.560000e+02 : f32
      %add3A_129 = vector.broadcast %add3A : f32 to vector<1x256xf32>
      %add3A_130 = arith.addf %get3A_128, %add3A_129 : vector<1x256xf32>
      %reduce_sum3A_131 = arith.constant dense<0.000000e+00> : vector<256xf32>
      %reduce_sum3A_132 = vector.multi_reduction <add>, %select_n3A_125, %reduce_sum3A_131 [0] : vector<256x256xf32> to vector<256xf32>
      %broadcast_in_dim3A_133 = vector.shape_cast %reduce_sum3A_132 : vector<256xf32> to vector<1x256xf32>
      %sub3A = arith.subf %add3A_130, %broadcast_in_dim3A_133 : vector<1x256xf32>
      %swap3A_134 = arith.constant 14 : index
      %swap3A_135 = arith.constant 0 : index
      %swap3A_136 = vector.load %arg4[%swap3A_134, %swap3A_135] : memref<20x256xf32, #tpu.memory_space<vmem>>, vector<1x256xf32>
      tpu.vector_store %arg4[%swap3A_134, %swap3A_135], %sub3A {strides = array<i32>} : memref<20x256xf32, #tpu.memory_space<vmem>>, vector<1x256xf32>,
      %mul3A_137 = arith.constant 256 : i32
      %mul3A_138 = arith.muli %arg0, %mul3A_137 : i32
      %get3A_139 = arith.index_cast %mul3A_138 : i32 to index
      %get3A_140 = arith.constant 0 : index
      %get3A_141 = vector.load %arg5[%get3A_139, %get3A_140] : memref<5120x1xf32, #tpu.memory_space<vmem>>, vector<256x1xf32>
      %reduce_sum3A_142 = arith.constant dense<0.000000e+00> : vector<256xf32>
      %reduce_sum3A_143 = vector.multi_reduction <add>, %select_n3A_125, %reduce_sum3A_142 [1] : vector<256x256xf32> to vector<256xf32>
      %broadcast_in_dim3A_144 = vector.shape_cast %reduce_sum3A_143 : vector<256xf32> to vector<256x1xf32>
      %add3A_145 = arith.addf %get3A_141, %broadcast_in_dim3A_144 : vector<256x1xf32>
      %mul3A_146 = arith.constant 256 : i32
      %mul3A_147 = arith.muli %arg0, %mul3A_146 : i32
      %swap3A_148 = arith.index_cast %mul3A_147 : i32 to index
      %swap3A_149 = arith.constant 0 : index
      %swap3A_150 = vector.load %arg5[%swap3A_148, %swap3A_149] : memref<5120x1xf32, #tpu.memory_space<vmem>>, vector<256x1xf32>
      tpu.vector_store %arg5[%swap3A_148, %swap3A_149], %add3A_145 {strides = array<i32>} : memref<5120x1xf32, #tpu.memory_space<vmem>>, vector<256x1xf32>,
    } else {
    }
    %lt3A_90 = arith.constant 15 : i32
    %lt3A_91 = arith.cmpi slt, %arg0, %lt3A_90 : i32
    %convert_element_type3A_92 = arith.extui %lt3A_91 : i1 to i32
    %cond3A_93 = arith.constant 0 : i32
    %cond3A_94 = arith.cmpi ne, %convert_element_type3A_92, %cond3A_93 : i32
    scf.if %cond3A_94 {
      %get3A_115 = arith.constant 0 : index
      %get3A_116 = arith.constant 3840 : index
      %get3A_117 = vector.load %arg1[%get3A_115, %get3A_116] : memref<1x5120xf32, #tpu.memory_space<vmem>>, vector<1x256xf32>
      %gt3A_118 = vector.broadcast %get3A_117 : vector<1x256xf32> to vector<256x256xf32>
      %gt3A_119 = vector.broadcast %get3A_3 : vector<256x1xf32> to vector<256x256xf32>
      %gt3A_120 = arith.cmpf ogt, %gt3A_118, %gt3A_119 : vector<256x256xf32>
      %jit3A_121 = arith.constant 1.000000e+00 : f32
      %jit3A_122 = arith.constant 0.000000e+00 : f32
      %broadcast_in_dim3A_123 = vector.broadcast %jit3A_121 : f32 to vector<256x256xf32>
      %broadcast_in_dim3A_124 = vector.broadcast %jit3A_122 : f32 to vector<256x256xf32>
      %select_n3A_125 = arith.select %gt3A_120, %broadcast_in_dim3A_123, %broadcast_in_dim3A_124 : vector<256x256xi1>, vector<256x256xf32>
      %get3A_126 = arith.constant 15 : index
      %get3A_127 = arith.constant 0 : index
      %get3A_128 = vector.load %arg4[%get3A_126, %get3A_127] : memref<20x256xf32, #tpu.memory_space<vmem>>, vector<1x256xf32>
      %add3A = arith.constant 2.560000e+02 : f32
      %add3A_129 = vector.broadcast %add3A : f32 to vector<1x256xf32>
      %add3A_130 = arith.addf %get3A_128, %add3A_129 : vector<1x256xf32>
      %reduce_sum3A_131 = arith.constant dense<0.000000e+00> : vector<256xf32>
      %reduce_sum3A_132 = vector.multi_reduction <add>, %select_n3A_125, %reduce_sum3A_131 [0] : vector<256x256xf32> to vector<256xf32>
      %broadcast_in_dim3A_133 = vector.shape_cast %reduce_sum3A_132 : vector<256xf32> to vector<1x256xf32>
      %sub3A = arith.subf %add3A_130, %broadcast_in_dim3A_133 : vector<1x256xf32>
      %swap3A_134 = arith.constant 15 : index
      %swap3A_135 = arith.constant 0 : index
      %swap3A_136 = vector.load %arg4[%swap3A_134, %swap3A_135] : memref<20x256xf32, #tpu.memory_space<vmem>>, vector<1x256xf32>
      tpu.vector_store %arg4[%swap3A_134, %swap3A_135], %sub3A {strides = array<i32>} : memref<20x256xf32, #tpu.memory_space<vmem>>, vector<1x256xf32>,
      %mul3A_137 = arith.constant 256 : i32
      %mul3A_138 = arith.muli %arg0, %mul3A_137 : i32
      %get3A_139 = arith.index_cast %mul3A_138 : i32 to index
      %get3A_140 = arith.constant 0 : index
      %get3A_141 = vector.load %arg5[%get3A_139, %get3A_140] : memref<5120x1xf32, #tpu.memory_space<vmem>>, vector<256x1xf32>
      %reduce_sum3A_142 = arith.constant dense<0.000000e+00> : vector<256xf32>
      %reduce_sum3A_143 = vector.multi_reduction <add>, %select_n3A_125, %reduce_sum3A_142 [1] : vector<256x256xf32> to vector<256xf32>
      %broadcast_in_dim3A_144 = vector.shape_cast %reduce_sum3A_143 : vector<256xf32> to vector<256x1xf32>
      %add3A_145 = arith.addf %get3A_141, %broadcast_in_dim3A_144 : vector<256x1xf32>
      %mul3A_146 = arith.constant 256 : i32
      %mul3A_147 = arith.muli %arg0, %mul3A_146 : i32
      %swap3A_148 = arith.index_cast %mul3A_147 : i32 to index
      %swap3A_149 = arith.constant 0 : index
      %swap3A_150 = vector.load %arg5[%swap3A_148, %swap3A_149] : memref<5120x1xf32, #tpu.memory_space<vmem>>, vector<256x1xf32>
      tpu.vector_store %arg5[%swap3A_148, %swap3A_149], %add3A_145 {strides = array<i32>} : memref<5120x1xf32, #tpu.memory_space<vmem>>, vector<256x1xf32>,
    } else {
    }
    %lt3A_95 = arith.constant 16 : i32
    %lt3A_96 = arith.cmpi slt, %arg0, %lt3A_95 : i32
    %convert_element_type3A_97 = arith.extui %lt3A_96 : i1 to i32
    %cond3A_98 = arith.constant 0 : i32
    %cond3A_99 = arith.cmpi ne, %convert_element_type3A_97, %cond3A_98 : i32
    scf.if %cond3A_99 {
      %get3A_115 = arith.constant 0 : index
      %get3A_116 = arith.constant 4096 : index
      %get3A_117 = vector.load %arg1[%get3A_115, %get3A_116] : memref<1x5120xf32, #tpu.memory_space<vmem>>, vector<1x256xf32>
      %gt3A_118 = vector.broadcast %get3A_117 : vector<1x256xf32> to vector<256x256xf32>
      %gt3A_119 = vector.broadcast %get3A_3 : vector<256x1xf32> to vector<256x256xf32>
      %gt3A_120 = arith.cmpf ogt, %gt3A_118, %gt3A_119 : vector<256x256xf32>
      %jit3A_121 = arith.constant 1.000000e+00 : f32
      %jit3A_122 = arith.constant 0.000000e+00 : f32
      %broadcast_in_dim3A_123 = vector.broadcast %jit3A_121 : f32 to vector<256x256xf32>
      %broadcast_in_dim3A_124 = vector.broadcast %jit3A_122 : f32 to vector<256x256xf32>
      %select_n3A_125 = arith.select %gt3A_120, %broadcast_in_dim3A_123, %broadcast_in_dim3A_124 : vector<256x256xi1>, vector<256x256xf32>
      %get3A_126 = arith.constant 16 : index
      %get3A_127 = arith.constant 0 : index
      %get3A_128 = vector.load %arg4[%get3A_126, %get3A_127] : memref<20x256xf32, #tpu.memory_space<vmem>>, vector<1x256xf32>
      %add3A = arith.constant 2.560000e+02 : f32
      %add3A_129 = vector.broadcast %add3A : f32 to vector<1x256xf32>
      %add3A_130 = arith.addf %get3A_128, %add3A_129 : vector<1x256xf32>
      %reduce_sum3A_131 = arith.constant dense<0.000000e+00> : vector<256xf32>
      %reduce_sum3A_132 = vector.multi_reduction <add>, %select_n3A_125, %reduce_sum3A_131 [0] : vector<256x256xf32> to vector<256xf32>
      %broadcast_in_dim3A_133 = vector.shape_cast %reduce_sum3A_132 : vector<256xf32> to vector<1x256xf32>
      %sub3A = arith.subf %add3A_130, %broadcast_in_dim3A_133 : vector<1x256xf32>
      %swap3A_134 = arith.constant 16 : index
      %swap3A_135 = arith.constant 0 : index
      %swap3A_136 = vector.load %arg4[%swap3A_134, %swap3A_135] : memref<20x256xf32, #tpu.memory_space<vmem>>, vector<1x256xf32>
      tpu.vector_store %arg4[%swap3A_134, %swap3A_135], %sub3A {strides = array<i32>} : memref<20x256xf32, #tpu.memory_space<vmem>>, vector<1x256xf32>,
      %mul3A_137 = arith.constant 256 : i32
      %mul3A_138 = arith.muli %arg0, %mul3A_137 : i32
      %get3A_139 = arith.index_cast %mul3A_138 : i32 to index
      %get3A_140 = arith.constant 0 : index
      %get3A_141 = vector.load %arg5[%get3A_139, %get3A_140] : memref<5120x1xf32, #tpu.memory_space<vmem>>, vector<256x1xf32>
      %reduce_sum3A_142 = arith.constant dense<0.000000e+00> : vector<256xf32>
      %reduce_sum3A_143 = vector.multi_reduction <add>, %select_n3A_125, %reduce_sum3A_142 [1] : vector<256x256xf32> to vector<256xf32>
      %broadcast_in_dim3A_144 = vector.shape_cast %reduce_sum3A_143 : vector<256xf32> to vector<256x1xf32>
      %add3A_145 = arith.addf %get3A_141, %broadcast_in_dim3A_144 : vector<256x1xf32>
      %mul3A_146 = arith.constant 256 : i32
      %mul3A_147 = arith.muli %arg0, %mul3A_146 : i32
      %swap3A_148 = arith.index_cast %mul3A_147 : i32 to index
      %swap3A_149 = arith.constant 0 : index
      %swap3A_150 = vector.load %arg5[%swap3A_148, %swap3A_149] : memref<5120x1xf32, #tpu.memory_space<vmem>>, vector<256x1xf32>
      tpu.vector_store %arg5[%swap3A_148, %swap3A_149], %add3A_145 {strides = array<i32>} : memref<5120x1xf32, #tpu.memory_space<vmem>>, vector<256x1xf32>,
    } else {
    }
    %lt3A_100 = arith.constant 17 : i32
    %lt3A_101 = arith.cmpi slt, %arg0, %lt3A_100 : i32
    %convert_element_type3A_102 = arith.extui %lt3A_101 : i1 to i32
    %cond3A_103 = arith.constant 0 : i32
    %cond3A_104 = arith.cmpi ne, %convert_element_type3A_102, %cond3A_103 : i32
    scf.if %cond3A_104 {
      %get3A_115 = arith.constant 0 : index
      %get3A_116 = arith.constant 4352 : index
      %get3A_117 = vector.load %arg1[%get3A_115, %get3A_116] : memref<1x5120xf32, #tpu.memory_space<vmem>>, vector<1x256xf32>
      %gt3A_118 = vector.broadcast %get3A_117 : vector<1x256xf32> to vector<256x256xf32>
      %gt3A_119 = vector.broadcast %get3A_3 : vector<256x1xf32> to vector<256x256xf32>
      %gt3A_120 = arith.cmpf ogt, %gt3A_118, %gt3A_119 : vector<256x256xf32>
      %jit3A_121 = arith.constant 1.000000e+00 : f32
      %jit3A_122 = arith.constant 0.000000e+00 : f32
      %broadcast_in_dim3A_123 = vector.broadcast %jit3A_121 : f32 to vector<256x256xf32>
      %broadcast_in_dim3A_124 = vector.broadcast %jit3A_122 : f32 to vector<256x256xf32>
      %select_n3A_125 = arith.select %gt3A_120, %broadcast_in_dim3A_123, %broadcast_in_dim3A_124 : vector<256x256xi1>, vector<256x256xf32>
      %get3A_126 = arith.constant 17 : index
      %get3A_127 = arith.constant 0 : index
      %get3A_128 = vector.load %arg4[%get3A_126, %get3A_127] : memref<20x256xf32, #tpu.memory_space<vmem>>, vector<1x256xf32>
      %add3A = arith.constant 2.560000e+02 : f32
      %add3A_129 = vector.broadcast %add3A : f32 to vector<1x256xf32>
      %add3A_130 = arith.addf %get3A_128, %add3A_129 : vector<1x256xf32>
      %reduce_sum3A_131 = arith.constant dense<0.000000e+00> : vector<256xf32>
      %reduce_sum3A_132 = vector.multi_reduction <add>, %select_n3A_125, %reduce_sum3A_131 [0] : vector<256x256xf32> to vector<256xf32>
      %broadcast_in_dim3A_133 = vector.shape_cast %reduce_sum3A_132 : vector<256xf32> to vector<1x256xf32>
      %sub3A = arith.subf %add3A_130, %broadcast_in_dim3A_133 : vector<1x256xf32>
      %swap3A_134 = arith.constant 17 : index
      %swap3A_135 = arith.constant 0 : index
      %swap3A_136 = vector.load %arg4[%swap3A_134, %swap3A_135] : memref<20x256xf32, #tpu.memory_space<vmem>>, vector<1x256xf32>
      tpu.vector_store %arg4[%swap3A_134, %swap3A_135], %sub3A {strides = array<i32>} : memref<20x256xf32, #tpu.memory_space<vmem>>, vector<1x256xf32>,
      %mul3A_137 = arith.constant 256 : i32
      %mul3A_138 = arith.muli %arg0, %mul3A_137 : i32
      %get3A_139 = arith.index_cast %mul3A_138 : i32 to index
      %get3A_140 = arith.constant 0 : index
      %get3A_141 = vector.load %arg5[%get3A_139, %get3A_140] : memref<5120x1xf32, #tpu.memory_space<vmem>>, vector<256x1xf32>
      %reduce_sum3A_142 = arith.constant dense<0.000000e+00> : vector<256xf32>
      %reduce_sum3A_143 = vector.multi_reduction <add>, %select_n3A_125, %reduce_sum3A_142 [1] : vector<256x256xf32> to vector<256xf32>
      %broadcast_in_dim3A_144 = vector.shape_cast %reduce_sum3A_143 : vector<256xf32> to vector<256x1xf32>
      %add3A_145 = arith.addf %get3A_141, %broadcast_in_dim3A_144 : vector<256x1xf32>
      %mul3A_146 = arith.constant 256 : i32
      %mul3A_147 = arith.muli %arg0, %mul3A_146 : i32
      %swap3A_148 = arith.index_cast %mul3A_147 : i32 to index
      %swap3A_149 = arith.constant 0 : index
      %swap3A_150 = vector.load %arg5[%swap3A_148, %swap3A_149] : memref<5120x1xf32, #tpu.memory_space<vmem>>, vector<256x1xf32>
      tpu.vector_store %arg5[%swap3A_148, %swap3A_149], %add3A_145 {strides = array<i32>} : memref<5120x1xf32, #tpu.memory_space<vmem>>, vector<256x1xf32>,
    } else {
    }
    %lt3A_105 = arith.constant 18 : i32
    %lt3A_106 = arith.cmpi slt, %arg0, %lt3A_105 : i32
    %convert_element_type3A_107 = arith.extui %lt3A_106 : i1 to i32
    %cond3A_108 = arith.constant 0 : i32
    %cond3A_109 = arith.cmpi ne, %convert_element_type3A_107, %cond3A_108 : i32
    scf.if %cond3A_109 {
      %get3A_115 = arith.constant 0 : index
      %get3A_116 = arith.constant 4608 : index
      %get3A_117 = vector.load %arg1[%get3A_115, %get3A_116] : memref<1x5120xf32, #tpu.memory_space<vmem>>, vector<1x256xf32>
      %gt3A_118 = vector.broadcast %get3A_117 : vector<1x256xf32> to vector<256x256xf32>
      %gt3A_119 = vector.broadcast %get3A_3 : vector<256x1xf32> to vector<256x256xf32>
      %gt3A_120 = arith.cmpf ogt, %gt3A_118, %gt3A_119 : vector<256x256xf32>
      %jit3A_121 = arith.constant 1.000000e+00 : f32
      %jit3A_122 = arith.constant 0.000000e+00 : f32
      %broadcast_in_dim3A_123 = vector.broadcast %jit3A_121 : f32 to vector<256x256xf32>
      %broadcast_in_dim3A_124 = vector.broadcast %jit3A_122 : f32 to vector<256x256xf32>
      %select_n3A_125 = arith.select %gt3A_120, %broadcast_in_dim3A_123, %broadcast_in_dim3A_124 : vector<256x256xi1>, vector<256x256xf32>
      %get3A_126 = arith.constant 18 : index
      %get3A_127 = arith.constant 0 : index
      %get3A_128 = vector.load %arg4[%get3A_126, %get3A_127] : memref<20x256xf32, #tpu.memory_space<vmem>>, vector<1x256xf32>
      %add3A = arith.constant 2.560000e+02 : f32
      %add3A_129 = vector.broadcast %add3A : f32 to vector<1x256xf32>
      %add3A_130 = arith.addf %get3A_128, %add3A_129 : vector<1x256xf32>
      %reduce_sum3A_131 = arith.constant dense<0.000000e+00> : vector<256xf32>
      %reduce_sum3A_132 = vector.multi_reduction <add>, %select_n3A_125, %reduce_sum3A_131 [0] : vector<256x256xf32> to vector<256xf32>
      %broadcast_in_dim3A_133 = vector.shape_cast %reduce_sum3A_132 : vector<256xf32> to vector<1x256xf32>
      %sub3A = arith.subf %add3A_130, %broadcast_in_dim3A_133 : vector<1x256xf32>
      %swap3A_134 = arith.constant 18 : index
      %swap3A_135 = arith.constant 0 : index
      %swap3A_136 = vector.load %arg4[%swap3A_134, %swap3A_135] : memref<20x256xf32, #tpu.memory_space<vmem>>, vector<1x256xf32>
      tpu.vector_store %arg4[%swap3A_134, %swap3A_135], %sub3A {strides = array<i32>} : memref<20x256xf32, #tpu.memory_space<vmem>>, vector<1x256xf32>,
      %mul3A_137 = arith.constant 256 : i32
      %mul3A_138 = arith.muli %arg0, %mul3A_137 : i32
      %get3A_139 = arith.index_cast %mul3A_138 : i32 to index
      %get3A_140 = arith.constant 0 : index
      %get3A_141 = vector.load %arg5[%get3A_139, %get3A_140] : memref<5120x1xf32, #tpu.memory_space<vmem>>, vector<256x1xf32>
      %reduce_sum3A_142 = arith.constant dense<0.000000e+00> : vector<256xf32>
      %reduce_sum3A_143 = vector.multi_reduction <add>, %select_n3A_125, %reduce_sum3A_142 [1] : vector<256x256xf32> to vector<256xf32>
      %broadcast_in_dim3A_144 = vector.shape_cast %reduce_sum3A_143 : vector<256xf32> to vector<256x1xf32>
      %add3A_145 = arith.addf %get3A_141, %broadcast_in_dim3A_144 : vector<256x1xf32>
      %mul3A_146 = arith.constant 256 : i32
      %mul3A_147 = arith.muli %arg0, %mul3A_146 : i32
      %swap3A_148 = arith.index_cast %mul3A_147 : i32 to index
      %swap3A_149 = arith.constant 0 : index
      %swap3A_150 = vector.load %arg5[%swap3A_148, %swap3A_149] : memref<5120x1xf32, #tpu.memory_space<vmem>>, vector<256x1xf32>
      tpu.vector_store %arg5[%swap3A_148, %swap3A_149], %add3A_145 {strides = array<i32>} : memref<5120x1xf32, #tpu.memory_space<vmem>>, vector<256x1xf32>,
    } else {
    }
    %lt3A_110 = arith.constant 19 : i32
    %lt3A_111 = arith.cmpi slt, %arg0, %lt3A_110 : i32
    %convert_element_type3A_112 = arith.extui %lt3A_111 : i1 to i32
    %cond3A_113 = arith.constant 0 : i32
    %cond3A_114 = arith.cmpi ne, %convert_element_type3A_112, %cond3A_113 : i32
    scf.if %cond3A_114 {
      %get3A_115 = arith.constant 0 : index
      %get3A_116 = arith.constant 4864 : index
      %get3A_117 = vector.load %arg1[%get3A_115, %get3A_116] : memref<1x5120xf32, #tpu.memory_space<vmem>>, vector<1x256xf32>
      %gt3A_118 = vector.broadcast %get3A_117 : vector<1x256xf32> to vector<256x256xf32>
      %gt3A_119 = vector.broadcast %get3A_3 : vector<256x1xf32> to vector<256x256xf32>
      %gt3A_120 = arith.cmpf ogt, %gt3A_118, %gt3A_119 : vector<256x256xf32>
      %jit3A_121 = arith.constant 1.000000e+00 : f32
      %jit3A_122 = arith.constant 0.000000e+00 : f32
      %broadcast_in_dim3A_123 = vector.broadcast %jit3A_121 : f32 to vector<256x256xf32>
      %broadcast_in_dim3A_124 = vector.broadcast %jit3A_122 : f32 to vector<256x256xf32>
      %select_n3A_125 = arith.select %gt3A_120, %broadcast_in_dim3A_123, %broadcast_in_dim3A_124 : vector<256x256xi1>, vector<256x256xf32>
      %get3A_126 = arith.constant 19 : index
      %get3A_127 = arith.constant 0 : index
      %get3A_128 = vector.load %arg4[%get3A_126, %get3A_127] : memref<20x256xf32, #tpu.memory_space<vmem>>, vector<1x256xf32>
      %add3A = arith.constant 2.560000e+02 : f32
      %add3A_129 = vector.broadcast %add3A : f32 to vector<1x256xf32>
      %add3A_130 = arith.addf %get3A_128, %add3A_129 : vector<1x256xf32>
      %reduce_sum3A_131 = arith.constant dense<0.000000e+00> : vector<256xf32>
      %reduce_sum3A_132 = vector.multi_reduction <add>, %select_n3A_125, %reduce_sum3A_131 [0] : vector<256x256xf32> to vector<256xf32>
      %broadcast_in_dim3A_133 = vector.shape_cast %reduce_sum3A_132 : vector<256xf32> to vector<1x256xf32>
      %sub3A = arith.subf %add3A_130, %broadcast_in_dim3A_133 : vector<1x256xf32>
      %swap3A_134 = arith.constant 19 : index
      %swap3A_135 = arith.constant 0 : index
      %swap3A_136 = vector.load %arg4[%swap3A_134, %swap3A_135] : memref<20x256xf32, #tpu.memory_space<vmem>>, vector<1x256xf32>
      tpu.vector_store %arg4[%swap3A_134, %swap3A_135], %sub3A {strides = array<i32>} : memref<20x256xf32, #tpu.memory_space<vmem>>, vector<1x256xf32>,
      %mul3A_137 = arith.constant 256 : i32
      %mul3A_138 = arith.muli %arg0, %mul3A_137 : i32
      %get3A_139 = arith.index_cast %mul3A_138 : i32 to index
      %get3A_140 = arith.constant 0 : index
      %get3A_141 = vector.load %arg5[%get3A_139, %get3A_140] : memref<5120x1xf32, #tpu.memory_space<vmem>>, vector<256x1xf32>
      %reduce_sum3A_142 = arith.constant dense<0.000000e+00> : vector<256xf32>
      %reduce_sum3A_143 = vector.multi_reduction <add>, %select_n3A_125, %reduce_sum3A_142 [1] : vector<256x256xf32> to vector<256xf32>
      %broadcast_in_dim3A_144 = vector.shape_cast %reduce_sum3A_143 : vector<256xf32> to vector<256x1xf32>
      %add3A_145 = arith.addf %get3A_141, %broadcast_in_dim3A_144 : vector<256x1xf32>
      %mul3A_146 = arith.constant 256 : i32
      %mul3A_147 = arith.muli %arg0, %mul3A_146 : i32
      %swap3A_148 = arith.index_cast %mul3A_147 : i32 to index
      %swap3A_149 = arith.constant 0 : index
      %swap3A_150 = vector.load %arg5[%swap3A_148, %swap3A_149] : memref<5120x1xf32, #tpu.memory_space<vmem>>, vector<256x1xf32>
      tpu.vector_store %arg5[%swap3A_148, %swap3A_149], %add3A_145 {strides = array<i32>} : memref<5120x1xf32, #tpu.memory_space<vmem>>, vector<256x1xf32>,
    } else {
    }
    return
  }
  func.func @transform_0(%arg0: i32) -> (i32, i32) {
    %c0_i32 = arith.constant 0 : i32
    %c0_i32_0 = arith.constant 0 : i32
    %c0_i32_1 = arith.constant 0 : i32
    return %c0_i32, %c0_i32_0 : i32, i32
  }
  func.func @transform_1(%arg0: i32) -> (i32, i32) {
    %c0_i32 = arith.constant 0 : i32
    %c0_i32_0 = arith.constant 0 : i32
    return %arg0, %c0_i32 : i32, i32
  }
  func.func @transform_2(%arg0: i32) -> (i32, i32) {
    %c0_i32 = arith.constant 0 : i32
    %c0_i32_0 = arith.constant 0 : i32
    return %c0_i32, %arg0 : i32, i32
  }
  func.func @transform_3(%arg0: i32) -> (i32, i32) {
    %c0_i32 = arith.constant 0 : i32
    %c0_i32_0 = arith.constant 0 : i32
    %c0_i32_1 = arith.constant 0 : i32
    return %c0_i32, %c0_i32_0 : i32, i32
  }
  func.func @transform_4(%arg0: i32) -> (i32, i32) {
    %c0_i32 = arith.constant 0 : i32
    %c0_i32_0 = arith.constant 0 : i32
    %c0_i32_1 = arith.constant 0 : i32
    return %c0_i32, %c0_i32_0 : i32, i32
  }
}

module attributes {stable_mosaic.version = 14 : i64} {
  func.func @_supp_body(%arg0: i32, %arg1: memref<1xf32, #tpu.memory_space<smem>>, %arg2: memref<5120x5xf32, #tpu.memory_space<vmem>>, %arg3: memref<256x5xf32, #tpu.memory_space<vmem>>, %arg4: memref<5x256xf32, #tpu.memory_space<vmem>>, %arg5: memref<1x1x256xi32, #tpu.memory_space<vmem>>, %arg6: memref<20x256xf32, #tpu.memory_space<vmem>>, %arg7: memref<1x256xf32, #tpu.memory_space<vmem>>, %arg8: memref<1xi32, #tpu.memory_space<smem>>) attributes {dimension_semantics = [#tpu.dimension_semantics<arbitrary>], iteration_bounds = array<i64: 20>, scalar_prefetch = 0 : i64, scratch_operands = 3 : i64, tpu.core_type = #tpu.core_type<tc>, window_params = [{transform_indices = @transform_0, window_bounds = array<i64: 1>}, {pipeline_mode = #tpu.pipeline_mode<synchronous>, transform_indices = @transform_1, window_bounds = array<i64: 5120, 5>}, {transform_indices = @transform_2, window_bounds = array<i64: 256, 5>}, {transform_indices = @transform_3, window_bounds = array<i64: 5, 256>}, {transform_indices = @transform_4, window_bounds = array<i64: 1, 1, 256>}]} {
    %get3A = arith.constant 0 : index
    %get3A_0 = memref.load %arg1[%get3A] : memref<1xf32, #tpu.memory_space<smem>>
    %eq3A = arith.constant 0 : i32
    %eq3A_1 = arith.cmpi eq, %arg0, %eq3A : i32
    %convert_element_type3A = arith.extui %eq3A_1 : i1 to i32
    %cond3A = arith.constant 0 : i32
    %cond3A_2 = arith.cmpi ne, %convert_element_type3A, %cond3A : i32
    scf.if %cond3A_2 {
      %swap3A = arith.constant 0 : i32
      %swap3A_13 = arith.constant 0 : index
      %swap3A_14 = memref.load %arg8[%swap3A_13] : memref<1xi32, #tpu.memory_space<smem>>
      memref.store %swap3A, %arg8[%swap3A_13] : memref<1xi32, #tpu.memory_space<smem>>
    } else {
    }
    %get3A_3 = arith.constant 0 : index
    %get3A_4 = memref.load %arg8[%get3A_3] : memref<1xi32, #tpu.memory_space<smem>>
    %ge3A = arith.constant 1000 : i32
    %ge3A_5 = arith.cmpi sge, %get3A_4, %ge3A : i32
    %convert_element_type3A_6 = arith.extui %ge3A_5 : i1 to i32
    %cond3A_7 = arith.constant 0 : i32
    %cond3A_8 = arith.cmpi ne, %convert_element_type3A_6, %cond3A_7 : i32
    scf.if %cond3A_8 {
      %broadcast_in_dim3A = vector.broadcast %get3A_4 : i32 to vector<1x256xi32>
      %swap3A = arith.constant 0 : index
      %swap3A_13 = arith.constant 0 : index
      %swap3A_14 = arith.constant 0 : index
      %swap3A_15 = vector.load %arg5[%swap3A, %swap3A_13, %swap3A_14] : memref<1x1x256xi32, #tpu.memory_space<vmem>>, vector<1x1x256xi32>
      %swap3A_16 = vector.shape_cast %swap3A_15 : vector<1x1x256xi32> to vector<1x256xi32>
      %swap3A_17 = vector.shape_cast %broadcast_in_dim3A : vector<1x256xi32> to vector<1x1x256xi32>
      tpu.vector_store %arg5[%swap3A, %swap3A_13, %swap3A_14], %swap3A_17 {strides = array<i32>} : memref<1x1x256xi32, #tpu.memory_space<vmem>>, vector<1x1x256xi32>,
    } else {
    }
    %lt3A = arith.constant 1000 : i32
    %lt3A_9 = arith.cmpi slt, %get3A_4, %lt3A : i32
    %convert_element_type3A_10 = arith.extui %lt3A_9 : i1 to i32
    %cond3A_11 = arith.constant 0 : i32
    %cond3A_12 = arith.cmpi ne, %convert_element_type3A_10, %cond3A_11 : i32
    scf.if %cond3A_12 {
      %get3A_13 = arith.constant 0 : index
      %get3A_14 = arith.constant 0 : index
      %get3A_15 = vector.load %arg4[%get3A_13, %get3A_14] : memref<5x256xf32, #tpu.memory_space<vmem>>, vector<1x256xf32>
      %get3A_16 = arith.constant 1 : index
      %get3A_17 = arith.constant 0 : index
      %get3A_18 = vector.load %arg4[%get3A_16, %get3A_17] : memref<5x256xf32, #tpu.memory_space<vmem>>, vector<1x256xf32>
      %get3A_19 = arith.constant 2 : index
      %get3A_20 = arith.constant 0 : index
      %get3A_21 = vector.load %arg4[%get3A_19, %get3A_20] : memref<5x256xf32, #tpu.memory_space<vmem>>, vector<1x256xf32>
      %get3A_22 = arith.constant 3 : index
      %get3A_23 = arith.constant 0 : index
      %get3A_24 = vector.load %arg4[%get3A_22, %get3A_23] : memref<5x256xf32, #tpu.memory_space<vmem>>, vector<1x256xf32>
      %get3A_25 = arith.constant 4 : index
      %get3A_26 = arith.constant 0 : index
      %get3A_27 = vector.load %arg4[%get3A_25, %get3A_26] : memref<5x256xf32, #tpu.memory_space<vmem>>, vector<1x256xf32>
      %broadcast_in_dim3A = arith.constant 0.000000e+00 : f32
      %broadcast_in_dim3A_28 = vector.broadcast %broadcast_in_dim3A : f32 to vector<1x256xf32>
      %swap3A = arith.constant 0 : index
      %swap3A_29 = arith.constant 0 : index
      %swap3A_30 = vector.load %arg7[%swap3A, %swap3A_29] : memref<1x256xf32, #tpu.memory_space<vmem>>, vector<1x256xf32>
      tpu.vector_store %arg7[%swap3A, %swap3A_29], %broadcast_in_dim3A_28 {strides = array<i32>} : memref<1x256xf32, #tpu.memory_space<vmem>>, vector<1x256xf32>,
      %gt3A = arith.constant 0 : i32
      %gt3A_31 = arith.cmpi sgt, %arg0, %gt3A : i32
      %convert_element_type3A_32 = arith.extui %gt3A_31 : i1 to i32
      %cond3A_33 = arith.constant 0 : i32
      %cond3A_34 = arith.cmpi ne, %convert_element_type3A_32, %cond3A_33 : i32
      scf.if %cond3A_34 {
        %get3A_221 = arith.constant 0 : index
        %get3A_222 = arith.constant 0 : index
        %get3A_223 = vector.load %arg2[%get3A_221, %get3A_222] : memref<5120x5xf32, #tpu.memory_space<vmem>>, vector<256x1xf32>
        %get3A_224 = arith.constant 0 : index
        %get3A_225 = arith.constant 1 : index
        %get3A_226 = vector.load %arg2[%get3A_224, %get3A_225] : memref<5120x5xf32, #tpu.memory_space<vmem>>, vector<256x1xf32>
        %get3A_227 = arith.constant 0 : index
        %get3A_228 = arith.constant 2 : index
        %get3A_229 = vector.load %arg2[%get3A_227, %get3A_228] : memref<5120x5xf32, #tpu.memory_space<vmem>>, vector<256x1xf32>
        %get3A_230 = arith.constant 0 : index
        %get3A_231 = arith.constant 3 : index
        %get3A_232 = vector.load %arg2[%get3A_230, %get3A_231] : memref<5120x5xf32, #tpu.memory_space<vmem>>, vector<256x1xf32>
        %get3A_233 = arith.constant 0 : index
        %get3A_234 = arith.constant 4 : index
        %get3A_235 = vector.load %arg2[%get3A_233, %get3A_234] : memref<5120x5xf32, #tpu.memory_space<vmem>>, vector<256x1xf32>
        %max3A_236 = vector.broadcast %get3A_223 : vector<256x1xf32> to vector<256x256xf32>
        %max3A_237 = vector.broadcast %get3A_15 : vector<1x256xf32> to vector<256x256xf32>
        %max3A_238 = arith.maximumf %max3A_236, %max3A_237 : vector<256x256xf32>
        %max3A_239 = vector.broadcast %get3A_226 : vector<256x1xf32> to vector<256x256xf32>
        %max3A_240 = vector.broadcast %get3A_18 : vector<1x256xf32> to vector<256x256xf32>
        %max3A_241 = arith.maximumf %max3A_239, %max3A_240 : vector<256x256xf32>
        %min3A_242 = vector.broadcast %get3A_229 : vector<256x1xf32> to vector<256x256xf32>
        %min3A_243 = vector.broadcast %get3A_21 : vector<1x256xf32> to vector<256x256xf32>
        %min3A_244 = arith.minimumf %min3A_242, %min3A_243 : vector<256x256xf32>
        %min3A_245 = vector.broadcast %get3A_232 : vector<256x1xf32> to vector<256x256xf32>
        %min3A_246 = vector.broadcast %get3A_24 : vector<1x256xf32> to vector<256x256xf32>
        %min3A_247 = arith.minimumf %min3A_245, %min3A_246 : vector<256x256xf32>
        %sub3A_248 = arith.subf %min3A_244, %max3A_238 : vector<256x256xf32>
        %jit3A_249 = arith.constant 0.000000e+00 : f32
        %max3A_250 = vector.broadcast %jit3A_249 : f32 to vector<256x256xf32>
        %max3A_251 = arith.maximumf %max3A_250, %sub3A_248 : vector<256x256xf32>
        %sub3A_252 = arith.subf %min3A_247, %max3A_241 : vector<256x256xf32>
        %jit3A_253 = arith.constant 0.000000e+00 : f32
        %max3A_254 = vector.broadcast %jit3A_253 : f32 to vector<256x256xf32>
        %max3A_255 = arith.maximumf %max3A_254, %sub3A_252 : vector<256x256xf32>
        %mul3A_256 = arith.mulf %max3A_251, %max3A_255 : vector<256x256xf32>
        %add3A_257 = vector.broadcast %get3A_235 : vector<256x1xf32> to vector<256x256xf32>
        %add3A_258 = vector.broadcast %get3A_27 : vector<1x256xf32> to vector<256x256xf32>
        %add3A_259 = arith.addf %add3A_257, %add3A_258 : vector<256x256xf32>
        %sub3A_260 = arith.subf %add3A_259, %mul3A_256 : vector<256x256xf32>
        %add3A_261 = arith.constant 9.99999971E-10 : f32
        %add3A_262 = vector.broadcast %add3A_261 : f32 to vector<256x256xf32>
        %add3A_263 = arith.addf %sub3A_260, %add3A_262 : vector<256x256xf32>
        %div3A_264 = arith.divf %mul3A_256, %add3A_263 : vector<256x256xf32>
        %gt3A_265 = vector.broadcast %get3A_0 : f32 to vector<256x256xf32>
        %gt3A_266 = arith.cmpf ogt, %div3A_264, %gt3A_265 : vector<256x256xf32>
        %jit3A_267 = arith.constant 1.000000e+00 : f32
        %jit3A_268 = arith.constant 0.000000e+00 : f32
        %broadcast_in_dim3A_269 = vector.broadcast %jit3A_267 : f32 to vector<256x256xf32>
        %broadcast_in_dim3A_270 = vector.broadcast %jit3A_268 : f32 to vector<256x256xf32>
        %select_n3A_271 = arith.select %gt3A_266, %broadcast_in_dim3A_269, %broadcast_in_dim3A_270 : vector<256x256xi1>, vector<256x256xf32>
        %get3A_272 = arith.constant 0 : index
        %get3A_273 = arith.constant 0 : index
        %get3A_274 = vector.load %arg6[%get3A_272, %get3A_273] : memref<20x256xf32, #tpu.memory_space<vmem>>, vector<1x256xf32>
        %dot_general3A_275 = arith.constant dense<0.000000e+00> : vector<1x256xf32>
        %dot_general3A_276 = tpu.matmul %get3A_274, %select_n3A_271, %dot_general3A_275 {dimension_numbers = #tpu.dot_dimension_numbers<[1], [0], [0], [1], [0, 0, 1, 1], [], []>, transpose_lhs_hint = false} : vector<1x256xf32>, vector<256x256xf32>, vector<1x256xf32> -> vector<1x256xf32>
        %get3A_277 = arith.constant 0 : index
        %get3A_278 = arith.constant 0 : index
        %get3A_279 = vector.load %arg7[%get3A_277, %get3A_278] : memref<1x256xf32, #tpu.memory_space<vmem>>, vector<1x256xf32>
        %max3A_280 = arith.maximumf %get3A_279, %dot_general3A_276 : vector<1x256xf32>
        %swap3A_281 = arith.constant 0 : index
        %swap3A_282 = arith.constant 0 : index
        %swap3A_283 = vector.load %arg7[%swap3A_281, %swap3A_282] : memref<1x256xf32, #tpu.memory_space<vmem>>, vector<1x256xf32>
        tpu.vector_store %arg7[%swap3A_281, %swap3A_282], %max3A_280 {strides = array<i32>} : memref<1x256xf32, #tpu.memory_space<vmem>>, vector<1x256xf32>,
      } else {
      }
      %gt3A_35 = arith.constant 1 : i32
      %gt3A_36 = arith.cmpi sgt, %arg0, %gt3A_35 : i32
      %convert_element_type3A_37 = arith.extui %gt3A_36 : i1 to i32
      %cond3A_38 = arith.constant 0 : i32
      %cond3A_39 = arith.cmpi ne, %convert_element_type3A_37, %cond3A_38 : i32
      scf.if %cond3A_39 {
        %get3A_221 = arith.constant 256 : index
        %get3A_222 = arith.constant 0 : index
        %get3A_223 = vector.load %arg2[%get3A_221, %get3A_222] : memref<5120x5xf32, #tpu.memory_space<vmem>>, vector<256x1xf32>
        %get3A_224 = arith.constant 256 : index
        %get3A_225 = arith.constant 1 : index
        %get3A_226 = vector.load %arg2[%get3A_224, %get3A_225] : memref<5120x5xf32, #tpu.memory_space<vmem>>, vector<256x1xf32>
        %get3A_227 = arith.constant 256 : index
        %get3A_228 = arith.constant 2 : index
        %get3A_229 = vector.load %arg2[%get3A_227, %get3A_228] : memref<5120x5xf32, #tpu.memory_space<vmem>>, vector<256x1xf32>
        %get3A_230 = arith.constant 256 : index
        %get3A_231 = arith.constant 3 : index
        %get3A_232 = vector.load %arg2[%get3A_230, %get3A_231] : memref<5120x5xf32, #tpu.memory_space<vmem>>, vector<256x1xf32>
        %get3A_233 = arith.constant 256 : index
        %get3A_234 = arith.constant 4 : index
        %get3A_235 = vector.load %arg2[%get3A_233, %get3A_234] : memref<5120x5xf32, #tpu.memory_space<vmem>>, vector<256x1xf32>
        %max3A_236 = vector.broadcast %get3A_223 : vector<256x1xf32> to vector<256x256xf32>
        %max3A_237 = vector.broadcast %get3A_15 : vector<1x256xf32> to vector<256x256xf32>
        %max3A_238 = arith.maximumf %max3A_236, %max3A_237 : vector<256x256xf32>
        %max3A_239 = vector.broadcast %get3A_226 : vector<256x1xf32> to vector<256x256xf32>
        %max3A_240 = vector.broadcast %get3A_18 : vector<1x256xf32> to vector<256x256xf32>
        %max3A_241 = arith.maximumf %max3A_239, %max3A_240 : vector<256x256xf32>
        %min3A_242 = vector.broadcast %get3A_229 : vector<256x1xf32> to vector<256x256xf32>
        %min3A_243 = vector.broadcast %get3A_21 : vector<1x256xf32> to vector<256x256xf32>
        %min3A_244 = arith.minimumf %min3A_242, %min3A_243 : vector<256x256xf32>
        %min3A_245 = vector.broadcast %get3A_232 : vector<256x1xf32> to vector<256x256xf32>
        %min3A_246 = vector.broadcast %get3A_24 : vector<1x256xf32> to vector<256x256xf32>
        %min3A_247 = arith.minimumf %min3A_245, %min3A_246 : vector<256x256xf32>
        %sub3A_248 = arith.subf %min3A_244, %max3A_238 : vector<256x256xf32>
        %jit3A_249 = arith.constant 0.000000e+00 : f32
        %max3A_250 = vector.broadcast %jit3A_249 : f32 to vector<256x256xf32>
        %max3A_251 = arith.maximumf %max3A_250, %sub3A_248 : vector<256x256xf32>
        %sub3A_252 = arith.subf %min3A_247, %max3A_241 : vector<256x256xf32>
        %jit3A_253 = arith.constant 0.000000e+00 : f32
        %max3A_254 = vector.broadcast %jit3A_253 : f32 to vector<256x256xf32>
        %max3A_255 = arith.maximumf %max3A_254, %sub3A_252 : vector<256x256xf32>
        %mul3A_256 = arith.mulf %max3A_251, %max3A_255 : vector<256x256xf32>
        %add3A_257 = vector.broadcast %get3A_235 : vector<256x1xf32> to vector<256x256xf32>
        %add3A_258 = vector.broadcast %get3A_27 : vector<1x256xf32> to vector<256x256xf32>
        %add3A_259 = arith.addf %add3A_257, %add3A_258 : vector<256x256xf32>
        %sub3A_260 = arith.subf %add3A_259, %mul3A_256 : vector<256x256xf32>
        %add3A_261 = arith.constant 9.99999971E-10 : f32
        %add3A_262 = vector.broadcast %add3A_261 : f32 to vector<256x256xf32>
        %add3A_263 = arith.addf %sub3A_260, %add3A_262 : vector<256x256xf32>
        %div3A_264 = arith.divf %mul3A_256, %add3A_263 : vector<256x256xf32>
        %gt3A_265 = vector.broadcast %get3A_0 : f32 to vector<256x256xf32>
        %gt3A_266 = arith.cmpf ogt, %div3A_264, %gt3A_265 : vector<256x256xf32>
        %jit3A_267 = arith.constant 1.000000e+00 : f32
        %jit3A_268 = arith.constant 0.000000e+00 : f32
        %broadcast_in_dim3A_269 = vector.broadcast %jit3A_267 : f32 to vector<256x256xf32>
        %broadcast_in_dim3A_270 = vector.broadcast %jit3A_268 : f32 to vector<256x256xf32>
        %select_n3A_271 = arith.select %gt3A_266, %broadcast_in_dim3A_269, %broadcast_in_dim3A_270 : vector<256x256xi1>, vector<256x256xf32>
        %get3A_272 = arith.constant 1 : index
        %get3A_273 = arith.constant 0 : index
        %get3A_274 = vector.load %arg6[%get3A_272, %get3A_273] : memref<20x256xf32, #tpu.memory_space<vmem>>, vector<1x256xf32>
        %dot_general3A_275 = arith.constant dense<0.000000e+00> : vector<1x256xf32>
        %dot_general3A_276 = tpu.matmul %get3A_274, %select_n3A_271, %dot_general3A_275 {dimension_numbers = #tpu.dot_dimension_numbers<[1], [0], [0], [1], [0, 0, 1, 1], [], []>, transpose_lhs_hint = false} : vector<1x256xf32>, vector<256x256xf32>, vector<1x256xf32> -> vector<1x256xf32>
        %get3A_277 = arith.constant 0 : index
        %get3A_278 = arith.constant 0 : index
        %get3A_279 = vector.load %arg7[%get3A_277, %get3A_278] : memref<1x256xf32, #tpu.memory_space<vmem>>, vector<1x256xf32>
        %max3A_280 = arith.maximumf %get3A_279, %dot_general3A_276 : vector<1x256xf32>
        %swap3A_281 = arith.constant 0 : index
        %swap3A_282 = arith.constant 0 : index
        %swap3A_283 = vector.load %arg7[%swap3A_281, %swap3A_282] : memref<1x256xf32, #tpu.memory_space<vmem>>, vector<1x256xf32>
        tpu.vector_store %arg7[%swap3A_281, %swap3A_282], %max3A_280 {strides = array<i32>} : memref<1x256xf32, #tpu.memory_space<vmem>>, vector<1x256xf32>,
      } else {
      }
      %gt3A_40 = arith.constant 2 : i32
      %gt3A_41 = arith.cmpi sgt, %arg0, %gt3A_40 : i32
      %convert_element_type3A_42 = arith.extui %gt3A_41 : i1 to i32
      %cond3A_43 = arith.constant 0 : i32
      %cond3A_44 = arith.cmpi ne, %convert_element_type3A_42, %cond3A_43 : i32
      scf.if %cond3A_44 {
        %get3A_221 = arith.constant 512 : index
        %get3A_222 = arith.constant 0 : index
        %get3A_223 = vector.load %arg2[%get3A_221, %get3A_222] : memref<5120x5xf32, #tpu.memory_space<vmem>>, vector<256x1xf32>
        %get3A_224 = arith.constant 512 : index
        %get3A_225 = arith.constant 1 : index
        %get3A_226 = vector.load %arg2[%get3A_224, %get3A_225] : memref<5120x5xf32, #tpu.memory_space<vmem>>, vector<256x1xf32>
        %get3A_227 = arith.constant 512 : index
        %get3A_228 = arith.constant 2 : index
        %get3A_229 = vector.load %arg2[%get3A_227, %get3A_228] : memref<5120x5xf32, #tpu.memory_space<vmem>>, vector<256x1xf32>
        %get3A_230 = arith.constant 512 : index
        %get3A_231 = arith.constant 3 : index
        %get3A_232 = vector.load %arg2[%get3A_230, %get3A_231] : memref<5120x5xf32, #tpu.memory_space<vmem>>, vector<256x1xf32>
        %get3A_233 = arith.constant 512 : index
        %get3A_234 = arith.constant 4 : index
        %get3A_235 = vector.load %arg2[%get3A_233, %get3A_234] : memref<5120x5xf32, #tpu.memory_space<vmem>>, vector<256x1xf32>
        %max3A_236 = vector.broadcast %get3A_223 : vector<256x1xf32> to vector<256x256xf32>
        %max3A_237 = vector.broadcast %get3A_15 : vector<1x256xf32> to vector<256x256xf32>
        %max3A_238 = arith.maximumf %max3A_236, %max3A_237 : vector<256x256xf32>
        %max3A_239 = vector.broadcast %get3A_226 : vector<256x1xf32> to vector<256x256xf32>
        %max3A_240 = vector.broadcast %get3A_18 : vector<1x256xf32> to vector<256x256xf32>
        %max3A_241 = arith.maximumf %max3A_239, %max3A_240 : vector<256x256xf32>
        %min3A_242 = vector.broadcast %get3A_229 : vector<256x1xf32> to vector<256x256xf32>
        %min3A_243 = vector.broadcast %get3A_21 : vector<1x256xf32> to vector<256x256xf32>
        %min3A_244 = arith.minimumf %min3A_242, %min3A_243 : vector<256x256xf32>
        %min3A_245 = vector.broadcast %get3A_232 : vector<256x1xf32> to vector<256x256xf32>
        %min3A_246 = vector.broadcast %get3A_24 : vector<1x256xf32> to vector<256x256xf32>
        %min3A_247 = arith.minimumf %min3A_245, %min3A_246 : vector<256x256xf32>
        %sub3A_248 = arith.subf %min3A_244, %max3A_238 : vector<256x256xf32>
        %jit3A_249 = arith.constant 0.000000e+00 : f32
        %max3A_250 = vector.broadcast %jit3A_249 : f32 to vector<256x256xf32>
        %max3A_251 = arith.maximumf %max3A_250, %sub3A_248 : vector<256x256xf32>
        %sub3A_252 = arith.subf %min3A_247, %max3A_241 : vector<256x256xf32>
        %jit3A_253 = arith.constant 0.000000e+00 : f32
        %max3A_254 = vector.broadcast %jit3A_253 : f32 to vector<256x256xf32>
        %max3A_255 = arith.maximumf %max3A_254, %sub3A_252 : vector<256x256xf32>
        %mul3A_256 = arith.mulf %max3A_251, %max3A_255 : vector<256x256xf32>
        %add3A_257 = vector.broadcast %get3A_235 : vector<256x1xf32> to vector<256x256xf32>
        %add3A_258 = vector.broadcast %get3A_27 : vector<1x256xf32> to vector<256x256xf32>
        %add3A_259 = arith.addf %add3A_257, %add3A_258 : vector<256x256xf32>
        %sub3A_260 = arith.subf %add3A_259, %mul3A_256 : vector<256x256xf32>
        %add3A_261 = arith.constant 9.99999971E-10 : f32
        %add3A_262 = vector.broadcast %add3A_261 : f32 to vector<256x256xf32>
        %add3A_263 = arith.addf %sub3A_260, %add3A_262 : vector<256x256xf32>
        %div3A_264 = arith.divf %mul3A_256, %add3A_263 : vector<256x256xf32>
        %gt3A_265 = vector.broadcast %get3A_0 : f32 to vector<256x256xf32>
        %gt3A_266 = arith.cmpf ogt, %div3A_264, %gt3A_265 : vector<256x256xf32>
        %jit3A_267 = arith.constant 1.000000e+00 : f32
        %jit3A_268 = arith.constant 0.000000e+00 : f32
        %broadcast_in_dim3A_269 = vector.broadcast %jit3A_267 : f32 to vector<256x256xf32>
        %broadcast_in_dim3A_270 = vector.broadcast %jit3A_268 : f32 to vector<256x256xf32>
        %select_n3A_271 = arith.select %gt3A_266, %broadcast_in_dim3A_269, %broadcast_in_dim3A_270 : vector<256x256xi1>, vector<256x256xf32>
        %get3A_272 = arith.constant 2 : index
        %get3A_273 = arith.constant 0 : index
        %get3A_274 = vector.load %arg6[%get3A_272, %get3A_273] : memref<20x256xf32, #tpu.memory_space<vmem>>, vector<1x256xf32>
        %dot_general3A_275 = arith.constant dense<0.000000e+00> : vector<1x256xf32>
        %dot_general3A_276 = tpu.matmul %get3A_274, %select_n3A_271, %dot_general3A_275 {dimension_numbers = #tpu.dot_dimension_numbers<[1], [0], [0], [1], [0, 0, 1, 1], [], []>, transpose_lhs_hint = false} : vector<1x256xf32>, vector<256x256xf32>, vector<1x256xf32> -> vector<1x256xf32>
        %get3A_277 = arith.constant 0 : index
        %get3A_278 = arith.constant 0 : index
        %get3A_279 = vector.load %arg7[%get3A_277, %get3A_278] : memref<1x256xf32, #tpu.memory_space<vmem>>, vector<1x256xf32>
        %max3A_280 = arith.maximumf %get3A_279, %dot_general3A_276 : vector<1x256xf32>
        %swap3A_281 = arith.constant 0 : index
        %swap3A_282 = arith.constant 0 : index
        %swap3A_283 = vector.load %arg7[%swap3A_281, %swap3A_282] : memref<1x256xf32, #tpu.memory_space<vmem>>, vector<1x256xf32>
        tpu.vector_store %arg7[%swap3A_281, %swap3A_282], %max3A_280 {strides = array<i32>} : memref<1x256xf32, #tpu.memory_space<vmem>>, vector<1x256xf32>,
      } else {
      }
      %gt3A_45 = arith.constant 3 : i32
      %gt3A_46 = arith.cmpi sgt, %arg0, %gt3A_45 : i32
      %convert_element_type3A_47 = arith.extui %gt3A_46 : i1 to i32
      %cond3A_48 = arith.constant 0 : i32
      %cond3A_49 = arith.cmpi ne, %convert_element_type3A_47, %cond3A_48 : i32
      scf.if %cond3A_49 {
        %get3A_221 = arith.constant 768 : index
        %get3A_222 = arith.constant 0 : index
        %get3A_223 = vector.load %arg2[%get3A_221, %get3A_222] : memref<5120x5xf32, #tpu.memory_space<vmem>>, vector<256x1xf32>
        %get3A_224 = arith.constant 768 : index
        %get3A_225 = arith.constant 1 : index
        %get3A_226 = vector.load %arg2[%get3A_224, %get3A_225] : memref<5120x5xf32, #tpu.memory_space<vmem>>, vector<256x1xf32>
        %get3A_227 = arith.constant 768 : index
        %get3A_228 = arith.constant 2 : index
        %get3A_229 = vector.load %arg2[%get3A_227, %get3A_228] : memref<5120x5xf32, #tpu.memory_space<vmem>>, vector<256x1xf32>
        %get3A_230 = arith.constant 768 : index
        %get3A_231 = arith.constant 3 : index
        %get3A_232 = vector.load %arg2[%get3A_230, %get3A_231] : memref<5120x5xf32, #tpu.memory_space<vmem>>, vector<256x1xf32>
        %get3A_233 = arith.constant 768 : index
        %get3A_234 = arith.constant 4 : index
        %get3A_235 = vector.load %arg2[%get3A_233, %get3A_234] : memref<5120x5xf32, #tpu.memory_space<vmem>>, vector<256x1xf32>
        %max3A_236 = vector.broadcast %get3A_223 : vector<256x1xf32> to vector<256x256xf32>
        %max3A_237 = vector.broadcast %get3A_15 : vector<1x256xf32> to vector<256x256xf32>
        %max3A_238 = arith.maximumf %max3A_236, %max3A_237 : vector<256x256xf32>
        %max3A_239 = vector.broadcast %get3A_226 : vector<256x1xf32> to vector<256x256xf32>
        %max3A_240 = vector.broadcast %get3A_18 : vector<1x256xf32> to vector<256x256xf32>
        %max3A_241 = arith.maximumf %max3A_239, %max3A_240 : vector<256x256xf32>
        %min3A_242 = vector.broadcast %get3A_229 : vector<256x1xf32> to vector<256x256xf32>
        %min3A_243 = vector.broadcast %get3A_21 : vector<1x256xf32> to vector<256x256xf32>
        %min3A_244 = arith.minimumf %min3A_242, %min3A_243 : vector<256x256xf32>
        %min3A_245 = vector.broadcast %get3A_232 : vector<256x1xf32> to vector<256x256xf32>
        %min3A_246 = vector.broadcast %get3A_24 : vector<1x256xf32> to vector<256x256xf32>
        %min3A_247 = arith.minimumf %min3A_245, %min3A_246 : vector<256x256xf32>
        %sub3A_248 = arith.subf %min3A_244, %max3A_238 : vector<256x256xf32>
        %jit3A_249 = arith.constant 0.000000e+00 : f32
        %max3A_250 = vector.broadcast %jit3A_249 : f32 to vector<256x256xf32>
        %max3A_251 = arith.maximumf %max3A_250, %sub3A_248 : vector<256x256xf32>
        %sub3A_252 = arith.subf %min3A_247, %max3A_241 : vector<256x256xf32>
        %jit3A_253 = arith.constant 0.000000e+00 : f32
        %max3A_254 = vector.broadcast %jit3A_253 : f32 to vector<256x256xf32>
        %max3A_255 = arith.maximumf %max3A_254, %sub3A_252 : vector<256x256xf32>
        %mul3A_256 = arith.mulf %max3A_251, %max3A_255 : vector<256x256xf32>
        %add3A_257 = vector.broadcast %get3A_235 : vector<256x1xf32> to vector<256x256xf32>
        %add3A_258 = vector.broadcast %get3A_27 : vector<1x256xf32> to vector<256x256xf32>
        %add3A_259 = arith.addf %add3A_257, %add3A_258 : vector<256x256xf32>
        %sub3A_260 = arith.subf %add3A_259, %mul3A_256 : vector<256x256xf32>
        %add3A_261 = arith.constant 9.99999971E-10 : f32
        %add3A_262 = vector.broadcast %add3A_261 : f32 to vector<256x256xf32>
        %add3A_263 = arith.addf %sub3A_260, %add3A_262 : vector<256x256xf32>
        %div3A_264 = arith.divf %mul3A_256, %add3A_263 : vector<256x256xf32>
        %gt3A_265 = vector.broadcast %get3A_0 : f32 to vector<256x256xf32>
        %gt3A_266 = arith.cmpf ogt, %div3A_264, %gt3A_265 : vector<256x256xf32>
        %jit3A_267 = arith.constant 1.000000e+00 : f32
        %jit3A_268 = arith.constant 0.000000e+00 : f32
        %broadcast_in_dim3A_269 = vector.broadcast %jit3A_267 : f32 to vector<256x256xf32>
        %broadcast_in_dim3A_270 = vector.broadcast %jit3A_268 : f32 to vector<256x256xf32>
        %select_n3A_271 = arith.select %gt3A_266, %broadcast_in_dim3A_269, %broadcast_in_dim3A_270 : vector<256x256xi1>, vector<256x256xf32>
        %get3A_272 = arith.constant 3 : index
        %get3A_273 = arith.constant 0 : index
        %get3A_274 = vector.load %arg6[%get3A_272, %get3A_273] : memref<20x256xf32, #tpu.memory_space<vmem>>, vector<1x256xf32>
        %dot_general3A_275 = arith.constant dense<0.000000e+00> : vector<1x256xf32>
        %dot_general3A_276 = tpu.matmul %get3A_274, %select_n3A_271, %dot_general3A_275 {dimension_numbers = #tpu.dot_dimension_numbers<[1], [0], [0], [1], [0, 0, 1, 1], [], []>, transpose_lhs_hint = false} : vector<1x256xf32>, vector<256x256xf32>, vector<1x256xf32> -> vector<1x256xf32>
        %get3A_277 = arith.constant 0 : index
        %get3A_278 = arith.constant 0 : index
        %get3A_279 = vector.load %arg7[%get3A_277, %get3A_278] : memref<1x256xf32, #tpu.memory_space<vmem>>, vector<1x256xf32>
        %max3A_280 = arith.maximumf %get3A_279, %dot_general3A_276 : vector<1x256xf32>
        %swap3A_281 = arith.constant 0 : index
        %swap3A_282 = arith.constant 0 : index
        %swap3A_283 = vector.load %arg7[%swap3A_281, %swap3A_282] : memref<1x256xf32, #tpu.memory_space<vmem>>, vector<1x256xf32>
        tpu.vector_store %arg7[%swap3A_281, %swap3A_282], %max3A_280 {strides = array<i32>} : memref<1x256xf32, #tpu.memory_space<vmem>>, vector<1x256xf32>,
      } else {
      }
      %gt3A_50 = arith.constant 4 : i32
      %gt3A_51 = arith.cmpi sgt, %arg0, %gt3A_50 : i32
      %convert_element_type3A_52 = arith.extui %gt3A_51 : i1 to i32
      %cond3A_53 = arith.constant 0 : i32
      %cond3A_54 = arith.cmpi ne, %convert_element_type3A_52, %cond3A_53 : i32
      scf.if %cond3A_54 {
        %get3A_221 = arith.constant 1024 : index
        %get3A_222 = arith.constant 0 : index
        %get3A_223 = vector.load %arg2[%get3A_221, %get3A_222] : memref<5120x5xf32, #tpu.memory_space<vmem>>, vector<256x1xf32>
        %get3A_224 = arith.constant 1024 : index
        %get3A_225 = arith.constant 1 : index
        %get3A_226 = vector.load %arg2[%get3A_224, %get3A_225] : memref<5120x5xf32, #tpu.memory_space<vmem>>, vector<256x1xf32>
        %get3A_227 = arith.constant 1024 : index
        %get3A_228 = arith.constant 2 : index
        %get3A_229 = vector.load %arg2[%get3A_227, %get3A_228] : memref<5120x5xf32, #tpu.memory_space<vmem>>, vector<256x1xf32>
        %get3A_230 = arith.constant 1024 : index
        %get3A_231 = arith.constant 3 : index
        %get3A_232 = vector.load %arg2[%get3A_230, %get3A_231] : memref<5120x5xf32, #tpu.memory_space<vmem>>, vector<256x1xf32>
        %get3A_233 = arith.constant 1024 : index
        %get3A_234 = arith.constant 4 : index
        %get3A_235 = vector.load %arg2[%get3A_233, %get3A_234] : memref<5120x5xf32, #tpu.memory_space<vmem>>, vector<256x1xf32>
        %max3A_236 = vector.broadcast %get3A_223 : vector<256x1xf32> to vector<256x256xf32>
        %max3A_237 = vector.broadcast %get3A_15 : vector<1x256xf32> to vector<256x256xf32>
        %max3A_238 = arith.maximumf %max3A_236, %max3A_237 : vector<256x256xf32>
        %max3A_239 = vector.broadcast %get3A_226 : vector<256x1xf32> to vector<256x256xf32>
        %max3A_240 = vector.broadcast %get3A_18 : vector<1x256xf32> to vector<256x256xf32>
        %max3A_241 = arith.maximumf %max3A_239, %max3A_240 : vector<256x256xf32>
        %min3A_242 = vector.broadcast %get3A_229 : vector<256x1xf32> to vector<256x256xf32>
        %min3A_243 = vector.broadcast %get3A_21 : vector<1x256xf32> to vector<256x256xf32>
        %min3A_244 = arith.minimumf %min3A_242, %min3A_243 : vector<256x256xf32>
        %min3A_245 = vector.broadcast %get3A_232 : vector<256x1xf32> to vector<256x256xf32>
        %min3A_246 = vector.broadcast %get3A_24 : vector<1x256xf32> to vector<256x256xf32>
        %min3A_247 = arith.minimumf %min3A_245, %min3A_246 : vector<256x256xf32>
        %sub3A_248 = arith.subf %min3A_244, %max3A_238 : vector<256x256xf32>
        %jit3A_249 = arith.constant 0.000000e+00 : f32
        %max3A_250 = vector.broadcast %jit3A_249 : f32 to vector<256x256xf32>
        %max3A_251 = arith.maximumf %max3A_250, %sub3A_248 : vector<256x256xf32>
        %sub3A_252 = arith.subf %min3A_247, %max3A_241 : vector<256x256xf32>
        %jit3A_253 = arith.constant 0.000000e+00 : f32
        %max3A_254 = vector.broadcast %jit3A_253 : f32 to vector<256x256xf32>
        %max3A_255 = arith.maximumf %max3A_254, %sub3A_252 : vector<256x256xf32>
        %mul3A_256 = arith.mulf %max3A_251, %max3A_255 : vector<256x256xf32>
        %add3A_257 = vector.broadcast %get3A_235 : vector<256x1xf32> to vector<256x256xf32>
        %add3A_258 = vector.broadcast %get3A_27 : vector<1x256xf32> to vector<256x256xf32>
        %add3A_259 = arith.addf %add3A_257, %add3A_258 : vector<256x256xf32>
        %sub3A_260 = arith.subf %add3A_259, %mul3A_256 : vector<256x256xf32>
        %add3A_261 = arith.constant 9.99999971E-10 : f32
        %add3A_262 = vector.broadcast %add3A_261 : f32 to vector<256x256xf32>
        %add3A_263 = arith.addf %sub3A_260, %add3A_262 : vector<256x256xf32>
        %div3A_264 = arith.divf %mul3A_256, %add3A_263 : vector<256x256xf32>
        %gt3A_265 = vector.broadcast %get3A_0 : f32 to vector<256x256xf32>
        %gt3A_266 = arith.cmpf ogt, %div3A_264, %gt3A_265 : vector<256x256xf32>
        %jit3A_267 = arith.constant 1.000000e+00 : f32
        %jit3A_268 = arith.constant 0.000000e+00 : f32
        %broadcast_in_dim3A_269 = vector.broadcast %jit3A_267 : f32 to vector<256x256xf32>
        %broadcast_in_dim3A_270 = vector.broadcast %jit3A_268 : f32 to vector<256x256xf32>
        %select_n3A_271 = arith.select %gt3A_266, %broadcast_in_dim3A_269, %broadcast_in_dim3A_270 : vector<256x256xi1>, vector<256x256xf32>
        %get3A_272 = arith.constant 4 : index
        %get3A_273 = arith.constant 0 : index
        %get3A_274 = vector.load %arg6[%get3A_272, %get3A_273] : memref<20x256xf32, #tpu.memory_space<vmem>>, vector<1x256xf32>
        %dot_general3A_275 = arith.constant dense<0.000000e+00> : vector<1x256xf32>
        %dot_general3A_276 = tpu.matmul %get3A_274, %select_n3A_271, %dot_general3A_275 {dimension_numbers = #tpu.dot_dimension_numbers<[1], [0], [0], [1], [0, 0, 1, 1], [], []>, transpose_lhs_hint = false} : vector<1x256xf32>, vector<256x256xf32>, vector<1x256xf32> -> vector<1x256xf32>
        %get3A_277 = arith.constant 0 : index
        %get3A_278 = arith.constant 0 : index
        %get3A_279 = vector.load %arg7[%get3A_277, %get3A_278] : memref<1x256xf32, #tpu.memory_space<vmem>>, vector<1x256xf32>
        %max3A_280 = arith.maximumf %get3A_279, %dot_general3A_276 : vector<1x256xf32>
        %swap3A_281 = arith.constant 0 : index
        %swap3A_282 = arith.constant 0 : index
        %swap3A_283 = vector.load %arg7[%swap3A_281, %swap3A_282] : memref<1x256xf32, #tpu.memory_space<vmem>>, vector<1x256xf32>
        tpu.vector_store %arg7[%swap3A_281, %swap3A_282], %max3A_280 {strides = array<i32>} : memref<1x256xf32, #tpu.memory_space<vmem>>, vector<1x256xf32>,
      } else {
      }
      %gt3A_55 = arith.constant 5 : i32
      %gt3A_56 = arith.cmpi sgt, %arg0, %gt3A_55 : i32
      %convert_element_type3A_57 = arith.extui %gt3A_56 : i1 to i32
      %cond3A_58 = arith.constant 0 : i32
      %cond3A_59 = arith.cmpi ne, %convert_element_type3A_57, %cond3A_58 : i32
      scf.if %cond3A_59 {
        %get3A_221 = arith.constant 1280 : index
        %get3A_222 = arith.constant 0 : index
        %get3A_223 = vector.load %arg2[%get3A_221, %get3A_222] : memref<5120x5xf32, #tpu.memory_space<vmem>>, vector<256x1xf32>
        %get3A_224 = arith.constant 1280 : index
        %get3A_225 = arith.constant 1 : index
        %get3A_226 = vector.load %arg2[%get3A_224, %get3A_225] : memref<5120x5xf32, #tpu.memory_space<vmem>>, vector<256x1xf32>
        %get3A_227 = arith.constant 1280 : index
        %get3A_228 = arith.constant 2 : index
        %get3A_229 = vector.load %arg2[%get3A_227, %get3A_228] : memref<5120x5xf32, #tpu.memory_space<vmem>>, vector<256x1xf32>
        %get3A_230 = arith.constant 1280 : index
        %get3A_231 = arith.constant 3 : index
        %get3A_232 = vector.load %arg2[%get3A_230, %get3A_231] : memref<5120x5xf32, #tpu.memory_space<vmem>>, vector<256x1xf32>
        %get3A_233 = arith.constant 1280 : index
        %get3A_234 = arith.constant 4 : index
        %get3A_235 = vector.load %arg2[%get3A_233, %get3A_234] : memref<5120x5xf32, #tpu.memory_space<vmem>>, vector<256x1xf32>
        %max3A_236 = vector.broadcast %get3A_223 : vector<256x1xf32> to vector<256x256xf32>
        %max3A_237 = vector.broadcast %get3A_15 : vector<1x256xf32> to vector<256x256xf32>
        %max3A_238 = arith.maximumf %max3A_236, %max3A_237 : vector<256x256xf32>
        %max3A_239 = vector.broadcast %get3A_226 : vector<256x1xf32> to vector<256x256xf32>
        %max3A_240 = vector.broadcast %get3A_18 : vector<1x256xf32> to vector<256x256xf32>
        %max3A_241 = arith.maximumf %max3A_239, %max3A_240 : vector<256x256xf32>
        %min3A_242 = vector.broadcast %get3A_229 : vector<256x1xf32> to vector<256x256xf32>
        %min3A_243 = vector.broadcast %get3A_21 : vector<1x256xf32> to vector<256x256xf32>
        %min3A_244 = arith.minimumf %min3A_242, %min3A_243 : vector<256x256xf32>
        %min3A_245 = vector.broadcast %get3A_232 : vector<256x1xf32> to vector<256x256xf32>
        %min3A_246 = vector.broadcast %get3A_24 : vector<1x256xf32> to vector<256x256xf32>
        %min3A_247 = arith.minimumf %min3A_245, %min3A_246 : vector<256x256xf32>
        %sub3A_248 = arith.subf %min3A_244, %max3A_238 : vector<256x256xf32>
        %jit3A_249 = arith.constant 0.000000e+00 : f32
        %max3A_250 = vector.broadcast %jit3A_249 : f32 to vector<256x256xf32>
        %max3A_251 = arith.maximumf %max3A_250, %sub3A_248 : vector<256x256xf32>
        %sub3A_252 = arith.subf %min3A_247, %max3A_241 : vector<256x256xf32>
        %jit3A_253 = arith.constant 0.000000e+00 : f32
        %max3A_254 = vector.broadcast %jit3A_253 : f32 to vector<256x256xf32>
        %max3A_255 = arith.maximumf %max3A_254, %sub3A_252 : vector<256x256xf32>
        %mul3A_256 = arith.mulf %max3A_251, %max3A_255 : vector<256x256xf32>
        %add3A_257 = vector.broadcast %get3A_235 : vector<256x1xf32> to vector<256x256xf32>
        %add3A_258 = vector.broadcast %get3A_27 : vector<1x256xf32> to vector<256x256xf32>
        %add3A_259 = arith.addf %add3A_257, %add3A_258 : vector<256x256xf32>
        %sub3A_260 = arith.subf %add3A_259, %mul3A_256 : vector<256x256xf32>
        %add3A_261 = arith.constant 9.99999971E-10 : f32
        %add3A_262 = vector.broadcast %add3A_261 : f32 to vector<256x256xf32>
        %add3A_263 = arith.addf %sub3A_260, %add3A_262 : vector<256x256xf32>
        %div3A_264 = arith.divf %mul3A_256, %add3A_263 : vector<256x256xf32>
        %gt3A_265 = vector.broadcast %get3A_0 : f32 to vector<256x256xf32>
        %gt3A_266 = arith.cmpf ogt, %div3A_264, %gt3A_265 : vector<256x256xf32>
        %jit3A_267 = arith.constant 1.000000e+00 : f32
        %jit3A_268 = arith.constant 0.000000e+00 : f32
        %broadcast_in_dim3A_269 = vector.broadcast %jit3A_267 : f32 to vector<256x256xf32>
        %broadcast_in_dim3A_270 = vector.broadcast %jit3A_268 : f32 to vector<256x256xf32>
        %select_n3A_271 = arith.select %gt3A_266, %broadcast_in_dim3A_269, %broadcast_in_dim3A_270 : vector<256x256xi1>, vector<256x256xf32>
        %get3A_272 = arith.constant 5 : index
        %get3A_273 = arith.constant 0 : index
        %get3A_274 = vector.load %arg6[%get3A_272, %get3A_273] : memref<20x256xf32, #tpu.memory_space<vmem>>, vector<1x256xf32>
        %dot_general3A_275 = arith.constant dense<0.000000e+00> : vector<1x256xf32>
        %dot_general3A_276 = tpu.matmul %get3A_274, %select_n3A_271, %dot_general3A_275 {dimension_numbers = #tpu.dot_dimension_numbers<[1], [0], [0], [1], [0, 0, 1, 1], [], []>, transpose_lhs_hint = false} : vector<1x256xf32>, vector<256x256xf32>, vector<1x256xf32> -> vector<1x256xf32>
        %get3A_277 = arith.constant 0 : index
        %get3A_278 = arith.constant 0 : index
        %get3A_279 = vector.load %arg7[%get3A_277, %get3A_278] : memref<1x256xf32, #tpu.memory_space<vmem>>, vector<1x256xf32>
        %max3A_280 = arith.maximumf %get3A_279, %dot_general3A_276 : vector<1x256xf32>
        %swap3A_281 = arith.constant 0 : index
        %swap3A_282 = arith.constant 0 : index
        %swap3A_283 = vector.load %arg7[%swap3A_281, %swap3A_282] : memref<1x256xf32, #tpu.memory_space<vmem>>, vector<1x256xf32>
        tpu.vector_store %arg7[%swap3A_281, %swap3A_282], %max3A_280 {strides = array<i32>} : memref<1x256xf32, #tpu.memory_space<vmem>>, vector<1x256xf32>,
      } else {
      }
      %gt3A_60 = arith.constant 6 : i32
      %gt3A_61 = arith.cmpi sgt, %arg0, %gt3A_60 : i32
      %convert_element_type3A_62 = arith.extui %gt3A_61 : i1 to i32
      %cond3A_63 = arith.constant 0 : i32
      %cond3A_64 = arith.cmpi ne, %convert_element_type3A_62, %cond3A_63 : i32
      scf.if %cond3A_64 {
        %get3A_221 = arith.constant 1536 : index
        %get3A_222 = arith.constant 0 : index
        %get3A_223 = vector.load %arg2[%get3A_221, %get3A_222] : memref<5120x5xf32, #tpu.memory_space<vmem>>, vector<256x1xf32>
        %get3A_224 = arith.constant 1536 : index
        %get3A_225 = arith.constant 1 : index
        %get3A_226 = vector.load %arg2[%get3A_224, %get3A_225] : memref<5120x5xf32, #tpu.memory_space<vmem>>, vector<256x1xf32>
        %get3A_227 = arith.constant 1536 : index
        %get3A_228 = arith.constant 2 : index
        %get3A_229 = vector.load %arg2[%get3A_227, %get3A_228] : memref<5120x5xf32, #tpu.memory_space<vmem>>, vector<256x1xf32>
        %get3A_230 = arith.constant 1536 : index
        %get3A_231 = arith.constant 3 : index
        %get3A_232 = vector.load %arg2[%get3A_230, %get3A_231] : memref<5120x5xf32, #tpu.memory_space<vmem>>, vector<256x1xf32>
        %get3A_233 = arith.constant 1536 : index
        %get3A_234 = arith.constant 4 : index
        %get3A_235 = vector.load %arg2[%get3A_233, %get3A_234] : memref<5120x5xf32, #tpu.memory_space<vmem>>, vector<256x1xf32>
        %max3A_236 = vector.broadcast %get3A_223 : vector<256x1xf32> to vector<256x256xf32>
        %max3A_237 = vector.broadcast %get3A_15 : vector<1x256xf32> to vector<256x256xf32>
        %max3A_238 = arith.maximumf %max3A_236, %max3A_237 : vector<256x256xf32>
        %max3A_239 = vector.broadcast %get3A_226 : vector<256x1xf32> to vector<256x256xf32>
        %max3A_240 = vector.broadcast %get3A_18 : vector<1x256xf32> to vector<256x256xf32>
        %max3A_241 = arith.maximumf %max3A_239, %max3A_240 : vector<256x256xf32>
        %min3A_242 = vector.broadcast %get3A_229 : vector<256x1xf32> to vector<256x256xf32>
        %min3A_243 = vector.broadcast %get3A_21 : vector<1x256xf32> to vector<256x256xf32>
        %min3A_244 = arith.minimumf %min3A_242, %min3A_243 : vector<256x256xf32>
        %min3A_245 = vector.broadcast %get3A_232 : vector<256x1xf32> to vector<256x256xf32>
        %min3A_246 = vector.broadcast %get3A_24 : vector<1x256xf32> to vector<256x256xf32>
        %min3A_247 = arith.minimumf %min3A_245, %min3A_246 : vector<256x256xf32>
        %sub3A_248 = arith.subf %min3A_244, %max3A_238 : vector<256x256xf32>
        %jit3A_249 = arith.constant 0.000000e+00 : f32
        %max3A_250 = vector.broadcast %jit3A_249 : f32 to vector<256x256xf32>
        %max3A_251 = arith.maximumf %max3A_250, %sub3A_248 : vector<256x256xf32>
        %sub3A_252 = arith.subf %min3A_247, %max3A_241 : vector<256x256xf32>
        %jit3A_253 = arith.constant 0.000000e+00 : f32
        %max3A_254 = vector.broadcast %jit3A_253 : f32 to vector<256x256xf32>
        %max3A_255 = arith.maximumf %max3A_254, %sub3A_252 : vector<256x256xf32>
        %mul3A_256 = arith.mulf %max3A_251, %max3A_255 : vector<256x256xf32>
        %add3A_257 = vector.broadcast %get3A_235 : vector<256x1xf32> to vector<256x256xf32>
        %add3A_258 = vector.broadcast %get3A_27 : vector<1x256xf32> to vector<256x256xf32>
        %add3A_259 = arith.addf %add3A_257, %add3A_258 : vector<256x256xf32>
        %sub3A_260 = arith.subf %add3A_259, %mul3A_256 : vector<256x256xf32>
        %add3A_261 = arith.constant 9.99999971E-10 : f32
        %add3A_262 = vector.broadcast %add3A_261 : f32 to vector<256x256xf32>
        %add3A_263 = arith.addf %sub3A_260, %add3A_262 : vector<256x256xf32>
        %div3A_264 = arith.divf %mul3A_256, %add3A_263 : vector<256x256xf32>
        %gt3A_265 = vector.broadcast %get3A_0 : f32 to vector<256x256xf32>
        %gt3A_266 = arith.cmpf ogt, %div3A_264, %gt3A_265 : vector<256x256xf32>
        %jit3A_267 = arith.constant 1.000000e+00 : f32
        %jit3A_268 = arith.constant 0.000000e+00 : f32
        %broadcast_in_dim3A_269 = vector.broadcast %jit3A_267 : f32 to vector<256x256xf32>
        %broadcast_in_dim3A_270 = vector.broadcast %jit3A_268 : f32 to vector<256x256xf32>
        %select_n3A_271 = arith.select %gt3A_266, %broadcast_in_dim3A_269, %broadcast_in_dim3A_270 : vector<256x256xi1>, vector<256x256xf32>
        %get3A_272 = arith.constant 6 : index
        %get3A_273 = arith.constant 0 : index
        %get3A_274 = vector.load %arg6[%get3A_272, %get3A_273] : memref<20x256xf32, #tpu.memory_space<vmem>>, vector<1x256xf32>
        %dot_general3A_275 = arith.constant dense<0.000000e+00> : vector<1x256xf32>
        %dot_general3A_276 = tpu.matmul %get3A_274, %select_n3A_271, %dot_general3A_275 {dimension_numbers = #tpu.dot_dimension_numbers<[1], [0], [0], [1], [0, 0, 1, 1], [], []>, transpose_lhs_hint = false} : vector<1x256xf32>, vector<256x256xf32>, vector<1x256xf32> -> vector<1x256xf32>
        %get3A_277 = arith.constant 0 : index
        %get3A_278 = arith.constant 0 : index
        %get3A_279 = vector.load %arg7[%get3A_277, %get3A_278] : memref<1x256xf32, #tpu.memory_space<vmem>>, vector<1x256xf32>
        %max3A_280 = arith.maximumf %get3A_279, %dot_general3A_276 : vector<1x256xf32>
        %swap3A_281 = arith.constant 0 : index
        %swap3A_282 = arith.constant 0 : index
        %swap3A_283 = vector.load %arg7[%swap3A_281, %swap3A_282] : memref<1x256xf32, #tpu.memory_space<vmem>>, vector<1x256xf32>
        tpu.vector_store %arg7[%swap3A_281, %swap3A_282], %max3A_280 {strides = array<i32>} : memref<1x256xf32, #tpu.memory_space<vmem>>, vector<1x256xf32>,
      } else {
      }
      %gt3A_65 = arith.constant 7 : i32
      %gt3A_66 = arith.cmpi sgt, %arg0, %gt3A_65 : i32
      %convert_element_type3A_67 = arith.extui %gt3A_66 : i1 to i32
      %cond3A_68 = arith.constant 0 : i32
      %cond3A_69 = arith.cmpi ne, %convert_element_type3A_67, %cond3A_68 : i32
      scf.if %cond3A_69 {
        %get3A_221 = arith.constant 1792 : index
        %get3A_222 = arith.constant 0 : index
        %get3A_223 = vector.load %arg2[%get3A_221, %get3A_222] : memref<5120x5xf32, #tpu.memory_space<vmem>>, vector<256x1xf32>
        %get3A_224 = arith.constant 1792 : index
        %get3A_225 = arith.constant 1 : index
        %get3A_226 = vector.load %arg2[%get3A_224, %get3A_225] : memref<5120x5xf32, #tpu.memory_space<vmem>>, vector<256x1xf32>
        %get3A_227 = arith.constant 1792 : index
        %get3A_228 = arith.constant 2 : index
        %get3A_229 = vector.load %arg2[%get3A_227, %get3A_228] : memref<5120x5xf32, #tpu.memory_space<vmem>>, vector<256x1xf32>
        %get3A_230 = arith.constant 1792 : index
        %get3A_231 = arith.constant 3 : index
        %get3A_232 = vector.load %arg2[%get3A_230, %get3A_231] : memref<5120x5xf32, #tpu.memory_space<vmem>>, vector<256x1xf32>
        %get3A_233 = arith.constant 1792 : index
        %get3A_234 = arith.constant 4 : index
        %get3A_235 = vector.load %arg2[%get3A_233, %get3A_234] : memref<5120x5xf32, #tpu.memory_space<vmem>>, vector<256x1xf32>
        %max3A_236 = vector.broadcast %get3A_223 : vector<256x1xf32> to vector<256x256xf32>
        %max3A_237 = vector.broadcast %get3A_15 : vector<1x256xf32> to vector<256x256xf32>
        %max3A_238 = arith.maximumf %max3A_236, %max3A_237 : vector<256x256xf32>
        %max3A_239 = vector.broadcast %get3A_226 : vector<256x1xf32> to vector<256x256xf32>
        %max3A_240 = vector.broadcast %get3A_18 : vector<1x256xf32> to vector<256x256xf32>
        %max3A_241 = arith.maximumf %max3A_239, %max3A_240 : vector<256x256xf32>
        %min3A_242 = vector.broadcast %get3A_229 : vector<256x1xf32> to vector<256x256xf32>
        %min3A_243 = vector.broadcast %get3A_21 : vector<1x256xf32> to vector<256x256xf32>
        %min3A_244 = arith.minimumf %min3A_242, %min3A_243 : vector<256x256xf32>
        %min3A_245 = vector.broadcast %get3A_232 : vector<256x1xf32> to vector<256x256xf32>
        %min3A_246 = vector.broadcast %get3A_24 : vector<1x256xf32> to vector<256x256xf32>
        %min3A_247 = arith.minimumf %min3A_245, %min3A_246 : vector<256x256xf32>
        %sub3A_248 = arith.subf %min3A_244, %max3A_238 : vector<256x256xf32>
        %jit3A_249 = arith.constant 0.000000e+00 : f32
        %max3A_250 = vector.broadcast %jit3A_249 : f32 to vector<256x256xf32>
        %max3A_251 = arith.maximumf %max3A_250, %sub3A_248 : vector<256x256xf32>
        %sub3A_252 = arith.subf %min3A_247, %max3A_241 : vector<256x256xf32>
        %jit3A_253 = arith.constant 0.000000e+00 : f32
        %max3A_254 = vector.broadcast %jit3A_253 : f32 to vector<256x256xf32>
        %max3A_255 = arith.maximumf %max3A_254, %sub3A_252 : vector<256x256xf32>
        %mul3A_256 = arith.mulf %max3A_251, %max3A_255 : vector<256x256xf32>
        %add3A_257 = vector.broadcast %get3A_235 : vector<256x1xf32> to vector<256x256xf32>
        %add3A_258 = vector.broadcast %get3A_27 : vector<1x256xf32> to vector<256x256xf32>
        %add3A_259 = arith.addf %add3A_257, %add3A_258 : vector<256x256xf32>
        %sub3A_260 = arith.subf %add3A_259, %mul3A_256 : vector<256x256xf32>
        %add3A_261 = arith.constant 9.99999971E-10 : f32
        %add3A_262 = vector.broadcast %add3A_261 : f32 to vector<256x256xf32>
        %add3A_263 = arith.addf %sub3A_260, %add3A_262 : vector<256x256xf32>
        %div3A_264 = arith.divf %mul3A_256, %add3A_263 : vector<256x256xf32>
        %gt3A_265 = vector.broadcast %get3A_0 : f32 to vector<256x256xf32>
        %gt3A_266 = arith.cmpf ogt, %div3A_264, %gt3A_265 : vector<256x256xf32>
        %jit3A_267 = arith.constant 1.000000e+00 : f32
        %jit3A_268 = arith.constant 0.000000e+00 : f32
        %broadcast_in_dim3A_269 = vector.broadcast %jit3A_267 : f32 to vector<256x256xf32>
        %broadcast_in_dim3A_270 = vector.broadcast %jit3A_268 : f32 to vector<256x256xf32>
        %select_n3A_271 = arith.select %gt3A_266, %broadcast_in_dim3A_269, %broadcast_in_dim3A_270 : vector<256x256xi1>, vector<256x256xf32>
        %get3A_272 = arith.constant 7 : index
        %get3A_273 = arith.constant 0 : index
        %get3A_274 = vector.load %arg6[%get3A_272, %get3A_273] : memref<20x256xf32, #tpu.memory_space<vmem>>, vector<1x256xf32>
        %dot_general3A_275 = arith.constant dense<0.000000e+00> : vector<1x256xf32>
        %dot_general3A_276 = tpu.matmul %get3A_274, %select_n3A_271, %dot_general3A_275 {dimension_numbers = #tpu.dot_dimension_numbers<[1], [0], [0], [1], [0, 0, 1, 1], [], []>, transpose_lhs_hint = false} : vector<1x256xf32>, vector<256x256xf32>, vector<1x256xf32> -> vector<1x256xf32>
        %get3A_277 = arith.constant 0 : index
        %get3A_278 = arith.constant 0 : index
        %get3A_279 = vector.load %arg7[%get3A_277, %get3A_278] : memref<1x256xf32, #tpu.memory_space<vmem>>, vector<1x256xf32>
        %max3A_280 = arith.maximumf %get3A_279, %dot_general3A_276 : vector<1x256xf32>
        %swap3A_281 = arith.constant 0 : index
        %swap3A_282 = arith.constant 0 : index
        %swap3A_283 = vector.load %arg7[%swap3A_281, %swap3A_282] : memref<1x256xf32, #tpu.memory_space<vmem>>, vector<1x256xf32>
        tpu.vector_store %arg7[%swap3A_281, %swap3A_282], %max3A_280 {strides = array<i32>} : memref<1x256xf32, #tpu.memory_space<vmem>>, vector<1x256xf32>,
      } else {
      }
      %gt3A_70 = arith.constant 8 : i32
      %gt3A_71 = arith.cmpi sgt, %arg0, %gt3A_70 : i32
      %convert_element_type3A_72 = arith.extui %gt3A_71 : i1 to i32
      %cond3A_73 = arith.constant 0 : i32
      %cond3A_74 = arith.cmpi ne, %convert_element_type3A_72, %cond3A_73 : i32
      scf.if %cond3A_74 {
        %get3A_221 = arith.constant 2048 : index
        %get3A_222 = arith.constant 0 : index
        %get3A_223 = vector.load %arg2[%get3A_221, %get3A_222] : memref<5120x5xf32, #tpu.memory_space<vmem>>, vector<256x1xf32>
        %get3A_224 = arith.constant 2048 : index
        %get3A_225 = arith.constant 1 : index
        %get3A_226 = vector.load %arg2[%get3A_224, %get3A_225] : memref<5120x5xf32, #tpu.memory_space<vmem>>, vector<256x1xf32>
        %get3A_227 = arith.constant 2048 : index
        %get3A_228 = arith.constant 2 : index
        %get3A_229 = vector.load %arg2[%get3A_227, %get3A_228] : memref<5120x5xf32, #tpu.memory_space<vmem>>, vector<256x1xf32>
        %get3A_230 = arith.constant 2048 : index
        %get3A_231 = arith.constant 3 : index
        %get3A_232 = vector.load %arg2[%get3A_230, %get3A_231] : memref<5120x5xf32, #tpu.memory_space<vmem>>, vector<256x1xf32>
        %get3A_233 = arith.constant 2048 : index
        %get3A_234 = arith.constant 4 : index
        %get3A_235 = vector.load %arg2[%get3A_233, %get3A_234] : memref<5120x5xf32, #tpu.memory_space<vmem>>, vector<256x1xf32>
        %max3A_236 = vector.broadcast %get3A_223 : vector<256x1xf32> to vector<256x256xf32>
        %max3A_237 = vector.broadcast %get3A_15 : vector<1x256xf32> to vector<256x256xf32>
        %max3A_238 = arith.maximumf %max3A_236, %max3A_237 : vector<256x256xf32>
        %max3A_239 = vector.broadcast %get3A_226 : vector<256x1xf32> to vector<256x256xf32>
        %max3A_240 = vector.broadcast %get3A_18 : vector<1x256xf32> to vector<256x256xf32>
        %max3A_241 = arith.maximumf %max3A_239, %max3A_240 : vector<256x256xf32>
        %min3A_242 = vector.broadcast %get3A_229 : vector<256x1xf32> to vector<256x256xf32>
        %min3A_243 = vector.broadcast %get3A_21 : vector<1x256xf32> to vector<256x256xf32>
        %min3A_244 = arith.minimumf %min3A_242, %min3A_243 : vector<256x256xf32>
        %min3A_245 = vector.broadcast %get3A_232 : vector<256x1xf32> to vector<256x256xf32>
        %min3A_246 = vector.broadcast %get3A_24 : vector<1x256xf32> to vector<256x256xf32>
        %min3A_247 = arith.minimumf %min3A_245, %min3A_246 : vector<256x256xf32>
        %sub3A_248 = arith.subf %min3A_244, %max3A_238 : vector<256x256xf32>
        %jit3A_249 = arith.constant 0.000000e+00 : f32
        %max3A_250 = vector.broadcast %jit3A_249 : f32 to vector<256x256xf32>
        %max3A_251 = arith.maximumf %max3A_250, %sub3A_248 : vector<256x256xf32>
        %sub3A_252 = arith.subf %min3A_247, %max3A_241 : vector<256x256xf32>
        %jit3A_253 = arith.constant 0.000000e+00 : f32
        %max3A_254 = vector.broadcast %jit3A_253 : f32 to vector<256x256xf32>
        %max3A_255 = arith.maximumf %max3A_254, %sub3A_252 : vector<256x256xf32>
        %mul3A_256 = arith.mulf %max3A_251, %max3A_255 : vector<256x256xf32>
        %add3A_257 = vector.broadcast %get3A_235 : vector<256x1xf32> to vector<256x256xf32>
        %add3A_258 = vector.broadcast %get3A_27 : vector<1x256xf32> to vector<256x256xf32>
        %add3A_259 = arith.addf %add3A_257, %add3A_258 : vector<256x256xf32>
        %sub3A_260 = arith.subf %add3A_259, %mul3A_256 : vector<256x256xf32>
        %add3A_261 = arith.constant 9.99999971E-10 : f32
        %add3A_262 = vector.broadcast %add3A_261 : f32 to vector<256x256xf32>
        %add3A_263 = arith.addf %sub3A_260, %add3A_262 : vector<256x256xf32>
        %div3A_264 = arith.divf %mul3A_256, %add3A_263 : vector<256x256xf32>
        %gt3A_265 = vector.broadcast %get3A_0 : f32 to vector<256x256xf32>
        %gt3A_266 = arith.cmpf ogt, %div3A_264, %gt3A_265 : vector<256x256xf32>
        %jit3A_267 = arith.constant 1.000000e+00 : f32
        %jit3A_268 = arith.constant 0.000000e+00 : f32
        %broadcast_in_dim3A_269 = vector.broadcast %jit3A_267 : f32 to vector<256x256xf32>
        %broadcast_in_dim3A_270 = vector.broadcast %jit3A_268 : f32 to vector<256x256xf32>
        %select_n3A_271 = arith.select %gt3A_266, %broadcast_in_dim3A_269, %broadcast_in_dim3A_270 : vector<256x256xi1>, vector<256x256xf32>
        %get3A_272 = arith.constant 8 : index
        %get3A_273 = arith.constant 0 : index
        %get3A_274 = vector.load %arg6[%get3A_272, %get3A_273] : memref<20x256xf32, #tpu.memory_space<vmem>>, vector<1x256xf32>
        %dot_general3A_275 = arith.constant dense<0.000000e+00> : vector<1x256xf32>
        %dot_general3A_276 = tpu.matmul %get3A_274, %select_n3A_271, %dot_general3A_275 {dimension_numbers = #tpu.dot_dimension_numbers<[1], [0], [0], [1], [0, 0, 1, 1], [], []>, transpose_lhs_hint = false} : vector<1x256xf32>, vector<256x256xf32>, vector<1x256xf32> -> vector<1x256xf32>
        %get3A_277 = arith.constant 0 : index
        %get3A_278 = arith.constant 0 : index
        %get3A_279 = vector.load %arg7[%get3A_277, %get3A_278] : memref<1x256xf32, #tpu.memory_space<vmem>>, vector<1x256xf32>
        %max3A_280 = arith.maximumf %get3A_279, %dot_general3A_276 : vector<1x256xf32>
        %swap3A_281 = arith.constant 0 : index
        %swap3A_282 = arith.constant 0 : index
        %swap3A_283 = vector.load %arg7[%swap3A_281, %swap3A_282] : memref<1x256xf32, #tpu.memory_space<vmem>>, vector<1x256xf32>
        tpu.vector_store %arg7[%swap3A_281, %swap3A_282], %max3A_280 {strides = array<i32>} : memref<1x256xf32, #tpu.memory_space<vmem>>, vector<1x256xf32>,
      } else {
      }
      %gt3A_75 = arith.constant 9 : i32
      %gt3A_76 = arith.cmpi sgt, %arg0, %gt3A_75 : i32
      %convert_element_type3A_77 = arith.extui %gt3A_76 : i1 to i32
      %cond3A_78 = arith.constant 0 : i32
      %cond3A_79 = arith.cmpi ne, %convert_element_type3A_77, %cond3A_78 : i32
      scf.if %cond3A_79 {
        %get3A_221 = arith.constant 2304 : index
        %get3A_222 = arith.constant 0 : index
        %get3A_223 = vector.load %arg2[%get3A_221, %get3A_222] : memref<5120x5xf32, #tpu.memory_space<vmem>>, vector<256x1xf32>
        %get3A_224 = arith.constant 2304 : index
        %get3A_225 = arith.constant 1 : index
        %get3A_226 = vector.load %arg2[%get3A_224, %get3A_225] : memref<5120x5xf32, #tpu.memory_space<vmem>>, vector<256x1xf32>
        %get3A_227 = arith.constant 2304 : index
        %get3A_228 = arith.constant 2 : index
        %get3A_229 = vector.load %arg2[%get3A_227, %get3A_228] : memref<5120x5xf32, #tpu.memory_space<vmem>>, vector<256x1xf32>
        %get3A_230 = arith.constant 2304 : index
        %get3A_231 = arith.constant 3 : index
        %get3A_232 = vector.load %arg2[%get3A_230, %get3A_231] : memref<5120x5xf32, #tpu.memory_space<vmem>>, vector<256x1xf32>
        %get3A_233 = arith.constant 2304 : index
        %get3A_234 = arith.constant 4 : index
        %get3A_235 = vector.load %arg2[%get3A_233, %get3A_234] : memref<5120x5xf32, #tpu.memory_space<vmem>>, vector<256x1xf32>
        %max3A_236 = vector.broadcast %get3A_223 : vector<256x1xf32> to vector<256x256xf32>
        %max3A_237 = vector.broadcast %get3A_15 : vector<1x256xf32> to vector<256x256xf32>
        %max3A_238 = arith.maximumf %max3A_236, %max3A_237 : vector<256x256xf32>
        %max3A_239 = vector.broadcast %get3A_226 : vector<256x1xf32> to vector<256x256xf32>
        %max3A_240 = vector.broadcast %get3A_18 : vector<1x256xf32> to vector<256x256xf32>
        %max3A_241 = arith.maximumf %max3A_239, %max3A_240 : vector<256x256xf32>
        %min3A_242 = vector.broadcast %get3A_229 : vector<256x1xf32> to vector<256x256xf32>
        %min3A_243 = vector.broadcast %get3A_21 : vector<1x256xf32> to vector<256x256xf32>
        %min3A_244 = arith.minimumf %min3A_242, %min3A_243 : vector<256x256xf32>
        %min3A_245 = vector.broadcast %get3A_232 : vector<256x1xf32> to vector<256x256xf32>
        %min3A_246 = vector.broadcast %get3A_24 : vector<1x256xf32> to vector<256x256xf32>
        %min3A_247 = arith.minimumf %min3A_245, %min3A_246 : vector<256x256xf32>
        %sub3A_248 = arith.subf %min3A_244, %max3A_238 : vector<256x256xf32>
        %jit3A_249 = arith.constant 0.000000e+00 : f32
        %max3A_250 = vector.broadcast %jit3A_249 : f32 to vector<256x256xf32>
        %max3A_251 = arith.maximumf %max3A_250, %sub3A_248 : vector<256x256xf32>
        %sub3A_252 = arith.subf %min3A_247, %max3A_241 : vector<256x256xf32>
        %jit3A_253 = arith.constant 0.000000e+00 : f32
        %max3A_254 = vector.broadcast %jit3A_253 : f32 to vector<256x256xf32>
        %max3A_255 = arith.maximumf %max3A_254, %sub3A_252 : vector<256x256xf32>
        %mul3A_256 = arith.mulf %max3A_251, %max3A_255 : vector<256x256xf32>
        %add3A_257 = vector.broadcast %get3A_235 : vector<256x1xf32> to vector<256x256xf32>
        %add3A_258 = vector.broadcast %get3A_27 : vector<1x256xf32> to vector<256x256xf32>
        %add3A_259 = arith.addf %add3A_257, %add3A_258 : vector<256x256xf32>
        %sub3A_260 = arith.subf %add3A_259, %mul3A_256 : vector<256x256xf32>
        %add3A_261 = arith.constant 9.99999971E-10 : f32
        %add3A_262 = vector.broadcast %add3A_261 : f32 to vector<256x256xf32>
        %add3A_263 = arith.addf %sub3A_260, %add3A_262 : vector<256x256xf32>
        %div3A_264 = arith.divf %mul3A_256, %add3A_263 : vector<256x256xf32>
        %gt3A_265 = vector.broadcast %get3A_0 : f32 to vector<256x256xf32>
        %gt3A_266 = arith.cmpf ogt, %div3A_264, %gt3A_265 : vector<256x256xf32>
        %jit3A_267 = arith.constant 1.000000e+00 : f32
        %jit3A_268 = arith.constant 0.000000e+00 : f32
        %broadcast_in_dim3A_269 = vector.broadcast %jit3A_267 : f32 to vector<256x256xf32>
        %broadcast_in_dim3A_270 = vector.broadcast %jit3A_268 : f32 to vector<256x256xf32>
        %select_n3A_271 = arith.select %gt3A_266, %broadcast_in_dim3A_269, %broadcast_in_dim3A_270 : vector<256x256xi1>, vector<256x256xf32>
        %get3A_272 = arith.constant 9 : index
        %get3A_273 = arith.constant 0 : index
        %get3A_274 = vector.load %arg6[%get3A_272, %get3A_273] : memref<20x256xf32, #tpu.memory_space<vmem>>, vector<1x256xf32>
        %dot_general3A_275 = arith.constant dense<0.000000e+00> : vector<1x256xf32>
        %dot_general3A_276 = tpu.matmul %get3A_274, %select_n3A_271, %dot_general3A_275 {dimension_numbers = #tpu.dot_dimension_numbers<[1], [0], [0], [1], [0, 0, 1, 1], [], []>, transpose_lhs_hint = false} : vector<1x256xf32>, vector<256x256xf32>, vector<1x256xf32> -> vector<1x256xf32>
        %get3A_277 = arith.constant 0 : index
        %get3A_278 = arith.constant 0 : index
        %get3A_279 = vector.load %arg7[%get3A_277, %get3A_278] : memref<1x256xf32, #tpu.memory_space<vmem>>, vector<1x256xf32>
        %max3A_280 = arith.maximumf %get3A_279, %dot_general3A_276 : vector<1x256xf32>
        %swap3A_281 = arith.constant 0 : index
        %swap3A_282 = arith.constant 0 : index
        %swap3A_283 = vector.load %arg7[%swap3A_281, %swap3A_282] : memref<1x256xf32, #tpu.memory_space<vmem>>, vector<1x256xf32>
        tpu.vector_store %arg7[%swap3A_281, %swap3A_282], %max3A_280 {strides = array<i32>} : memref<1x256xf32, #tpu.memory_space<vmem>>, vector<1x256xf32>,
      } else {
      }
      %gt3A_80 = arith.constant 10 : i32
      %gt3A_81 = arith.cmpi sgt, %arg0, %gt3A_80 : i32
      %convert_element_type3A_82 = arith.extui %gt3A_81 : i1 to i32
      %cond3A_83 = arith.constant 0 : i32
      %cond3A_84 = arith.cmpi ne, %convert_element_type3A_82, %cond3A_83 : i32
      scf.if %cond3A_84 {
        %get3A_221 = arith.constant 2560 : index
        %get3A_222 = arith.constant 0 : index
        %get3A_223 = vector.load %arg2[%get3A_221, %get3A_222] : memref<5120x5xf32, #tpu.memory_space<vmem>>, vector<256x1xf32>
        %get3A_224 = arith.constant 2560 : index
        %get3A_225 = arith.constant 1 : index
        %get3A_226 = vector.load %arg2[%get3A_224, %get3A_225] : memref<5120x5xf32, #tpu.memory_space<vmem>>, vector<256x1xf32>
        %get3A_227 = arith.constant 2560 : index
        %get3A_228 = arith.constant 2 : index
        %get3A_229 = vector.load %arg2[%get3A_227, %get3A_228] : memref<5120x5xf32, #tpu.memory_space<vmem>>, vector<256x1xf32>
        %get3A_230 = arith.constant 2560 : index
        %get3A_231 = arith.constant 3 : index
        %get3A_232 = vector.load %arg2[%get3A_230, %get3A_231] : memref<5120x5xf32, #tpu.memory_space<vmem>>, vector<256x1xf32>
        %get3A_233 = arith.constant 2560 : index
        %get3A_234 = arith.constant 4 : index
        %get3A_235 = vector.load %arg2[%get3A_233, %get3A_234] : memref<5120x5xf32, #tpu.memory_space<vmem>>, vector<256x1xf32>
        %max3A_236 = vector.broadcast %get3A_223 : vector<256x1xf32> to vector<256x256xf32>
        %max3A_237 = vector.broadcast %get3A_15 : vector<1x256xf32> to vector<256x256xf32>
        %max3A_238 = arith.maximumf %max3A_236, %max3A_237 : vector<256x256xf32>
        %max3A_239 = vector.broadcast %get3A_226 : vector<256x1xf32> to vector<256x256xf32>
        %max3A_240 = vector.broadcast %get3A_18 : vector<1x256xf32> to vector<256x256xf32>
        %max3A_241 = arith.maximumf %max3A_239, %max3A_240 : vector<256x256xf32>
        %min3A_242 = vector.broadcast %get3A_229 : vector<256x1xf32> to vector<256x256xf32>
        %min3A_243 = vector.broadcast %get3A_21 : vector<1x256xf32> to vector<256x256xf32>
        %min3A_244 = arith.minimumf %min3A_242, %min3A_243 : vector<256x256xf32>
        %min3A_245 = vector.broadcast %get3A_232 : vector<256x1xf32> to vector<256x256xf32>
        %min3A_246 = vector.broadcast %get3A_24 : vector<1x256xf32> to vector<256x256xf32>
        %min3A_247 = arith.minimumf %min3A_245, %min3A_246 : vector<256x256xf32>
        %sub3A_248 = arith.subf %min3A_244, %max3A_238 : vector<256x256xf32>
        %jit3A_249 = arith.constant 0.000000e+00 : f32
        %max3A_250 = vector.broadcast %jit3A_249 : f32 to vector<256x256xf32>
        %max3A_251 = arith.maximumf %max3A_250, %sub3A_248 : vector<256x256xf32>
        %sub3A_252 = arith.subf %min3A_247, %max3A_241 : vector<256x256xf32>
        %jit3A_253 = arith.constant 0.000000e+00 : f32
        %max3A_254 = vector.broadcast %jit3A_253 : f32 to vector<256x256xf32>
        %max3A_255 = arith.maximumf %max3A_254, %sub3A_252 : vector<256x256xf32>
        %mul3A_256 = arith.mulf %max3A_251, %max3A_255 : vector<256x256xf32>
        %add3A_257 = vector.broadcast %get3A_235 : vector<256x1xf32> to vector<256x256xf32>
        %add3A_258 = vector.broadcast %get3A_27 : vector<1x256xf32> to vector<256x256xf32>
        %add3A_259 = arith.addf %add3A_257, %add3A_258 : vector<256x256xf32>
        %sub3A_260 = arith.subf %add3A_259, %mul3A_256 : vector<256x256xf32>
        %add3A_261 = arith.constant 9.99999971E-10 : f32
        %add3A_262 = vector.broadcast %add3A_261 : f32 to vector<256x256xf32>
        %add3A_263 = arith.addf %sub3A_260, %add3A_262 : vector<256x256xf32>
        %div3A_264 = arith.divf %mul3A_256, %add3A_263 : vector<256x256xf32>
        %gt3A_265 = vector.broadcast %get3A_0 : f32 to vector<256x256xf32>
        %gt3A_266 = arith.cmpf ogt, %div3A_264, %gt3A_265 : vector<256x256xf32>
        %jit3A_267 = arith.constant 1.000000e+00 : f32
        %jit3A_268 = arith.constant 0.000000e+00 : f32
        %broadcast_in_dim3A_269 = vector.broadcast %jit3A_267 : f32 to vector<256x256xf32>
        %broadcast_in_dim3A_270 = vector.broadcast %jit3A_268 : f32 to vector<256x256xf32>
        %select_n3A_271 = arith.select %gt3A_266, %broadcast_in_dim3A_269, %broadcast_in_dim3A_270 : vector<256x256xi1>, vector<256x256xf32>
        %get3A_272 = arith.constant 10 : index
        %get3A_273 = arith.constant 0 : index
        %get3A_274 = vector.load %arg6[%get3A_272, %get3A_273] : memref<20x256xf32, #tpu.memory_space<vmem>>, vector<1x256xf32>
        %dot_general3A_275 = arith.constant dense<0.000000e+00> : vector<1x256xf32>
        %dot_general3A_276 = tpu.matmul %get3A_274, %select_n3A_271, %dot_general3A_275 {dimension_numbers = #tpu.dot_dimension_numbers<[1], [0], [0], [1], [0, 0, 1, 1], [], []>, transpose_lhs_hint = false} : vector<1x256xf32>, vector<256x256xf32>, vector<1x256xf32> -> vector<1x256xf32>
        %get3A_277 = arith.constant 0 : index
        %get3A_278 = arith.constant 0 : index
        %get3A_279 = vector.load %arg7[%get3A_277, %get3A_278] : memref<1x256xf32, #tpu.memory_space<vmem>>, vector<1x256xf32>
        %max3A_280 = arith.maximumf %get3A_279, %dot_general3A_276 : vector<1x256xf32>
        %swap3A_281 = arith.constant 0 : index
        %swap3A_282 = arith.constant 0 : index
        %swap3A_283 = vector.load %arg7[%swap3A_281, %swap3A_282] : memref<1x256xf32, #tpu.memory_space<vmem>>, vector<1x256xf32>
        tpu.vector_store %arg7[%swap3A_281, %swap3A_282], %max3A_280 {strides = array<i32>} : memref<1x256xf32, #tpu.memory_space<vmem>>, vector<1x256xf32>,
      } else {
      }
      %gt3A_85 = arith.constant 11 : i32
      %gt3A_86 = arith.cmpi sgt, %arg0, %gt3A_85 : i32
      %convert_element_type3A_87 = arith.extui %gt3A_86 : i1 to i32
      %cond3A_88 = arith.constant 0 : i32
      %cond3A_89 = arith.cmpi ne, %convert_element_type3A_87, %cond3A_88 : i32
      scf.if %cond3A_89 {
        %get3A_221 = arith.constant 2816 : index
        %get3A_222 = arith.constant 0 : index
        %get3A_223 = vector.load %arg2[%get3A_221, %get3A_222] : memref<5120x5xf32, #tpu.memory_space<vmem>>, vector<256x1xf32>
        %get3A_224 = arith.constant 2816 : index
        %get3A_225 = arith.constant 1 : index
        %get3A_226 = vector.load %arg2[%get3A_224, %get3A_225] : memref<5120x5xf32, #tpu.memory_space<vmem>>, vector<256x1xf32>
        %get3A_227 = arith.constant 2816 : index
        %get3A_228 = arith.constant 2 : index
        %get3A_229 = vector.load %arg2[%get3A_227, %get3A_228] : memref<5120x5xf32, #tpu.memory_space<vmem>>, vector<256x1xf32>
        %get3A_230 = arith.constant 2816 : index
        %get3A_231 = arith.constant 3 : index
        %get3A_232 = vector.load %arg2[%get3A_230, %get3A_231] : memref<5120x5xf32, #tpu.memory_space<vmem>>, vector<256x1xf32>
        %get3A_233 = arith.constant 2816 : index
        %get3A_234 = arith.constant 4 : index
        %get3A_235 = vector.load %arg2[%get3A_233, %get3A_234] : memref<5120x5xf32, #tpu.memory_space<vmem>>, vector<256x1xf32>
        %max3A_236 = vector.broadcast %get3A_223 : vector<256x1xf32> to vector<256x256xf32>
        %max3A_237 = vector.broadcast %get3A_15 : vector<1x256xf32> to vector<256x256xf32>
        %max3A_238 = arith.maximumf %max3A_236, %max3A_237 : vector<256x256xf32>
        %max3A_239 = vector.broadcast %get3A_226 : vector<256x1xf32> to vector<256x256xf32>
        %max3A_240 = vector.broadcast %get3A_18 : vector<1x256xf32> to vector<256x256xf32>
        %max3A_241 = arith.maximumf %max3A_239, %max3A_240 : vector<256x256xf32>
        %min3A_242 = vector.broadcast %get3A_229 : vector<256x1xf32> to vector<256x256xf32>
        %min3A_243 = vector.broadcast %get3A_21 : vector<1x256xf32> to vector<256x256xf32>
        %min3A_244 = arith.minimumf %min3A_242, %min3A_243 : vector<256x256xf32>
        %min3A_245 = vector.broadcast %get3A_232 : vector<256x1xf32> to vector<256x256xf32>
        %min3A_246 = vector.broadcast %get3A_24 : vector<1x256xf32> to vector<256x256xf32>
        %min3A_247 = arith.minimumf %min3A_245, %min3A_246 : vector<256x256xf32>
        %sub3A_248 = arith.subf %min3A_244, %max3A_238 : vector<256x256xf32>
        %jit3A_249 = arith.constant 0.000000e+00 : f32
        %max3A_250 = vector.broadcast %jit3A_249 : f32 to vector<256x256xf32>
        %max3A_251 = arith.maximumf %max3A_250, %sub3A_248 : vector<256x256xf32>
        %sub3A_252 = arith.subf %min3A_247, %max3A_241 : vector<256x256xf32>
        %jit3A_253 = arith.constant 0.000000e+00 : f32
        %max3A_254 = vector.broadcast %jit3A_253 : f32 to vector<256x256xf32>
        %max3A_255 = arith.maximumf %max3A_254, %sub3A_252 : vector<256x256xf32>
        %mul3A_256 = arith.mulf %max3A_251, %max3A_255 : vector<256x256xf32>
        %add3A_257 = vector.broadcast %get3A_235 : vector<256x1xf32> to vector<256x256xf32>
        %add3A_258 = vector.broadcast %get3A_27 : vector<1x256xf32> to vector<256x256xf32>
        %add3A_259 = arith.addf %add3A_257, %add3A_258 : vector<256x256xf32>
        %sub3A_260 = arith.subf %add3A_259, %mul3A_256 : vector<256x256xf32>
        %add3A_261 = arith.constant 9.99999971E-10 : f32
        %add3A_262 = vector.broadcast %add3A_261 : f32 to vector<256x256xf32>
        %add3A_263 = arith.addf %sub3A_260, %add3A_262 : vector<256x256xf32>
        %div3A_264 = arith.divf %mul3A_256, %add3A_263 : vector<256x256xf32>
        %gt3A_265 = vector.broadcast %get3A_0 : f32 to vector<256x256xf32>
        %gt3A_266 = arith.cmpf ogt, %div3A_264, %gt3A_265 : vector<256x256xf32>
        %jit3A_267 = arith.constant 1.000000e+00 : f32
        %jit3A_268 = arith.constant 0.000000e+00 : f32
        %broadcast_in_dim3A_269 = vector.broadcast %jit3A_267 : f32 to vector<256x256xf32>
        %broadcast_in_dim3A_270 = vector.broadcast %jit3A_268 : f32 to vector<256x256xf32>
        %select_n3A_271 = arith.select %gt3A_266, %broadcast_in_dim3A_269, %broadcast_in_dim3A_270 : vector<256x256xi1>, vector<256x256xf32>
        %get3A_272 = arith.constant 11 : index
        %get3A_273 = arith.constant 0 : index
        %get3A_274 = vector.load %arg6[%get3A_272, %get3A_273] : memref<20x256xf32, #tpu.memory_space<vmem>>, vector<1x256xf32>
        %dot_general3A_275 = arith.constant dense<0.000000e+00> : vector<1x256xf32>
        %dot_general3A_276 = tpu.matmul %get3A_274, %select_n3A_271, %dot_general3A_275 {dimension_numbers = #tpu.dot_dimension_numbers<[1], [0], [0], [1], [0, 0, 1, 1], [], []>, transpose_lhs_hint = false} : vector<1x256xf32>, vector<256x256xf32>, vector<1x256xf32> -> vector<1x256xf32>
        %get3A_277 = arith.constant 0 : index
        %get3A_278 = arith.constant 0 : index
        %get3A_279 = vector.load %arg7[%get3A_277, %get3A_278] : memref<1x256xf32, #tpu.memory_space<vmem>>, vector<1x256xf32>
        %max3A_280 = arith.maximumf %get3A_279, %dot_general3A_276 : vector<1x256xf32>
        %swap3A_281 = arith.constant 0 : index
        %swap3A_282 = arith.constant 0 : index
        %swap3A_283 = vector.load %arg7[%swap3A_281, %swap3A_282] : memref<1x256xf32, #tpu.memory_space<vmem>>, vector<1x256xf32>
        tpu.vector_store %arg7[%swap3A_281, %swap3A_282], %max3A_280 {strides = array<i32>} : memref<1x256xf32, #tpu.memory_space<vmem>>, vector<1x256xf32>,
      } else {
      }
      %gt3A_90 = arith.constant 12 : i32
      %gt3A_91 = arith.cmpi sgt, %arg0, %gt3A_90 : i32
      %convert_element_type3A_92 = arith.extui %gt3A_91 : i1 to i32
      %cond3A_93 = arith.constant 0 : i32
      %cond3A_94 = arith.cmpi ne, %convert_element_type3A_92, %cond3A_93 : i32
      scf.if %cond3A_94 {
        %get3A_221 = arith.constant 3072 : index
        %get3A_222 = arith.constant 0 : index
        %get3A_223 = vector.load %arg2[%get3A_221, %get3A_222] : memref<5120x5xf32, #tpu.memory_space<vmem>>, vector<256x1xf32>
        %get3A_224 = arith.constant 3072 : index
        %get3A_225 = arith.constant 1 : index
        %get3A_226 = vector.load %arg2[%get3A_224, %get3A_225] : memref<5120x5xf32, #tpu.memory_space<vmem>>, vector<256x1xf32>
        %get3A_227 = arith.constant 3072 : index
        %get3A_228 = arith.constant 2 : index
        %get3A_229 = vector.load %arg2[%get3A_227, %get3A_228] : memref<5120x5xf32, #tpu.memory_space<vmem>>, vector<256x1xf32>
        %get3A_230 = arith.constant 3072 : index
        %get3A_231 = arith.constant 3 : index
        %get3A_232 = vector.load %arg2[%get3A_230, %get3A_231] : memref<5120x5xf32, #tpu.memory_space<vmem>>, vector<256x1xf32>
        %get3A_233 = arith.constant 3072 : index
        %get3A_234 = arith.constant 4 : index
        %get3A_235 = vector.load %arg2[%get3A_233, %get3A_234] : memref<5120x5xf32, #tpu.memory_space<vmem>>, vector<256x1xf32>
        %max3A_236 = vector.broadcast %get3A_223 : vector<256x1xf32> to vector<256x256xf32>
        %max3A_237 = vector.broadcast %get3A_15 : vector<1x256xf32> to vector<256x256xf32>
        %max3A_238 = arith.maximumf %max3A_236, %max3A_237 : vector<256x256xf32>
        %max3A_239 = vector.broadcast %get3A_226 : vector<256x1xf32> to vector<256x256xf32>
        %max3A_240 = vector.broadcast %get3A_18 : vector<1x256xf32> to vector<256x256xf32>
        %max3A_241 = arith.maximumf %max3A_239, %max3A_240 : vector<256x256xf32>
        %min3A_242 = vector.broadcast %get3A_229 : vector<256x1xf32> to vector<256x256xf32>
        %min3A_243 = vector.broadcast %get3A_21 : vector<1x256xf32> to vector<256x256xf32>
        %min3A_244 = arith.minimumf %min3A_242, %min3A_243 : vector<256x256xf32>
        %min3A_245 = vector.broadcast %get3A_232 : vector<256x1xf32> to vector<256x256xf32>
        %min3A_246 = vector.broadcast %get3A_24 : vector<1x256xf32> to vector<256x256xf32>
        %min3A_247 = arith.minimumf %min3A_245, %min3A_246 : vector<256x256xf32>
        %sub3A_248 = arith.subf %min3A_244, %max3A_238 : vector<256x256xf32>
        %jit3A_249 = arith.constant 0.000000e+00 : f32
        %max3A_250 = vector.broadcast %jit3A_249 : f32 to vector<256x256xf32>
        %max3A_251 = arith.maximumf %max3A_250, %sub3A_248 : vector<256x256xf32>
        %sub3A_252 = arith.subf %min3A_247, %max3A_241 : vector<256x256xf32>
        %jit3A_253 = arith.constant 0.000000e+00 : f32
        %max3A_254 = vector.broadcast %jit3A_253 : f32 to vector<256x256xf32>
        %max3A_255 = arith.maximumf %max3A_254, %sub3A_252 : vector<256x256xf32>
        %mul3A_256 = arith.mulf %max3A_251, %max3A_255 : vector<256x256xf32>
        %add3A_257 = vector.broadcast %get3A_235 : vector<256x1xf32> to vector<256x256xf32>
        %add3A_258 = vector.broadcast %get3A_27 : vector<1x256xf32> to vector<256x256xf32>
        %add3A_259 = arith.addf %add3A_257, %add3A_258 : vector<256x256xf32>
        %sub3A_260 = arith.subf %add3A_259, %mul3A_256 : vector<256x256xf32>
        %add3A_261 = arith.constant 9.99999971E-10 : f32
        %add3A_262 = vector.broadcast %add3A_261 : f32 to vector<256x256xf32>
        %add3A_263 = arith.addf %sub3A_260, %add3A_262 : vector<256x256xf32>
        %div3A_264 = arith.divf %mul3A_256, %add3A_263 : vector<256x256xf32>
        %gt3A_265 = vector.broadcast %get3A_0 : f32 to vector<256x256xf32>
        %gt3A_266 = arith.cmpf ogt, %div3A_264, %gt3A_265 : vector<256x256xf32>
        %jit3A_267 = arith.constant 1.000000e+00 : f32
        %jit3A_268 = arith.constant 0.000000e+00 : f32
        %broadcast_in_dim3A_269 = vector.broadcast %jit3A_267 : f32 to vector<256x256xf32>
        %broadcast_in_dim3A_270 = vector.broadcast %jit3A_268 : f32 to vector<256x256xf32>
        %select_n3A_271 = arith.select %gt3A_266, %broadcast_in_dim3A_269, %broadcast_in_dim3A_270 : vector<256x256xi1>, vector<256x256xf32>
        %get3A_272 = arith.constant 12 : index
        %get3A_273 = arith.constant 0 : index
        %get3A_274 = vector.load %arg6[%get3A_272, %get3A_273] : memref<20x256xf32, #tpu.memory_space<vmem>>, vector<1x256xf32>
        %dot_general3A_275 = arith.constant dense<0.000000e+00> : vector<1x256xf32>
        %dot_general3A_276 = tpu.matmul %get3A_274, %select_n3A_271, %dot_general3A_275 {dimension_numbers = #tpu.dot_dimension_numbers<[1], [0], [0], [1], [0, 0, 1, 1], [], []>, transpose_lhs_hint = false} : vector<1x256xf32>, vector<256x256xf32>, vector<1x256xf32> -> vector<1x256xf32>
        %get3A_277 = arith.constant 0 : index
        %get3A_278 = arith.constant 0 : index
        %get3A_279 = vector.load %arg7[%get3A_277, %get3A_278] : memref<1x256xf32, #tpu.memory_space<vmem>>, vector<1x256xf32>
        %max3A_280 = arith.maximumf %get3A_279, %dot_general3A_276 : vector<1x256xf32>
        %swap3A_281 = arith.constant 0 : index
        %swap3A_282 = arith.constant 0 : index
        %swap3A_283 = vector.load %arg7[%swap3A_281, %swap3A_282] : memref<1x256xf32, #tpu.memory_space<vmem>>, vector<1x256xf32>
        tpu.vector_store %arg7[%swap3A_281, %swap3A_282], %max3A_280 {strides = array<i32>} : memref<1x256xf32, #tpu.memory_space<vmem>>, vector<1x256xf32>,
      } else {
      }
      %gt3A_95 = arith.constant 13 : i32
      %gt3A_96 = arith.cmpi sgt, %arg0, %gt3A_95 : i32
      %convert_element_type3A_97 = arith.extui %gt3A_96 : i1 to i32
      %cond3A_98 = arith.constant 0 : i32
      %cond3A_99 = arith.cmpi ne, %convert_element_type3A_97, %cond3A_98 : i32
      scf.if %cond3A_99 {
        %get3A_221 = arith.constant 3328 : index
        %get3A_222 = arith.constant 0 : index
        %get3A_223 = vector.load %arg2[%get3A_221, %get3A_222] : memref<5120x5xf32, #tpu.memory_space<vmem>>, vector<256x1xf32>
        %get3A_224 = arith.constant 3328 : index
        %get3A_225 = arith.constant 1 : index
        %get3A_226 = vector.load %arg2[%get3A_224, %get3A_225] : memref<5120x5xf32, #tpu.memory_space<vmem>>, vector<256x1xf32>
        %get3A_227 = arith.constant 3328 : index
        %get3A_228 = arith.constant 2 : index
        %get3A_229 = vector.load %arg2[%get3A_227, %get3A_228] : memref<5120x5xf32, #tpu.memory_space<vmem>>, vector<256x1xf32>
        %get3A_230 = arith.constant 3328 : index
        %get3A_231 = arith.constant 3 : index
        %get3A_232 = vector.load %arg2[%get3A_230, %get3A_231] : memref<5120x5xf32, #tpu.memory_space<vmem>>, vector<256x1xf32>
        %get3A_233 = arith.constant 3328 : index
        %get3A_234 = arith.constant 4 : index
        %get3A_235 = vector.load %arg2[%get3A_233, %get3A_234] : memref<5120x5xf32, #tpu.memory_space<vmem>>, vector<256x1xf32>
        %max3A_236 = vector.broadcast %get3A_223 : vector<256x1xf32> to vector<256x256xf32>
        %max3A_237 = vector.broadcast %get3A_15 : vector<1x256xf32> to vector<256x256xf32>
        %max3A_238 = arith.maximumf %max3A_236, %max3A_237 : vector<256x256xf32>
        %max3A_239 = vector.broadcast %get3A_226 : vector<256x1xf32> to vector<256x256xf32>
        %max3A_240 = vector.broadcast %get3A_18 : vector<1x256xf32> to vector<256x256xf32>
        %max3A_241 = arith.maximumf %max3A_239, %max3A_240 : vector<256x256xf32>
        %min3A_242 = vector.broadcast %get3A_229 : vector<256x1xf32> to vector<256x256xf32>
        %min3A_243 = vector.broadcast %get3A_21 : vector<1x256xf32> to vector<256x256xf32>
        %min3A_244 = arith.minimumf %min3A_242, %min3A_243 : vector<256x256xf32>
        %min3A_245 = vector.broadcast %get3A_232 : vector<256x1xf32> to vector<256x256xf32>
        %min3A_246 = vector.broadcast %get3A_24 : vector<1x256xf32> to vector<256x256xf32>
        %min3A_247 = arith.minimumf %min3A_245, %min3A_246 : vector<256x256xf32>
        %sub3A_248 = arith.subf %min3A_244, %max3A_238 : vector<256x256xf32>
        %jit3A_249 = arith.constant 0.000000e+00 : f32
        %max3A_250 = vector.broadcast %jit3A_249 : f32 to vector<256x256xf32>
        %max3A_251 = arith.maximumf %max3A_250, %sub3A_248 : vector<256x256xf32>
        %sub3A_252 = arith.subf %min3A_247, %max3A_241 : vector<256x256xf32>
        %jit3A_253 = arith.constant 0.000000e+00 : f32
        %max3A_254 = vector.broadcast %jit3A_253 : f32 to vector<256x256xf32>
        %max3A_255 = arith.maximumf %max3A_254, %sub3A_252 : vector<256x256xf32>
        %mul3A_256 = arith.mulf %max3A_251, %max3A_255 : vector<256x256xf32>
        %add3A_257 = vector.broadcast %get3A_235 : vector<256x1xf32> to vector<256x256xf32>
        %add3A_258 = vector.broadcast %get3A_27 : vector<1x256xf32> to vector<256x256xf32>
        %add3A_259 = arith.addf %add3A_257, %add3A_258 : vector<256x256xf32>
        %sub3A_260 = arith.subf %add3A_259, %mul3A_256 : vector<256x256xf32>
        %add3A_261 = arith.constant 9.99999971E-10 : f32
        %add3A_262 = vector.broadcast %add3A_261 : f32 to vector<256x256xf32>
        %add3A_263 = arith.addf %sub3A_260, %add3A_262 : vector<256x256xf32>
        %div3A_264 = arith.divf %mul3A_256, %add3A_263 : vector<256x256xf32>
        %gt3A_265 = vector.broadcast %get3A_0 : f32 to vector<256x256xf32>
        %gt3A_266 = arith.cmpf ogt, %div3A_264, %gt3A_265 : vector<256x256xf32>
        %jit3A_267 = arith.constant 1.000000e+00 : f32
        %jit3A_268 = arith.constant 0.000000e+00 : f32
        %broadcast_in_dim3A_269 = vector.broadcast %jit3A_267 : f32 to vector<256x256xf32>
        %broadcast_in_dim3A_270 = vector.broadcast %jit3A_268 : f32 to vector<256x256xf32>
        %select_n3A_271 = arith.select %gt3A_266, %broadcast_in_dim3A_269, %broadcast_in_dim3A_270 : vector<256x256xi1>, vector<256x256xf32>
        %get3A_272 = arith.constant 13 : index
        %get3A_273 = arith.constant 0 : index
        %get3A_274 = vector.load %arg6[%get3A_272, %get3A_273] : memref<20x256xf32, #tpu.memory_space<vmem>>, vector<1x256xf32>
        %dot_general3A_275 = arith.constant dense<0.000000e+00> : vector<1x256xf32>
        %dot_general3A_276 = tpu.matmul %get3A_274, %select_n3A_271, %dot_general3A_275 {dimension_numbers = #tpu.dot_dimension_numbers<[1], [0], [0], [1], [0, 0, 1, 1], [], []>, transpose_lhs_hint = false} : vector<1x256xf32>, vector<256x256xf32>, vector<1x256xf32> -> vector<1x256xf32>
        %get3A_277 = arith.constant 0 : index
        %get3A_278 = arith.constant 0 : index
        %get3A_279 = vector.load %arg7[%get3A_277, %get3A_278] : memref<1x256xf32, #tpu.memory_space<vmem>>, vector<1x256xf32>
        %max3A_280 = arith.maximumf %get3A_279, %dot_general3A_276 : vector<1x256xf32>
        %swap3A_281 = arith.constant 0 : index
        %swap3A_282 = arith.constant 0 : index
        %swap3A_283 = vector.load %arg7[%swap3A_281, %swap3A_282] : memref<1x256xf32, #tpu.memory_space<vmem>>, vector<1x256xf32>
        tpu.vector_store %arg7[%swap3A_281, %swap3A_282], %max3A_280 {strides = array<i32>} : memref<1x256xf32, #tpu.memory_space<vmem>>, vector<1x256xf32>,
      } else {
      }
      %gt3A_100 = arith.constant 14 : i32
      %gt3A_101 = arith.cmpi sgt, %arg0, %gt3A_100 : i32
      %convert_element_type3A_102 = arith.extui %gt3A_101 : i1 to i32
      %cond3A_103 = arith.constant 0 : i32
      %cond3A_104 = arith.cmpi ne, %convert_element_type3A_102, %cond3A_103 : i32
      scf.if %cond3A_104 {
        %get3A_221 = arith.constant 3584 : index
        %get3A_222 = arith.constant 0 : index
        %get3A_223 = vector.load %arg2[%get3A_221, %get3A_222] : memref<5120x5xf32, #tpu.memory_space<vmem>>, vector<256x1xf32>
        %get3A_224 = arith.constant 3584 : index
        %get3A_225 = arith.constant 1 : index
        %get3A_226 = vector.load %arg2[%get3A_224, %get3A_225] : memref<5120x5xf32, #tpu.memory_space<vmem>>, vector<256x1xf32>
        %get3A_227 = arith.constant 3584 : index
        %get3A_228 = arith.constant 2 : index
        %get3A_229 = vector.load %arg2[%get3A_227, %get3A_228] : memref<5120x5xf32, #tpu.memory_space<vmem>>, vector<256x1xf32>
        %get3A_230 = arith.constant 3584 : index
        %get3A_231 = arith.constant 3 : index
        %get3A_232 = vector.load %arg2[%get3A_230, %get3A_231] : memref<5120x5xf32, #tpu.memory_space<vmem>>, vector<256x1xf32>
        %get3A_233 = arith.constant 3584 : index
        %get3A_234 = arith.constant 4 : index
        %get3A_235 = vector.load %arg2[%get3A_233, %get3A_234] : memref<5120x5xf32, #tpu.memory_space<vmem>>, vector<256x1xf32>
        %max3A_236 = vector.broadcast %get3A_223 : vector<256x1xf32> to vector<256x256xf32>
        %max3A_237 = vector.broadcast %get3A_15 : vector<1x256xf32> to vector<256x256xf32>
        %max3A_238 = arith.maximumf %max3A_236, %max3A_237 : vector<256x256xf32>
        %max3A_239 = vector.broadcast %get3A_226 : vector<256x1xf32> to vector<256x256xf32>
        %max3A_240 = vector.broadcast %get3A_18 : vector<1x256xf32> to vector<256x256xf32>
        %max3A_241 = arith.maximumf %max3A_239, %max3A_240 : vector<256x256xf32>
        %min3A_242 = vector.broadcast %get3A_229 : vector<256x1xf32> to vector<256x256xf32>
        %min3A_243 = vector.broadcast %get3A_21 : vector<1x256xf32> to vector<256x256xf32>
        %min3A_244 = arith.minimumf %min3A_242, %min3A_243 : vector<256x256xf32>
        %min3A_245 = vector.broadcast %get3A_232 : vector<256x1xf32> to vector<256x256xf32>
        %min3A_246 = vector.broadcast %get3A_24 : vector<1x256xf32> to vector<256x256xf32>
        %min3A_247 = arith.minimumf %min3A_245, %min3A_246 : vector<256x256xf32>
        %sub3A_248 = arith.subf %min3A_244, %max3A_238 : vector<256x256xf32>
        %jit3A_249 = arith.constant 0.000000e+00 : f32
        %max3A_250 = vector.broadcast %jit3A_249 : f32 to vector<256x256xf32>
        %max3A_251 = arith.maximumf %max3A_250, %sub3A_248 : vector<256x256xf32>
        %sub3A_252 = arith.subf %min3A_247, %max3A_241 : vector<256x256xf32>
        %jit3A_253 = arith.constant 0.000000e+00 : f32
        %max3A_254 = vector.broadcast %jit3A_253 : f32 to vector<256x256xf32>
        %max3A_255 = arith.maximumf %max3A_254, %sub3A_252 : vector<256x256xf32>
        %mul3A_256 = arith.mulf %max3A_251, %max3A_255 : vector<256x256xf32>
        %add3A_257 = vector.broadcast %get3A_235 : vector<256x1xf32> to vector<256x256xf32>
        %add3A_258 = vector.broadcast %get3A_27 : vector<1x256xf32> to vector<256x256xf32>
        %add3A_259 = arith.addf %add3A_257, %add3A_258 : vector<256x256xf32>
        %sub3A_260 = arith.subf %add3A_259, %mul3A_256 : vector<256x256xf32>
        %add3A_261 = arith.constant 9.99999971E-10 : f32
        %add3A_262 = vector.broadcast %add3A_261 : f32 to vector<256x256xf32>
        %add3A_263 = arith.addf %sub3A_260, %add3A_262 : vector<256x256xf32>
        %div3A_264 = arith.divf %mul3A_256, %add3A_263 : vector<256x256xf32>
        %gt3A_265 = vector.broadcast %get3A_0 : f32 to vector<256x256xf32>
        %gt3A_266 = arith.cmpf ogt, %div3A_264, %gt3A_265 : vector<256x256xf32>
        %jit3A_267 = arith.constant 1.000000e+00 : f32
        %jit3A_268 = arith.constant 0.000000e+00 : f32
        %broadcast_in_dim3A_269 = vector.broadcast %jit3A_267 : f32 to vector<256x256xf32>
        %broadcast_in_dim3A_270 = vector.broadcast %jit3A_268 : f32 to vector<256x256xf32>
        %select_n3A_271 = arith.select %gt3A_266, %broadcast_in_dim3A_269, %broadcast_in_dim3A_270 : vector<256x256xi1>, vector<256x256xf32>
        %get3A_272 = arith.constant 14 : index
        %get3A_273 = arith.constant 0 : index
        %get3A_274 = vector.load %arg6[%get3A_272, %get3A_273] : memref<20x256xf32, #tpu.memory_space<vmem>>, vector<1x256xf32>
        %dot_general3A_275 = arith.constant dense<0.000000e+00> : vector<1x256xf32>
        %dot_general3A_276 = tpu.matmul %get3A_274, %select_n3A_271, %dot_general3A_275 {dimension_numbers = #tpu.dot_dimension_numbers<[1], [0], [0], [1], [0, 0, 1, 1], [], []>, transpose_lhs_hint = false} : vector<1x256xf32>, vector<256x256xf32>, vector<1x256xf32> -> vector<1x256xf32>
        %get3A_277 = arith.constant 0 : index
        %get3A_278 = arith.constant 0 : index
        %get3A_279 = vector.load %arg7[%get3A_277, %get3A_278] : memref<1x256xf32, #tpu.memory_space<vmem>>, vector<1x256xf32>
        %max3A_280 = arith.maximumf %get3A_279, %dot_general3A_276 : vector<1x256xf32>
        %swap3A_281 = arith.constant 0 : index
        %swap3A_282 = arith.constant 0 : index
        %swap3A_283 = vector.load %arg7[%swap3A_281, %swap3A_282] : memref<1x256xf32, #tpu.memory_space<vmem>>, vector<1x256xf32>
        tpu.vector_store %arg7[%swap3A_281, %swap3A_282], %max3A_280 {strides = array<i32>} : memref<1x256xf32, #tpu.memory_space<vmem>>, vector<1x256xf32>,
      } else {
      }
      %gt3A_105 = arith.constant 15 : i32
      %gt3A_106 = arith.cmpi sgt, %arg0, %gt3A_105 : i32
      %convert_element_type3A_107 = arith.extui %gt3A_106 : i1 to i32
      %cond3A_108 = arith.constant 0 : i32
      %cond3A_109 = arith.cmpi ne, %convert_element_type3A_107, %cond3A_108 : i32
      scf.if %cond3A_109 {
        %get3A_221 = arith.constant 3840 : index
        %get3A_222 = arith.constant 0 : index
        %get3A_223 = vector.load %arg2[%get3A_221, %get3A_222] : memref<5120x5xf32, #tpu.memory_space<vmem>>, vector<256x1xf32>
        %get3A_224 = arith.constant 3840 : index
        %get3A_225 = arith.constant 1 : index
        %get3A_226 = vector.load %arg2[%get3A_224, %get3A_225] : memref<5120x5xf32, #tpu.memory_space<vmem>>, vector<256x1xf32>
        %get3A_227 = arith.constant 3840 : index
        %get3A_228 = arith.constant 2 : index
        %get3A_229 = vector.load %arg2[%get3A_227, %get3A_228] : memref<5120x5xf32, #tpu.memory_space<vmem>>, vector<256x1xf32>
        %get3A_230 = arith.constant 3840 : index
        %get3A_231 = arith.constant 3 : index
        %get3A_232 = vector.load %arg2[%get3A_230, %get3A_231] : memref<5120x5xf32, #tpu.memory_space<vmem>>, vector<256x1xf32>
        %get3A_233 = arith.constant 3840 : index
        %get3A_234 = arith.constant 4 : index
        %get3A_235 = vector.load %arg2[%get3A_233, %get3A_234] : memref<5120x5xf32, #tpu.memory_space<vmem>>, vector<256x1xf32>
        %max3A_236 = vector.broadcast %get3A_223 : vector<256x1xf32> to vector<256x256xf32>
        %max3A_237 = vector.broadcast %get3A_15 : vector<1x256xf32> to vector<256x256xf32>
        %max3A_238 = arith.maximumf %max3A_236, %max3A_237 : vector<256x256xf32>
        %max3A_239 = vector.broadcast %get3A_226 : vector<256x1xf32> to vector<256x256xf32>
        %max3A_240 = vector.broadcast %get3A_18 : vector<1x256xf32> to vector<256x256xf32>
        %max3A_241 = arith.maximumf %max3A_239, %max3A_240 : vector<256x256xf32>
        %min3A_242 = vector.broadcast %get3A_229 : vector<256x1xf32> to vector<256x256xf32>
        %min3A_243 = vector.broadcast %get3A_21 : vector<1x256xf32> to vector<256x256xf32>
        %min3A_244 = arith.minimumf %min3A_242, %min3A_243 : vector<256x256xf32>
        %min3A_245 = vector.broadcast %get3A_232 : vector<256x1xf32> to vector<256x256xf32>
        %min3A_246 = vector.broadcast %get3A_24 : vector<1x256xf32> to vector<256x256xf32>
        %min3A_247 = arith.minimumf %min3A_245, %min3A_246 : vector<256x256xf32>
        %sub3A_248 = arith.subf %min3A_244, %max3A_238 : vector<256x256xf32>
        %jit3A_249 = arith.constant 0.000000e+00 : f32
        %max3A_250 = vector.broadcast %jit3A_249 : f32 to vector<256x256xf32>
        %max3A_251 = arith.maximumf %max3A_250, %sub3A_248 : vector<256x256xf32>
        %sub3A_252 = arith.subf %min3A_247, %max3A_241 : vector<256x256xf32>
        %jit3A_253 = arith.constant 0.000000e+00 : f32
        %max3A_254 = vector.broadcast %jit3A_253 : f32 to vector<256x256xf32>
        %max3A_255 = arith.maximumf %max3A_254, %sub3A_252 : vector<256x256xf32>
        %mul3A_256 = arith.mulf %max3A_251, %max3A_255 : vector<256x256xf32>
        %add3A_257 = vector.broadcast %get3A_235 : vector<256x1xf32> to vector<256x256xf32>
        %add3A_258 = vector.broadcast %get3A_27 : vector<1x256xf32> to vector<256x256xf32>
        %add3A_259 = arith.addf %add3A_257, %add3A_258 : vector<256x256xf32>
        %sub3A_260 = arith.subf %add3A_259, %mul3A_256 : vector<256x256xf32>
        %add3A_261 = arith.constant 9.99999971E-10 : f32
        %add3A_262 = vector.broadcast %add3A_261 : f32 to vector<256x256xf32>
        %add3A_263 = arith.addf %sub3A_260, %add3A_262 : vector<256x256xf32>
        %div3A_264 = arith.divf %mul3A_256, %add3A_263 : vector<256x256xf32>
        %gt3A_265 = vector.broadcast %get3A_0 : f32 to vector<256x256xf32>
        %gt3A_266 = arith.cmpf ogt, %div3A_264, %gt3A_265 : vector<256x256xf32>
        %jit3A_267 = arith.constant 1.000000e+00 : f32
        %jit3A_268 = arith.constant 0.000000e+00 : f32
        %broadcast_in_dim3A_269 = vector.broadcast %jit3A_267 : f32 to vector<256x256xf32>
        %broadcast_in_dim3A_270 = vector.broadcast %jit3A_268 : f32 to vector<256x256xf32>
        %select_n3A_271 = arith.select %gt3A_266, %broadcast_in_dim3A_269, %broadcast_in_dim3A_270 : vector<256x256xi1>, vector<256x256xf32>
        %get3A_272 = arith.constant 15 : index
        %get3A_273 = arith.constant 0 : index
        %get3A_274 = vector.load %arg6[%get3A_272, %get3A_273] : memref<20x256xf32, #tpu.memory_space<vmem>>, vector<1x256xf32>
        %dot_general3A_275 = arith.constant dense<0.000000e+00> : vector<1x256xf32>
        %dot_general3A_276 = tpu.matmul %get3A_274, %select_n3A_271, %dot_general3A_275 {dimension_numbers = #tpu.dot_dimension_numbers<[1], [0], [0], [1], [0, 0, 1, 1], [], []>, transpose_lhs_hint = false} : vector<1x256xf32>, vector<256x256xf32>, vector<1x256xf32> -> vector<1x256xf32>
        %get3A_277 = arith.constant 0 : index
        %get3A_278 = arith.constant 0 : index
        %get3A_279 = vector.load %arg7[%get3A_277, %get3A_278] : memref<1x256xf32, #tpu.memory_space<vmem>>, vector<1x256xf32>
        %max3A_280 = arith.maximumf %get3A_279, %dot_general3A_276 : vector<1x256xf32>
        %swap3A_281 = arith.constant 0 : index
        %swap3A_282 = arith.constant 0 : index
        %swap3A_283 = vector.load %arg7[%swap3A_281, %swap3A_282] : memref<1x256xf32, #tpu.memory_space<vmem>>, vector<1x256xf32>
        tpu.vector_store %arg7[%swap3A_281, %swap3A_282], %max3A_280 {strides = array<i32>} : memref<1x256xf32, #tpu.memory_space<vmem>>, vector<1x256xf32>,
      } else {
      }
      %gt3A_110 = arith.constant 16 : i32
      %gt3A_111 = arith.cmpi sgt, %arg0, %gt3A_110 : i32
      %convert_element_type3A_112 = arith.extui %gt3A_111 : i1 to i32
      %cond3A_113 = arith.constant 0 : i32
      %cond3A_114 = arith.cmpi ne, %convert_element_type3A_112, %cond3A_113 : i32
      scf.if %cond3A_114 {
        %get3A_221 = arith.constant 4096 : index
        %get3A_222 = arith.constant 0 : index
        %get3A_223 = vector.load %arg2[%get3A_221, %get3A_222] : memref<5120x5xf32, #tpu.memory_space<vmem>>, vector<256x1xf32>
        %get3A_224 = arith.constant 4096 : index
        %get3A_225 = arith.constant 1 : index
        %get3A_226 = vector.load %arg2[%get3A_224, %get3A_225] : memref<5120x5xf32, #tpu.memory_space<vmem>>, vector<256x1xf32>
        %get3A_227 = arith.constant 4096 : index
        %get3A_228 = arith.constant 2 : index
        %get3A_229 = vector.load %arg2[%get3A_227, %get3A_228] : memref<5120x5xf32, #tpu.memory_space<vmem>>, vector<256x1xf32>
        %get3A_230 = arith.constant 4096 : index
        %get3A_231 = arith.constant 3 : index
        %get3A_232 = vector.load %arg2[%get3A_230, %get3A_231] : memref<5120x5xf32, #tpu.memory_space<vmem>>, vector<256x1xf32>
        %get3A_233 = arith.constant 4096 : index
        %get3A_234 = arith.constant 4 : index
        %get3A_235 = vector.load %arg2[%get3A_233, %get3A_234] : memref<5120x5xf32, #tpu.memory_space<vmem>>, vector<256x1xf32>
        %max3A_236 = vector.broadcast %get3A_223 : vector<256x1xf32> to vector<256x256xf32>
        %max3A_237 = vector.broadcast %get3A_15 : vector<1x256xf32> to vector<256x256xf32>
        %max3A_238 = arith.maximumf %max3A_236, %max3A_237 : vector<256x256xf32>
        %max3A_239 = vector.broadcast %get3A_226 : vector<256x1xf32> to vector<256x256xf32>
        %max3A_240 = vector.broadcast %get3A_18 : vector<1x256xf32> to vector<256x256xf32>
        %max3A_241 = arith.maximumf %max3A_239, %max3A_240 : vector<256x256xf32>
        %min3A_242 = vector.broadcast %get3A_229 : vector<256x1xf32> to vector<256x256xf32>
        %min3A_243 = vector.broadcast %get3A_21 : vector<1x256xf32> to vector<256x256xf32>
        %min3A_244 = arith.minimumf %min3A_242, %min3A_243 : vector<256x256xf32>
        %min3A_245 = vector.broadcast %get3A_232 : vector<256x1xf32> to vector<256x256xf32>
        %min3A_246 = vector.broadcast %get3A_24 : vector<1x256xf32> to vector<256x256xf32>
        %min3A_247 = arith.minimumf %min3A_245, %min3A_246 : vector<256x256xf32>
        %sub3A_248 = arith.subf %min3A_244, %max3A_238 : vector<256x256xf32>
        %jit3A_249 = arith.constant 0.000000e+00 : f32
        %max3A_250 = vector.broadcast %jit3A_249 : f32 to vector<256x256xf32>
        %max3A_251 = arith.maximumf %max3A_250, %sub3A_248 : vector<256x256xf32>
        %sub3A_252 = arith.subf %min3A_247, %max3A_241 : vector<256x256xf32>
        %jit3A_253 = arith.constant 0.000000e+00 : f32
        %max3A_254 = vector.broadcast %jit3A_253 : f32 to vector<256x256xf32>
        %max3A_255 = arith.maximumf %max3A_254, %sub3A_252 : vector<256x256xf32>
        %mul3A_256 = arith.mulf %max3A_251, %max3A_255 : vector<256x256xf32>
        %add3A_257 = vector.broadcast %get3A_235 : vector<256x1xf32> to vector<256x256xf32>
        %add3A_258 = vector.broadcast %get3A_27 : vector<1x256xf32> to vector<256x256xf32>
        %add3A_259 = arith.addf %add3A_257, %add3A_258 : vector<256x256xf32>
        %sub3A_260 = arith.subf %add3A_259, %mul3A_256 : vector<256x256xf32>
        %add3A_261 = arith.constant 9.99999971E-10 : f32
        %add3A_262 = vector.broadcast %add3A_261 : f32 to vector<256x256xf32>
        %add3A_263 = arith.addf %sub3A_260, %add3A_262 : vector<256x256xf32>
        %div3A_264 = arith.divf %mul3A_256, %add3A_263 : vector<256x256xf32>
        %gt3A_265 = vector.broadcast %get3A_0 : f32 to vector<256x256xf32>
        %gt3A_266 = arith.cmpf ogt, %div3A_264, %gt3A_265 : vector<256x256xf32>
        %jit3A_267 = arith.constant 1.000000e+00 : f32
        %jit3A_268 = arith.constant 0.000000e+00 : f32
        %broadcast_in_dim3A_269 = vector.broadcast %jit3A_267 : f32 to vector<256x256xf32>
        %broadcast_in_dim3A_270 = vector.broadcast %jit3A_268 : f32 to vector<256x256xf32>
        %select_n3A_271 = arith.select %gt3A_266, %broadcast_in_dim3A_269, %broadcast_in_dim3A_270 : vector<256x256xi1>, vector<256x256xf32>
        %get3A_272 = arith.constant 16 : index
        %get3A_273 = arith.constant 0 : index
        %get3A_274 = vector.load %arg6[%get3A_272, %get3A_273] : memref<20x256xf32, #tpu.memory_space<vmem>>, vector<1x256xf32>
        %dot_general3A_275 = arith.constant dense<0.000000e+00> : vector<1x256xf32>
        %dot_general3A_276 = tpu.matmul %get3A_274, %select_n3A_271, %dot_general3A_275 {dimension_numbers = #tpu.dot_dimension_numbers<[1], [0], [0], [1], [0, 0, 1, 1], [], []>, transpose_lhs_hint = false} : vector<1x256xf32>, vector<256x256xf32>, vector<1x256xf32> -> vector<1x256xf32>
        %get3A_277 = arith.constant 0 : index
        %get3A_278 = arith.constant 0 : index
        %get3A_279 = vector.load %arg7[%get3A_277, %get3A_278] : memref<1x256xf32, #tpu.memory_space<vmem>>, vector<1x256xf32>
        %max3A_280 = arith.maximumf %get3A_279, %dot_general3A_276 : vector<1x256xf32>
        %swap3A_281 = arith.constant 0 : index
        %swap3A_282 = arith.constant 0 : index
        %swap3A_283 = vector.load %arg7[%swap3A_281, %swap3A_282] : memref<1x256xf32, #tpu.memory_space<vmem>>, vector<1x256xf32>
        tpu.vector_store %arg7[%swap3A_281, %swap3A_282], %max3A_280 {strides = array<i32>} : memref<1x256xf32, #tpu.memory_space<vmem>>, vector<1x256xf32>,
      } else {
      }
      %gt3A_115 = arith.constant 17 : i32
      %gt3A_116 = arith.cmpi sgt, %arg0, %gt3A_115 : i32
      %convert_element_type3A_117 = arith.extui %gt3A_116 : i1 to i32
      %cond3A_118 = arith.constant 0 : i32
      %cond3A_119 = arith.cmpi ne, %convert_element_type3A_117, %cond3A_118 : i32
      scf.if %cond3A_119 {
        %get3A_221 = arith.constant 4352 : index
        %get3A_222 = arith.constant 0 : index
        %get3A_223 = vector.load %arg2[%get3A_221, %get3A_222] : memref<5120x5xf32, #tpu.memory_space<vmem>>, vector<256x1xf32>
        %get3A_224 = arith.constant 4352 : index
        %get3A_225 = arith.constant 1 : index
        %get3A_226 = vector.load %arg2[%get3A_224, %get3A_225] : memref<5120x5xf32, #tpu.memory_space<vmem>>, vector<256x1xf32>
        %get3A_227 = arith.constant 4352 : index
        %get3A_228 = arith.constant 2 : index
        %get3A_229 = vector.load %arg2[%get3A_227, %get3A_228] : memref<5120x5xf32, #tpu.memory_space<vmem>>, vector<256x1xf32>
        %get3A_230 = arith.constant 4352 : index
        %get3A_231 = arith.constant 3 : index
        %get3A_232 = vector.load %arg2[%get3A_230, %get3A_231] : memref<5120x5xf32, #tpu.memory_space<vmem>>, vector<256x1xf32>
        %get3A_233 = arith.constant 4352 : index
        %get3A_234 = arith.constant 4 : index
        %get3A_235 = vector.load %arg2[%get3A_233, %get3A_234] : memref<5120x5xf32, #tpu.memory_space<vmem>>, vector<256x1xf32>
        %max3A_236 = vector.broadcast %get3A_223 : vector<256x1xf32> to vector<256x256xf32>
        %max3A_237 = vector.broadcast %get3A_15 : vector<1x256xf32> to vector<256x256xf32>
        %max3A_238 = arith.maximumf %max3A_236, %max3A_237 : vector<256x256xf32>
        %max3A_239 = vector.broadcast %get3A_226 : vector<256x1xf32> to vector<256x256xf32>
        %max3A_240 = vector.broadcast %get3A_18 : vector<1x256xf32> to vector<256x256xf32>
        %max3A_241 = arith.maximumf %max3A_239, %max3A_240 : vector<256x256xf32>
        %min3A_242 = vector.broadcast %get3A_229 : vector<256x1xf32> to vector<256x256xf32>
        %min3A_243 = vector.broadcast %get3A_21 : vector<1x256xf32> to vector<256x256xf32>
        %min3A_244 = arith.minimumf %min3A_242, %min3A_243 : vector<256x256xf32>
        %min3A_245 = vector.broadcast %get3A_232 : vector<256x1xf32> to vector<256x256xf32>
        %min3A_246 = vector.broadcast %get3A_24 : vector<1x256xf32> to vector<256x256xf32>
        %min3A_247 = arith.minimumf %min3A_245, %min3A_246 : vector<256x256xf32>
        %sub3A_248 = arith.subf %min3A_244, %max3A_238 : vector<256x256xf32>
        %jit3A_249 = arith.constant 0.000000e+00 : f32
        %max3A_250 = vector.broadcast %jit3A_249 : f32 to vector<256x256xf32>
        %max3A_251 = arith.maximumf %max3A_250, %sub3A_248 : vector<256x256xf32>
        %sub3A_252 = arith.subf %min3A_247, %max3A_241 : vector<256x256xf32>
        %jit3A_253 = arith.constant 0.000000e+00 : f32
        %max3A_254 = vector.broadcast %jit3A_253 : f32 to vector<256x256xf32>
        %max3A_255 = arith.maximumf %max3A_254, %sub3A_252 : vector<256x256xf32>
        %mul3A_256 = arith.mulf %max3A_251, %max3A_255 : vector<256x256xf32>
        %add3A_257 = vector.broadcast %get3A_235 : vector<256x1xf32> to vector<256x256xf32>
        %add3A_258 = vector.broadcast %get3A_27 : vector<1x256xf32> to vector<256x256xf32>
        %add3A_259 = arith.addf %add3A_257, %add3A_258 : vector<256x256xf32>
        %sub3A_260 = arith.subf %add3A_259, %mul3A_256 : vector<256x256xf32>
        %add3A_261 = arith.constant 9.99999971E-10 : f32
        %add3A_262 = vector.broadcast %add3A_261 : f32 to vector<256x256xf32>
        %add3A_263 = arith.addf %sub3A_260, %add3A_262 : vector<256x256xf32>
        %div3A_264 = arith.divf %mul3A_256, %add3A_263 : vector<256x256xf32>
        %gt3A_265 = vector.broadcast %get3A_0 : f32 to vector<256x256xf32>
        %gt3A_266 = arith.cmpf ogt, %div3A_264, %gt3A_265 : vector<256x256xf32>
        %jit3A_267 = arith.constant 1.000000e+00 : f32
        %jit3A_268 = arith.constant 0.000000e+00 : f32
        %broadcast_in_dim3A_269 = vector.broadcast %jit3A_267 : f32 to vector<256x256xf32>
        %broadcast_in_dim3A_270 = vector.broadcast %jit3A_268 : f32 to vector<256x256xf32>
        %select_n3A_271 = arith.select %gt3A_266, %broadcast_in_dim3A_269, %broadcast_in_dim3A_270 : vector<256x256xi1>, vector<256x256xf32>
        %get3A_272 = arith.constant 17 : index
        %get3A_273 = arith.constant 0 : index
        %get3A_274 = vector.load %arg6[%get3A_272, %get3A_273] : memref<20x256xf32, #tpu.memory_space<vmem>>, vector<1x256xf32>
        %dot_general3A_275 = arith.constant dense<0.000000e+00> : vector<1x256xf32>
        %dot_general3A_276 = tpu.matmul %get3A_274, %select_n3A_271, %dot_general3A_275 {dimension_numbers = #tpu.dot_dimension_numbers<[1], [0], [0], [1], [0, 0, 1, 1], [], []>, transpose_lhs_hint = false} : vector<1x256xf32>, vector<256x256xf32>, vector<1x256xf32> -> vector<1x256xf32>
        %get3A_277 = arith.constant 0 : index
        %get3A_278 = arith.constant 0 : index
        %get3A_279 = vector.load %arg7[%get3A_277, %get3A_278] : memref<1x256xf32, #tpu.memory_space<vmem>>, vector<1x256xf32>
        %max3A_280 = arith.maximumf %get3A_279, %dot_general3A_276 : vector<1x256xf32>
        %swap3A_281 = arith.constant 0 : index
        %swap3A_282 = arith.constant 0 : index
        %swap3A_283 = vector.load %arg7[%swap3A_281, %swap3A_282] : memref<1x256xf32, #tpu.memory_space<vmem>>, vector<1x256xf32>
        tpu.vector_store %arg7[%swap3A_281, %swap3A_282], %max3A_280 {strides = array<i32>} : memref<1x256xf32, #tpu.memory_space<vmem>>, vector<1x256xf32>,
      } else {
      }
      %gt3A_120 = arith.constant 18 : i32
      %gt3A_121 = arith.cmpi sgt, %arg0, %gt3A_120 : i32
      %convert_element_type3A_122 = arith.extui %gt3A_121 : i1 to i32
      %cond3A_123 = arith.constant 0 : i32
      %cond3A_124 = arith.cmpi ne, %convert_element_type3A_122, %cond3A_123 : i32
      scf.if %cond3A_124 {
        %get3A_221 = arith.constant 4608 : index
        %get3A_222 = arith.constant 0 : index
        %get3A_223 = vector.load %arg2[%get3A_221, %get3A_222] : memref<5120x5xf32, #tpu.memory_space<vmem>>, vector<256x1xf32>
        %get3A_224 = arith.constant 4608 : index
        %get3A_225 = arith.constant 1 : index
        %get3A_226 = vector.load %arg2[%get3A_224, %get3A_225] : memref<5120x5xf32, #tpu.memory_space<vmem>>, vector<256x1xf32>
        %get3A_227 = arith.constant 4608 : index
        %get3A_228 = arith.constant 2 : index
        %get3A_229 = vector.load %arg2[%get3A_227, %get3A_228] : memref<5120x5xf32, #tpu.memory_space<vmem>>, vector<256x1xf32>
        %get3A_230 = arith.constant 4608 : index
        %get3A_231 = arith.constant 3 : index
        %get3A_232 = vector.load %arg2[%get3A_230, %get3A_231] : memref<5120x5xf32, #tpu.memory_space<vmem>>, vector<256x1xf32>
        %get3A_233 = arith.constant 4608 : index
        %get3A_234 = arith.constant 4 : index
        %get3A_235 = vector.load %arg2[%get3A_233, %get3A_234] : memref<5120x5xf32, #tpu.memory_space<vmem>>, vector<256x1xf32>
        %max3A_236 = vector.broadcast %get3A_223 : vector<256x1xf32> to vector<256x256xf32>
        %max3A_237 = vector.broadcast %get3A_15 : vector<1x256xf32> to vector<256x256xf32>
        %max3A_238 = arith.maximumf %max3A_236, %max3A_237 : vector<256x256xf32>
        %max3A_239 = vector.broadcast %get3A_226 : vector<256x1xf32> to vector<256x256xf32>
        %max3A_240 = vector.broadcast %get3A_18 : vector<1x256xf32> to vector<256x256xf32>
        %max3A_241 = arith.maximumf %max3A_239, %max3A_240 : vector<256x256xf32>
        %min3A_242 = vector.broadcast %get3A_229 : vector<256x1xf32> to vector<256x256xf32>
        %min3A_243 = vector.broadcast %get3A_21 : vector<1x256xf32> to vector<256x256xf32>
        %min3A_244 = arith.minimumf %min3A_242, %min3A_243 : vector<256x256xf32>
        %min3A_245 = vector.broadcast %get3A_232 : vector<256x1xf32> to vector<256x256xf32>
        %min3A_246 = vector.broadcast %get3A_24 : vector<1x256xf32> to vector<256x256xf32>
        %min3A_247 = arith.minimumf %min3A_245, %min3A_246 : vector<256x256xf32>
        %sub3A_248 = arith.subf %min3A_244, %max3A_238 : vector<256x256xf32>
        %jit3A_249 = arith.constant 0.000000e+00 : f32
        %max3A_250 = vector.broadcast %jit3A_249 : f32 to vector<256x256xf32>
        %max3A_251 = arith.maximumf %max3A_250, %sub3A_248 : vector<256x256xf32>
        %sub3A_252 = arith.subf %min3A_247, %max3A_241 : vector<256x256xf32>
        %jit3A_253 = arith.constant 0.000000e+00 : f32
        %max3A_254 = vector.broadcast %jit3A_253 : f32 to vector<256x256xf32>
        %max3A_255 = arith.maximumf %max3A_254, %sub3A_252 : vector<256x256xf32>
        %mul3A_256 = arith.mulf %max3A_251, %max3A_255 : vector<256x256xf32>
        %add3A_257 = vector.broadcast %get3A_235 : vector<256x1xf32> to vector<256x256xf32>
        %add3A_258 = vector.broadcast %get3A_27 : vector<1x256xf32> to vector<256x256xf32>
        %add3A_259 = arith.addf %add3A_257, %add3A_258 : vector<256x256xf32>
        %sub3A_260 = arith.subf %add3A_259, %mul3A_256 : vector<256x256xf32>
        %add3A_261 = arith.constant 9.99999971E-10 : f32
        %add3A_262 = vector.broadcast %add3A_261 : f32 to vector<256x256xf32>
        %add3A_263 = arith.addf %sub3A_260, %add3A_262 : vector<256x256xf32>
        %div3A_264 = arith.divf %mul3A_256, %add3A_263 : vector<256x256xf32>
        %gt3A_265 = vector.broadcast %get3A_0 : f32 to vector<256x256xf32>
        %gt3A_266 = arith.cmpf ogt, %div3A_264, %gt3A_265 : vector<256x256xf32>
        %jit3A_267 = arith.constant 1.000000e+00 : f32
        %jit3A_268 = arith.constant 0.000000e+00 : f32
        %broadcast_in_dim3A_269 = vector.broadcast %jit3A_267 : f32 to vector<256x256xf32>
        %broadcast_in_dim3A_270 = vector.broadcast %jit3A_268 : f32 to vector<256x256xf32>
        %select_n3A_271 = arith.select %gt3A_266, %broadcast_in_dim3A_269, %broadcast_in_dim3A_270 : vector<256x256xi1>, vector<256x256xf32>
        %get3A_272 = arith.constant 18 : index
        %get3A_273 = arith.constant 0 : index
        %get3A_274 = vector.load %arg6[%get3A_272, %get3A_273] : memref<20x256xf32, #tpu.memory_space<vmem>>, vector<1x256xf32>
        %dot_general3A_275 = arith.constant dense<0.000000e+00> : vector<1x256xf32>
        %dot_general3A_276 = tpu.matmul %get3A_274, %select_n3A_271, %dot_general3A_275 {dimension_numbers = #tpu.dot_dimension_numbers<[1], [0], [0], [1], [0, 0, 1, 1], [], []>, transpose_lhs_hint = false} : vector<1x256xf32>, vector<256x256xf32>, vector<1x256xf32> -> vector<1x256xf32>
        %get3A_277 = arith.constant 0 : index
        %get3A_278 = arith.constant 0 : index
        %get3A_279 = vector.load %arg7[%get3A_277, %get3A_278] : memref<1x256xf32, #tpu.memory_space<vmem>>, vector<1x256xf32>
        %max3A_280 = arith.maximumf %get3A_279, %dot_general3A_276 : vector<1x256xf32>
        %swap3A_281 = arith.constant 0 : index
        %swap3A_282 = arith.constant 0 : index
        %swap3A_283 = vector.load %arg7[%swap3A_281, %swap3A_282] : memref<1x256xf32, #tpu.memory_space<vmem>>, vector<1x256xf32>
        tpu.vector_store %arg7[%swap3A_281, %swap3A_282], %max3A_280 {strides = array<i32>} : memref<1x256xf32, #tpu.memory_space<vmem>>, vector<1x256xf32>,
      } else {
      }
      %iota3A = tpu.iota {dimensions = array<i32: 1>} : vector<1x256xi32>
      %mul3A = arith.constant 256 : i32
      %mul3A_125 = arith.muli %arg0, %mul3A : i32
      %add3A = vector.broadcast %mul3A_125 : i32 to vector<1x256xi32>
      %add3A_126 = arith.addi %add3A, %iota3A : vector<1x256xi32>
      %lt3A_127 = arith.constant 5000 : i32
      %lt3A_128 = vector.broadcast %lt3A_127 : i32 to vector<1x256xi32>
      %lt3A_129 = arith.cmpi slt, %add3A_126, %lt3A_128 : vector<1x256xi32>
      %jit3A = arith.constant 1.000000e+00 : f32
      %jit3A_130 = arith.constant 0.000000e+00 : f32
      %broadcast_in_dim3A_131 = vector.broadcast %jit3A : f32 to vector<1x256xf32>
      %broadcast_in_dim3A_132 = vector.broadcast %jit3A_130 : f32 to vector<1x256xf32>
      %select_n3A = arith.select %lt3A_129, %broadcast_in_dim3A_131, %broadcast_in_dim3A_132 : vector<1x256xi1>, vector<1x256xf32>
      %get3A_133 = arith.constant 0 : index
      %get3A_134 = arith.constant 0 : index
      %get3A_135 = vector.load %arg7[%get3A_133, %get3A_134] : memref<1x256xf32, #tpu.memory_space<vmem>>, vector<1x256xf32>
      %gt3A_136 = arith.constant 0.000000e+00 : f32
      %gt3A_137 = vector.broadcast %gt3A_136 : f32 to vector<1x256xf32>
      %gt3A_138 = arith.cmpf ogt, %get3A_135, %gt3A_137 : vector<1x256xf32>
      %jit3A_139 = arith.constant 0.000000e+00 : f32
      %broadcast_in_dim3A_140 = vector.broadcast %jit3A_139 : f32 to vector<1x256xf32>
      %select_n3A_141 = arith.select %gt3A_138, %broadcast_in_dim3A_140, %select_n3A : vector<1x256xi1>, vector<1x256xf32>
      %get3A_142 = arith.constant 0 : index
      %get3A_143 = arith.constant 0 : index
      %get3A_144 = vector.load %arg3[%get3A_142, %get3A_143] : memref<256x5xf32, #tpu.memory_space<vmem>>, vector<256x1xf32>
      %get3A_145 = arith.constant 0 : index
      %get3A_146 = arith.constant 1 : index
      %get3A_147 = vector.load %arg3[%get3A_145, %get3A_146] : memref<256x5xf32, #tpu.memory_space<vmem>>, vector<256x1xf32>
      %get3A_148 = arith.constant 0 : index
      %get3A_149 = arith.constant 2 : index
      %get3A_150 = vector.load %arg3[%get3A_148, %get3A_149] : memref<256x5xf32, #tpu.memory_space<vmem>>, vector<256x1xf32>
      %get3A_151 = arith.constant 0 : index
      %get3A_152 = arith.constant 3 : index
      %get3A_153 = vector.load %arg3[%get3A_151, %get3A_152] : memref<256x5xf32, #tpu.memory_space<vmem>>, vector<256x1xf32>
      %get3A_154 = arith.constant 0 : index
      %get3A_155 = arith.constant 4 : index
      %get3A_156 = vector.load %arg3[%get3A_154, %get3A_155] : memref<256x5xf32, #tpu.memory_space<vmem>>, vector<256x1xf32>
      %max3A = vector.broadcast %get3A_144 : vector<256x1xf32> to vector<256x256xf32>
      %max3A_157 = vector.broadcast %get3A_15 : vector<1x256xf32> to vector<256x256xf32>
      %max3A_158 = arith.maximumf %max3A, %max3A_157 : vector<256x256xf32>
      %max3A_159 = vector.broadcast %get3A_147 : vector<256x1xf32> to vector<256x256xf32>
      %max3A_160 = vector.broadcast %get3A_18 : vector<1x256xf32> to vector<256x256xf32>
      %max3A_161 = arith.maximumf %max3A_159, %max3A_160 : vector<256x256xf32>
      %min3A = vector.broadcast %get3A_150 : vector<256x1xf32> to vector<256x256xf32>
      %min3A_162 = vector.broadcast %get3A_21 : vector<1x256xf32> to vector<256x256xf32>
      %min3A_163 = arith.minimumf %min3A, %min3A_162 : vector<256x256xf32>
      %min3A_164 = vector.broadcast %get3A_153 : vector<256x1xf32> to vector<256x256xf32>
      %min3A_165 = vector.broadcast %get3A_24 : vector<1x256xf32> to vector<256x256xf32>
      %min3A_166 = arith.minimumf %min3A_164, %min3A_165 : vector<256x256xf32>
      %sub3A = arith.subf %min3A_163, %max3A_158 : vector<256x256xf32>
      %jit3A_167 = arith.constant 0.000000e+00 : f32
      %max3A_168 = vector.broadcast %jit3A_167 : f32 to vector<256x256xf32>
      %max3A_169 = arith.maximumf %max3A_168, %sub3A : vector<256x256xf32>
      %sub3A_170 = arith.subf %min3A_166, %max3A_161 : vector<256x256xf32>
      %jit3A_171 = arith.constant 0.000000e+00 : f32
      %max3A_172 = vector.broadcast %jit3A_171 : f32 to vector<256x256xf32>
      %max3A_173 = arith.maximumf %max3A_172, %sub3A_170 : vector<256x256xf32>
      %mul3A_174 = arith.mulf %max3A_169, %max3A_173 : vector<256x256xf32>
      %add3A_175 = vector.broadcast %get3A_156 : vector<256x1xf32> to vector<256x256xf32>
      %add3A_176 = vector.broadcast %get3A_27 : vector<1x256xf32> to vector<256x256xf32>
      %add3A_177 = arith.addf %add3A_175, %add3A_176 : vector<256x256xf32>
      %sub3A_178 = arith.subf %add3A_177, %mul3A_174 : vector<256x256xf32>
      %add3A_179 = arith.constant 9.99999971E-10 : f32
      %add3A_180 = vector.broadcast %add3A_179 : f32 to vector<256x256xf32>
      %add3A_181 = arith.addf %sub3A_178, %add3A_180 : vector<256x256xf32>
      %div3A = arith.divf %mul3A_174, %add3A_181 : vector<256x256xf32>
      %iota3A_182 = tpu.iota {dimensions = array<i32: 0>} : vector<256x256xi32>
      %iota3A_183 = tpu.iota {dimensions = array<i32: 1>} : vector<256x256xi32>
      %lt3A_184 = arith.cmpi slt, %iota3A_182, %iota3A_183 : vector<256x256xi32>
      %gt3A_185 = vector.broadcast %get3A_0 : f32 to vector<256x256xf32>
      %gt3A_186 = arith.cmpf ogt, %div3A, %gt3A_185 : vector<256x256xf32>
      %and3A = arith.andi %gt3A_186, %lt3A_184 : vector<256x256xi1>
      %jit3A_187 = arith.constant 1.000000e+00 : f32
      %jit3A_188 = arith.constant 0.000000e+00 : f32
      %broadcast_in_dim3A_189 = vector.broadcast %jit3A_187 : f32 to vector<256x256xf32>
      %broadcast_in_dim3A_190 = vector.broadcast %jit3A_188 : f32 to vector<256x256xf32>
      %select_n3A_191 = arith.select %and3A, %broadcast_in_dim3A_189, %broadcast_in_dim3A_190 : vector<256x256xi1>, vector<256x256xf32>
      %while3A = arith.constant true
      %while3A_192:2 = scf.while (%while3A_221 = %select_n3A_141, %while3A_222 = %while3A) : (vector<1x256xf32>, i1) -> (vector<1x256xf32>, i1) {
        scf.condition(%while3A_222) %while3A_221, %while3A_222 : vector<1x256xf32>, i1
      } do {
      ^bb0(%while3A_221: vector<1x256xf32>, %while3A_222: i1):
        %dot_general3A_223 = arith.constant dense<0.000000e+00> : vector<1x256xf32>
        %dot_general3A_224 = tpu.matmul %while3A_221, %select_n3A_191, %dot_general3A_223 {dimension_numbers = #tpu.dot_dimension_numbers<[1], [0], [0], [1], [0, 0, 1, 1], [], []>, transpose_lhs_hint = false} : vector<1x256xf32>, vector<256x256xf32>, vector<1x256xf32> -> vector<1x256xf32>
        %gt3A_225 = arith.constant 0.000000e+00 : f32
        %gt3A_226 = vector.broadcast %gt3A_225 : f32 to vector<1x256xf32>
        %gt3A_227 = arith.cmpf ogt, %dot_general3A_224, %gt3A_226 : vector<1x256xf32>
        %jit3A_228 = arith.constant 0.000000e+00 : f32
        %broadcast_in_dim3A_229 = vector.broadcast %jit3A_228 : f32 to vector<1x256xf32>
        %select_n3A_230 = arith.select %gt3A_227, %broadcast_in_dim3A_229, %select_n3A_141 : vector<1x256xi1>, vector<1x256xf32>
        %ne3A = arith.cmpf one, %select_n3A_230, %while3A_221 : vector<1x256xf32>
        %reduce_or3A = arith.constant 1.000000e+00 : f32
        %reduce_or3A_231 = arith.constant 0.000000e+00 : f32
        %reduce_or3A_232 = vector.broadcast %reduce_or3A : f32 to vector<1x256xf32>
        %reduce_or3A_233 = vector.broadcast %reduce_or3A_231 : f32 to vector<1x256xf32>
        %reduce_or3A_234 = arith.select %ne3A, %reduce_or3A_232, %reduce_or3A_233 : vector<1x256xi1>, vector<1x256xf32>
        %reduce_or3A_235 = vector.shape_cast %reduce_or3A_234 : vector<1x256xf32> to vector<1x1x256xf32>
        %reduce_or3A_236 = arith.constant dense<0xFF800000> : vector<1xf32>
        %reduce_or3A_237 = vector.multi_reduction <maximumf>, %reduce_or3A_235, %reduce_or3A_236 [1, 2] : vector<1x1x256xf32> to vector<1xf32>
        %reduce_or3A_238 = vector.shape_cast %reduce_or3A_237 : vector<1xf32> to vector<1x1x1xf32>
        %reduce_or3A_239 = vector.extract %reduce_or3A_238[0, 0, 0] : f32 from vector<1x1x1xf32>
        %reduce_or3A_240 = arith.constant 0.000000e+00 : f32
        %reduce_or3A_241 = arith.cmpf ogt, %reduce_or3A_239, %reduce_or3A_240 : f32
        scf.yield %select_n3A_230, %reduce_or3A_241 : vector<1x256xf32>, i1
      }
      %swap3A_193 = arith.index_cast %arg0 : i32 to index
      %swap3A_194 = arith.constant 0 : index
      %swap3A_195 = vector.load %arg6[%swap3A_193, %swap3A_194] : memref<20x256xf32, #tpu.memory_space<vmem>>, vector<1x256xf32>
      tpu.vector_store %arg6[%swap3A_193, %swap3A_194], %while3A_192#0 {strides = array<i32>} : memref<20x256xf32, #tpu.memory_space<vmem>>, vector<1x256xf32>,
      %iota3A_196 = tpu.iota {dimensions = array<i32: 0>} : vector<256x256xi32>
      %iota3A_197 = tpu.iota {dimensions = array<i32: 1>} : vector<256x256xi32>
      %le3A = arith.cmpi sle, %iota3A_196, %iota3A_197 : vector<256x256xi32>
      %jit3A_198 = arith.constant 1.000000e+00 : f32
      %jit3A_199 = arith.constant 0.000000e+00 : f32
      %broadcast_in_dim3A_200 = vector.broadcast %jit3A_198 : f32 to vector<256x256xf32>
      %broadcast_in_dim3A_201 = vector.broadcast %jit3A_199 : f32 to vector<256x256xf32>
      %select_n3A_202 = arith.select %le3A, %broadcast_in_dim3A_200, %broadcast_in_dim3A_201 : vector<256x256xi1>, vector<256x256xf32>
      %dot_general3A = arith.constant dense<0.000000e+00> : vector<1x256xf32>
      %dot_general3A_203 = tpu.matmul %while3A_192#0, %select_n3A_202, %dot_general3A {dimension_numbers = #tpu.dot_dimension_numbers<[1], [0], [0], [1], [0, 0, 1, 1], [], []>, transpose_lhs_hint = false} : vector<1x256xf32>, vector<256x256xf32>, vector<1x256xf32> -> vector<1x256xf32>
      %convert_element_type3A_204 = arith.fptosi %dot_general3A_203 : vector<1x256xf32> to vector<1x256xi32>
      %add3A_205 = vector.broadcast %get3A_4 : i32 to vector<1x256xi32>
      %add3A_206 = arith.addi %convert_element_type3A_204, %add3A_205 : vector<1x256xi32>
      %swap3A_207 = arith.constant 0 : index
      %swap3A_208 = arith.constant 0 : index
      %swap3A_209 = arith.constant 0 : index
      %swap3A_210 = vector.load %arg5[%swap3A_207, %swap3A_208, %swap3A_209] : memref<1x1x256xi32, #tpu.memory_space<vmem>>, vector<1x1x256xi32>
      %swap3A_211 = vector.shape_cast %swap3A_210 : vector<1x1x256xi32> to vector<1x256xi32>
      %swap3A_212 = vector.shape_cast %add3A_206 : vector<1x256xi32> to vector<1x1x256xi32>
      tpu.vector_store %arg5[%swap3A_207, %swap3A_208, %swap3A_209], %swap3A_212 {strides = array<i32>} : memref<1x1x256xi32, #tpu.memory_space<vmem>>, vector<1x1x256xi32>,
      %reduce_sum3A = vector.shape_cast %while3A_192#0 : vector<1x256xf32> to vector<1x1x256xf32>
      %reduce_sum3A_213 = arith.constant dense<0.000000e+00> : vector<1xf32>
      %reduce_sum3A_214 = vector.multi_reduction <add>, %reduce_sum3A, %reduce_sum3A_213 [1, 2] : vector<1x1x256xf32> to vector<1xf32>
      %reduce_sum3A_215 = vector.shape_cast %reduce_sum3A_214 : vector<1xf32> to vector<1x1x1xf32>
      %reduce_sum3A_216 = vector.extract %reduce_sum3A_215[0, 0, 0] : f32 from vector<1x1x1xf32>
      %convert_element_type3A_217 = arith.fptosi %reduce_sum3A_216 : f32 to i32
      %add3A_218 = arith.addi %get3A_4, %convert_element_type3A_217 : i32
      %swap3A_219 = arith.constant 0 : index
      %swap3A_220 = memref.load %arg8[%swap3A_219] : memref<1xi32, #tpu.memory_space<smem>>
      memref.store %add3A_218, %arg8[%swap3A_219] : memref<1xi32, #tpu.memory_space<smem>>
    } else {
    }
    return
  }
  func.func @transform_0(%arg0: i32) -> i32 {
    %c0_i32 = arith.constant 0 : i32
    %c0_i32_0 = arith.constant 0 : i32
    return %c0_i32 : i32
  }
  func.func @transform_1(%arg0: i32) -> (i32, i32) {
    %c0_i32 = arith.constant 0 : i32
    %c0_i32_0 = arith.constant 0 : i32
    %c0_i32_1 = arith.constant 0 : i32
    return %c0_i32, %c0_i32_0 : i32, i32
  }
  func.func @transform_2(%arg0: i32) -> (i32, i32) {
    %c0_i32 = arith.constant 0 : i32
    %c0_i32_0 = arith.constant 0 : i32
    return %arg0, %c0_i32 : i32, i32
  }
  func.func @transform_3(%arg0: i32) -> (i32, i32) {
    %c0_i32 = arith.constant 0 : i32
    %c0_i32_0 = arith.constant 0 : i32
    return %c0_i32, %arg0 : i32, i32
  }
  func.func @transform_4(%arg0: i32) -> (i32, i32, i32) {
    %c0_i32 = arith.constant 0 : i32
    %c0_i32_0 = arith.constant 0 : i32
    %c0_i32_1 = arith.constant 0 : i32
    return %arg0, %c0_i32, %c0_i32_0 : i32, i32, i32
  }
}

</mosaic_0001>

<sc_bundles>
// kernel: kernel.6.cloned.1.call-start
scs
__scs_entry_jumppad:
0x0: {  	(pc) =	sbr.rel $0x88, $3  }
0x1: {  	(tag) =	ssettag $0x0;
	lr =	simm.s32 $0x1  }
0x2: {  	[smem:$0x3F9E] =	sst lr;
	_ =	strace $0xD0000000  }
0x3: {  	_ = 	snop  }
0x4: {  	_ = 	snop  }
0x5: {  	_ = 	snop  }
0x6: {  	_ = 	snop  }
0x7: {  	_ = 	snop  }
__scs_overlays_trampoline_lowered:
0x8: {  	[smem:$0x3FAD] =	sst s0  }
0x9: {  	[smem:$0x3FAE] =	sst s1  }
0xa: {  	[smem:$0x3FAF] =	sst s2  }
0xb: {  	[smem:$0x3FB0] =	sst s3  }
0xc: {  	[smem:$0x3FB1] =	sst s4  }
0xd: {  	[smem:$0x3FB2] =	sst s5  }
0xe: {  	[smem:$0x3FB3] =	sst s6  }
0xf: {  	[smem:$0x3FB4] =	sst s7  }
0x10: {  	[smem:$0x3FB5] =	sst s8  }
0x11: {  	[smem:$0x3FB6] =	sst s9;
	s0 =	simm.s32 @!p0 $0x0  }
0x12: {  	s1 =	sld [smem:$0x3F9C];
	s0 =	simm.s32 @p0 $0x1  }
0x13: {  	[smem:$0x3FB7] =	sst s0;
	s0 =	simm.s32 @!p1 $0x0  }
0x14: {  	s2 =	sld [smem:$0x3F9B];
	s0 =	simm.s32 @p1 $0x1  }
0x15: {  	[smem:$0x3FB8] =	sst s0;
	s0 =	simm.s32 @!p2 $0x0  }
0x16: {  	s3 =	sld [smem:$0x3FDB];
	s0 =	simm.s32 @p2 $0x1  }
0x17: {  	s4 =	simm.s32 $0x1BF5;
	[smem:$0x3FBA] =	sst s0  }
0x18: {  	s0 =	sld [smem:$0x3F9D];
	_ =	swait.ge [sflag:s4], $0x0  }
0x19: {  	s7 =	sld [smem:$0x3F9E]  }
0x1a: {  	s8 =	sadd.s32 $0xFFFFE003, lr  }
0x1b: {  	s9 =	sadd.s32 $0xFFFFFEF7, lr;
	s5 =	simm.s32 $0xFFFFFFFF;
	p2 =	slt.u32 s8, $0xFFFFF086  }
0x1c: {  	p1 =	slt.u32 s9, $0xF7A;
	s5 =	simm.s32 @!p2 $0x0  }
0x1d: {  	s5 =	simm.s32 @p1 $0x1;
	p0 =	seq.s32 s7, s2  }
0x1e: {  	s7 =	smul.u32 @!p0 $0xF7A, s2;
	p2 =	seq.s32 @!p0 s5, $0x0  }
0x1f: {  	s9 =	smul.u32 $0xF7A, s1;
	s8 =	simm.s32 @!p0 $0x1BF5;
	p2 =	por !p2, p0  }
0x20: {  	[sflag:s8] =	ssyncset.s32 @!p0 $0xFFFFF086;
	s6 =	sadd.s32 @!p0 s3, s7;
	s7 =	simm.s32 @!p0 $0x108  }
0x21: {  	s3 =	sadd.s32 s3, s9;
	s6 =	sadd.s32 @!p0 $0x88, s6;
	s7 =	simm.s32 @p2 $0x1082  }
0x22: {  	[simem:s7], [sflag:s8] =	dma.local @!p0 [hbm:s6], $0xF7A  }
0x23: {  	s9 =	sor.u32 $0xD0000000, s2;
	s6 =	simm.s32 $0x108;
	_ =	swait.ge @!p0 [sflag:s8], $0x0  }
0x24: {  	s3 =	sadd.s32 $0x88, s3;
	s6 =	simm.s32 @!p1 $0x1082;
	[sflag:s4] =	ssyncset.s32 $0xFFFFF086  }
0x25: {  	[simem:s6], [sflag:s4] =	dma.local [hbm:s3], $0xF7A  }
0x26: {  	[smem:$0x3F9E] =	sst s1;
	(tag) =	ssettag s2;
	_ =	strace s9  }
0x27: {  	s1 =	sld [smem:$0x3FAE]  }
0x28: {  	s2 =	sld [smem:$0x3FAF]  }
0x29: {  	s4 =	sld [smem:$0x3FB1]  }
0x2a: {  	p0 =	seq.s32 s5, $0x0;
	s5 =	sld [smem:$0x3FB2]  }
0x2b: {  	s6 =	sld [smem:$0x3FB3]  }
0x2c: {  	s7 =	sld [smem:$0x3FB4]  }
0x2d: {  	s3 =	simm.s32 $0x108;
	s8 =	sld [smem:$0x3FB5]  }
0x2e: {  	s3 =	simm.s32 @!p0 $0x1082;
	s9 =	sld [smem:$0x3FB6]  }
0x2f: {  	lr =	sadd.s32 s0, s3;
	s0 =	sld [smem:$0x3FAD]  }
0x30: {  	s3 =	sld [smem:$0x3FB0]  }
0x31: {  	[smem:$0x3FB9] =	sst s10  }
0x32: {  	s10 =	sld [smem:$0x3FB7];
	_ =	sdelay $0x3  }
0x33: {  	p0 =	seq.s32 s10, $0x1;
	s10 =	sld [smem:$0x3FB9];
	_ =	sdelay $0x3  }
0x34: {  	[smem:$0x3FB9] =	sst s10  }
0x35: {  	s10 =	sld [smem:$0x3FB8];
	_ =	sdelay $0x3  }
0x36: {  	p1 =	seq.s32 s10, $0x1;
	s10 =	sld [smem:$0x3FB9];
	_ =	sdelay $0x3  }
0x37: {  	[smem:$0x3FB9] =	sst s10  }
0x38: {  	s10 =	sld [smem:$0x3FBA]  }
0x39: {  	_ = 	snop;
	(pc) =	sbr.ind lr, $3  }
0x3a: {  	_ = 	snop  }
0x3b: {  	_ = 	snop  }
0x3c: {  	p2 =	seq.s32 s10, $0x1;
	s10 =	sld [smem:$0x3FB9]  }
0x3d: {  	_ =	shalt  }
0x3e: {  	_ =	shalt  }
0x3f: {  	_ =	shalt  }
0x40: {  	_ =	shalt  }
0x41: {  	_ =	shalt  }
0x42: {  	_ =	shalt  }
0x43: {  	_ =	shalt  }
0x44: {  	_ =	shalt  }
0x45: {  	_ =	shalt  }
0x46: {  	_ =	shalt  }
0x47: {  	_ =	shalt  }
0x48: {  	_ =	shalt  }
0x49: {  	_ =	shalt  }
0x4a: {  	_ =	shalt  }
0x4b: {  	_ =	shalt  }
0x4c: {  	_ =	shalt  }
0x4d: {  	_ =	shalt  }
0x4e: {  	_ =	shalt  }
0x4f: {  	_ =	shalt  }
0x50: {  	_ =	shalt  }
0x51: {  	_ =	shalt  }
0x52: {  	_ =	shalt  }
0x53: {  	_ =	shalt  }
0x54: {  	_ =	shalt  }
0x55: {  	_ =	shalt  }
0x56: {  	_ =	shalt  }
0x57: {  	_ =	shalt  }
0x58: {  	_ =	shalt  }
0x59: {  	_ =	shalt  }
0x5a: {  	_ =	shalt  }
0x5b: {  	_ =	shalt  }
0x5c: {  	_ =	shalt  }
0x5d: {  	_ =	shalt  }
0x5e: {  	_ =	shalt  }
0x5f: {  	_ =	shalt  }
0x60: {  	_ =	shalt  }
0x61: {  	_ =	shalt  }
0x62: {  	_ =	shalt  }
0x63: {  	_ =	shalt  }
0x64: {  	_ =	shalt  }
0x65: {  	_ =	shalt  }
0x66: {  	_ =	shalt  }
0x67: {  	_ =	shalt  }
0x68: {  	_ =	shalt  }
0x69: {  	_ =	shalt  }
0x6a: {  	_ =	shalt  }
0x6b: {  	_ =	shalt  }
0x6c: {  	_ =	shalt  }
0x6d: {  	_ =	shalt  }
0x6e: {  	_ =	shalt  }
0x6f: {  	_ =	shalt  }
0x70: {  	_ =	shalt  }
0x71: {  	_ =	shalt  }
0x72: {  	_ =	shalt  }
0x73: {  	_ =	shalt  }
0x74: {  	_ =	shalt  }
0x75: {  	_ =	shalt  }
0x76: {  	_ =	shalt  }
0x77: {  	_ =	shalt  }
0x78: {  	_ =	shalt  }
0x79: {  	_ =	shalt  }
0x7a: {  	_ =	shalt  }
0x7b: {  	_ =	shalt  }
0x7c: {  	_ =	shalt  }
0x7d: {  	_ =	shalt  }
0x7e: {  	_ =	shalt  }
0x7f: {  	_ =	shalt  }
0x80: {  	_ =	shalt  }
0x81: {  	_ =	shalt  }
0x82: {  	_ =	shalt  }
0x83: {  	_ =	shalt  }
0x84: {  	_ =	shalt  }
0x85: {  	_ =	shalt  }
0x86: {  	_ =	shalt  }
0x87: {  	_ =	shalt  }
.Lfunc_end0:
.L_simem_size_0:
called_computation_lowered:
.L_overlay_start_0:
0x88: {  	s2 =	sld [smem:$0x3FD9]  }
0x89: {  	s3 =	sld [smem:$0x3FFE];
	_ =	sdelay $0x1  }
0x8a: {  	s1 =	srdreg.scid  }
0x8b: {  	s0 =	sand.u32 $0x1, s1  }
0x8c: {  	s16 =	sshll.u32 s0, $0xA;
	s2 =	sadd.s32 s3, s2  }
0x8d: {  	s2 =	sadd.s32 s2, s16  }
0x8e: {  	[smem:$0x3FC5] =	sst s2  }
0x8f: {  	_ = 	snop  }
0x90: {  	(tm) =	ssettm $0x1  }
0x91: {  	s17 =	sld [smem:$0x3FFB];
	_ =	sdelay $0x3  }
0x92: {  	_ =	strace s17  }
0x93: {  	s2 =	sld [smem:$0x3FFC];
	_ =	sdelay $0x3  }
0x94: {  	_ =	strace s2  }
0x95: {  	s2 =	sld [smem:$0x3FFD];
	_ =	sdelay $0x3  }
0x96: {  	_ =	strace s2  }
0x97: {  	_ =	strace $0x8FFFFFFF  }
0x98: {  	s18 =	sld [smem:$0x3FDB];
	_ =	sdelay $0x1  }
0x99: {  	s19 =	simm.s32 $_scs_section_size  }
0x9a: {  	s4 =	simm.s32 $_size__tile_overlayer_lowered;
	s5 =	simm.s32 $_tile_overlayer_lowered  }
0x9b: {  	s22 =	simm.s32 $0x1BFF;
	s21 =	sshll.u32 s5, $0x1;
	s2 =	sadd.s32 s19, s18  }
0x9c: {  	s6 =	simm.s32 $0x0;
	s20 =	sshll.u32 s4, $0x1;
	s4 =	sadd.s32 s21, s2  }
0x9d: {  	[timem:s6], [sflag:s22] =	dma.local [hbm:s4], s20  }
0x9e: {  	_ =	swait.ge [sflag:s22], s20  }
0x9f: {  	s3 =	ssub.s32 $0x0, s20;
	[sflag:s22] =	ssyncset.done $0x0  }
0xa0: {  	[sflag:s22] =	ssyncadd.s32 s3;
	_ =	sdelay $0x1  }
0xa1: {  	s23 =	simm.s32 $0x1B8B  }
0xa2: {  	_ =	swait.ge [sflag:s23], $0x1  }
0xa3: {  	[sflag:s23] =	ssyncset.done $0x0  }
0xa4: {  	s25 =	simm.s32 $0x1B8E;
	s24 =	sld [smem:$0x3FFE];
	[sflag:s23] =	ssyncadd.s32 $0xFFFFFFFF  }
0xa5: {  	s26 =	simm.s32 $execute0_lowered;
	[smem:$0x3FD2] =	sst s25  }
0xa6: {  	s4 =	sshll.u32 s26, $0x1;
	_ =	strace $0x80000046;
	[dreg:$0x1] =	wrdreg $0xFFFFFFFF  }
0xa7: {  	s28 =	simm.s32 $_size_execute0_lowered;
	s2 =	sadd.s32 s2, s4;
	[dreg:$0x0] =	wrdreg $0x0  }
0xa8: {  	s4 =	sshll.u32 s28, $0x1;
	[dreg:$0x2] =	wrdreg s2  }
0xa9: {  	[dreg:$0x3] =	wrdreg s4  }
0xaa: {  	[dreg:$0x4] =	wrdreg $0xC0  }
0xab: {  	_ =	task [dreg:s6], $0x5FFFF  }
0xac: {  	[dreg:$0x1] =	wrdreg $0xFFFFFFFF  }
0xad: {  	[dreg:$0x0] =	wrdreg $0x60  }
0xae: {  	[dreg:$0x2] =	wrdreg s24  }
0xaf: {  	[dreg:$0x3] =	wrdreg $0xD800  }
0xb0: {  	[dreg:$0x4] =	wrdreg $0xEC00  }
0xb1: {  	[dreg:$0x5] =	wrdreg $0x10000  }
0xb2: {  	[dreg:$0x6] =	wrdreg $0x11400  }
0xb3: {  	[dreg:$0x7] =	wrdreg $0x9  }
0xb4: {  	_ =	task.clear_ibuf [dreg:s6], $0x8FFFF;
	_ =	strace $0x90000046  }
0xb5: {  	s29 =	simm.s32 $0x9;
	_ =	strace $0x80000048  }
0xb6: {  	_ =	swait.ge [sflag:s29], $0x1  }
0xb7: {  	[sflag:s29] =	ssyncadd.s32 $0xFFFFFFFF  }
0xb8: {  	_ =	strace $0x90000048  }
0xb9: {  	_ =	sfence  }
0xba: {  	s30 =	sld [smem:$0x0];
	_ =	sdelay $0x2  }
0xbb: {  	s31 =	sshll.u32 s1, $0xD;
	s1 =	sshrl.u32 s1, $0x2  }
0xbc: {  	s3 =	sand.u32 $0x4000, s31;
	s1 =	sadd.s32 s1, s30  }
0xbd: {  	s0 =	sor.u32 s3, s0;
	s1 =	sshll.u32 s1, $0x11  }
0xbe: {  	s0 =	sor.u32 s1, s0  }
0xbf: {  	s0 =	sadd.s32 $0x8F2B, s0  }
0xc0: {  	[sflag:s0] =	ssyncadd.remote.s32 $0x1  }
0xc1: {  	_ =	sfence.sel $0xFFFF  }
0xc2: {  	[dreg:$0x0] =	wrdreg $0xFFFFFFFF;
	(pc) =	sbr.abs _section_cstart, $3  }
0xc3: {  	[dreg:$0x1] =	wrdreg $0xFFFFFFFF  }
0xc4: {  	_ =	task.clear_ibuf [dreg:s6], $0x2FFFF;
	_ =	strace $0x9FFFFFFF  }
0xc5: {  	(tm) =	ssettm $0x7FFFFFFF  }
tec
execute0_lowered:
.L_overlay_start_1:
0x0: {  	(tag) =	ssettag $0x1  }
0x1: {  	s7 =	rddreg [dreg:$0x0]  }
0x2: {  	s2 =	rddreg [dreg:$0x1]  }
0x3: {  	s3 =	rddreg [dreg:$0x2]  }
0x4: {  	s4 =	rddreg [dreg:$0x3]  }
0x5: {  	s0 =	stileid.u32;
	s5 =	rddreg [dreg:$0x4]  }
0x6: {  	s6 =	simm.s32 $0x0;
	s29 =	srdreg.scid;
	s8 =	smul.u32 $0x140, s0  }
0x7: {  	v19 =	vlaneseq.u32;
	[smem:$0x7FF] =	sst s6;
	s19 =	sadd.s32 $0x2800, s7;
	s17 =	sadd.s32 $0x2C00, s7  }
0x8: {  	s16 =	sadd.s32 $0x3000, s7;
	s10 =	sadd.s32 $0x3400, s7;
	s20 =	sadd.s32 $0x40, s8;
	v51 =	vor.u32 s8, v19  }
0x9: {  	s15 =	sadd.s32 $0x3800, s7;
	_ =	strace $0x80000047;
	s21 =	sadd.s32 $0x50, s8;
	v47 =	vor.u32 s20, v19;
	[tilespmem:$0x1FF30] =	vst v51  }
0xa: {  	s14 =	sadd.s32 $0x3C00, s7;
	s18 =	sshrl.u32 s8, $0x3;
	s22 =	sadd.s32 $0x60, s8;
	v48 =	vor.u32 s21, v19;
	[tilespmem:$0x1FEF0] =	vst v47  }
0xb: {  	s23 =	sadd.s32 s8, s5;
	s24 =	sadd.s32 $0x70, s8;
	s25 =	sadd.s32 $0x80, s8;
	v49 =	vor.u32 s22, v19;
	[tilespmem:$0x1FF00] =	vst v48  }
0xc: {  	s26 =	sadd.s32 $0xB0, s8;
	s9 =	sadd.s32 s18, s7;
	[dreg:$0xc] =	wrdreg s23;
	v50 =	vor.u32 s24, v19;
	[tilespmem:$0x1FF10] =	vst v49  }
0xd: {  	s23 =	sadd.s32 $0x90, s8;
	s20 =	sadd.s32 $0x110, s8;
	v52 =	vor.u32 s25, v19;
	s11 =	sadd.s32 $0x1000, s9;
	[tilespmem:$0x1FF20] =	vst v50  }
0xe: {  	s21 =	sadd.s32 $0x120, s8;
	v55 =	vor.u32 s26, v19;
	s28 =	sadd.s32 $0x2400, s9;
	[tilespmem:$0x1FF40] =	vst v52;
	[dreg:$0x6] =	wrdreg s11  }
0xf: {  	s7 =	sadd.s32 s8, s2;
	s30 =	sadd.s32 $0x1400, s9;
	v53 =	vor.u32 s23, v19;
	[tilespmem:$0x1FF70] =	vst v55;
	[dreg:$0x7] =	wrdreg s28  }
0x10: {  	s31 =	sadd.s32 $0x1800, s9;
	s0 =	sadd.s32 $0x1C00, s9;
	v61 =	vor.u32 s20, v19;
	[dreg:$0x8] =	wrdreg s30;
	[tilespmem:$0x1FF50] =	vst v53  }
0x11: {  	s1 =	sadd.s32 $0x2000, s9;
	v62 =	vor.u32 s21, v19;
	[dreg:$0x9] =	wrdreg s31;
	s30 =	sor.u32 $0x20, s8;
	[tilespmem:$0x1FFD0] =	vst v61  }
0x12: {  	s11 =	sand.u32 $0x1, s29;
	[dreg:$0xa] =	wrdreg s0;
	s0 =	sor.u32 $0x30, s8;
	[tilespmem:$0x1FFE0] =	vst v62;
	v45 =	vor.u32 s30, v19  }
0x13: {  	[dreg:$0xb] =	wrdreg s1;
	s31 =	sadd.s32 s8, s4;
	s28 =	sadd.s32 $0xC0, s8;
	v46 =	vor.u32 s0, v19;
	[tilespmem:$0x1FED0] =	vst v45  }
0x14: {  	s29 =	sadd.s32 $0xD0, s8;
	s1 =	sadd.s32 $0x100, s8;
	s12 =	ssub.s32 $0x2, s11;
	v56 =	vor.u32 s28, v19;
	[tilespmem:$0x1FEE0] =	vst v46  }
0x15: {  	p0 =	sne.s32 s11, $0x0;
	[dreg:$0xd] =	wrdreg s31;
	s11 =	sadd.s32 $0xA0, s8;
	v57 =	vor.u32 s29, v19;
	[tilespmem:$0x1FF80] =	vst v56  }
0x16: {  	s30 =	sadd.s32 $0xE0, s8;
	s31 =	sadd.s32 $0xF0, s8;
	s0 =	sadd.s32 $0x130, s8;
	v60 =	vor.u32 s1, v19;
	[tilespmem:$0x1FF90] =	vst v57  }
0x17: {  	s13 =	sshrl.u32 s12, $0x1;
	s19 =	smov.u32 @p0 s10;
	v54 =	vor.u32 s11, v19;
	s10 =	simm.s32 $0x600;
	[tilespmem:$0x1FFC0] =	vst v60  }
0x18: {  	s11 =	simm.s32 $0x780;
	s16 =	smov.u32 @p0 s14;
	s14 =	simm.s32 $0x480;
	v58 =	vor.u32 s30, v19;
	[tilespmem:$0x1FF60] =	vst v54  }
0x19: {  	v59 =	vor.u32 s31, v19;
	s17 =	smov.u32 @p0 s15;
	s15 =	simm.s32 $0x1;
	s9 =	ssub.s32 s12, s13;
	[tilespmem:$0x1FFA0] =	vst v58  }
0x1a: {  	v63 =	vor.u32 s0, v19;
	s13 =	sor.u32 $0x10, s8;
	s8 =	sadd.s32 s8, s3;
	s12 =	simm.s32 $0x180;
	[tilespmem:$0x1FFB0] =	vst v59  }
0x1b: {  	s16 =	sadd.s32 s16, s18;
	[tilespmem:$0x1FFF0] =	vst v63;
	s17 =	sadd.s32 s17, s18;
	s18 =	sadd.s32 s19, s18;
	v0 =	vor.u32 s13, v19  }
0x1c: {  	s19 =	simm.s32 $0x2;
	s9 =	smax.u32 s9, $0x1;
	s13 =	simm.s32 $0x300;
	[tilespmem:$0x1FEC0] =	vst v0  }
.LBB2_1:
0x1d: {  	s0 =	rddreg [dreg:$0x6]  }
0x1e: {  	[tilespmem:s10], [sflag:$0x1] =	stream.linear.gather [hbm4b:s0+s6], $0x140, $0x38;
	[tilespmem:$0x1280] =	vst v63  }
0x1f: {  	s1 =	rddreg [dreg:$0x7]  }
0x20: {  	[tilespmem:s11], [sflag:$0x1] =	stream.linear.gather [hbm4b:s1+s6], $0x140, $0x38;
	[tilespmem:$0x1280] =	vst v63  }
0x21: {  	s28 =	rddreg [dreg:$0x8]  }
0x22: {  	[tilespmem:s6], [sflag:$0x1] =	stream.linear.gather [hbm4b:s28+s6], $0x140, $0x38;
	[tilespmem:$0x1280] =	vst v63  }
0x23: {  	s29 =	rddreg [dreg:$0x9]  }
0x24: {  	[tilespmem:s12], [sflag:$0x1] =	stream.linear.gather [hbm4b:s29+s6], $0x140, $0x38;
	[tilespmem:$0x1280] =	vst v63  }
0x25: {  	s30 =	rddreg [dreg:$0xa]  }
0x26: {  	[tilespmem:s13], [sflag:$0x1] =	stream.linear.gather [hbm4b:s30+s6], $0x140, $0x38;
	[tilespmem:$0x1280] =	vst v63  }
0x27: {  	s31 =	rddreg [dreg:$0xb]  }
0x28: {  	[tilespmem:s14], [sflag:$0x1] =	stream.linear.gather [hbm4b:s31+s6], $0x140, $0x38;
	[tilespmem:$0x1280] =	vst v63  }
0x29: {  	_ =	swait.ge [sflag:s15], $0x140  }
0x2a: {  	[sflag:s15] =	ssyncset.done $0x0  }
0x2b: {  	[sflag:s15] =	ssyncadd.s32 $0xFFFFFEC0  }
0x2c: {  	_ =	swait.ge [sflag:s15], $0x140  }
0x2d: {  	[sflag:s15] =	ssyncset.done $0x0  }
0x2e: {  	[sflag:s15] =	ssyncadd.s32 $0xFFFFFEC0  }
0x2f: {  	_ =	swait.ge [sflag:s15], $0x140  }
0x30: {  	[sflag:s15] =	ssyncset.done $0x0  }
0x31: {  	[sflag:s15] =	ssyncadd.s32 $0xFFFFFEC0  }
0x32: {  	_ =	swait.ge [sflag:s15], $0x140  }
0x33: {  	[sflag:s15] =	ssyncset.done $0x0  }
0x34: {  	[sflag:s15] =	ssyncadd.s32 $0xFFFFFEC0  }
0x35: {  	_ =	swait.ge [sflag:s15], $0x140  }
0x36: {  	[sflag:s15] =	ssyncset.done $0x0  }
0x37: {  	[sflag:s15] =	ssyncadd.s32 $0xFFFFFEC0  }
0x38: {  	_ =	swait.ge [sflag:s15], $0x140  }
0x39: {  	[sflag:s15] =	ssyncset.done $0x0  }
0x3a: {  	[sflag:s15] =	ssyncadd.s32 $0xFFFFFEC0  }
0x3b: {  	v20 =	vld [tilespmem:$0x600]  }
0x3c: {  	v21 =	vld [tilespmem:$0x780]  }
0x3d: {  	v22 =	vld [tilespmem:$0x300]  }
0x3e: {  	v23 =	vld [tilespmem:$0x0]  }
0x3f: {  	v24 =	vld [tilespmem:$0x480]  }
0x40: {  	v25 =	vld [tilespmem:$0x180]  }
0x41: {  	v26 =	vld [tilespmem:$0x610]  }
0x42: {  	v27 =	vld [tilespmem:$0x790]  }
0x43: {  	v28 =	vld [tilespmem:$0x310]  }
0x44: {  	v29 =	vld [tilespmem:$0x10]  }
0x45: {  	v30 =	vld [tilespmem:$0x490]  }
0x46: {  	v31 =	vld [tilespmem:$0x190]  }
0x47: {  	v32 =	vld [tilespmem:$0x620]  }
0x48: {  	v33 =	vld [tilespmem:$0x7A0]  }
0x49: {  	v34 =	vld [tilespmem:$0x320]  }
0x4a: {  	v35 =	vld [tilespmem:$0x20]  }
0x4b: {  	v36 =	vld [tilespmem:$0x4A0]  }
0x4c: {  	v37 =	vld [tilespmem:$0x1A0]  }
0x4d: {  	v38 =	vld [tilespmem:$0x630]  }
0x4e: {  	v39 =	vld [tilespmem:$0x7B0]  }
0x4f: {  	v40 =	vld [tilespmem:$0x330]  }
0x50: {  	v41 =	vld [tilespmem:$0x30]  }
0x51: {  	v42 =	vld [tilespmem:$0x4B0]  }
0x52: {  	v43 =	vld [tilespmem:$0x1B0]  }
0x53: {  	v44 =	vld [tilespmem:$0x640]  }
0x54: {  	v45 =	vld [tilespmem:$0x7C0]  }
0x55: {  	v46 =	vld [tilespmem:$0x340]  }
0x56: {  	v47 =	vld [tilespmem:$0x40]  }
0x57: {  	v48 =	vld [tilespmem:$0x4C0]  }
0x58: {  	v49 =	vld [tilespmem:$0x1C0]  }
0x59: {  	v50 =	vld [tilespmem:$0x650]  }
0x5a: {  	v51 =	vld [tilespmem:$0x7D0]  }
0x5b: {  	v52 =	vld [tilespmem:$0x350]  }
0x5c: {  	v53 =	vld [tilespmem:$0x50]  }
0x5d: {  	v54 =	vld [tilespmem:$0x4D0]  }
0x5e: {  	v55 =	vld [tilespmem:$0x1D0]  }
0x5f: {  	v56 =	vld [tilespmem:$0x660]  }
0x60: {  	v57 =	vld [tilespmem:$0x7E0]  }
0x61: {  	v58 =	vld [tilespmem:$0x360]  }
0x62: {  	v59 =	vld [tilespmem:$0x60]  }
0x63: {  	v60 =	vld [tilespmem:$0x4E0]  }
0x64: {  	v61 =	vld [tilespmem:$0x1E0]  }
0x65: {  	v62 =	vld [tilespmem:$0x670]  }
0x66: {  	v63 =	vld [tilespmem:$0x7F0]  }
0x67: {  	v0 =	vld [tilespmem:$0x370]  }
0x68: {  	v1 =	vld [tilespmem:$0x70]  }
0x69: {  	v2 =	vld [tilespmem:$0x4F0]  }
0x6a: {  	v3 =	vld [tilespmem:$0x1F0]  }
0x6b: {  	v4 =	vld [tilespmem:$0x680]  }
0x6c: {  	v5 =	vld [tilespmem:$0x800]  }
0x6d: {  	v6 =	vld [tilespmem:$0x380]  }
0x6e: {  	v7 =	vld [tilespmem:$0x80]  }
0x6f: {  	v8 =	vld [tilespmem:$0x500]  }
0x70: {  	v9 =	vld [tilespmem:$0x200]  }
0x71: {  	v10 =	vld [tilespmem:$0x690]  }
0x72: {  	v11 =	vld [tilespmem:$0x810]  }
0x73: {  	v12 =	vld [tilespmem:$0x390]  }
0x74: {  	v13 =	vld [tilespmem:$0x90]  }
0x75: {  	v14 =	vld [tilespmem:$0x510]  }
0x76: {  	v19 =	vld [tilespmem:$0x3A0]  }
0x77: {  	v18 =	vld [tilespmem:$0x520]  }
0x78: {  	v15 =	vld [tilespmem:$0x210]  }
0x79: {  	v16 =	vld [tilespmem:$0x6A0]  }
0x7a: {  	v17 =	vld [tilespmem:$0x820]  }
0x7b: {  	[tilespmem:$0x1FE90] =	vst v19;
	v19 =	vld [tilespmem:$0xA0]  }
0x7c: {  	[tilespmem:$0x1FEA0] =	vst v18;
	v18 =	vld [tilespmem:$0x220]  }
0x7d: {  	[tilespmem:$0x1FE80] =	vst v14;
	v14 =	vld [tilespmem:$0x6B0]  }
0x7e: {  	v20 =	vadd.f32 v21, v20;
	v21 =	vld [tilespmem:$0x3B0]  }
0x7f: {  	v22 =	vsub.f32 v22, v23;
	v23 =	vsub.f32 v24, v25;
	v24 =	vld [tilespmem:$0xB0]  }
0x80: {  	v25 =	vadd.f32 v27, v26;
	v26 =	vld [tilespmem:$0x530]  }
0x81: {  	v27 =	vld [tilespmem:$0x230]  }
0x82: {  	v39 =	vadd.f32 v39, v38;
	v41 =	vsub.f32 v40, v41;
	v38 =	vld [tilespmem:$0x3D0]  }
0x83: {  	v42 =	vsub.f32 v42, v43;
	v43 =	vadd.f32 v45, v44;
	v40 =	vld [tilespmem:$0xD0]  }
0x84: {  	v45 =	vsub.f32 v48, v49;
	v0 =	vsub.f32 v0, v1;
	v1 =	vld [tilespmem:$0x250]  }
0x85: {  	v48 =	vadd.f32 v51, v50;
	v4 =	vadd.f32 v5, v4;
	v5 =	vld [tilespmem:$0x6E0]  }
0x86: {  	v51 =	vadd.f32 v57, v56;
	v57 =	vsub.f32 v8, v9;
	v8 =	vld [tilespmem:$0x860]  }
0x87: {  	v49 =	vsub.f32 v52, v53;
	v53 =	vsub.f32 v60, v61;
	v60 =	vld [tilespmem:$0x3E0]  }
0x88: {  	v50 =	vsub.f32 v54, v55;
	v55 =	vadd.f32 v63, v62;
	v63 =	vld [tilespmem:$0xE0]  }
0x89: {  	v62 =	vsub.f32 v12, v13;
	v13 =	vld [tilespmem:$0x1FE80]  }
0x8a: {  	v22 =	vmul.f32 v23, v22;
	v23 =	vsub.f32 v28, v29;
	v28 =	vsub.f32 v30, v31;
	v30 =	vld [tilespmem:$0x6C0]  }
0x8b: {  	v29 =	vadd.f32 v33, v32;
	v32 =	vld [tilespmem:$0x840]  }
0x8c: {  	v52 =	vsub.f32 v58, v59;
	v59 =	vadd.f32 v11, v10;
	v33 =	vld [tilespmem:$0x6D0]  }
0x8d: {  	v44 =	vsub.f32 v46, v47;
	v46 =	vmul.f32 v42, v41;
	v56 =	vtrunc.f32 v55;
	v42 =	vld [tilespmem:$0x6F0]  }
0x8e: {  	v6 =	vsub.f32 v6, v7;
	v58 =	vtrunc.f32 v4;
	v4 =	vtrunc.f32 v59;
	v59 =	vld [tilespmem:$0x880]  }
0x8f: {  	v2 =	vsub.f32 v2, v3;
	v47 =	vtrunc.f32 v43;
	v3 =	vcvt.f32.s32 v56;
	v56 =	vld [tilespmem:$0x700]  }
0x90: {  	v31 =	vsub.f32 v36, v37;
	v61 =	vmul.f32 v57, v6;
	v37 =	vtrunc.f32 v29;
	v29 =	vld [tilespmem:$0x3C0]  }
0x91: {  	v20 =	vtrunc.f32 v20;
	[tilespmem:$0x900] =	vst v22;
	v22 =	vcvt.f32.s32 v47;
	v47 =	vld [tilespmem:$0x3F0]  }
0x92: {  	v20 =	vcvt.f32.s32 v20;
	[tilespmem:$0x980] =	vst v61;
	v61 =	vld [tilespmem:$0x400]  }
0x93: {  	[tilespmem:$0x1FEB0] =	vst v14;
	v14 =	vld [tilespmem:$0x830]  }
0x94: {  	[tilespmem:$0xC00] =	vst v20;
	v20 =	vsub.f32 v34, v35;
	v34 =	vld [tilespmem:$0x540]  }
0x95: {  	v35 =	vld [tilespmem:$0x850]  }
0x96: {  	v36 =	vmul.f32 v28, v23;
	v23 =	vcvt.f32.s32 v37;
	v37 =	vld [tilespmem:$0x550]  }
0x97: {  	v43 =	vsub.f32 v21, v24;
	v21 =	vld [tilespmem:$0x280]  }
0x98: {  	v24 =	vld [tilespmem:$0x890]  }
0x99: {  	v55 =	vsub.f32 v38, v40;
	v38 =	vld [tilespmem:$0x120]  }
0x9a: {  	v40 =	vld [tilespmem:$0x2A0]  }
0x9b: {  	[tilespmem:$0x910] =	vst v36;
	v36 =	vld [tilespmem:$0x240]  }
0x9c: {  	v0 =	vmul.f32 v2, v0;
	v28 =	vtrunc.f32 v39;
	[tilespmem:$0x930] =	vst v46;
	v41 =	vld [tilespmem:$0x1FEB0]  }
0x9d: {  	v28 =	vcvt.f32.s32 v28;
	[tilespmem:$0xC40] =	vst v22;
	v22 =	vmul.f32 v53, v52;
	v53 =	vld [tilespmem:$0x570]  }
0x9e: {  	v25 =	vtrunc.f32 v25;
	[tilespmem:$0x970] =	vst v0;
	v20 =	vmul.f32 v31, v20;
	v31 =	vld [tilespmem:$0xC0]  }
0x9f: {  	v25 =	vcvt.f32.s32 v25;
	[tilespmem:$0xC30] =	vst v28;
	v28 =	vld [tilespmem:$0x260]  }
0xa0: {  	[tilespmem:$0xC20] =	vst v23;
	v23 =	vmul.f32 v45, v44;
	v44 =	vld [tilespmem:$0x870]  }
0xa1: {  	v2 =	vcvt.f32.s32 v58;
	[tilespmem:$0xC10] =	vst v25;
	v45 =	vsub.f32 v26, v27;
	v27 =	vld [tilespmem:$0x1FEC0]  }
0xa2: {  	v25 =	vtrunc.f32 v48;
	[tilespmem:$0xC70] =	vst v3;
	v46 =	vadd.f32 v32, v30;
	v30 =	vld [tilespmem:$0x590]  }
0xa3: {  	[tilespmem:$0xC80] =	vst v2;
	v25 =	vcvt.f32.s32 v25;
	v32 =	vld [tilespmem:$0x290]  }
0xa4: {  	v4 =	vcvt.f32.s32 v4;
	[tilespmem:$0x960] =	vst v22;
	v22 =	vld [tilespmem:$0x560]  }
0xa5: {  	v0 =	vsub.f32 v13, v15;
	[tilespmem:$0xC50] =	vst v25;
	v25 =	vld [tilespmem:$0x1FEA0]  }
0xa6: {  	[tilespmem:$0xC90] =	vst v4;
	v58 =	vadd.f32 v8, v5;
	v5 =	vadd.f32 v59, v56;
	v56 =	vld [tilespmem:$0x1FF90]  }
0xa7: {  	v0 =	vmul.f32 v0, v62;
	v59 =	vld [tilespmem:$0x1FFC0];
	[tilespmem:$0x920] =	vst v20  }
0xa8: {  	v54 =	vtrunc.f32 v51;
	[tilespmem:$0x940] =	vst v23;
	v20 =	vmul.f32 v50, v49;
	v50 =	vld [tilespmem:$0xF0]  }
0xa9: {  	v23 =	vcvt.f32.s32 v54;
	v54 =	vld [tilespmem:$0x270];
	[tilespmem:$0x990] =	vst v0  }
0xaa: {  	v51 =	vtrunc.f32 v46;
	v46 =	vld [tilespmem:$0x730];
	v0 =	vmul.f32 v45, v43;
	[tilespmem:$0x950] =	vst v20  }
0xab: {  	v52 =	vadd.f32 v35, v33;
	v33 =	vld [tilespmem:$0x1FEF0];
	v5 =	vtrunc.f32 v5;
	[tilespmem:$0xC60] =	vst v23  }
0xac: {  	v35 =	vld [tilespmem:$0x8A0];
	v5 =	vcvt.f32.s32 v5;
	[tilespmem:$0x9B0] =	vst v0  }
0xad: {  	v1 =	vsub.f32 v37, v1;
	v37 =	vld [tilespmem:$0x420];
	[tilespmem:$0xA90] =	vst v27  }
0xae: {  	v43 =	vld [tilespmem:$0x1FF20];
	[tilespmem:$0xD00] =	vst v5  }
0xaf: {  	v45 =	vld [tilespmem:$0x1FF50];
	v4 =	vtrunc.f32 v52;
	v0 =	vmul.f32 v1, v55;
	[tilespmem:$0xB50] =	vst v56  }
0xb0: {  	v23 =	vld [tilespmem:$0x1FE90];
	v57 =	vcvt.f32.s32 v4;
	[tilespmem:$0xB80] =	vst v59  }
0xb1: {  	v20 =	vadd.f32 v17, v16;
	v49 =	vsub.f32 v34, v36;
	v34 =	vld [tilespmem:$0x720];
	[tilespmem:$0x9D0] =	vst v0  }
0xb2: {  	v6 =	vadd.f32 v14, v41;
	v36 =	vld [tilespmem:$0x1FF00];
	[tilespmem:$0xCD0] =	vst v57  }
0xb3: {  	v41 =	vld [tilespmem:$0x1FF10];
	v39 =	vtrunc.f32 v20;
	[tilespmem:$0xAC0] =	vst v33  }
0xb4: {  	v48 =	vsub.f32 v29, v31;
	v29 =	vld [tilespmem:$0x1FED0];
	v6 =	vtrunc.f32 v6;
	v3 =	vcvt.f32.s32 v39;
	[tilespmem:$0xAF0] =	vst v43  }
0xb5: {  	v31 =	vld [tilespmem:$0x1FEE0];
	v4 =	vtrunc.f32 v58;
	v6 =	vcvt.f32.s32 v6;
	[tilespmem:$0xB10] =	vst v45  }
0xb6: {  	v60 =	vsub.f32 v60, v63;
	v63 =	vadd.f32 v44, v42;
	v44 =	vld [tilespmem:$0x1FF40];
	v13 =	vcvt.f32.s32 v4;
	[tilespmem:$0xCA0] =	vst v3  }
0xb7: {  	v52 =	vld [tilespmem:$0x130];
	v62 =	vsub.f32 v22, v28;
	[tilespmem:$0xCB0] =	vst v6  }
0xb8: {  	v55 =	vld [tilespmem:$0x1FF80];
	[tilespmem:$0xCE0] =	vst v13  }
0xb9: {  	v12 =	vsub.f32 v25, v18;
	v18 =	vld [tilespmem:$0x580];
	v20 =	vtrunc.f32 v63;
	v1 =	vmul.f32 v62, v60;
	[tilespmem:$0xAD0] =	vst v36  }
0xba: {  	v25 =	vld [tilespmem:$0x410];
	v22 =	vcvt.f32.s32 v20;
	[tilespmem:$0xAE0] =	vst v41  }
0xbb: {  	v28 =	vld [tilespmem:$0x110];
	[tilespmem:$0x9E0] =	vst v1  }
0xbc: {  	v58 =	vld [tilespmem:$0x1FFB0];
	[tilespmem:$0xCF0] =	vst v22  }
0xbd: {  	v39 =	vld [tilespmem:$0x5A0];
	[tilespmem:$0xAA0] =	vst v29  }
0xbe: {  	v26 =	vsub.f32 v47, v50;
	v47 =	vld [tilespmem:$0x1FF60];
	[tilespmem:$0xAB0] =	vst v31  }
0xbf: {  	v63 =	vld [tilespmem:$0x1FFF0];
	v3 =	vmul.f32 v49, v48;
	[tilespmem:$0xB00] =	vst v44  }
0xc0: {  	v57 =	vld [tilespmem:$0x1FFA0];
	[tilespmem:$0xB40] =	vst v55  }
0xc1: {  	v62 =	vld [tilespmem:$0x1FFE0];
	v2 =	vsub.f32 v23, v19;
	[tilespmem:$0x9C0] =	vst v3  }
0xc2: {  	v19 =	vld [tilespmem:$0x1FF30];
	v6 =	vsub.f32 v53, v54;
	[tilespmem:$0xB70] =	vst v58  }
0xc3: {  	v23 =	vld [tilespmem:$0x710];
	v2 =	vmul.f32 v12, v2;
	[tilespmem:$0xB20] =	vst v47  }
0xc4: {  	v53 =	vld [tilespmem:$0x5B0];
	v6 =	vmul.f32 v6, v26;
	[tilespmem:$0xBB0] =	vst v63  }
0xc5: {  	v12 =	vld [tilespmem:$0x100];
	[tilespmem:$0x9A0] =	vst v2  }
0xc6: {  	v54 =	vld [tilespmem:$0x2B0];
	[tilespmem:$0x9F0] =	vst v6  }
0xc7: {  	v42 =	vsub.f32 v30, v32;
	v0 =	vsub.f32 v25, v28;
	v2 =	vcvt.f32.s32 v51;
	v51 =	vld [tilespmem:$0x1FF70];
	[tilespmem:$0xB60] =	vst v57  }
0xc8: {  	v50 =	vld [tilespmem:$0x430];
	[tilespmem:$0xBA0] =	vst v62;
	v1 =	vadd.f32 v24, v23  }
0xc9: {  	v48 =	vld [tilespmem:$0x8B0];
	v4 =	vsub.f32 v18, v21;
	v0 =	vmul.f32 v42, v0;
	[tilespmem:$0xA80] =	vst v19  }
0xca: {  	[tilespmem:$0xCC0] =	vst v2;
	v2 =	vadd.f32 v35, v34;
	v3 =	vsub.f32 v61, v12;
	v1 =	vtrunc.f32 v1  }
0xcb: {  	[tilespmem:$0xA10] =	vst v0;
	v61 =	vld [tilespmem:$0x1FFD0];
	v1 =	vcvt.f32.s32 v1  }
0xcc: {  	v0 =	vsub.f32 v53, v54;
	v2 =	vtrunc.f32 v2;
	v3 =	vmul.f32 v4, v3;
	[tilespmem:$0xB30] =	vst v51  }
0xcd: {  	v4 =	vsub.f32 v37, v38;
	v49 =	vcvt.f32.s32 v2;
	[tilespmem:$0xD10] =	vst v1;
	v1 =	vsub.f32 v39, v40  }
0xce: {  	v2 =	vsub.f32 v50, v52;
	[tilespmem:$0xA00] =	vst v3;
	v3 =	vadd.f32 v48, v46  }
0xcf: {  	[tilespmem:$0xD20] =	vst v49;
	v1 =	vmul.f32 v1, v4  }
0xd0: {  	v0 =	vmul.f32 v0, v2;
	[tilespmem:$0xB90] =	vst v61;
	v60 =	vtrunc.f32 v3  }
0xd1: {  	[tilespmem:$0xA20] =	vst v1;
	v1 =	vcvt.f32.s32 v60  }
0xd2: {  	s20 =	simm.s32 @p0 $0x480;
	[tilespmem:$0xA30] =	vst v0  }
0xd3: {  	s21 =	simm.s32 @p0 $0x2;
	s0 =	simm.s32 @p0 $0x140;
	s1 =	simm.s32 @p0 $0xC00;
	[tilespmem:$0xD30] =	vst v1  }
0xd4: {  	[spmem:s2] =	stream.indirect.scatter @p0 [tilespmem:s20], [sflag:$0x2], $0x1, s1, s0, $0xb8;
	[tilespmem:$0x1280] =	vst v63  }
0xd5: {  	_ =	swait.ge @p0 [sflag:s21], $0x140  }
0xd6: {  	[sflag:s21] =	ssyncset.done @p0 $0x0  }
0xd7: {  	s22 =	simm.s32 @p0 $0x900;
	[sflag:s21] =	ssyncadd.s32 @p0 $0xFFFFFEC0  }
0xd8: {  	[spmem:s3] =	stream.indirect.scatter @p0 [tilespmem:s22], [sflag:$0x2], $0x1, s1, s0, $0xb8;
	[tilespmem:$0x1280] =	vst v63  }
0xd9: {  	_ =	swait.ge @p0 [sflag:s21], $0x140  }
0xda: {  	[sflag:s21] =	ssyncset.done @p0 $0x0  }
0xdb: {  	s23 =	simm.s32 @p0 $0xA80;
	[sflag:s21] =	ssyncadd.s32 @p0 $0xFFFFFEC0  }
0xdc: {  	[spmem:s5] =	stream.indirect.scatter @p0 [tilespmem:s23], [sflag:$0x2], $0x1, s1, s0, $0xb8;
	[tilespmem:$0x1280] =	vst v63  }
0xdd: {  	_ =	swait.ge @p0 [sflag:s21], $0x140  }
0xde: {  	[sflag:s21] =	ssyncset.done @p0 $0x0  }
0xdf: {  	[sflag:s21] =	ssyncadd.s32 @p0 $0xFFFFFEC0  }
0xe0: {  	[bflag:$0x0] =	sbarrier.arrive @p0 $0xFFFF  }
0xe1: {  	[tilespmem:s20], [sflag:$0x2] =	stream.linear.gather @p0 [spmem:s7], $0x140, $0x38;
	[tilespmem:$0x1280] =	vst v63  }
0xe2: {  	_ =	swait.ge @p0 [sflag:s21], $0x140  }
0xe3: {  	[sflag:s21] =	ssyncset.done @p0 $0x0  }
0xe4: {  	[sflag:s21] =	ssyncadd.s32 @p0 $0xFFFFFEC0  }
0xe5: {  	[tilespmem:s22], [sflag:$0x2] =	stream.linear.gather @p0 [spmem:s8], $0x140, $0x38;
	[tilespmem:$0x1280] =	vst v63  }
0xe6: {  	_ =	swait.ge @p0 [sflag:s21], $0x140  }
0xe7: {  	[sflag:s21] =	ssyncset.done @p0 $0x0  }
0xe8: {  	s1 =	simm.s32 @!p0 $0xC00;
	s0 =	rddreg [dreg:$0xc];
	[sflag:s21] =	ssyncadd.s32 @p0 $0xFFFFFEC0  }
0xe9: {  	[tilespmem:s23], [sflag:$0x2] =	stream.linear.gather @p0 [spmem:s0], $0x140, $0x38;
	[tilespmem:$0x1280] =	vst v63  }
0xea: {  	s20 =	simm.s32 @!p0 $0x0;
	s21 =	simm.s32 @!p0 $0x2;
	s0 =	simm.s32 @!p0 $0x140  }
0xeb: {  	[spmem:s2] =	stream.indirect.scatter @!p0 [tilespmem:s20], [sflag:$0x2], $0x1, s1, s0, $0xb8;
	[tilespmem:$0x1280] =	vst v63  }
0xec: {  	_ =	swait.ge @!p0 [sflag:s21], $0x140  }
0xed: {  	[sflag:s21] =	ssyncset.done @!p0 $0x0  }
0xee: {  	s22 =	simm.s32 @!p0 $0x180;
	[sflag:s21] =	ssyncadd.s32 @!p0 $0xFFFFFEC0  }
0xef: {  	[spmem:s3] =	stream.indirect.scatter @!p0 [tilespmem:s22], [sflag:$0x2], $0x1, s1, s0, $0xb8;
	[tilespmem:$0x1280] =	vst v63  }
0xf0: {  	_ =	swait.ge @!p0 [sflag:s21], $0x140  }
0xf1: {  	[sflag:s21] =	ssyncset.done @!p0 $0x0  }
0xf2: {  	s23 =	simm.s32 @!p0 $0x300;
	[sflag:s21] =	ssyncadd.s32 @!p0 $0xFFFFFEC0  }
0xf3: {  	[spmem:s4] =	stream.indirect.scatter @!p0 [tilespmem:s23], [sflag:$0x2], $0x1, s1, s0, $0xb8;
	[tilespmem:$0x1280] =	vst v63  }
0xf4: {  	_ =	swait.ge @!p0 [sflag:s21], $0x140  }
0xf5: {  	[sflag:s21] =	ssyncset.done @!p0 $0x0  }
0xf6: {  	[sflag:s21] =	ssyncadd.s32 @!p0 $0xFFFFFEC0  }
0xf7: {  	[bflag:$0x0] =	sbarrier.arrive @!p0 $0xFFFF  }
0xf8: {  	[tilespmem:s20], [sflag:$0x2] =	stream.linear.gather @!p0 [spmem:s7], $0x140, $0x38;
	[tilespmem:$0x1280] =	vst v63  }
0xf9: {  	_ =	swait.ge @!p0 [sflag:s21], $0x140  }
0xfa: {  	[sflag:s21] =	ssyncset.done @!p0 $0x0  }
0xfb: {  	[sflag:s21] =	ssyncadd.s32 @!p0 $0xFFFFFEC0  }
0xfc: {  	[tilespmem:s22], [sflag:$0x2] =	stream.linear.gather @!p0 [spmem:s8], $0x140, $0x38;
	[tilespmem:$0x1280] =	vst v63  }
0xfd: {  	_ =	swait.ge @!p0 [sflag:s21], $0x140  }
0xfe: {  	[sflag:s21] =	ssyncset.done @!p0 $0x0  }
0xff: {  	s0 =	rddreg [dreg:$0xd];
	[sflag:s21] =	ssyncadd.s32 @!p0 $0xFFFFFEC0  }
0x100: {  	[tilespmem:s23], [sflag:$0x2] =	stream.linear.gather @!p0 [spmem:s0], $0x140, $0x38;
	[tilespmem:$0x1280] =	vst v63  }
0x101: {  	_ =	swait.ge [sflag:s19], $0x140  }
0x102: {  	[sflag:s19] =	ssyncset.done $0x0  }
0x103: {  	s20 =	simm.s32 @p0 $0x480;
	[sflag:s19] =	ssyncadd.s32 $0xFFFFFEC0  }
0x104: {  	[hbm4b:s18+s6] =	stream.linear.scatter [tilespmem:s20], [sflag:$0x1], $0x140, $0x38;
	[tilespmem:$0x1280] =	vst v63  }
0x105: {  	s22 =	simm.s32 @p0 $0x900  }
0x106: {  	[hbm4b:s17+s6] =	stream.linear.scatter [tilespmem:s22], [sflag:$0x1], $0x140, $0x38;
	[tilespmem:$0x1280] =	vst v63  }
0x107: {  	s23 =	simm.s32 @p0 $0xA80  }
0x108: {  	[hbm4b:s16+s6] =	stream.linear.scatter [tilespmem:s23], [sflag:$0x1], $0x140, $0x38;
	[tilespmem:$0x1280] =	vst v63  }
0x109: {  	_ =	swait.ge [sflag:s15], $0x140  }
0x10a: {  	[sflag:s15] =	ssyncset.done $0x0  }
0x10b: {  	s9 =	sadd.s32 $0xFFFFFFFF, s9;
	[sflag:s15] =	ssyncadd.s32 $0xFFFFFEC0  }
0x10c: {  	p1 =	sne.s32 s9, $0x0;
	_ =	swait.ge [sflag:s15], $0x140  }
.Ltmp0:
0x10d: {  	[sflag:s15] =	ssyncset.done $0x0;
	(pc) =	sbr.rel @p1 .LBB2_1-.Ltmp0, $4  }
0x10e: {  	[sflag:s15] =	ssyncadd.s32 $0xFFFFFEC0  }
0x10f: {  	_ =	swait.ge [sflag:s15], $0x140  }
0x110: {  	[sflag:s15] =	ssyncset.done $0x0  }
0x111: {  	[sflag:s15] =	ssyncadd.s32 $0xFFFFFEC0  }
0x112: {  	_ =	sfence.sel $0x180000  }
0x113: {  	[bflag:$0x0] =	sbarrier.arrive $0xFFFF  }
0x114: {  	_ =	strace $0x90000047  }
0x115: {  	s0 =	stileid.u32;
	[bflag:$0x2] =	sbarrier.arrive $0xFFFF  }
0x116: {  	p0 =	sne.s32 s0, $0x0;
	s0 =	rddreg [dreg:$0x5]  }
0x117: {  	s0 =	sadd.s32 @!p0 $0x100000, s0  }
0x118: {  	[sflag:s0] =	ssyncadd.tile.s32 @!p0 $0x1;
	_ =	shalt  }
.Lfunc_end2:
_tile_overlayer_lowered:
.L_overlay_start_2:
0x119: {  	(tag) =	ssettag $0x2  }
0x11a: {  	s0 =	rddreg [dreg:$0x0];
	s2 =	stileid.u32  }
0x11b: {  	s1 =	rddreg [dreg:$0x1];
	p0 =	sne.s32 s2, $0x0  }
0x11c: {  	s3 =	rddreg [dreg:$0x2];
	[bflag:$0x3] =	sbarrier.arrive $0xFFFF;
	s2 =	simm.s32 @!p0 $0x1C02  }
0x11d: {  	[timem:s3], [sflag:s2] =	dma.local @!p0 [hbm:s0], s1  }
0x11e: {  	s0 =	simm.s32 @!p0 $0x2  }
0x11f: {  	_ =	swait.ge @!p0 [sflag:s0], s1  }
0x120: {  	s1 =	ssub.s32 @!p0 $0x0, s1;
	[sflag:s0] =	ssyncset.done @!p0 $0x0  }
0x121: {  	[sflag:s0] =	ssyncadd.s32 @!p0 s1  }
0x122: {  	[bflag:$0x3] =	sbarrier.arrive $0xFFFF  }
0x123: {  	_ =	shalt  }

// kernel: kernel.9.cloned.1.call-start
scs
__scs_entry_jumppad:
0x0: {  	(pc) =	sbr.rel $0x88, $3  }
0x1: {  	(tag) =	ssettag $0x0;
	lr =	simm.s32 $0x1  }
0x2: {  	[smem:$0x3F9E] =	sst lr;
	_ =	strace $0xD0000000  }
0x3: {  	_ = 	snop  }
0x4: {  	_ = 	snop  }
0x5: {  	_ = 	snop  }
0x6: {  	_ = 	snop  }
0x7: {  	_ = 	snop  }
__scs_overlays_trampoline_lowered:
0x8: {  	[smem:$0x3FAD] =	sst s0  }
0x9: {  	[smem:$0x3FAE] =	sst s1  }
0xa: {  	[smem:$0x3FAF] =	sst s2  }
0xb: {  	[smem:$0x3FB0] =	sst s3  }
0xc: {  	[smem:$0x3FB1] =	sst s4  }
0xd: {  	[smem:$0x3FB2] =	sst s5  }
0xe: {  	[smem:$0x3FB3] =	sst s6  }
0xf: {  	[smem:$0x3FB4] =	sst s7  }
0x10: {  	[smem:$0x3FB5] =	sst s8  }
0x11: {  	[smem:$0x3FB6] =	sst s9;
	s0 =	simm.s32 @!p0 $0x0  }
0x12: {  	s1 =	sld [smem:$0x3F9C];
	s0 =	simm.s32 @p0 $0x1  }
0x13: {  	[smem:$0x3FB7] =	sst s0;
	s0 =	simm.s32 @!p1 $0x0  }
0x14: {  	s2 =	sld [smem:$0x3F9B];
	s0 =	simm.s32 @p1 $0x1  }
0x15: {  	[smem:$0x3FB8] =	sst s0;
	s0 =	simm.s32 @!p2 $0x0  }
0x16: {  	s3 =	sld [smem:$0x3FDB];
	s0 =	simm.s32 @p2 $0x1  }
0x17: {  	s4 =	simm.s32 $0x1BF5;
	[smem:$0x3FBA] =	sst s0  }
0x18: {  	s0 =	sld [smem:$0x3F9D];
	_ =	swait.ge [sflag:s4], $0x0  }
0x19: {  	s7 =	sld [smem:$0x3F9E]  }
0x1a: {  	s8 =	sadd.s32 $0xFFFFE003, lr  }
0x1b: {  	s9 =	sadd.s32 $0xFFFFFEF7, lr;
	s5 =	simm.s32 $0xFFFFFFFF;
	p2 =	slt.u32 s8, $0xFFFFF086  }
0x1c: {  	p1 =	slt.u32 s9, $0xF7A;
	s5 =	simm.s32 @!p2 $0x0  }
0x1d: {  	s5 =	simm.s32 @p1 $0x1;
	p0 =	seq.s32 s7, s2  }
0x1e: {  	s7 =	smul.u32 @!p0 $0xF7A, s2;
	p2 =	seq.s32 @!p0 s5, $0x0  }
0x1f: {  	s9 =	smul.u32 $0xF7A, s1;
	s8 =	simm.s32 @!p0 $0x1BF5;
	p2 =	por !p2, p0  }
0x20: {  	[sflag:s8] =	ssyncset.s32 @!p0 $0xFFFFF086;
	s6 =	sadd.s32 @!p0 s3, s7;
	s7 =	simm.s32 @!p0 $0x108  }
0x21: {  	s3 =	sadd.s32 s3, s9;
	s6 =	sadd.s32 @!p0 $0x88, s6;
	s7 =	simm.s32 @p2 $0x1082  }
0x22: {  	[simem:s7], [sflag:s8] =	dma.local @!p0 [hbm:s6], $0xF7A  }
0x23: {  	s9 =	sor.u32 $0xD0000000, s2;
	s6 =	simm.s32 $0x108;
	_ =	swait.ge @!p0 [sflag:s8], $0x0  }
0x24: {  	s3 =	sadd.s32 $0x88, s3;
	s6 =	simm.s32 @!p1 $0x1082;
	[sflag:s4] =	ssyncset.s32 $0xFFFFF086  }
0x25: {  	[simem:s6], [sflag:s4] =	dma.local [hbm:s3], $0xF7A  }
0x26: {  	[smem:$0x3F9E] =	sst s1;
	(tag) =	ssettag s2;
	_ =	strace s9  }
0x27: {  	s1 =	sld [smem:$0x3FAE]  }
0x28: {  	s2 =	sld [smem:$0x3FAF]  }
0x29: {  	s4 =	sld [smem:$0x3FB1]  }
0x2a: {  	p0 =	seq.s32 s5, $0x0;
	s5 =	sld [smem:$0x3FB2]  }
0x2b: {  	s6 =	sld [smem:$0x3FB3]  }
0x2c: {  	s7 =	sld [smem:$0x3FB4]  }
0x2d: {  	s3 =	simm.s32 $0x108;
	s8 =	sld [smem:$0x3FB5]  }
0x2e: {  	s3 =	simm.s32 @!p0 $0x1082;
	s9 =	sld [smem:$0x3FB6]  }
0x2f: {  	lr =	sadd.s32 s0, s3;
	s0 =	sld [smem:$0x3FAD]  }
0x30: {  	s3 =	sld [smem:$0x3FB0]  }
0x31: {  	[smem:$0x3FB9] =	sst s10  }
0x32: {  	s10 =	sld [smem:$0x3FB7];
	_ =	sdelay $0x3  }
0x33: {  	p0 =	seq.s32 s10, $0x1;
	s10 =	sld [smem:$0x3FB9];
	_ =	sdelay $0x3  }
0x34: {  	[smem:$0x3FB9] =	sst s10  }
0x35: {  	s10 =	sld [smem:$0x3FB8];
	_ =	sdelay $0x3  }
0x36: {  	p1 =	seq.s32 s10, $0x1;
	s10 =	sld [smem:$0x3FB9];
	_ =	sdelay $0x3  }
0x37: {  	[smem:$0x3FB9] =	sst s10  }
0x38: {  	s10 =	sld [smem:$0x3FBA]  }
0x39: {  	_ = 	snop;
	(pc) =	sbr.ind lr, $3  }
0x3a: {  	_ = 	snop  }
0x3b: {  	_ = 	snop  }
0x3c: {  	p2 =	seq.s32 s10, $0x1;
	s10 =	sld [smem:$0x3FB9]  }
0x3d: {  	_ =	shalt  }
0x3e: {  	_ =	shalt  }
0x3f: {  	_ =	shalt  }
0x40: {  	_ =	shalt  }
0x41: {  	_ =	shalt  }
0x42: {  	_ =	shalt  }
0x43: {  	_ =	shalt  }
0x44: {  	_ =	shalt  }
0x45: {  	_ =	shalt  }
0x46: {  	_ =	shalt  }
0x47: {  	_ =	shalt  }
0x48: {  	_ =	shalt  }
0x49: {  	_ =	shalt  }
0x4a: {  	_ =	shalt  }
0x4b: {  	_ =	shalt  }
0x4c: {  	_ =	shalt  }
0x4d: {  	_ =	shalt  }
0x4e: {  	_ =	shalt  }
0x4f: {  	_ =	shalt  }
0x50: {  	_ =	shalt  }
0x51: {  	_ =	shalt  }
0x52: {  	_ =	shalt  }
0x53: {  	_ =	shalt  }
0x54: {  	_ =	shalt  }
0x55: {  	_ =	shalt  }
0x56: {  	_ =	shalt  }
0x57: {  	_ =	shalt  }
0x58: {  	_ =	shalt  }
0x59: {  	_ =	shalt  }
0x5a: {  	_ =	shalt  }
0x5b: {  	_ =	shalt  }
0x5c: {  	_ =	shalt  }
0x5d: {  	_ =	shalt  }
0x5e: {  	_ =	shalt  }
0x5f: {  	_ =	shalt  }
0x60: {  	_ =	shalt  }
0x61: {  	_ =	shalt  }
0x62: {  	_ =	shalt  }
0x63: {  	_ =	shalt  }
0x64: {  	_ =	shalt  }
0x65: {  	_ =	shalt  }
0x66: {  	_ =	shalt  }
0x67: {  	_ =	shalt  }
0x68: {  	_ =	shalt  }
0x69: {  	_ =	shalt  }
0x6a: {  	_ =	shalt  }
0x6b: {  	_ =	shalt  }
0x6c: {  	_ =	shalt  }
0x6d: {  	_ =	shalt  }
0x6e: {  	_ =	shalt  }
0x6f: {  	_ =	shalt  }
0x70: {  	_ =	shalt  }
0x71: {  	_ =	shalt  }
0x72: {  	_ =	shalt  }
0x73: {  	_ =	shalt  }
0x74: {  	_ =	shalt  }
0x75: {  	_ =	shalt  }
0x76: {  	_ =	shalt  }
0x77: {  	_ =	shalt  }
0x78: {  	_ =	shalt  }
0x79: {  	_ =	shalt  }
0x7a: {  	_ =	shalt  }
0x7b: {  	_ =	shalt  }
0x7c: {  	_ =	shalt  }
0x7d: {  	_ =	shalt  }
0x7e: {  	_ =	shalt  }
0x7f: {  	_ =	shalt  }
0x80: {  	_ =	shalt  }
0x81: {  	_ =	shalt  }
0x82: {  	_ =	shalt  }
0x83: {  	_ =	shalt  }
0x84: {  	_ =	shalt  }
0x85: {  	_ =	shalt  }
0x86: {  	_ =	shalt  }
0x87: {  	_ =	shalt  }
.Lfunc_end0:
.L_simem_size_0:
called_computation.1_lowered:
.L_overlay_start_0:
0x88: {  	s2 =	sld [smem:$0x3FD9]  }
0x89: {  	s3 =	sld [smem:$0x3FFE];
	_ =	sdelay $0x1  }
0x8a: {  	s1 =	srdreg.scid  }
0x8b: {  	s0 =	sand.u32 $0x1, s1  }
0x8c: {  	s17 =	sshll.u32 s0, $0xA;
	s2 =	sadd.s32 s3, s2  }
0x8d: {  	s2 =	sadd.s32 s2, s17  }
0x8e: {  	[smem:$0x3FC5] =	sst s2  }
0x8f: {  	_ = 	snop  }
0x90: {  	s2 =	sld [smem:$0x3FD0];
	(tm) =	ssettm $0x1  }
0x91: {  	s18 =	sld [smem:$0x3FFB];
	_ =	sdelay $0x3  }
0x92: {  	_ =	strace s18  }
0x93: {  	s3 =	sld [smem:$0x3FFC];
	_ =	sdelay $0x3  }
0x94: {  	_ =	strace s3  }
0x95: {  	s3 =	sld [smem:$0x3FFD];
	_ =	sdelay $0x3  }
0x96: {  	_ =	strace s3  }
0x97: {  	_ =	strace $0x8FFFFFFF  }
0x98: {  	s19 =	sld [smem:$0x3FDB];
	_ =	sdelay $0x1  }
0x99: {  	s4 =	simm.s32 $_scs_section_size  }
0x9a: {  	s5 =	simm.s32 $_size__tile_overlayer_lowered;
	s6 =	simm.s32 $_tile_overlayer_lowered  }
0x9b: {  	s22 =	simm.s32 $0x1BFF;
	s21 =	sshll.u32 s6, $0x1;
	s3 =	sadd.s32 s4, s19  }
0x9c: {  	s7 =	simm.s32 $0x0;
	s20 =	sshll.u32 s5, $0x1;
	s5 =	sadd.s32 s21, s3  }
0x9d: {  	[timem:s7], [sflag:s22] =	dma.local [hbm:s5], s20  }
0x9e: {  	_ =	swait.ge [sflag:s22], s20  }
0x9f: {  	s4 =	ssub.s32 $0x0, s20;
	[sflag:s22] =	ssyncset.done $0x0  }
0xa0: {  	[sflag:s22] =	ssyncadd.s32 s4;
	_ =	sdelay $0x1  }
0xa1: {  	s23 =	simm.s32 $0x1B8B  }
0xa2: {  	_ =	swait.ge [sflag:s23], $0x1  }
0xa3: {  	[sflag:s23] =	ssyncset.done $0x0  }
0xa4: {  	s25 =	simm.s32 $0x1B8E;
	s24 =	sld [smem:$0x3FFE];
	[sflag:s23] =	ssyncadd.s32 $0xFFFFFFFF  }
0xa5: {  	s26 =	simm.s32 $execute0_lowered;
	[smem:$0x3FD2] =	sst s25  }
0xa6: {  	s5 =	sshll.u32 s26, $0x1;
	_ =	strace $0x80000049;
	[dreg:$0x1] =	wrdreg $0xFFFFFFFF  }
0xa7: {  	s28 =	simm.s32 $_size_execute0_lowered;
	s3 =	sadd.s32 s3, s5;
	[dreg:$0x0] =	wrdreg $0x0  }
0xa8: {  	s5 =	sshll.u32 s28, $0x1;
	[dreg:$0x2] =	wrdreg s3  }
0xa9: {  	[dreg:$0x3] =	wrdreg s5  }
0xaa: {  	[dreg:$0x4] =	wrdreg $0xC0  }
0xab: {  	_ =	task [dreg:s7], $0x5FFFF  }
0xac: {  	[dreg:$0x1] =	wrdreg $0xFFFFFFFF  }
0xad: {  	[dreg:$0x0] =	wrdreg $0x60  }
0xae: {  	[dreg:$0x2] =	wrdreg s24  }
0xaf: {  	[dreg:$0x3] =	wrdreg s2  }
0xb0: {  	[dreg:$0x4] =	wrdreg $0x9  }
0xb1: {  	_ =	task.clear_ibuf [dreg:s7], $0x5FFFF;
	_ =	strace $0x90000049  }
0xb2: {  	s29 =	simm.s32 $0x9;
	_ =	strace $0x8000004B  }
0xb3: {  	_ =	swait.ge [sflag:s29], $0x1  }
0xb4: {  	[sflag:s29] =	ssyncadd.s32 $0xFFFFFFFF  }
0xb5: {  	_ =	strace $0x9000004B  }
0xb6: {  	_ =	sfence  }
0xb7: {  	s30 =	sld [smem:$0x0];
	_ =	sdelay $0x2  }
0xb8: {  	s31 =	sshll.u32 s1, $0xD;
	s1 =	sshrl.u32 s1, $0x2  }
0xb9: {  	s3 =	sand.u32 $0x4000, s31;
	s1 =	sadd.s32 s1, s30  }
0xba: {  	s0 =	sor.u32 s3, s0;
	s1 =	sshll.u32 s1, $0x11  }
0xbb: {  	s0 =	sor.u32 s1, s0  }
0xbc: {  	s0 =	sadd.s32 $0x8F2B, s0  }
0xbd: {  	[sflag:s0] =	ssyncadd.remote.s32 $0x1  }
0xbe: {  	_ =	sfence.sel $0xFFFF  }
0xbf: {  	[dreg:$0x0] =	wrdreg $0xFFFFFFFF;
	(pc) =	sbr.abs _section_cstart, $3  }
0xc0: {  	[dreg:$0x1] =	wrdreg $0xFFFFFFFF  }
0xc1: {  	_ =	task.clear_ibuf [dreg:s7], $0x2FFFF;
	_ =	strace $0x9FFFFFFF  }
0xc2: {  	(tm) =	ssettm $0x7FFFFFFF  }
0xc3: {  	_ =	shalt  }
tec
execute0_lowered:
.L_overlay_start_1:
0x0: {  	(tag) =	ssettag $0x1  }
0x1: {  	s4 =	rddreg [dreg:$0x0]  }
0x2: {  	s5 =	rddreg [dreg:$0x1]  }
0x3: {  	s0 =	rddreg [dreg:$0x2];
	s1 =	simm.s32 $0x0  }
0x4: {  	s6 =	srdreg.scid;
	s2 =	stileid.u32;
	s10 =	simm.s32 $0x0  }
0x5: {  	[smem:$0x7FF] =	sst s1;
	s3 =	sadd.s32 $0x1000, s4;
	s6 =	sand.u32 $0x1, s6  }
0x6: {  	s8 =	sshll.u32 s2, $0x6;
	s7 =	ssub.s32 $0x2, s6;
	s6 =	sshll.u32 s6, $0x5  }
0x7: {  	s4 =	sadd.s32 $0x3C00, s4;
	s9 =	sshrl.u32 s7, $0x1;
	s6 =	sor.u32 s6, s8  }
0x8: {  	v0 =	vlaneseq.u32;
	_ =	strace $0x8000004A;
	s7 =	ssub.s32 s7, s9;
	s31 =	sshrl.u32 s6, $0x3  }
0x9: {  	v2 =	vimm.s32 $0x13FF;
	v1 =	vadd.s32 $0x1, v0;
	s8 =	sor.u32 $0x10, s6;
	s9 =	simm.s32 $0x2800;
	s5 =	sadd.s32 s5, s31  }
0xa: {  	v3 =	vimm.s32 $0x0;
	v0 =	vor.u32 s6, v1;
	s6 =	smax.u32 s7, $0x1;
	s7 =	simm.s32 $0x1;
	v1 =	vadd.s32 s8, v1;
	s8 =	simm.s32 $0x1400  }
.LBB2_1:
0xb: {  	[tilespmem:s1], [sflag:$0x1] =	stream.linear.gather [hbm4b:s3+s1], $0x1400, $0x38;
	[tilespmem:$0x2880] =	vst v63  }
0xc: {  	_ =	swait.ge [sflag:s7], $0x1400  }
0xd: {  	[sflag:s7] =	ssyncset.done $0x0  }
0xe: {  	[sflag:s7] =	ssyncadd.s32 $0xFFFFEC00  }
0xf: {  	[tilespmem:s8], [sflag:$0x1] =	stream.linear.gather [hbm4b:s4+s1], $0x1400, $0x38;
	[tilespmem:$0x2880] =	vst v63  }
0x10: {  	_ =	swait.ge [sflag:s7], $0x1400  }
0x11: {  	[sflag:s7] =	ssyncset.done $0x0  }
0x12: {  	v6 =	vimm.s32 $0x1400;
	[sflag:s7] =	ssyncadd.s32 $0xFFFFEC00  }
0x13: {  	s11 =	simm.s32 $0xC;
	v5 =	vimm.s32 $0x0;
	v7 =	vadd.s32 v3, v6;
	v4 =	vld.idx.msk [tilespmem:v2+s1+$0x0], $0xffff  }
.LBB2_2:
0x14: {  	p0 =	sne.s32 s11, $0x1;
	v8 =	vand.u32 $0x1, v7  }
0x15: {  	v9 =	vshrl.u32 v7, $0x1F;
	vm0 =	vlt.s32 v7, $0x1;
	vm1 =	veq.s32 v8, $0x1  }
0x16: {  	v7 =	vadd.s32 v9, v7;
	vm0 =	vmand vm0, vm1  }
0x17: {  	v7 =	vshra.s32 v7, $0x1;
	v8 =	vsel vm0, $0xFFFFFFFF, v3  }
0x18: {  	v7 =	vadd.s32 v8, v7  }
0x19: {  	vm0 =	vlt.s32 v7, $0x13FF  }
0x1a: {  	v7 =	vnsel vm0, $0x13FF, v7  }
0x1b: {  	v8 =	vadd.s32 $0x1, v7;
	_ =	sdelay $0x3  }
0x1c: {  	v9 =	vld.idx.msk [tilespmem:v7+s1+$0x0], $0xffff;
	_ =	sdelay $0x4  }
.Ltmp0:
0x1d: {  	(pc) =	sbr.rel @p0 .LBB2_2-.Ltmp0, $4  }
0x1e: {  	vm0 =	vlt.s32 v5, v6;
	vm1 =	vge.s32 v9, v0;
	vm2 =	vlt.s32 v9, v0  }
0x1f: {  	vm2 =	vmand vm0, vm2;
	vm0 =	vmand vm0, vm1  }
0x20: {  	v5 =	vsel vm2, v8, v5;
	v6 =	vsel vm0, v7, v6  }
0x21: {  	s11 =	sadd.s32 $0xFFFFFFFF, s11;
	v7 =	vadd.s32 v5, v6  }
0x22: {  	v8 =	vand.u32 $0x1, v7  }
0x23: {  	v9 =	vshrl.u32 v7, $0x1F;
	vm0 =	vlt.s32 v7, $0x1;
	vm1 =	veq.s32 v8, $0x1  }
0x24: {  	v7 =	vadd.s32 v9, v7;
	vm0 =	vmand vm0, vm1  }
0x25: {  	v7 =	vshra.s32 v7, $0x1;
	v8 =	vsel vm0, $0xFFFFFFFF, v3  }
0x26: {  	v7 =	vadd.s32 v8, v7  }
0x27: {  	vm12 =	vlt.s32 v7, $0x13FF  }
0x28: {  	v7 =	vnsel vm12, $0x13FF, v7;
	_ =	sdelay $0x4  }
0x29: {  	v8 =	vld.idx.msk [tilespmem:v7+s1+$0x0], $0xffff;
	_ =	sdelay $0x4  }
0x2a: {  	vm13 =	vlt.s32 v5, v6;
	vm14 =	vlt.s32 v8, v0  }
0x2b: {  	v6 =	vadd.s32 $0x1, v7;
	vm0 =	vmand vm13, vm14  }
0x2c: {  	v5 =	vsel vm0, v6, v5  }
0x2d: {  	vm0 =	vlt.s32 v5, $0x13FF  }
0x2e: {  	v5 =	vnsel vm0, $0x13FF, v5;
	_ =	sdelay $0x4  }
0x2f: {  	v5 =	vld.idx.msk [tilespmem:v5+s8+$0x0], $0xffff;
	_ =	sdelay $0x3  }
0x30: {  	vm15 =	vlt.s32 v4, v0  }
0x31: {  	v6 =	vimm.s32 $0x1400;
	v7 =	vsel vm15, $0xFFFFFFFF, v5;
	v5 =	vimm.s32 $0x0  }
0x32: {  	s11 =	simm.s32 $0xC;
	[tilespmem:$0x2800] =	vst v7;
	v7 =	vadd.s32 v5, v6  }
.LBB2_4:
0x33: {  	p0 =	sne.s32 s11, $0x1;
	v8 =	vand.u32 $0x1, v7  }
0x34: {  	v9 =	vshrl.u32 v7, $0x1F;
	vm0 =	vlt.s32 v7, $0x1;
	vm1 =	veq.s32 v8, $0x1  }
0x35: {  	v7 =	vadd.s32 v9, v7;
	vm0 =	vmand vm0, vm1  }
0x36: {  	v7 =	vshra.s32 v7, $0x1;
	v8 =	vsel vm0, $0xFFFFFFFF, v3  }
0x37: {  	v7 =	vadd.s32 v8, v7  }
0x38: {  	vm0 =	vlt.s32 v7, $0x13FF  }
0x39: {  	v7 =	vnsel vm0, $0x13FF, v7  }
0x3a: {  	v8 =	vadd.s32 $0x1, v7;
	_ =	sdelay $0x3  }
0x3b: {  	v9 =	vld.idx.msk [tilespmem:v7+s1+$0x0], $0xffff;
	_ =	sdelay $0x4  }
.Ltmp1:
0x3c: {  	(pc) =	sbr.rel @p0 .LBB2_4-.Ltmp1, $4  }
0x3d: {  	vm0 =	vlt.s32 v5, v6;
	vm1 =	vge.s32 v9, v1;
	vm2 =	vlt.s32 v9, v1  }
0x3e: {  	vm2 =	vmand vm0, vm2;
	vm0 =	vmand vm0, vm1  }
0x3f: {  	v5 =	vsel vm2, v8, v5;
	v6 =	vsel vm0, v7, v6  }
0x40: {  	s11 =	sadd.s32 $0xFFFFFFFF, s11;
	v7 =	vadd.s32 v5, v6  }
0x41: {  	v8 =	vand.u32 $0x1, v7  }
0x42: {  	v9 =	vshrl.u32 v7, $0x1F;
	vm0 =	vlt.s32 v7, $0x1;
	vm1 =	veq.s32 v8, $0x1  }
0x43: {  	v60 =	vadd.s32 v9, v7;
	vm0 =	vmand vm0, vm1  }
0x44: {  	v7 =	vshra.s32 v60, $0x1;
	v61 =	vsel vm0, $0xFFFFFFFF, v3  }
0x45: {  	v7 =	vadd.s32 v61, v7  }
0x46: {  	vm12 =	vlt.s32 v7, $0x13FF  }
0x47: {  	v7 =	vnsel vm12, $0x13FF, v7;
	_ =	sdelay $0x4  }
0x48: {  	v62 =	vld.idx.msk [tilespmem:v7+s1+$0x0], $0xffff;
	_ =	sdelay $0x4  }
0x49: {  	vm13 =	vlt.s32 v5, v6;
	vm14 =	vlt.s32 v62, v1  }
0x4a: {  	v63 =	vadd.s32 $0x1, v7;
	vm0 =	vmand vm13, vm14  }
0x4b: {  	v5 =	vsel vm0, v63, v5  }
0x4c: {  	vm0 =	vlt.s32 v5, $0x13FF  }
0x4d: {  	v5 =	vnsel vm0, $0x13FF, v5;
	_ =	sdelay $0x4  }
0x4e: {  	v5 =	vld.idx.msk [tilespmem:v5+s8+$0x0], $0xffff;
	_ =	sdelay $0x3  }
0x4f: {  	vm15 =	vlt.s32 v4, v1;
	s10 =	sadd.s32 $0x1, s10  }
0x50: {  	p0 =	sne.s32 s10, s6;
	v4 =	vsel vm15, $0xFFFFFFFF, v5  }
.Ltmp2:
0x51: {  	[tilespmem:$0x2810] =	vst v4;
	(pc) =	sbr.rel @p0 .LBB2_1-.Ltmp2, $4  }
0x52: {  	[hbm4b:s5+s1] =	stream.linear.scatter [tilespmem:s9], [sflag:$0x1], $0x20, $0x38;
	[tilespmem:$0x2880] =	vst v63  }
0x53: {  	_ =	swait.ge [sflag:s7], $0x20  }
0x54: {  	[sflag:s7] =	ssyncset.done $0x0  }
0x55: {  	[sflag:s7] =	ssyncadd.s32 $0xFFFFFFE0  }
0x56: {  	_ =	sfence.sel $0x180000  }
0x57: {  	[bflag:$0x0] =	sbarrier.arrive $0xFFFF  }
0x58: {  	p0 =	sne.s32 s2, $0x0;
	_ =	strace $0x9000004A  }
0x59: {  	s0 =	sadd.s32 @!p0 $0x100000, s0;
	[bflag:$0x2] =	sbarrier.arrive $0xFFFF  }
0x5a: {  	[sflag:s0] =	ssyncadd.tile.s32 @!p0 $0x1;
	_ =	shalt  }
.Lfunc_end2:
_tile_overlayer_lowered:
.L_overlay_start_2:
0x5b: {  	(tag) =	ssettag $0x2  }
0x5c: {  	s0 =	rddreg [dreg:$0x0];
	s2 =	stileid.u32  }
0x5d: {  	s1 =	rddreg [dreg:$0x1];
	p0 =	sne.s32 s2, $0x0  }
0x5e: {  	s3 =	rddreg [dreg:$0x2];
	[bflag:$0x3] =	sbarrier.arrive $0xFFFF;
	s2 =	simm.s32 @!p0 $0x1C01  }
0x5f: {  	[timem:s3], [sflag:s2] =	dma.local @!p0 [hbm:s0], s1  }
0x60: {  	s0 =	simm.s32 @!p0 $0x1  }
0x61: {  	_ =	swait.ge @!p0 [sflag:s0], s1  }
0x62: {  	s1 =	ssub.s32 @!p0 $0x0, s1;
	[sflag:s0] =	ssyncset.done @!p0 $0x0  }
0x63: {  	[sflag:s0] =	ssyncadd.s32 @!p0 s1  }
0x64: {  	[bflag:$0x3] =	sbarrier.arrive $0xFFFF  }
0x65: {  	_ =	shalt  }

</sc_bundles>
